<compile_context>
chip_gen: v7x
topology: tpu7x:2x2x1
jax: 0.10.2.dev20260603
libtpu: 0.0.44.dev20260713+nightly
codegen_flags: <defaults>
</compile_context>

<pallas_src>
import functools

import jax
import jax.numpy as jnp
from jax import lax
from jax.experimental import pallas as pl
from jax.experimental.pallas import tpu as pltpu
from jax.experimental.pallas import tpu_sc as plsc

WIDTH = 64
DEPTH = 4
EB = 1024
NC, NS = 2, 16
NW = NC * NS
SCCH = 128
NPAD = 10240
EPAD = 163840
BN = 2048
CW = 16


def _mesh():
    return plsc.VectorSubcoreMesh(core_axis_name="c", subcore_axis_name="s",
                                  num_cores=NC, num_subcores=NS)



def _sc_gather(h_pad, src_pad):
    per_w = EPAD // NW
    nch = per_w // SCCH

    @functools.partial(
        pl.kernel,
        out_type=jax.ShapeDtypeStruct((EPAD, 2 * WIDTH), jnp.float32),
        mesh=_mesh(),
        scratch_types=[
            pltpu.VMEM((SCCH,), jnp.int32),
            pltpu.VMEM((SCCH,), jnp.int32),
            pltpu.VMEM((SCCH, 2 * WIDTH), jnp.float32),
            pltpu.VMEM((SCCH, 2 * WIDTH), jnp.float32),
            pltpu.SemaphoreType.DMA,
            pltpu.SemaphoreType.DMA,
            pltpu.SemaphoreType.DMA,
            pltpu.SemaphoreType.DMA,
            pltpu.SemaphoreType.DMA,
            pltpu.SemaphoreType.DMA,
        ],
    )
    def gk(h_ref, src_ref, out_ref, idx0, idx1, rows0, rows1,
           si0, si1, sg0, sg1, so0, so1):
        wid = lax.axis_index("s") * NC + lax.axis_index("c")
        base = wid * per_w

        def body(j, carry):
            a = base + (2 * j) * SCCH
            b = base + (2 * j + 1) * SCCH
            ci0 = pltpu.async_copy(src_ref.at[pl.ds(a, SCCH)], idx0, si0)
            ci1 = pltpu.async_copy(src_ref.at[pl.ds(b, SCCH)], idx1, si1)
            ci0.wait()
            g0 = pltpu.async_copy(h_ref.at[idx0], rows0, sg0)
            ci1.wait()
            g1 = pltpu.async_copy(h_ref.at[idx1], rows1, sg1)
            g0.wait()
            o0 = pltpu.async_copy(rows0, out_ref.at[pl.ds(a, SCCH)], so0)
            g1.wait()
            o1 = pltpu.async_copy(rows1, out_ref.at[pl.ds(b, SCCH)], so1)
            o0.wait()
            o1.wait()
            return carry

        lax.fori_loop(0, nch // 2, body, 0)

    return gk(h_pad, src_pad)



def _sc_scatter(msg_pad, dst_pad, zeros128):
    per_w = EPAD // NW
    nch = per_w // SCCH
    rpt = NPAD // NS

    @functools.partial(
        pl.kernel,
        out_type=jax.ShapeDtypeStruct((NC * NPAD, 2 * WIDTH), jnp.float32),
        mesh=_mesh(),
        scratch_types=[
            pltpu.VMEM((SCCH, 2 * WIDTH), jnp.float32),
            pltpu.VMEM((SCCH, 2 * WIDTH), jnp.float32),
            pltpu.VMEM((SCCH,), jnp.int32),
            pltpu.VMEM((SCCH,), jnp.int32),
            pltpu.VMEM_SHARED((NPAD, 2 * WIDTH), jnp.float32),
            pltpu.SemaphoreType.DMA,
            pltpu.SemaphoreType.DMA,
            pltpu.SemaphoreType.DMA,
            pltpu.SemaphoreType.DMA,
            pltpu.SemaphoreType.DMA,
            pltpu.SemaphoreType.DMA,
        ],
    )
    def sk(msg_ref, dst_ref, z_ref, out_ref, chunk0, chunk1, dst0, dst1,
           agg_sh, sm0, sm1, sd0, sd1, sa0, sa1):
        cid = lax.axis_index("c")
        sid = lax.axis_index("s")
        wid = sid * NC + cid
        pltpu.sync_copy(z_ref.at[pl.ds(sid * rpt, rpt)],
                        agg_sh.at[pl.ds(sid * rpt, rpt)])
        plsc.subcore_barrier()

        def body(j, carry):
            a = wid * per_w + (2 * j) * SCCH
            b = wid * per_w + (2 * j + 1) * SCCH
            m0 = pltpu.async_copy(msg_ref.at[pl.ds(a, SCCH)], chunk0, sm0)
            d0 = pltpu.async_copy(dst_ref.at[pl.ds(a, SCCH)], dst0, sd0)
            m1 = pltpu.async_copy(msg_ref.at[pl.ds(b, SCCH)], chunk1, sm1)
            d1 = pltpu.async_copy(dst_ref.at[pl.ds(b, SCCH)], dst1, sd1)
            m0.wait()
            d0.wait()
            a0 = pltpu.async_copy(chunk0, agg_sh.at[dst0], sa0, add=True)
            m1.wait()
            d1.wait()
            a1 = pltpu.async_copy(chunk1, agg_sh.at[dst1], sa1, add=True)
            a0.wait()
            a1.wait()
            return carry

        lax.fori_loop(0, nch // 2, body, 0)
        plsc.subcore_barrier()
        pltpu.sync_copy(agg_sh.at[pl.ds(sid * rpt, rpt)],
                        out_ref.at[pl.ds(cid * NPAD + sid * rpt, rpt)])

    return sk(msg_pad, dst_pad, zeros128)



def _node_prep_body(x_ref, w_ref, b_ref, o_ref):
    h = jnp.dot(x_ref[...], w_ref[...],
                preferred_element_type=jnp.float32) + b_ref[...]
    o_ref[...] = jnp.concatenate([h, jnp.zeros_like(h)], axis=1)


def _edge_prep_body(ea_ref, w_ref, b_ref, o_ref):
    h = jnp.dot(ea_ref[...], w_ref[...],
                preferred_element_type=jnp.float32) + b_ref[...]
    o_ref[...] = jnp.maximum(h, 0.0).T


def _wgen_body(het_ref, k2_ref, o_ref):
    he = het_ref[...].astype(jnp.bfloat16)
    w = jnp.dot(k2_ref[...], he, preferred_element_type=jnp.float32)
    o_ref[...] = w.astype(jnp.bfloat16)


def _msg_body(hs_ref, wt_ref, b2_ref, h_ref, root_ref, cb_ref, msg_ref, r_ref):
    hs = hs_ref[:, :WIDTH]
    hst = hs.T
    acc = jnp.zeros((WIDTH, EB), jnp.float32)
    for i in range(WIDTH):
        w = wt_ref[i * WIDTH:(i + 1) * WIDTH, :].astype(jnp.float32)
        acc = acc + w * hst[i:i + 1, :]
    msg = acc.T + jnp.dot(hs, b2_ref[...], preferred_element_type=jnp.float32)
    col = jax.lax.broadcasted_iota(jnp.int32, (EB, WIDTH), 1)
    ones_col = jnp.where(col == 0, 1.0, 0.0)
    msg_ref[...] = jnp.concatenate([msg, ones_col], axis=1)
    r_ref[...] = jnp.dot(h_ref[:, :WIDTH], root_ref[...],
                         preferred_element_type=jnp.float32) + cb_ref[...]


def _update1_body(a0_ref, a1_ref, r_ref, h_ref, inv_ref):
    c = a0_ref[:, WIDTH:WIDTH + 1] + a1_ref[:, WIDTH:WIDTH + 1]
    inv = 1.0 / jnp.maximum(c, 1.0)
    h = jnp.maximum(
        (a0_ref[:, :WIDTH] + a1_ref[:, :WIDTH]) * inv + r_ref[...], 0.0)
    h_ref[...] = jnp.concatenate([h, jnp.zeros_like(h)], axis=1)
    inv_ref[...] = inv


def _update_body(a0_ref, a1_ref, inv_ref, r_ref, o_ref):
    h = jnp.maximum(
        (a0_ref[:, :WIDTH] + a1_ref[:, :WIDTH]) * inv_ref[...] + r_ref[...],
        0.0)
    o_ref[...] = jnp.concatenate([h, jnp.zeros_like(h)], axis=1)


def _final_body(a0_ref, a1_ref, inv_ref, r_ref, w2_ref, b2_ref, o_ref):
    h = jnp.maximum(
        (a0_ref[:, :WIDTH] + a1_ref[:, :WIDTH]) * inv_ref[...] + r_ref[...],
        0.0)
    o_ref[...] = jnp.sum(h * w2_ref[...], axis=1, keepdims=True) + b2_ref[0, 0]


def _part_specs(bn):
    off = NPAD // bn
    return (pl.BlockSpec((bn, 2 * WIDTH), lambda i: (i, 0)),
            pl.BlockSpec((bn, 2 * WIDTH), lambda i: (i + off, 0)))


def kernel(x, edge_index, edge_attr, fc1_W, fc1_b, k1_W, k1_b, k2_W, k2_b,
           root, conv_b, fc2_W, fc2_b):
    N = x.shape[0]
    E = edge_attr.shape[0]
    src = jnp.pad(edge_index[0], (0, EPAD - E))
    dst = jnp.pad(edge_index[1], (0, EPAD - E), constant_values=NPAD - 1)
    ea_pad = jnp.pad(edge_attr, ((0, EPAD - E), (0, 0)))
    x_pad = jnp.pad(x, ((0, NPAD - N), (0, 0)))
    n_eblk = EPAD // EB
    nb = NPAD // n_eblk

    zeros128 = jnp.zeros((NPAD, 2 * WIDTH), jnp.float32)

    h = pl.pallas_call(
        _node_prep_body,
        grid=(NPAD // BN,),
        in_specs=[
            pl.BlockSpec((BN, 3), lambda i: (i, 0)),
            pl.BlockSpec((3, WIDTH), lambda i: (0, 0)),
            pl.BlockSpec((1, WIDTH), lambda i: (0, 0)),
        ],
        out_specs=pl.BlockSpec((BN, 2 * WIDTH), lambda i: (i, 0)),
        out_shape=jax.ShapeDtypeStruct((NPAD, 2 * WIDTH), jnp.float32),
    )(x_pad, fc1_W, fc1_b.reshape(1, WIDTH))

    het = pl.pallas_call(
        _edge_prep_body,
        grid=(n_eblk,),
        in_specs=[
            pl.BlockSpec((EB, 3), lambda i: (i, 0)),
            pl.BlockSpec((3, WIDTH), lambda i: (0, 0)),
            pl.BlockSpec((1, WIDTH), lambda i: (0, 0)),
        ],
        out_specs=pl.BlockSpec((WIDTH, EB), lambda i: (0, i)),
        out_shape=jax.ShapeDtypeStruct((WIDTH, EPAD), jnp.float32),
    )(ea_pad, k1_W, k1_b.reshape(1, WIDTH))

    k2r2 = k2_W.T.astype(jnp.bfloat16)
    wt = pl.pallas_call(
        _wgen_body,
        grid=(n_eblk,),
        in_specs=[
            pl.BlockSpec((WIDTH, EB), lambda i: (0, i)),
            pl.BlockSpec((WIDTH * WIDTH, WIDTH), lambda i: (0, 0)),
        ],
        out_specs=pl.BlockSpec((WIDTH * WIDTH, EB), lambda i: (0, i)),
        out_shape=jax.ShapeDtypeStruct((WIDTH * WIDTH, EPAD), jnp.bfloat16),
    )(het, k2r2)

    B2 = k2_b.reshape(WIDTH, WIDTH)

    msg_call = pl.pallas_call(
        _msg_body,
        grid=(n_eblk,),
        in_specs=[
            pl.BlockSpec((EB, 2 * WIDTH), lambda i: (i, 0)),
            pl.BlockSpec((WIDTH * WIDTH, EB), lambda i: (0, i)),
            pl.BlockSpec((WIDTH, WIDTH), lambda i: (0, 0)),
            pl.BlockSpec((nb, 2 * WIDTH), lambda i: (i, 0)),
            pl.BlockSpec((WIDTH, WIDTH), lambda i: (0, 0)),
            pl.BlockSpec((1, WIDTH), lambda i: (0, 0)),
        ],
        out_specs=[
            pl.BlockSpec((EB, 2 * WIDTH), lambda i: (i, 0)),
            pl.BlockSpec((nb, WIDTH), lambda i: (i, 0)),
        ],
        out_shape=[
            jax.ShapeDtypeStruct((EPAD, 2 * WIDTH), jnp.float32),
            jax.ShapeDtypeStruct((NPAD, WIDTH), jnp.float32),
        ],
    )

    cbr = conv_b.reshape(1, WIDTH)
    p0_spec, p1_spec = _part_specs(BN)
    coff = NPAD // BN
    inv_cnt = None
    for layer in range(DEPTH):
        hs = _sc_gather(h, src)
        msg, r = msg_call(hs, wt, B2, h, root, cbr)
        parts = _sc_scatter(msg, dst, zeros128)
        if layer == 0:
            h, inv_cnt = pl.pallas_call(
                _update1_body,
                grid=(NPAD // BN,),
                in_specs=[
                    p0_spec, p1_spec,
                    pl.BlockSpec((BN, WIDTH), lambda i: (i, 0)),
                ],
                out_specs=[
                    pl.BlockSpec((BN, 2 * WIDTH), lambda i: (i, 0)),
                    pl.BlockSpec((BN, 1), lambda i: (i, 0)),
                ],
                out_shape=[
                    jax.ShapeDtypeStruct((NPAD, 2 * WIDTH), jnp.float32),
                    jax.ShapeDtypeStruct((NPAD, 1), jnp.float32),
                ],
            )(parts, parts, r)
        elif layer < DEPTH - 1:
            h = pl.pallas_call(
                _update_body,
                grid=(NPAD // BN,),
                in_specs=[
                    p0_spec, p1_spec,
                    pl.BlockSpec((BN, 1), lambda i: (i, 0)),
                    pl.BlockSpec((BN, WIDTH), lambda i: (i, 0)),
                ],
                out_specs=pl.BlockSpec((BN, 2 * WIDTH), lambda i: (i, 0)),
                out_shape=jax.ShapeDtypeStruct((NPAD, 2 * WIDTH), jnp.float32),
            )(parts, parts, inv_cnt, r)
        else:
            out_pad = pl.pallas_call(
                _final_body,
                grid=(NPAD // BN,),
                in_specs=[
                    p0_spec, p1_spec,
                    pl.BlockSpec((BN, 1), lambda i: (i, 0)),
                    pl.BlockSpec((BN, WIDTH), lambda i: (i, 0)),
                    pl.BlockSpec((1, WIDTH), lambda i: (0, 0)),
                    pl.BlockSpec((1, 1), lambda i: (0, 0)),
                ],
                out_specs=pl.BlockSpec((BN, 1), lambda i: (i, 0)),
                out_shape=jax.ShapeDtypeStruct((NPAD, 1), jnp.float32),
            )(parts, parts, inv_cnt, r, fc2_W.reshape(1, WIDTH),
              fc2_b.reshape(1, 1))
            out = out_pad[:N]
    return out

# --- scband reference (transcript-rebuilt; emitter-appended) ---
"""Pipeline reference for scband-net-mp-68805376082308 (READ-ONLY COPY).

The authoritative reference and input builder live on the scoring server;
editing this copy changes nothing except your own understanding.
"""

import jax, jax.numpy as jnp
import numpy as np

WIDTH = 64
DEPTH = 4
N = 10000
E = 160000


def _lin_init(k, fan_in, fan_out):
    bound = 1.0 / np.sqrt(fan_in)
    kw, kb = jax.random.split(k)
    W = jax.random.uniform(kw, (fan_in, fan_out), minval=-bound, maxval=bound, dtype=jnp.float32)
    b = jax.random.uniform(kb, (fan_out,), minval=-bound, maxval=bound, dtype=jnp.float32)
    return W, b


def setup_inputs(seed: int = 0) -> dict:
    key = jax.random.key(seed)
    ks = jax.random.split(key, 10)
    inp = {}
    inp["x"] = jax.random.normal(ks[0], (N, 3), dtype=jnp.float32)
    inp["edge_index"] = jax.random.randint(ks[1], (2, E), 0, N, dtype=jnp.int32)
    inp["edge_attr"] = jax.random.uniform(ks[2], (E, 3), dtype=jnp.float32)
    inp["fc1_W"], inp["fc1_b"] = _lin_init(ks[3], 3, WIDTH)
    inp["k1_W"], inp["k1_b"] = _lin_init(ks[4], 3, WIDTH)
    inp["k2_W"], inp["k2_b"] = _lin_init(ks[5], WIDTH, WIDTH * WIDTH)
    rb = 1.0 / np.sqrt(WIDTH)
    inp["root"] = jax.random.uniform(ks[6], (WIDTH, WIDTH), minval=-rb, maxval=rb, dtype=jnp.float32)
    inp["conv_b"] = jnp.zeros((WIDTH,), dtype=jnp.float32)
    inp["fc2_W"], inp["fc2_b"] = _lin_init(ks[7], WIDTH, 1)
    return inp


def _forward(x, edge_attr, fc1_W, fc1_b, k1_W, k1_b, k2_W, k2_b, root, conv_b, fc2_W, fc2_b, edge_index):
    src = edge_index[0]
    dst = edge_index[1]
    # edge-conditioned weights: kernel = Linear(3,64) -> ReLU -> Linear(64, 64*64)
    h_e = jax.nn.relu(edge_attr @ k1_W + k1_b)
    W_e = (h_e @ k2_W + k2_b).reshape(E, WIDTH, WIDTH)
    # mean-aggregation denominator (scatter_mean semantics: clamp count at 1)
    cnt = jax.ops.segment_sum(jnp.ones((E,), dtype=jnp.float32), dst, num_segments=N)
    cnt = jnp.clip(cnt, 1.0, None)
    h = x @ fc1_W + fc1_b
    for _ in range(DEPTH):
        msg = jnp.einsum('ei,eio->eo', h[src], W_e)
        agg = jax.ops.segment_sum(msg, dst, num_segments=N) / cnt[:, None]
        h = jax.nn.relu(agg + h @ root + conv_b)
    return h @ fc2_W + fc2_b


def reference(x, edge_index, edge_attr, fc1_W, fc1_b, k1_W, k1_b, k2_W, k2_b, root, conv_b, fc2_W, fc2_b):
    return _forward(x, edge_attr, fc1_W, fc1_b, k1_W, k1_b, k2_W, k2_b, root, conv_b, fc2_W, fc2_b, edge_index)

if __name__ == "__main__":
    import jax
    _d = setup_inputs()
    print(jax.jit(kernel)(*tuple(_d.values())))

</pallas_src>

<mosaic_0001>
#map = affine_map<(d0, d1) -> (0, 0)>
#map1 = affine_map<(d0, d1) -> (0)>
module attributes {stable_mosaic.version = 14 : i64} {
  func.func @gk(%arg0: i32, %arg1: i32, %arg2: memref<10240x128xf32, #tpu.memory_space<hbm>>, %arg3: memref<163840xi32, #tpu.memory_space<hbm>>, %arg4: memref<163840x128xf32, #tpu.memory_space<hbm>>, %arg5: memref<128xi32, #tpu.memory_space<vmem>>, %arg6: memref<128xi32, #tpu.memory_space<vmem>>, %arg7: memref<128x128xf32, #tpu.memory_space<vmem>>, %arg8: memref<128x128xf32, #tpu.memory_space<vmem>>, %arg9: memref<!tpu.dma_semaphore, #tpu.memory_space<semaphore_mem>>, %arg10: memref<!tpu.dma_semaphore, #tpu.memory_space<semaphore_mem>>, %arg11: memref<!tpu.dma_semaphore, #tpu.memory_space<semaphore_mem>>, %arg12: memref<!tpu.dma_semaphore, #tpu.memory_space<semaphore_mem>>, %arg13: memref<!tpu.dma_semaphore, #tpu.memory_space<semaphore_mem>>, %arg14: memref<!tpu.dma_semaphore, #tpu.memory_space<semaphore_mem>>) attributes {dimension_semantics = [#tpu.dimension_semantics<core_parallel>, #tpu.dimension_semantics<subcore_parallel>], iteration_bounds = array<i64: 2, 16>, scalar_prefetch = 0 : i64, scratch_operands = 10 : i64, tpu.core_type = #tpu.core_type<sc_vector_subcore>, window_params = [{transform_indices = #map}, {transform_indices = #map1}, {transform_indices = #map}]} {
    %mul3A = arith.constant 2 : i32
    %mul3A_0 = arith.muli %arg1, %mul3A : i32
    %add3A = arith.addi %mul3A_0, %arg0 : i32
    %mul3A_1 = arith.constant 5120 : i32
    %mul3A_2 = arith.muli %add3A, %mul3A_1 : i32
    %scan3A = arith.constant 0 : i32
    %scan3A_3 = arith.constant 0 : i32
    %scan3A_4 = arith.constant 20 : i32
    %scan3A_5 = arith.addi %scan3A_3, %scan3A_4 : i32
    %scan3A_6 = arith.constant 1 : i32
    scf.for %scan3A_8 = %scan3A_3 to %scan3A_5 step %scan3A_6  : i32 {
      %mul3A_9 = arith.constant 2 : i32
      %mul3A_10 = arith.muli %mul3A_9, %scan3A_8 : i32
      %mul3A_11 = arith.constant 128 : i32
      %mul3A_12 = arith.muli %mul3A_10, %mul3A_11 : i32
      %add3A_13 = arith.addi %mul3A_2, %mul3A_12 : i32
      %mul3A_14 = arith.constant 2 : i32
      %mul3A_15 = arith.muli %mul3A_14, %scan3A_8 : i32
      %add3A_16 = arith.constant 1 : i32
      %add3A_17 = arith.addi %mul3A_15, %add3A_16 : i32
      %mul3A_18 = arith.constant 128 : i32
      %mul3A_19 = arith.muli %add3A_17, %mul3A_18 : i32
      %add3A_20 = arith.addi %mul3A_2, %mul3A_19 : i32
      %dma_start3A = tpu.memref_slice %arg3[%add3A_13] : memref<163840xi32, #tpu.memory_space<hbm>> -> memref<128xi32, #tpu.memory_space<hbm>>
      %dma_start3A_21 = tpu.memref_slice %arg3[%add3A_13] : memref<163840xi32, #tpu.memory_space<hbm>> -> memref<128xi32, #tpu.memory_space<hbm>>
      tpu.enqueue_dma source(%dma_start3A_21 : memref<128xi32, #tpu.memory_space<hbm>>) target(%arg5 : memref<128xi32, #tpu.memory_space<vmem>>) target_semaphore(%arg9 : memref<!tpu.dma_semaphore, #tpu.memory_space<semaphore_mem>>)
      %dma_start3A_22 = tpu.memref_slice %arg3[%add3A_20] : memref<163840xi32, #tpu.memory_space<hbm>> -> memref<128xi32, #tpu.memory_space<hbm>>
      %dma_start3A_23 = tpu.memref_slice %arg3[%add3A_20] : memref<163840xi32, #tpu.memory_space<hbm>> -> memref<128xi32, #tpu.memory_space<hbm>>
      tpu.enqueue_dma source(%dma_start3A_23 : memref<128xi32, #tpu.memory_space<hbm>>) target(%arg6 : memref<128xi32, #tpu.memory_space<vmem>>) target_semaphore(%arg10 : memref<!tpu.dma_semaphore, #tpu.memory_space<semaphore_mem>>)
      %dma_wait3A = tpu.memref_slice %arg3[%add3A_13] : memref<163840xi32, #tpu.memory_space<hbm>> -> memref<128xi32, #tpu.memory_space<hbm>>
      %dma_wait3A_24 = tpu.memref_slice %arg3[%add3A_13] : memref<163840xi32, #tpu.memory_space<hbm>> -> memref<128xi32, #tpu.memory_space<hbm>>
      tpu.wait_dma2 semaphore(%arg9 : memref<!tpu.dma_semaphore, #tpu.memory_space<semaphore_mem>>) src(%dma_wait3A_24 : memref<128xi32, #tpu.memory_space<hbm>>) dst(%arg5 : memref<128xi32, #tpu.memory_space<vmem>>)
      %dma_start3A_25 = arith.constant 0 : i32
      %dma_start3A_26 = arith.constant 0 : i32
      %dma_start3A_27 = tpu.memref_slice %arg2[%dma_start3A_25, %dma_start3A_26] : memref<10240x128xf32, #tpu.memory_space<hbm>> -> memref<10240x128xf32, #tpu.memory_space<hbm>>
      tpu.enqueue_indirect_dma source(%dma_start3A_27 : memref<10240x128xf32, #tpu.memory_space<hbm>>) target(%arg7 : memref<128x128xf32, #tpu.memory_space<vmem>>) offsets(%arg5 : memref<128xi32, #tpu.memory_space<vmem>>) semaphore(%arg11 : memref<!tpu.dma_semaphore, #tpu.memory_space<semaphore_mem>>)
      %dma_wait3A_28 = tpu.memref_slice %arg3[%add3A_20] : memref<163840xi32, #tpu.memory_space<hbm>> -> memref<128xi32, #tpu.memory_space<hbm>>
      %dma_wait3A_29 = tpu.memref_slice %arg3[%add3A_20] : memref<163840xi32, #tpu.memory_space<hbm>> -> memref<128xi32, #tpu.memory_space<hbm>>
      tpu.wait_dma2 semaphore(%arg10 : memref<!tpu.dma_semaphore, #tpu.memory_space<semaphore_mem>>) src(%dma_wait3A_29 : memref<128xi32, #tpu.memory_space<hbm>>) dst(%arg6 : memref<128xi32, #tpu.memory_space<vmem>>)
      %dma_start3A_30 = arith.constant 0 : i32
      %dma_start3A_31 = arith.constant 0 : i32
      %dma_start3A_32 = tpu.memref_slice %arg2[%dma_start3A_30, %dma_start3A_31] : memref<10240x128xf32, #tpu.memory_space<hbm>> -> memref<10240x128xf32, #tpu.memory_space<hbm>>
      tpu.enqueue_indirect_dma source(%dma_start3A_32 : memref<10240x128xf32, #tpu.memory_space<hbm>>) target(%arg8 : memref<128x128xf32, #tpu.memory_space<vmem>>) offsets(%arg6 : memref<128xi32, #tpu.memory_space<vmem>>) semaphore(%arg12 : memref<!tpu.dma_semaphore, #tpu.memory_space<semaphore_mem>>)
      %dma_wait3A_33 = arith.constant 0 : i32
      %dma_wait3A_34 = arith.constant 0 : i32
      %dma_wait3A_35 = tpu.memref_slice %arg2[%dma_wait3A_33, %dma_wait3A_34] : memref<10240x128xf32, #tpu.memory_space<hbm>> -> memref<10240x128xf32, #tpu.memory_space<hbm>>
      tpu.wait_indirect_dma semaphore(%arg11 : memref<!tpu.dma_semaphore, #tpu.memory_space<semaphore_mem>>) src(%dma_wait3A_35 : memref<10240x128xf32, #tpu.memory_space<hbm>>) dst(%arg7 : memref<128x128xf32, #tpu.memory_space<vmem>>)
      %dma_start3A_36 = arith.constant 0 : i32
      %dma_start3A_37 = tpu.memref_slice %arg4[%add3A_13, %dma_start3A_36] : memref<163840x128xf32, #tpu.memory_space<hbm>> -> memref<128x128xf32, #tpu.memory_space<hbm>>
      %dma_start3A_38 = arith.constant 0 : i32
      %dma_start3A_39 = tpu.memref_slice %arg4[%add3A_13, %dma_start3A_38] : memref<163840x128xf32, #tpu.memory_space<hbm>> -> memref<128x128xf32, #tpu.memory_space<hbm>>
      tpu.enqueue_dma source(%arg7 : memref<128x128xf32, #tpu.memory_space<vmem>>) target(%dma_start3A_39 : memref<128x128xf32, #tpu.memory_space<hbm>>) target_semaphore(%arg13 : memref<!tpu.dma_semaphore, #tpu.memory_space<semaphore_mem>>)
      %dma_wait3A_40 = arith.constant 0 : i32
      %dma_wait3A_41 = arith.constant 0 : i32
      %dma_wait3A_42 = tpu.memref_slice %arg2[%dma_wait3A_40, %dma_wait3A_41] : memref<10240x128xf32, #tpu.memory_space<hbm>> -> memref<10240x128xf32, #tpu.memory_space<hbm>>
      tpu.wait_indirect_dma semaphore(%arg12 : memref<!tpu.dma_semaphore, #tpu.memory_space<semaphore_mem>>) src(%dma_wait3A_42 : memref<10240x128xf32, #tpu.memory_space<hbm>>) dst(%arg8 : memref<128x128xf32, #tpu.memory_space<vmem>>)
      %dma_start3A_43 = arith.constant 0 : i32
      %dma_start3A_44 = tpu.memref_slice %arg4[%add3A_20, %dma_start3A_43] : memref<163840x128xf32, #tpu.memory_space<hbm>> -> memref<128x128xf32, #tpu.memory_space<hbm>>
      %dma_start3A_45 = arith.constant 0 : i32
      %dma_start3A_46 = tpu.memref_slice %arg4[%add3A_20, %dma_start3A_45] : memref<163840x128xf32, #tpu.memory_space<hbm>> -> memref<128x128xf32, #tpu.memory_space<hbm>>
      tpu.enqueue_dma source(%arg8 : memref<128x128xf32, #tpu.memory_space<vmem>>) target(%dma_start3A_46 : memref<128x128xf32, #tpu.memory_space<hbm>>) target_semaphore(%arg14 : memref<!tpu.dma_semaphore, #tpu.memory_space<semaphore_mem>>)
      %dma_wait3A_47 = arith.constant 0 : i32
      %dma_wait3A_48 = tpu.memref_slice %arg4[%add3A_13, %dma_wait3A_47] : memref<163840x128xf32, #tpu.memory_space<hbm>> -> memref<128x128xf32, #tpu.memory_space<hbm>>
      %dma_wait3A_49 = arith.constant 0 : i32
      %dma_wait3A_50 = tpu.memref_slice %arg4[%add3A_13, %dma_wait3A_49] : memref<163840x128xf32, #tpu.memory_space<hbm>> -> memref<128x128xf32, #tpu.memory_space<hbm>>
      tpu.wait_dma2 semaphore(%arg13 : memref<!tpu.dma_semaphore, #tpu.memory_space<semaphore_mem>>) src(%arg7 : memref<128x128xf32, #tpu.memory_space<vmem>>) dst(%dma_wait3A_50 : memref<128x128xf32, #tpu.memory_space<hbm>>)
      %dma_wait3A_51 = arith.constant 0 : i32
      %dma_wait3A_52 = tpu.memref_slice %arg4[%add3A_20, %dma_wait3A_51] : memref<163840x128xf32, #tpu.memory_space<hbm>> -> memref<128x128xf32, #tpu.memory_space<hbm>>
      %dma_wait3A_53 = arith.constant 0 : i32
      %dma_wait3A_54 = tpu.memref_slice %arg4[%add3A_20, %dma_wait3A_53] : memref<163840x128xf32, #tpu.memory_space<hbm>> -> memref<128x128xf32, #tpu.memory_space<hbm>>
      tpu.wait_dma2 semaphore(%arg14 : memref<!tpu.dma_semaphore, #tpu.memory_space<semaphore_mem>>) src(%arg8 : memref<128x128xf32, #tpu.memory_space<vmem>>) dst(%dma_wait3A_54 : memref<128x128xf32, #tpu.memory_space<hbm>>)
    }
    %scan3A_7 = arith.constant 20 : i32
    return
  }
}

#map = affine_map<(d0, d1) -> (0, 0)>
#map1 = affine_map<(d0, d1) -> (0)>
module attributes {stable_mosaic.version = 14 : i64} {
  func.func @sk(%arg0: i32, %arg1: i32, %arg2: memref<163840x128xf32, #tpu.memory_space<hbm>>, %arg3: memref<163840xi32, #tpu.memory_space<hbm>>, %arg4: memref<10240x128xf32, #tpu.memory_space<hbm>>, %arg5: memref<20480x128xf32, #tpu.memory_space<hbm>>, %arg6: memref<128x128xf32, #tpu.memory_space<vmem>>, %arg7: memref<128x128xf32, #tpu.memory_space<vmem>>, %arg8: memref<128xi32, #tpu.memory_space<vmem>>, %arg9: memref<128xi32, #tpu.memory_space<vmem>>, %arg10: memref<10240x128xf32, #tpu.memory_space<vmem_shared>>, %arg11: memref<!tpu.dma_semaphore, #tpu.memory_space<semaphore_mem>>, %arg12: memref<!tpu.dma_semaphore, #tpu.memory_space<semaphore_mem>>, %arg13: memref<!tpu.dma_semaphore, #tpu.memory_space<semaphore_mem>>, %arg14: memref<!tpu.dma_semaphore, #tpu.memory_space<semaphore_mem>>, %arg15: memref<!tpu.dma_semaphore, #tpu.memory_space<semaphore_mem>>, %arg16: memref<!tpu.dma_semaphore, #tpu.memory_space<semaphore_mem>>) attributes {dimension_semantics = [#tpu.dimension_semantics<core_parallel>, #tpu.dimension_semantics<subcore_parallel>], iteration_bounds = array<i64: 2, 16>, scalar_prefetch = 0 : i64, scratch_operands = 11 : i64, tpu.core_type = #tpu.core_type<sc_vector_subcore>, window_params = [{transform_indices = #map}, {transform_indices = #map1}, {transform_indices = #map}, {transform_indices = #map}]} {
    %mul3A = arith.constant 2 : i32
    %mul3A_0 = arith.muli %arg1, %mul3A : i32
    %add3A = arith.addi %mul3A_0, %arg0 : i32
    %mul3A_1 = arith.constant 640 : i32
    %mul3A_2 = arith.muli %arg1, %mul3A_1 : i32
    %mul3A_3 = arith.constant 640 : i32
    %mul3A_4 = arith.muli %arg1, %mul3A_3 : i32
    "tpu.region"() ({
      %run_scoped3A = tpu.sem_alloc : memref<!tpu.dma_semaphore, #tpu.memory_space<semaphore_mem>>
      %dma_start3A = arith.constant 0 : i32
      %dma_start3A_18 = tpu.memref_slice %arg10[%mul3A_4, %dma_start3A] : memref<10240x128xf32, #tpu.memory_space<vmem_shared>> -> memref<640x128xf32, #tpu.memory_space<vmem_shared>>
      %dma_start3A_19 = arith.constant 0 : i32
      %dma_start3A_20 = tpu.memref_slice %arg4[%mul3A_2, %dma_start3A_19] : memref<10240x128xf32, #tpu.memory_space<hbm>> -> memref<640x128xf32, #tpu.memory_space<hbm>>
      tpu.enqueue_dma source(%dma_start3A_20 : memref<640x128xf32, #tpu.memory_space<hbm>>) target(%dma_start3A_18 : memref<640x128xf32, #tpu.memory_space<vmem_shared>>) target_semaphore(%run_scoped3A : memref<!tpu.dma_semaphore, #tpu.memory_space<semaphore_mem>>)
      %dma_wait3A = arith.constant 0 : i32
      %dma_wait3A_21 = tpu.memref_slice %arg10[%mul3A_4, %dma_wait3A] : memref<10240x128xf32, #tpu.memory_space<vmem_shared>> -> memref<640x128xf32, #tpu.memory_space<vmem_shared>>
      %dma_wait3A_22 = arith.constant 0 : i32
      %dma_wait3A_23 = tpu.memref_slice %arg4[%mul3A_2, %dma_wait3A_22] : memref<10240x128xf32, #tpu.memory_space<hbm>> -> memref<640x128xf32, #tpu.memory_space<hbm>>
      tpu.wait_dma2 semaphore(%run_scoped3A : memref<!tpu.dma_semaphore, #tpu.memory_space<semaphore_mem>>) src(%dma_wait3A_23 : memref<640x128xf32, #tpu.memory_space<hbm>>) dst(%dma_wait3A_21 : memref<640x128xf32, #tpu.memory_space<vmem_shared>>)
      tpu.yield
    }) : () -> ()
    %barrier3A = arith.constant 0 : index
    tpu.barrier barrier_id(%barrier3A)
    %scan3A = arith.constant 0 : i32
    %scan3A_5 = arith.constant 0 : i32
    %scan3A_6 = arith.constant 20 : i32
    %scan3A_7 = arith.addi %scan3A_5, %scan3A_6 : i32
    %scan3A_8 = arith.constant 1 : i32
    scf.for %scan3A_18 = %scan3A_5 to %scan3A_7 step %scan3A_8  : i32 {
      %mul3A_19 = arith.constant 5120 : i32
      %mul3A_20 = arith.muli %add3A, %mul3A_19 : i32
      %mul3A_21 = arith.constant 2 : i32
      %mul3A_22 = arith.muli %mul3A_21, %scan3A_18 : i32
      %mul3A_23 = arith.constant 128 : i32
      %mul3A_24 = arith.muli %mul3A_22, %mul3A_23 : i32
      %add3A_25 = arith.addi %mul3A_20, %mul3A_24 : i32
      %mul3A_26 = arith.constant 5120 : i32
      %mul3A_27 = arith.muli %add3A, %mul3A_26 : i32
      %mul3A_28 = arith.constant 2 : i32
      %mul3A_29 = arith.muli %mul3A_28, %scan3A_18 : i32
      %add3A_30 = arith.constant 1 : i32
      %add3A_31 = arith.addi %mul3A_29, %add3A_30 : i32
      %mul3A_32 = arith.constant 128 : i32
      %mul3A_33 = arith.muli %add3A_31, %mul3A_32 : i32
      %add3A_34 = arith.addi %mul3A_27, %mul3A_33 : i32
      %dma_start3A = arith.constant 0 : i32
      %dma_start3A_35 = tpu.memref_slice %arg2[%add3A_25, %dma_start3A] : memref<163840x128xf32, #tpu.memory_space<hbm>> -> memref<128x128xf32, #tpu.memory_space<hbm>>
      %dma_start3A_36 = arith.constant 0 : i32
      %dma_start3A_37 = tpu.memref_slice %arg2[%add3A_25, %dma_start3A_36] : memref<163840x128xf32, #tpu.memory_space<hbm>> -> memref<128x128xf32, #tpu.memory_space<hbm>>
      tpu.enqueue_dma source(%dma_start3A_37 : memref<128x128xf32, #tpu.memory_space<hbm>>) target(%arg6 : memref<128x128xf32, #tpu.memory_space<vmem>>) target_semaphore(%arg11 : memref<!tpu.dma_semaphore, #tpu.memory_space<semaphore_mem>>)
      %dma_start3A_38 = tpu.memref_slice %arg3[%add3A_25] : memref<163840xi32, #tpu.memory_space<hbm>> -> memref<128xi32, #tpu.memory_space<hbm>>
      %dma_start3A_39 = tpu.memref_slice %arg3[%add3A_25] : memref<163840xi32, #tpu.memory_space<hbm>> -> memref<128xi32, #tpu.memory_space<hbm>>
      tpu.enqueue_dma source(%dma_start3A_39 : memref<128xi32, #tpu.memory_space<hbm>>) target(%arg8 : memref<128xi32, #tpu.memory_space<vmem>>) target_semaphore(%arg13 : memref<!tpu.dma_semaphore, #tpu.memory_space<semaphore_mem>>)
      %dma_start3A_40 = arith.constant 0 : i32
      %dma_start3A_41 = tpu.memref_slice %arg2[%add3A_34, %dma_start3A_40] : memref<163840x128xf32, #tpu.memory_space<hbm>> -> memref<128x128xf32, #tpu.memory_space<hbm>>
      %dma_start3A_42 = arith.constant 0 : i32
      %dma_start3A_43 = tpu.memref_slice %arg2[%add3A_34, %dma_start3A_42] : memref<163840x128xf32, #tpu.memory_space<hbm>> -> memref<128x128xf32, #tpu.memory_space<hbm>>
      tpu.enqueue_dma source(%dma_start3A_43 : memref<128x128xf32, #tpu.memory_space<hbm>>) target(%arg7 : memref<128x128xf32, #tpu.memory_space<vmem>>) target_semaphore(%arg12 : memref<!tpu.dma_semaphore, #tpu.memory_space<semaphore_mem>>)
      %dma_start3A_44 = tpu.memref_slice %arg3[%add3A_34] : memref<163840xi32, #tpu.memory_space<hbm>> -> memref<128xi32, #tpu.memory_space<hbm>>
      %dma_start3A_45 = tpu.memref_slice %arg3[%add3A_34] : memref<163840xi32, #tpu.memory_space<hbm>> -> memref<128xi32, #tpu.memory_space<hbm>>
      tpu.enqueue_dma source(%dma_start3A_45 : memref<128xi32, #tpu.memory_space<hbm>>) target(%arg9 : memref<128xi32, #tpu.memory_space<vmem>>) target_semaphore(%arg14 : memref<!tpu.dma_semaphore, #tpu.memory_space<semaphore_mem>>)
      %dma_wait3A = arith.constant 0 : i32
      %dma_wait3A_46 = tpu.memref_slice %arg2[%add3A_25, %dma_wait3A] : memref<163840x128xf32, #tpu.memory_space<hbm>> -> memref<128x128xf32, #tpu.memory_space<hbm>>
      %dma_wait3A_47 = arith.constant 0 : i32
      %dma_wait3A_48 = tpu.memref_slice %arg2[%add3A_25, %dma_wait3A_47] : memref<163840x128xf32, #tpu.memory_space<hbm>> -> memref<128x128xf32, #tpu.memory_space<hbm>>
      tpu.wait_dma2 semaphore(%arg11 : memref<!tpu.dma_semaphore, #tpu.memory_space<semaphore_mem>>) src(%dma_wait3A_48 : memref<128x128xf32, #tpu.memory_space<hbm>>) dst(%arg6 : memref<128x128xf32, #tpu.memory_space<vmem>>)
      %dma_wait3A_49 = tpu.memref_slice %arg3[%add3A_25] : memref<163840xi32, #tpu.memory_space<hbm>> -> memref<128xi32, #tpu.memory_space<hbm>>
      %dma_wait3A_50 = tpu.memref_slice %arg3[%add3A_25] : memref<163840xi32, #tpu.memory_space<hbm>> -> memref<128xi32, #tpu.memory_space<hbm>>
      tpu.wait_dma2 semaphore(%arg13 : memref<!tpu.dma_semaphore, #tpu.memory_space<semaphore_mem>>) src(%dma_wait3A_50 : memref<128xi32, #tpu.memory_space<hbm>>) dst(%arg8 : memref<128xi32, #tpu.memory_space<vmem>>)
      %dma_start3A_51 = arith.constant 0 : i32
      %dma_start3A_52 = arith.constant 0 : i32
      %dma_start3A_53 = tpu.memref_slice %arg10[%dma_start3A_51, %dma_start3A_52] : memref<10240x128xf32, #tpu.memory_space<vmem_shared>> -> memref<10240x128xf32, #tpu.memory_space<vmem_shared>>
      tpu.enqueue_indirect_dma source(%arg6 : memref<128x128xf32, #tpu.memory_space<vmem>>) target(%dma_start3A_53 : memref<10240x128xf32, #tpu.memory_space<vmem_shared>>) offsets(%arg8 : memref<128xi32, #tpu.memory_space<vmem>>) semaphore(%arg15 : memref<!tpu.dma_semaphore, #tpu.memory_space<semaphore_mem>>) {add = true}
      %dma_wait3A_54 = arith.constant 0 : i32
      %dma_wait3A_55 = tpu.memref_slice %arg2[%add3A_34, %dma_wait3A_54] : memref<163840x128xf32, #tpu.memory_space<hbm>> -> memref<128x128xf32, #tpu.memory_space<hbm>>
      %dma_wait3A_56 = arith.constant 0 : i32
      %dma_wait3A_57 = tpu.memref_slice %arg2[%add3A_34, %dma_wait3A_56] : memref<163840x128xf32, #tpu.memory_space<hbm>> -> memref<128x128xf32, #tpu.memory_space<hbm>>
      tpu.wait_dma2 semaphore(%arg12 : memref<!tpu.dma_semaphore, #tpu.memory_space<semaphore_mem>>) src(%dma_wait3A_57 : memref<128x128xf32, #tpu.memory_space<hbm>>) dst(%arg7 : memref<128x128xf32, #tpu.memory_space<vmem>>)
      %dma_wait3A_58 = tpu.memref_slice %arg3[%add3A_34] : memref<163840xi32, #tpu.memory_space<hbm>> -> memref<128xi32, #tpu.memory_space<hbm>>
      %dma_wait3A_59 = tpu.memref_slice %arg3[%add3A_34] : memref<163840xi32, #tpu.memory_space<hbm>> -> memref<128xi32, #tpu.memory_space<hbm>>
      tpu.wait_dma2 semaphore(%arg14 : memref<!tpu.dma_semaphore, #tpu.memory_space<semaphore_mem>>) src(%dma_wait3A_59 : memref<128xi32, #tpu.memory_space<hbm>>) dst(%arg9 : memref<128xi32, #tpu.memory_space<vmem>>)
      %dma_start3A_60 = arith.constant 0 : i32
      %dma_start3A_61 = arith.constant 0 : i32
      %dma_start3A_62 = tpu.memref_slice %arg10[%dma_start3A_60, %dma_start3A_61] : memref<10240x128xf32, #tpu.memory_space<vmem_shared>> -> memref<10240x128xf32, #tpu.memory_space<vmem_shared>>
      tpu.enqueue_indirect_dma source(%arg7 : memref<128x128xf32, #tpu.memory_space<vmem>>) target(%dma_start3A_62 : memref<10240x128xf32, #tpu.memory_space<vmem_shared>>) offsets(%arg9 : memref<128xi32, #tpu.memory_space<vmem>>) semaphore(%arg16 : memref<!tpu.dma_semaphore, #tpu.memory_space<semaphore_mem>>) {add = true}
      %dma_wait3A_63 = arith.constant 0 : i32
      %dma_wait3A_64 = arith.constant 0 : i32
      %dma_wait3A_65 = tpu.memref_slice %arg10[%dma_wait3A_63, %dma_wait3A_64] : memref<10240x128xf32, #tpu.memory_space<vmem_shared>> -> memref<10240x128xf32, #tpu.memory_space<vmem_shared>>
      tpu.wait_indirect_dma semaphore(%arg15 : memref<!tpu.dma_semaphore, #tpu.memory_space<semaphore_mem>>) src(%arg6 : memref<128x128xf32, #tpu.memory_space<vmem>>) dst(%dma_wait3A_65 : memref<10240x128xf32, #tpu.memory_space<vmem_shared>>)
      %dma_wait3A_66 = arith.constant 0 : i32
      %dma_wait3A_67 = arith.constant 0 : i32
      %dma_wait3A_68 = tpu.memref_slice %arg10[%dma_wait3A_66, %dma_wait3A_67] : memref<10240x128xf32, #tpu.memory_space<vmem_shared>> -> memref<10240x128xf32, #tpu.memory_space<vmem_shared>>
      tpu.wait_indirect_dma semaphore(%arg16 : memref<!tpu.dma_semaphore, #tpu.memory_space<semaphore_mem>>) src(%arg7 : memref<128x128xf32, #tpu.memory_space<vmem>>) dst(%dma_wait3A_68 : memref<10240x128xf32, #tpu.memory_space<vmem_shared>>)
    }
    %scan3A_9 = arith.constant 20 : i32
    %barrier3A_10 = arith.constant 0 : index
    tpu.barrier barrier_id(%barrier3A_10)
    %mul3A_11 = arith.constant 640 : i32
    %mul3A_12 = arith.muli %arg1, %mul3A_11 : i32
    %mul3A_13 = arith.constant 10240 : i32
    %mul3A_14 = arith.muli %arg0, %mul3A_13 : i32
    %mul3A_15 = arith.constant 640 : i32
    %mul3A_16 = arith.muli %arg1, %mul3A_15 : i32
    %add3A_17 = arith.addi %mul3A_14, %mul3A_16 : i32
    "tpu.region"() ({
      %run_scoped3A = tpu.sem_alloc : memref<!tpu.dma_semaphore, #tpu.memory_space<semaphore_mem>>
      %dma_start3A = arith.constant 0 : i32
      %dma_start3A_18 = tpu.memref_slice %arg5[%add3A_17, %dma_start3A] : memref<20480x128xf32, #tpu.memory_space<hbm>> -> memref<640x128xf32, #tpu.memory_space<hbm>>
      %dma_start3A_19 = arith.constant 0 : i32
      %dma_start3A_20 = tpu.memref_slice %arg10[%mul3A_12, %dma_start3A_19] : memref<10240x128xf32, #tpu.memory_space<vmem_shared>> -> memref<640x128xf32, #tpu.memory_space<vmem_shared>>
      tpu.enqueue_dma source(%dma_start3A_20 : memref<640x128xf32, #tpu.memory_space<vmem_shared>>) target(%dma_start3A_18 : memref<640x128xf32, #tpu.memory_space<hbm>>) target_semaphore(%run_scoped3A : memref<!tpu.dma_semaphore, #tpu.memory_space<semaphore_mem>>)
      %dma_wait3A = arith.constant 0 : i32
      %dma_wait3A_21 = tpu.memref_slice %arg5[%add3A_17, %dma_wait3A] : memref<20480x128xf32, #tpu.memory_space<hbm>> -> memref<640x128xf32, #tpu.memory_space<hbm>>
      %dma_wait3A_22 = arith.constant 0 : i32
      %dma_wait3A_23 = tpu.memref_slice %arg10[%mul3A_12, %dma_wait3A_22] : memref<10240x128xf32, #tpu.memory_space<vmem_shared>> -> memref<640x128xf32, #tpu.memory_space<vmem_shared>>
      tpu.wait_dma2 semaphore(%run_scoped3A : memref<!tpu.dma_semaphore, #tpu.memory_space<semaphore_mem>>) src(%dma_wait3A_23 : memref<640x128xf32, #tpu.memory_space<vmem_shared>>) dst(%dma_wait3A_21 : memref<640x128xf32, #tpu.memory_space<hbm>>)
      tpu.yield
    }) : () -> ()
    return
  }
}

#map = affine_map<(d0, d1) -> (0, 0)>
#map1 = affine_map<(d0, d1) -> (0)>
module attributes {stable_mosaic.version = 14 : i64} {
  func.func @sk(%arg0: i32, %arg1: i32, %arg2: memref<163840x128xf32, #tpu.memory_space<hbm>>, %arg3: memref<163840xi32, #tpu.memory_space<hbm>>, %arg4: memref<10240x128xf32, #tpu.memory_space<hbm>>, %arg5: memref<20480x128xf32, #tpu.memory_space<hbm>>, %arg6: memref<128x128xf32, #tpu.memory_space<vmem>>, %arg7: memref<128x128xf32, #tpu.memory_space<vmem>>, %arg8: memref<128xi32, #tpu.memory_space<vmem>>, %arg9: memref<128xi32, #tpu.memory_space<vmem>>, %arg10: memref<10240x128xf32, #tpu.memory_space<vmem_shared>>, %arg11: memref<!tpu.dma_semaphore, #tpu.memory_space<semaphore_mem>>, %arg12: memref<!tpu.dma_semaphore, #tpu.memory_space<semaphore_mem>>, %arg13: memref<!tpu.dma_semaphore, #tpu.memory_space<semaphore_mem>>, %arg14: memref<!tpu.dma_semaphore, #tpu.memory_space<semaphore_mem>>, %arg15: memref<!tpu.dma_semaphore, #tpu.memory_space<semaphore_mem>>, %arg16: memref<!tpu.dma_semaphore, #tpu.memory_space<semaphore_mem>>) attributes {dimension_semantics = [#tpu.dimension_semantics<core_parallel>, #tpu.dimension_semantics<subcore_parallel>], iteration_bounds = array<i64: 2, 16>, scalar_prefetch = 0 : i64, scratch_operands = 11 : i64, tpu.core_type = #tpu.core_type<sc_vector_subcore>, window_params = [{transform_indices = #map}, {transform_indices = #map1}, {transform_indices = #map}, {transform_indices = #map}]} {
    %mul3A = arith.constant 2 : i32
    %mul3A_0 = arith.muli %arg1, %mul3A : i32
    %add3A = arith.addi %mul3A_0, %arg0 : i32
    %mul3A_1 = arith.constant 640 : i32
    %mul3A_2 = arith.muli %arg1, %mul3A_1 : i32
    %mul3A_3 = arith.constant 640 : i32
    %mul3A_4 = arith.muli %arg1, %mul3A_3 : i32
    "tpu.region"() ({
      %run_scoped3A = tpu.sem_alloc : memref<!tpu.dma_semaphore, #tpu.memory_space<semaphore_mem>>
      %dma_start3A = arith.constant 0 : i32
      %dma_start3A_18 = tpu.memref_slice %arg10[%mul3A_4, %dma_start3A] : memref<10240x128xf32, #tpu.memory_space<vmem_shared>> -> memref<640x128xf32, #tpu.memory_space<vmem_shared>>
      %dma_start3A_19 = arith.constant 0 : i32
      %dma_start3A_20 = tpu.memref_slice %arg4[%mul3A_2, %dma_start3A_19] : memref<10240x128xf32, #tpu.memory_space<hbm>> -> memref<640x128xf32, #tpu.memory_space<hbm>>
      tpu.enqueue_dma source(%dma_start3A_20 : memref<640x128xf32, #tpu.memory_space<hbm>>) target(%dma_start3A_18 : memref<640x128xf32, #tpu.memory_space<vmem_shared>>) target_semaphore(%run_scoped3A : memref<!tpu.dma_semaphore, #tpu.memory_space<semaphore_mem>>)
      %dma_wait3A = arith.constant 0 : i32
      %dma_wait3A_21 = tpu.memref_slice %arg10[%mul3A_4, %dma_wait3A] : memref<10240x128xf32, #tpu.memory_space<vmem_shared>> -> memref<640x128xf32, #tpu.memory_space<vmem_shared>>
      %dma_wait3A_22 = arith.constant 0 : i32
      %dma_wait3A_23 = tpu.memref_slice %arg4[%mul3A_2, %dma_wait3A_22] : memref<10240x128xf32, #tpu.memory_space<hbm>> -> memref<640x128xf32, #tpu.memory_space<hbm>>
      tpu.wait_dma2 semaphore(%run_scoped3A : memref<!tpu.dma_semaphore, #tpu.memory_space<semaphore_mem>>) src(%dma_wait3A_23 : memref<640x128xf32, #tpu.memory_space<hbm>>) dst(%dma_wait3A_21 : memref<640x128xf32, #tpu.memory_space<vmem_shared>>)
      tpu.yield
    }) : () -> ()
    %barrier3A = arith.constant 0 : index
    tpu.barrier barrier_id(%barrier3A)
    %scan3A = arith.constant 0 : i32
    %scan3A_5 = arith.constant 0 : i32
    %scan3A_6 = arith.constant 20 : i32
    %scan3A_7 = arith.addi %scan3A_5, %scan3A_6 : i32
    %scan3A_8 = arith.constant 1 : i32
    scf.for %scan3A_18 = %scan3A_5 to %scan3A_7 step %scan3A_8  : i32 {
      %mul3A_19 = arith.constant 5120 : i32
      %mul3A_20 = arith.muli %add3A, %mul3A_19 : i32
      %mul3A_21 = arith.constant 2 : i32
      %mul3A_22 = arith.muli %mul3A_21, %scan3A_18 : i32
      %mul3A_23 = arith.constant 128 : i32
      %mul3A_24 = arith.muli %mul3A_22, %mul3A_23 : i32
      %add3A_25 = arith.addi %mul3A_20, %mul3A_24 : i32
      %mul3A_26 = arith.constant 5120 : i32
      %mul3A_27 = arith.muli %add3A, %mul3A_26 : i32
      %mul3A_28 = arith.constant 2 : i32
      %mul3A_29 = arith.muli %mul3A_28, %scan3A_18 : i32
      %add3A_30 = arith.constant 1 : i32
      %add3A_31 = arith.addi %mul3A_29, %add3A_30 : i32
      %mul3A_32 = arith.constant 128 : i32
      %mul3A_33 = arith.muli %add3A_31, %mul3A_32 : i32
      %add3A_34 = arith.addi %mul3A_27, %mul3A_33 : i32
      %dma_start3A = arith.constant 0 : i32
      %dma_start3A_35 = tpu.memref_slice %arg2[%add3A_25, %dma_start3A] : memref<163840x128xf32, #tpu.memory_space<hbm>> -> memref<128x128xf32, #tpu.memory_space<hbm>>
      %dma_start3A_36 = arith.constant 0 : i32
      %dma_start3A_37 = tpu.memref_slice %arg2[%add3A_25, %dma_start3A_36] : memref<163840x128xf32, #tpu.memory_space<hbm>> -> memref<128x128xf32, #tpu.memory_space<hbm>>
      tpu.enqueue_dma source(%dma_start3A_37 : memref<128x128xf32, #tpu.memory_space<hbm>>) target(%arg6 : memref<128x128xf32, #tpu.memory_space<vmem>>) target_semaphore(%arg11 : memref<!tpu.dma_semaphore, #tpu.memory_space<semaphore_mem>>)
      %dma_start3A_38 = tpu.memref_slice %arg3[%add3A_25] : memref<163840xi32, #tpu.memory_space<hbm>> -> memref<128xi32, #tpu.memory_space<hbm>>
      %dma_start3A_39 = tpu.memref_slice %arg3[%add3A_25] : memref<163840xi32, #tpu.memory_space<hbm>> -> memref<128xi32, #tpu.memory_space<hbm>>
      tpu.enqueue_dma source(%dma_start3A_39 : memref<128xi32, #tpu.memory_space<hbm>>) target(%arg8 : memref<128xi32, #tpu.memory_space<vmem>>) target_semaphore(%arg13 : memref<!tpu.dma_semaphore, #tpu.memory_space<semaphore_mem>>)
      %dma_start3A_40 = arith.constant 0 : i32
      %dma_start3A_41 = tpu.memref_slice %arg2[%add3A_34, %dma_start3A_40] : memref<163840x128xf32, #tpu.memory_space<hbm>> -> memref<128x128xf32, #tpu.memory_space<hbm>>
      %dma_start3A_42 = arith.constant 0 : i32
      %dma_start3A_43 = tpu.memref_slice %arg2[%add3A_34, %dma_start3A_42] : memref<163840x128xf32, #tpu.memory_space<hbm>> -> memref<128x128xf32, #tpu.memory_space<hbm>>
      tpu.enqueue_dma source(%dma_start3A_43 : memref<128x128xf32, #tpu.memory_space<hbm>>) target(%arg7 : memref<128x128xf32, #tpu.memory_space<vmem>>) target_semaphore(%arg12 : memref<!tpu.dma_semaphore, #tpu.memory_space<semaphore_mem>>)
      %dma_start3A_44 = tpu.memref_slice %arg3[%add3A_34] : memref<163840xi32, #tpu.memory_space<hbm>> -> memref<128xi32, #tpu.memory_space<hbm>>
      %dma_start3A_45 = tpu.memref_slice %arg3[%add3A_34] : memref<163840xi32, #tpu.memory_space<hbm>> -> memref<128xi32, #tpu.memory_space<hbm>>
      tpu.enqueue_dma source(%dma_start3A_45 : memref<128xi32, #tpu.memory_space<hbm>>) target(%arg9 : memref<128xi32, #tpu.memory_space<vmem>>) target_semaphore(%arg14 : memref<!tpu.dma_semaphore, #tpu.memory_space<semaphore_mem>>)
      %dma_wait3A = arith.constant 0 : i32
      %dma_wait3A_46 = tpu.memref_slice %arg2[%add3A_25, %dma_wait3A] : memref<163840x128xf32, #tpu.memory_space<hbm>> -> memref<128x128xf32, #tpu.memory_space<hbm>>
      %dma_wait3A_47 = arith.constant 0 : i32
      %dma_wait3A_48 = tpu.memref_slice %arg2[%add3A_25, %dma_wait3A_47] : memref<163840x128xf32, #tpu.memory_space<hbm>> -> memref<128x128xf32, #tpu.memory_space<hbm>>
      tpu.wait_dma2 semaphore(%arg11 : memref<!tpu.dma_semaphore, #tpu.memory_space<semaphore_mem>>) src(%dma_wait3A_48 : memref<128x128xf32, #tpu.memory_space<hbm>>) dst(%arg6 : memref<128x128xf32, #tpu.memory_space<vmem>>)
      %dma_wait3A_49 = tpu.memref_slice %arg3[%add3A_25] : memref<163840xi32, #tpu.memory_space<hbm>> -> memref<128xi32, #tpu.memory_space<hbm>>
      %dma_wait3A_50 = tpu.memref_slice %arg3[%add3A_25] : memref<163840xi32, #tpu.memory_space<hbm>> -> memref<128xi32, #tpu.memory_space<hbm>>
      tpu.wait_dma2 semaphore(%arg13 : memref<!tpu.dma_semaphore, #tpu.memory_space<semaphore_mem>>) src(%dma_wait3A_50 : memref<128xi32, #tpu.memory_space<hbm>>) dst(%arg8 : memref<128xi32, #tpu.memory_space<vmem>>)
      %dma_start3A_51 = arith.constant 0 : i32
      %dma_start3A_52 = arith.constant 0 : i32
      %dma_start3A_53 = tpu.memref_slice %arg10[%dma_start3A_51, %dma_start3A_52] : memref<10240x128xf32, #tpu.memory_space<vmem_shared>> -> memref<10240x128xf32, #tpu.memory_space<vmem_shared>>
      tpu.enqueue_indirect_dma source(%arg6 : memref<128x128xf32, #tpu.memory_space<vmem>>) target(%dma_start3A_53 : memref<10240x128xf32, #tpu.memory_space<vmem_shared>>) offsets(%arg8 : memref<128xi32, #tpu.memory_space<vmem>>) semaphore(%arg15 : memref<!tpu.dma_semaphore, #tpu.memory_space<semaphore_mem>>) {add = true}
      %dma_wait3A_54 = arith.constant 0 : i32
      %dma_wait3A_55 = tpu.memref_slice %arg2[%add3A_34, %dma_wait3A_54] : memref<163840x128xf32, #tpu.memory_space<hbm>> -> memref<128x128xf32, #tpu.memory_space<hbm>>
      %dma_wait3A_56 = arith.constant 0 : i32
      %dma_wait3A_57 = tpu.memref_slice %arg2[%add3A_34, %dma_wait3A_56] : memref<163840x128xf32, #tpu.memory_space<hbm>> -> memref<128x128xf32, #tpu.memory_space<hbm>>
      tpu.wait_dma2 semaphore(%arg12 : memref<!tpu.dma_semaphore, #tpu.memory_space<semaphore_mem>>) src(%dma_wait3A_57 : memref<128x128xf32, #tpu.memory_space<hbm>>) dst(%arg7 : memref<128x128xf32, #tpu.memory_space<vmem>>)
      %dma_wait3A_58 = tpu.memref_slice %arg3[%add3A_34] : memref<163840xi32, #tpu.memory_space<hbm>> -> memref<128xi32, #tpu.memory_space<hbm>>
      %dma_wait3A_59 = tpu.memref_slice %arg3[%add3A_34] : memref<163840xi32, #tpu.memory_space<hbm>> -> memref<128xi32, #tpu.memory_space<hbm>>
      tpu.wait_dma2 semaphore(%arg14 : memref<!tpu.dma_semaphore, #tpu.memory_space<semaphore_mem>>) src(%dma_wait3A_59 : memref<128xi32, #tpu.memory_space<hbm>>) dst(%arg9 : memref<128xi32, #tpu.memory_space<vmem>>)
      %dma_start3A_60 = arith.constant 0 : i32
      %dma_start3A_61 = arith.constant 0 : i32
      %dma_start3A_62 = tpu.memref_slice %arg10[%dma_start3A_60, %dma_start3A_61] : memref<10240x128xf32, #tpu.memory_space<vmem_shared>> -> memref<10240x128xf32, #tpu.memory_space<vmem_shared>>
      tpu.enqueue_indirect_dma source(%arg7 : memref<128x128xf32, #tpu.memory_space<vmem>>) target(%dma_start3A_62 : memref<10240x128xf32, #tpu.memory_space<vmem_shared>>) offsets(%arg9 : memref<128xi32, #tpu.memory_space<vmem>>) semaphore(%arg16 : memref<!tpu.dma_semaphore, #tpu.memory_space<semaphore_mem>>) {add = true}
      %dma_wait3A_63 = arith.constant 0 : i32
      %dma_wait3A_64 = arith.constant 0 : i32
      %dma_wait3A_65 = tpu.memref_slice %arg10[%dma_wait3A_63, %dma_wait3A_64] : memref<10240x128xf32, #tpu.memory_space<vmem_shared>> -> memref<10240x128xf32, #tpu.memory_space<vmem_shared>>
      tpu.wait_indirect_dma semaphore(%arg15 : memref<!tpu.dma_semaphore, #tpu.memory_space<semaphore_mem>>) src(%arg6 : memref<128x128xf32, #tpu.memory_space<vmem>>) dst(%dma_wait3A_65 : memref<10240x128xf32, #tpu.memory_space<vmem_shared>>)
      %dma_wait3A_66 = arith.constant 0 : i32
      %dma_wait3A_67 = arith.constant 0 : i32
      %dma_wait3A_68 = tpu.memref_slice %arg10[%dma_wait3A_66, %dma_wait3A_67] : memref<10240x128xf32, #tpu.memory_space<vmem_shared>> -> memref<10240x128xf32, #tpu.memory_space<vmem_shared>>
      tpu.wait_indirect_dma semaphore(%arg16 : memref<!tpu.dma_semaphore, #tpu.memory_space<semaphore_mem>>) src(%arg7 : memref<128x128xf32, #tpu.memory_space<vmem>>) dst(%dma_wait3A_68 : memref<10240x128xf32, #tpu.memory_space<vmem_shared>>)
    }
    %scan3A_9 = arith.constant 20 : i32
    %barrier3A_10 = arith.constant 0 : index
    tpu.barrier barrier_id(%barrier3A_10)
    %mul3A_11 = arith.constant 640 : i32
    %mul3A_12 = arith.muli %arg1, %mul3A_11 : i32
    %mul3A_13 = arith.constant 10240 : i32
    %mul3A_14 = arith.muli %arg0, %mul3A_13 : i32
    %mul3A_15 = arith.constant 640 : i32
    %mul3A_16 = arith.muli %arg1, %mul3A_15 : i32
    %add3A_17 = arith.addi %mul3A_14, %mul3A_16 : i32
    "tpu.region"() ({
      %run_scoped3A = tpu.sem_alloc : memref<!tpu.dma_semaphore, #tpu.memory_space<semaphore_mem>>
      %dma_start3A = arith.constant 0 : i32
      %dma_start3A_18 = tpu.memref_slice %arg5[%add3A_17, %dma_start3A] : memref<20480x128xf32, #tpu.memory_space<hbm>> -> memref<640x128xf32, #tpu.memory_space<hbm>>
      %dma_start3A_19 = arith.constant 0 : i32
      %dma_start3A_20 = tpu.memref_slice %arg10[%mul3A_12, %dma_start3A_19] : memref<10240x128xf32, #tpu.memory_space<vmem_shared>> -> memref<640x128xf32, #tpu.memory_space<vmem_shared>>
      tpu.enqueue_dma source(%dma_start3A_20 : memref<640x128xf32, #tpu.memory_space<vmem_shared>>) target(%dma_start3A_18 : memref<640x128xf32, #tpu.memory_space<hbm>>) target_semaphore(%run_scoped3A : memref<!tpu.dma_semaphore, #tpu.memory_space<semaphore_mem>>)
      %dma_wait3A = arith.constant 0 : i32
      %dma_wait3A_21 = tpu.memref_slice %arg5[%add3A_17, %dma_wait3A] : memref<20480x128xf32, #tpu.memory_space<hbm>> -> memref<640x128xf32, #tpu.memory_space<hbm>>
      %dma_wait3A_22 = arith.constant 0 : i32
      %dma_wait3A_23 = tpu.memref_slice %arg10[%mul3A_12, %dma_wait3A_22] : memref<10240x128xf32, #tpu.memory_space<vmem_shared>> -> memref<640x128xf32, #tpu.memory_space<vmem_shared>>
      tpu.wait_dma2 semaphore(%run_scoped3A : memref<!tpu.dma_semaphore, #tpu.memory_space<semaphore_mem>>) src(%dma_wait3A_23 : memref<640x128xf32, #tpu.memory_space<vmem_shared>>) dst(%dma_wait3A_21 : memref<640x128xf32, #tpu.memory_space<hbm>>)
      tpu.yield
    }) : () -> ()
    return
  }
}

#map = affine_map<(d0, d1) -> (0, 0)>
#map1 = affine_map<(d0, d1) -> (0)>
module attributes {stable_mosaic.version = 14 : i64} {
  func.func @gk(%arg0: i32, %arg1: i32, %arg2: memref<10240x128xf32, #tpu.memory_space<hbm>>, %arg3: memref<163840xi32, #tpu.memory_space<hbm>>, %arg4: memref<163840x128xf32, #tpu.memory_space<hbm>>, %arg5: memref<128xi32, #tpu.memory_space<vmem>>, %arg6: memref<128xi32, #tpu.memory_space<vmem>>, %arg7: memref<128x128xf32, #tpu.memory_space<vmem>>, %arg8: memref<128x128xf32, #tpu.memory_space<vmem>>, %arg9: memref<!tpu.dma_semaphore, #tpu.memory_space<semaphore_mem>>, %arg10: memref<!tpu.dma_semaphore, #tpu.memory_space<semaphore_mem>>, %arg11: memref<!tpu.dma_semaphore, #tpu.memory_space<semaphore_mem>>, %arg12: memref<!tpu.dma_semaphore, #tpu.memory_space<semaphore_mem>>, %arg13: memref<!tpu.dma_semaphore, #tpu.memory_space<semaphore_mem>>, %arg14: memref<!tpu.dma_semaphore, #tpu.memory_space<semaphore_mem>>) attributes {dimension_semantics = [#tpu.dimension_semantics<core_parallel>, #tpu.dimension_semantics<subcore_parallel>], iteration_bounds = array<i64: 2, 16>, scalar_prefetch = 0 : i64, scratch_operands = 10 : i64, tpu.core_type = #tpu.core_type<sc_vector_subcore>, window_params = [{transform_indices = #map}, {transform_indices = #map1}, {transform_indices = #map}]} {
    %mul3A = arith.constant 2 : i32
    %mul3A_0 = arith.muli %arg1, %mul3A : i32
    %add3A = arith.addi %mul3A_0, %arg0 : i32
    %mul3A_1 = arith.constant 5120 : i32
    %mul3A_2 = arith.muli %add3A, %mul3A_1 : i32
    %scan3A = arith.constant 0 : i32
    %scan3A_3 = arith.constant 0 : i32
    %scan3A_4 = arith.constant 20 : i32
    %scan3A_5 = arith.addi %scan3A_3, %scan3A_4 : i32
    %scan3A_6 = arith.constant 1 : i32
    scf.for %scan3A_8 = %scan3A_3 to %scan3A_5 step %scan3A_6  : i32 {
      %mul3A_9 = arith.constant 2 : i32
      %mul3A_10 = arith.muli %mul3A_9, %scan3A_8 : i32
      %mul3A_11 = arith.constant 128 : i32
      %mul3A_12 = arith.muli %mul3A_10, %mul3A_11 : i32
      %add3A_13 = arith.addi %mul3A_2, %mul3A_12 : i32
      %mul3A_14 = arith.constant 2 : i32
      %mul3A_15 = arith.muli %mul3A_14, %scan3A_8 : i32
      %add3A_16 = arith.constant 1 : i32
      %add3A_17 = arith.addi %mul3A_15, %add3A_16 : i32
      %mul3A_18 = arith.constant 128 : i32
      %mul3A_19 = arith.muli %add3A_17, %mul3A_18 : i32
      %add3A_20 = arith.addi %mul3A_2, %mul3A_19 : i32
      %dma_start3A = tpu.memref_slice %arg3[%add3A_13] : memref<163840xi32, #tpu.memory_space<hbm>> -> memref<128xi32, #tpu.memory_space<hbm>>
      %dma_start3A_21 = tpu.memref_slice %arg3[%add3A_13] : memref<163840xi32, #tpu.memory_space<hbm>> -> memref<128xi32, #tpu.memory_space<hbm>>
      tpu.enqueue_dma source(%dma_start3A_21 : memref<128xi32, #tpu.memory_space<hbm>>) target(%arg5 : memref<128xi32, #tpu.memory_space<vmem>>) target_semaphore(%arg9 : memref<!tpu.dma_semaphore, #tpu.memory_space<semaphore_mem>>)
      %dma_start3A_22 = tpu.memref_slice %arg3[%add3A_20] : memref<163840xi32, #tpu.memory_space<hbm>> -> memref<128xi32, #tpu.memory_space<hbm>>
      %dma_start3A_23 = tpu.memref_slice %arg3[%add3A_20] : memref<163840xi32, #tpu.memory_space<hbm>> -> memref<128xi32, #tpu.memory_space<hbm>>
      tpu.enqueue_dma source(%dma_start3A_23 : memref<128xi32, #tpu.memory_space<hbm>>) target(%arg6 : memref<128xi32, #tpu.memory_space<vmem>>) target_semaphore(%arg10 : memref<!tpu.dma_semaphore, #tpu.memory_space<semaphore_mem>>)
      %dma_wait3A = tpu.memref_slice %arg3[%add3A_13] : memref<163840xi32, #tpu.memory_space<hbm>> -> memref<128xi32, #tpu.memory_space<hbm>>
      %dma_wait3A_24 = tpu.memref_slice %arg3[%add3A_13] : memref<163840xi32, #tpu.memory_space<hbm>> -> memref<128xi32, #tpu.memory_space<hbm>>
      tpu.wait_dma2 semaphore(%arg9 : memref<!tpu.dma_semaphore, #tpu.memory_space<semaphore_mem>>) src(%dma_wait3A_24 : memref<128xi32, #tpu.memory_space<hbm>>) dst(%arg5 : memref<128xi32, #tpu.memory_space<vmem>>)
      %dma_start3A_25 = arith.constant 0 : i32
      %dma_start3A_26 = arith.constant 0 : i32
      %dma_start3A_27 = tpu.memref_slice %arg2[%dma_start3A_25, %dma_start3A_26] : memref<10240x128xf32, #tpu.memory_space<hbm>> -> memref<10240x128xf32, #tpu.memory_space<hbm>>
      tpu.enqueue_indirect_dma source(%dma_start3A_27 : memref<10240x128xf32, #tpu.memory_space<hbm>>) target(%arg7 : memref<128x128xf32, #tpu.memory_space<vmem>>) offsets(%arg5 : memref<128xi32, #tpu.memory_space<vmem>>) semaphore(%arg11 : memref<!tpu.dma_semaphore, #tpu.memory_space<semaphore_mem>>)
      %dma_wait3A_28 = tpu.memref_slice %arg3[%add3A_20] : memref<163840xi32, #tpu.memory_space<hbm>> -> memref<128xi32, #tpu.memory_space<hbm>>
      %dma_wait3A_29 = tpu.memref_slice %arg3[%add3A_20] : memref<163840xi32, #tpu.memory_space<hbm>> -> memref<128xi32, #tpu.memory_space<hbm>>
      tpu.wait_dma2 semaphore(%arg10 : memref<!tpu.dma_semaphore, #tpu.memory_space<semaphore_mem>>) src(%dma_wait3A_29 : memref<128xi32, #tpu.memory_space<hbm>>) dst(%arg6 : memref<128xi32, #tpu.memory_space<vmem>>)
      %dma_start3A_30 = arith.constant 0 : i32
      %dma_start3A_31 = arith.constant 0 : i32
      %dma_start3A_32 = tpu.memref_slice %arg2[%dma_start3A_30, %dma_start3A_31] : memref<10240x128xf32, #tpu.memory_space<hbm>> -> memref<10240x128xf32, #tpu.memory_space<hbm>>
      tpu.enqueue_indirect_dma source(%dma_start3A_32 : memref<10240x128xf32, #tpu.memory_space<hbm>>) target(%arg8 : memref<128x128xf32, #tpu.memory_space<vmem>>) offsets(%arg6 : memref<128xi32, #tpu.memory_space<vmem>>) semaphore(%arg12 : memref<!tpu.dma_semaphore, #tpu.memory_space<semaphore_mem>>)
      %dma_wait3A_33 = arith.constant 0 : i32
      %dma_wait3A_34 = arith.constant 0 : i32
      %dma_wait3A_35 = tpu.memref_slice %arg2[%dma_wait3A_33, %dma_wait3A_34] : memref<10240x128xf32, #tpu.memory_space<hbm>> -> memref<10240x128xf32, #tpu.memory_space<hbm>>
      tpu.wait_indirect_dma semaphore(%arg11 : memref<!tpu.dma_semaphore, #tpu.memory_space<semaphore_mem>>) src(%dma_wait3A_35 : memref<10240x128xf32, #tpu.memory_space<hbm>>) dst(%arg7 : memref<128x128xf32, #tpu.memory_space<vmem>>)
      %dma_start3A_36 = arith.constant 0 : i32
      %dma_start3A_37 = tpu.memref_slice %arg4[%add3A_13, %dma_start3A_36] : memref<163840x128xf32, #tpu.memory_space<hbm>> -> memref<128x128xf32, #tpu.memory_space<hbm>>
      %dma_start3A_38 = arith.constant 0 : i32
      %dma_start3A_39 = tpu.memref_slice %arg4[%add3A_13, %dma_start3A_38] : memref<163840x128xf32, #tpu.memory_space<hbm>> -> memref<128x128xf32, #tpu.memory_space<hbm>>
      tpu.enqueue_dma source(%arg7 : memref<128x128xf32, #tpu.memory_space<vmem>>) target(%dma_start3A_39 : memref<128x128xf32, #tpu.memory_space<hbm>>) target_semaphore(%arg13 : memref<!tpu.dma_semaphore, #tpu.memory_space<semaphore_mem>>)
      %dma_wait3A_40 = arith.constant 0 : i32
      %dma_wait3A_41 = arith.constant 0 : i32
      %dma_wait3A_42 = tpu.memref_slice %arg2[%dma_wait3A_40, %dma_wait3A_41] : memref<10240x128xf32, #tpu.memory_space<hbm>> -> memref<10240x128xf32, #tpu.memory_space<hbm>>
      tpu.wait_indirect_dma semaphore(%arg12 : memref<!tpu.dma_semaphore, #tpu.memory_space<semaphore_mem>>) src(%dma_wait3A_42 : memref<10240x128xf32, #tpu.memory_space<hbm>>) dst(%arg8 : memref<128x128xf32, #tpu.memory_space<vmem>>)
      %dma_start3A_43 = arith.constant 0 : i32
      %dma_start3A_44 = tpu.memref_slice %arg4[%add3A_20, %dma_start3A_43] : memref<163840x128xf32, #tpu.memory_space<hbm>> -> memref<128x128xf32, #tpu.memory_space<hbm>>
      %dma_start3A_45 = arith.constant 0 : i32
      %dma_start3A_46 = tpu.memref_slice %arg4[%add3A_20, %dma_start3A_45] : memref<163840x128xf32, #tpu.memory_space<hbm>> -> memref<128x128xf32, #tpu.memory_space<hbm>>
      tpu.enqueue_dma source(%arg8 : memref<128x128xf32, #tpu.memory_space<vmem>>) target(%dma_start3A_46 : memref<128x128xf32, #tpu.memory_space<hbm>>) target_semaphore(%arg14 : memref<!tpu.dma_semaphore, #tpu.memory_space<semaphore_mem>>)
      %dma_wait3A_47 = arith.constant 0 : i32
      %dma_wait3A_48 = tpu.memref_slice %arg4[%add3A_13, %dma_wait3A_47] : memref<163840x128xf32, #tpu.memory_space<hbm>> -> memref<128x128xf32, #tpu.memory_space<hbm>>
      %dma_wait3A_49 = arith.constant 0 : i32
      %dma_wait3A_50 = tpu.memref_slice %arg4[%add3A_13, %dma_wait3A_49] : memref<163840x128xf32, #tpu.memory_space<hbm>> -> memref<128x128xf32, #tpu.memory_space<hbm>>
      tpu.wait_dma2 semaphore(%arg13 : memref<!tpu.dma_semaphore, #tpu.memory_space<semaphore_mem>>) src(%arg7 : memref<128x128xf32, #tpu.memory_space<vmem>>) dst(%dma_wait3A_50 : memref<128x128xf32, #tpu.memory_space<hbm>>)
      %dma_wait3A_51 = arith.constant 0 : i32
      %dma_wait3A_52 = tpu.memref_slice %arg4[%add3A_20, %dma_wait3A_51] : memref<163840x128xf32, #tpu.memory_space<hbm>> -> memref<128x128xf32, #tpu.memory_space<hbm>>
      %dma_wait3A_53 = arith.constant 0 : i32
      %dma_wait3A_54 = tpu.memref_slice %arg4[%add3A_20, %dma_wait3A_53] : memref<163840x128xf32, #tpu.memory_space<hbm>> -> memref<128x128xf32, #tpu.memory_space<hbm>>
      tpu.wait_dma2 semaphore(%arg14 : memref<!tpu.dma_semaphore, #tpu.memory_space<semaphore_mem>>) src(%arg8 : memref<128x128xf32, #tpu.memory_space<vmem>>) dst(%dma_wait3A_54 : memref<128x128xf32, #tpu.memory_space<hbm>>)
    }
    %scan3A_7 = arith.constant 20 : i32
    return
  }
}

#map = affine_map<(d0, d1) -> (0, 0)>
#map1 = affine_map<(d0, d1) -> (0)>
module attributes {stable_mosaic.version = 14 : i64} {
  func.func @gk(%arg0: i32, %arg1: i32, %arg2: memref<10240x128xf32, #tpu.memory_space<hbm>>, %arg3: memref<163840xi32, #tpu.memory_space<hbm>>, %arg4: memref<163840x128xf32, #tpu.memory_space<hbm>>, %arg5: memref<128xi32, #tpu.memory_space<vmem>>, %arg6: memref<128xi32, #tpu.memory_space<vmem>>, %arg7: memref<128x128xf32, #tpu.memory_space<vmem>>, %arg8: memref<128x128xf32, #tpu.memory_space<vmem>>, %arg9: memref<!tpu.dma_semaphore, #tpu.memory_space<semaphore_mem>>, %arg10: memref<!tpu.dma_semaphore, #tpu.memory_space<semaphore_mem>>, %arg11: memref<!tpu.dma_semaphore, #tpu.memory_space<semaphore_mem>>, %arg12: memref<!tpu.dma_semaphore, #tpu.memory_space<semaphore_mem>>, %arg13: memref<!tpu.dma_semaphore, #tpu.memory_space<semaphore_mem>>, %arg14: memref<!tpu.dma_semaphore, #tpu.memory_space<semaphore_mem>>) attributes {dimension_semantics = [#tpu.dimension_semantics<core_parallel>, #tpu.dimension_semantics<subcore_parallel>], iteration_bounds = array<i64: 2, 16>, scalar_prefetch = 0 : i64, scratch_operands = 10 : i64, tpu.core_type = #tpu.core_type<sc_vector_subcore>, window_params = [{transform_indices = #map}, {transform_indices = #map1}, {transform_indices = #map}]} {
    %mul3A = arith.constant 2 : i32
    %mul3A_0 = arith.muli %arg1, %mul3A : i32
    %add3A = arith.addi %mul3A_0, %arg0 : i32
    %mul3A_1 = arith.constant 5120 : i32
    %mul3A_2 = arith.muli %add3A, %mul3A_1 : i32
    %scan3A = arith.constant 0 : i32
    %scan3A_3 = arith.constant 0 : i32
    %scan3A_4 = arith.constant 20 : i32
    %scan3A_5 = arith.addi %scan3A_3, %scan3A_4 : i32
    %scan3A_6 = arith.constant 1 : i32
    scf.for %scan3A_8 = %scan3A_3 to %scan3A_5 step %scan3A_6  : i32 {
      %mul3A_9 = arith.constant 2 : i32
      %mul3A_10 = arith.muli %mul3A_9, %scan3A_8 : i32
      %mul3A_11 = arith.constant 128 : i32
      %mul3A_12 = arith.muli %mul3A_10, %mul3A_11 : i32
      %add3A_13 = arith.addi %mul3A_2, %mul3A_12 : i32
      %mul3A_14 = arith.constant 2 : i32
      %mul3A_15 = arith.muli %mul3A_14, %scan3A_8 : i32
      %add3A_16 = arith.constant 1 : i32
      %add3A_17 = arith.addi %mul3A_15, %add3A_16 : i32
      %mul3A_18 = arith.constant 128 : i32
      %mul3A_19 = arith.muli %add3A_17, %mul3A_18 : i32
      %add3A_20 = arith.addi %mul3A_2, %mul3A_19 : i32
      %dma_start3A = tpu.memref_slice %arg3[%add3A_13] : memref<163840xi32, #tpu.memory_space<hbm>> -> memref<128xi32, #tpu.memory_space<hbm>>
      %dma_start3A_21 = tpu.memref_slice %arg3[%add3A_13] : memref<163840xi32, #tpu.memory_space<hbm>> -> memref<128xi32, #tpu.memory_space<hbm>>
      tpu.enqueue_dma source(%dma_start3A_21 : memref<128xi32, #tpu.memory_space<hbm>>) target(%arg5 : memref<128xi32, #tpu.memory_space<vmem>>) target_semaphore(%arg9 : memref<!tpu.dma_semaphore, #tpu.memory_space<semaphore_mem>>)
      %dma_start3A_22 = tpu.memref_slice %arg3[%add3A_20] : memref<163840xi32, #tpu.memory_space<hbm>> -> memref<128xi32, #tpu.memory_space<hbm>>
      %dma_start3A_23 = tpu.memref_slice %arg3[%add3A_20] : memref<163840xi32, #tpu.memory_space<hbm>> -> memref<128xi32, #tpu.memory_space<hbm>>
      tpu.enqueue_dma source(%dma_start3A_23 : memref<128xi32, #tpu.memory_space<hbm>>) target(%arg6 : memref<128xi32, #tpu.memory_space<vmem>>) target_semaphore(%arg10 : memref<!tpu.dma_semaphore, #tpu.memory_space<semaphore_mem>>)
      %dma_wait3A = tpu.memref_slice %arg3[%add3A_13] : memref<163840xi32, #tpu.memory_space<hbm>> -> memref<128xi32, #tpu.memory_space<hbm>>
      %dma_wait3A_24 = tpu.memref_slice %arg3[%add3A_13] : memref<163840xi32, #tpu.memory_space<hbm>> -> memref<128xi32, #tpu.memory_space<hbm>>
      tpu.wait_dma2 semaphore(%arg9 : memref<!tpu.dma_semaphore, #tpu.memory_space<semaphore_mem>>) src(%dma_wait3A_24 : memref<128xi32, #tpu.memory_space<hbm>>) dst(%arg5 : memref<128xi32, #tpu.memory_space<vmem>>)
      %dma_start3A_25 = arith.constant 0 : i32
      %dma_start3A_26 = arith.constant 0 : i32
      %dma_start3A_27 = tpu.memref_slice %arg2[%dma_start3A_25, %dma_start3A_26] : memref<10240x128xf32, #tpu.memory_space<hbm>> -> memref<10240x128xf32, #tpu.memory_space<hbm>>
      tpu.enqueue_indirect_dma source(%dma_start3A_27 : memref<10240x128xf32, #tpu.memory_space<hbm>>) target(%arg7 : memref<128x128xf32, #tpu.memory_space<vmem>>) offsets(%arg5 : memref<128xi32, #tpu.memory_space<vmem>>) semaphore(%arg11 : memref<!tpu.dma_semaphore, #tpu.memory_space<semaphore_mem>>)
      %dma_wait3A_28 = tpu.memref_slice %arg3[%add3A_20] : memref<163840xi32, #tpu.memory_space<hbm>> -> memref<128xi32, #tpu.memory_space<hbm>>
      %dma_wait3A_29 = tpu.memref_slice %arg3[%add3A_20] : memref<163840xi32, #tpu.memory_space<hbm>> -> memref<128xi32, #tpu.memory_space<hbm>>
      tpu.wait_dma2 semaphore(%arg10 : memref<!tpu.dma_semaphore, #tpu.memory_space<semaphore_mem>>) src(%dma_wait3A_29 : memref<128xi32, #tpu.memory_space<hbm>>) dst(%arg6 : memref<128xi32, #tpu.memory_space<vmem>>)
      %dma_start3A_30 = arith.constant 0 : i32
      %dma_start3A_31 = arith.constant 0 : i32
      %dma_start3A_32 = tpu.memref_slice %arg2[%dma_start3A_30, %dma_start3A_31] : memref<10240x128xf32, #tpu.memory_space<hbm>> -> memref<10240x128xf32, #tpu.memory_space<hbm>>
      tpu.enqueue_indirect_dma source(%dma_start3A_32 : memref<10240x128xf32, #tpu.memory_space<hbm>>) target(%arg8 : memref<128x128xf32, #tpu.memory_space<vmem>>) offsets(%arg6 : memref<128xi32, #tpu.memory_space<vmem>>) semaphore(%arg12 : memref<!tpu.dma_semaphore, #tpu.memory_space<semaphore_mem>>)
      %dma_wait3A_33 = arith.constant 0 : i32
      %dma_wait3A_34 = arith.constant 0 : i32
      %dma_wait3A_35 = tpu.memref_slice %arg2[%dma_wait3A_33, %dma_wait3A_34] : memref<10240x128xf32, #tpu.memory_space<hbm>> -> memref<10240x128xf32, #tpu.memory_space<hbm>>
      tpu.wait_indirect_dma semaphore(%arg11 : memref<!tpu.dma_semaphore, #tpu.memory_space<semaphore_mem>>) src(%dma_wait3A_35 : memref<10240x128xf32, #tpu.memory_space<hbm>>) dst(%arg7 : memref<128x128xf32, #tpu.memory_space<vmem>>)
      %dma_start3A_36 = arith.constant 0 : i32
      %dma_start3A_37 = tpu.memref_slice %arg4[%add3A_13, %dma_start3A_36] : memref<163840x128xf32, #tpu.memory_space<hbm>> -> memref<128x128xf32, #tpu.memory_space<hbm>>
      %dma_start3A_38 = arith.constant 0 : i32
      %dma_start3A_39 = tpu.memref_slice %arg4[%add3A_13, %dma_start3A_38] : memref<163840x128xf32, #tpu.memory_space<hbm>> -> memref<128x128xf32, #tpu.memory_space<hbm>>
      tpu.enqueue_dma source(%arg7 : memref<128x128xf32, #tpu.memory_space<vmem>>) target(%dma_start3A_39 : memref<128x128xf32, #tpu.memory_space<hbm>>) target_semaphore(%arg13 : memref<!tpu.dma_semaphore, #tpu.memory_space<semaphore_mem>>)
      %dma_wait3A_40 = arith.constant 0 : i32
      %dma_wait3A_41 = arith.constant 0 : i32
      %dma_wait3A_42 = tpu.memref_slice %arg2[%dma_wait3A_40, %dma_wait3A_41] : memref<10240x128xf32, #tpu.memory_space<hbm>> -> memref<10240x128xf32, #tpu.memory_space<hbm>>
      tpu.wait_indirect_dma semaphore(%arg12 : memref<!tpu.dma_semaphore, #tpu.memory_space<semaphore_mem>>) src(%dma_wait3A_42 : memref<10240x128xf32, #tpu.memory_space<hbm>>) dst(%arg8 : memref<128x128xf32, #tpu.memory_space<vmem>>)
      %dma_start3A_43 = arith.constant 0 : i32
      %dma_start3A_44 = tpu.memref_slice %arg4[%add3A_20, %dma_start3A_43] : memref<163840x128xf32, #tpu.memory_space<hbm>> -> memref<128x128xf32, #tpu.memory_space<hbm>>
      %dma_start3A_45 = arith.constant 0 : i32
      %dma_start3A_46 = tpu.memref_slice %arg4[%add3A_20, %dma_start3A_45] : memref<163840x128xf32, #tpu.memory_space<hbm>> -> memref<128x128xf32, #tpu.memory_space<hbm>>
      tpu.enqueue_dma source(%arg8 : memref<128x128xf32, #tpu.memory_space<vmem>>) target(%dma_start3A_46 : memref<128x128xf32, #tpu.memory_space<hbm>>) target_semaphore(%arg14 : memref<!tpu.dma_semaphore, #tpu.memory_space<semaphore_mem>>)
      %dma_wait3A_47 = arith.constant 0 : i32
      %dma_wait3A_48 = tpu.memref_slice %arg4[%add3A_13, %dma_wait3A_47] : memref<163840x128xf32, #tpu.memory_space<hbm>> -> memref<128x128xf32, #tpu.memory_space<hbm>>
      %dma_wait3A_49 = arith.constant 0 : i32
      %dma_wait3A_50 = tpu.memref_slice %arg4[%add3A_13, %dma_wait3A_49] : memref<163840x128xf32, #tpu.memory_space<hbm>> -> memref<128x128xf32, #tpu.memory_space<hbm>>
      tpu.wait_dma2 semaphore(%arg13 : memref<!tpu.dma_semaphore, #tpu.memory_space<semaphore_mem>>) src(%arg7 : memref<128x128xf32, #tpu.memory_space<vmem>>) dst(%dma_wait3A_50 : memref<128x128xf32, #tpu.memory_space<hbm>>)
      %dma_wait3A_51 = arith.constant 0 : i32
      %dma_wait3A_52 = tpu.memref_slice %arg4[%add3A_20, %dma_wait3A_51] : memref<163840x128xf32, #tpu.memory_space<hbm>> -> memref<128x128xf32, #tpu.memory_space<hbm>>
      %dma_wait3A_53 = arith.constant 0 : i32
      %dma_wait3A_54 = tpu.memref_slice %arg4[%add3A_20, %dma_wait3A_53] : memref<163840x128xf32, #tpu.memory_space<hbm>> -> memref<128x128xf32, #tpu.memory_space<hbm>>
      tpu.wait_dma2 semaphore(%arg14 : memref<!tpu.dma_semaphore, #tpu.memory_space<semaphore_mem>>) src(%arg8 : memref<128x128xf32, #tpu.memory_space<vmem>>) dst(%dma_wait3A_54 : memref<128x128xf32, #tpu.memory_space<hbm>>)
    }
    %scan3A_7 = arith.constant 20 : i32
    return
  }
}

#map = affine_map<(d0, d1) -> (0, 0)>
#map1 = affine_map<(d0, d1) -> (0)>
module attributes {stable_mosaic.version = 14 : i64} {
  func.func @sk(%arg0: i32, %arg1: i32, %arg2: memref<163840x128xf32, #tpu.memory_space<hbm>>, %arg3: memref<163840xi32, #tpu.memory_space<hbm>>, %arg4: memref<10240x128xf32, #tpu.memory_space<hbm>>, %arg5: memref<20480x128xf32, #tpu.memory_space<hbm>>, %arg6: memref<128x128xf32, #tpu.memory_space<vmem>>, %arg7: memref<128x128xf32, #tpu.memory_space<vmem>>, %arg8: memref<128xi32, #tpu.memory_space<vmem>>, %arg9: memref<128xi32, #tpu.memory_space<vmem>>, %arg10: memref<10240x128xf32, #tpu.memory_space<vmem_shared>>, %arg11: memref<!tpu.dma_semaphore, #tpu.memory_space<semaphore_mem>>, %arg12: memref<!tpu.dma_semaphore, #tpu.memory_space<semaphore_mem>>, %arg13: memref<!tpu.dma_semaphore, #tpu.memory_space<semaphore_mem>>, %arg14: memref<!tpu.dma_semaphore, #tpu.memory_space<semaphore_mem>>, %arg15: memref<!tpu.dma_semaphore, #tpu.memory_space<semaphore_mem>>, %arg16: memref<!tpu.dma_semaphore, #tpu.memory_space<semaphore_mem>>) attributes {dimension_semantics = [#tpu.dimension_semantics<core_parallel>, #tpu.dimension_semantics<subcore_parallel>], iteration_bounds = array<i64: 2, 16>, scalar_prefetch = 0 : i64, scratch_operands = 11 : i64, tpu.core_type = #tpu.core_type<sc_vector_subcore>, window_params = [{transform_indices = #map}, {transform_indices = #map1}, {transform_indices = #map}, {transform_indices = #map}]} {
    %mul3A = arith.constant 2 : i32
    %mul3A_0 = arith.muli %arg1, %mul3A : i32
    %add3A = arith.addi %mul3A_0, %arg0 : i32
    %mul3A_1 = arith.constant 640 : i32
    %mul3A_2 = arith.muli %arg1, %mul3A_1 : i32
    %mul3A_3 = arith.constant 640 : i32
    %mul3A_4 = arith.muli %arg1, %mul3A_3 : i32
    "tpu.region"() ({
      %run_scoped3A = tpu.sem_alloc : memref<!tpu.dma_semaphore, #tpu.memory_space<semaphore_mem>>
      %dma_start3A = arith.constant 0 : i32
      %dma_start3A_18 = tpu.memref_slice %arg10[%mul3A_4, %dma_start3A] : memref<10240x128xf32, #tpu.memory_space<vmem_shared>> -> memref<640x128xf32, #tpu.memory_space<vmem_shared>>
      %dma_start3A_19 = arith.constant 0 : i32
      %dma_start3A_20 = tpu.memref_slice %arg4[%mul3A_2, %dma_start3A_19] : memref<10240x128xf32, #tpu.memory_space<hbm>> -> memref<640x128xf32, #tpu.memory_space<hbm>>
      tpu.enqueue_dma source(%dma_start3A_20 : memref<640x128xf32, #tpu.memory_space<hbm>>) target(%dma_start3A_18 : memref<640x128xf32, #tpu.memory_space<vmem_shared>>) target_semaphore(%run_scoped3A : memref<!tpu.dma_semaphore, #tpu.memory_space<semaphore_mem>>)
      %dma_wait3A = arith.constant 0 : i32
      %dma_wait3A_21 = tpu.memref_slice %arg10[%mul3A_4, %dma_wait3A] : memref<10240x128xf32, #tpu.memory_space<vmem_shared>> -> memref<640x128xf32, #tpu.memory_space<vmem_shared>>
      %dma_wait3A_22 = arith.constant 0 : i32
      %dma_wait3A_23 = tpu.memref_slice %arg4[%mul3A_2, %dma_wait3A_22] : memref<10240x128xf32, #tpu.memory_space<hbm>> -> memref<640x128xf32, #tpu.memory_space<hbm>>
      tpu.wait_dma2 semaphore(%run_scoped3A : memref<!tpu.dma_semaphore, #tpu.memory_space<semaphore_mem>>) src(%dma_wait3A_23 : memref<640x128xf32, #tpu.memory_space<hbm>>) dst(%dma_wait3A_21 : memref<640x128xf32, #tpu.memory_space<vmem_shared>>)
      tpu.yield
    }) : () -> ()
    %barrier3A = arith.constant 0 : index
    tpu.barrier barrier_id(%barrier3A)
    %scan3A = arith.constant 0 : i32
    %scan3A_5 = arith.constant 0 : i32
    %scan3A_6 = arith.constant 20 : i32
    %scan3A_7 = arith.addi %scan3A_5, %scan3A_6 : i32
    %scan3A_8 = arith.constant 1 : i32
    scf.for %scan3A_18 = %scan3A_5 to %scan3A_7 step %scan3A_8  : i32 {
      %mul3A_19 = arith.constant 5120 : i32
      %mul3A_20 = arith.muli %add3A, %mul3A_19 : i32
      %mul3A_21 = arith.constant 2 : i32
      %mul3A_22 = arith.muli %mul3A_21, %scan3A_18 : i32
      %mul3A_23 = arith.constant 128 : i32
      %mul3A_24 = arith.muli %mul3A_22, %mul3A_23 : i32
      %add3A_25 = arith.addi %mul3A_20, %mul3A_24 : i32
      %mul3A_26 = arith.constant 5120 : i32
      %mul3A_27 = arith.muli %add3A, %mul3A_26 : i32
      %mul3A_28 = arith.constant 2 : i32
      %mul3A_29 = arith.muli %mul3A_28, %scan3A_18 : i32
      %add3A_30 = arith.constant 1 : i32
      %add3A_31 = arith.addi %mul3A_29, %add3A_30 : i32
      %mul3A_32 = arith.constant 128 : i32
      %mul3A_33 = arith.muli %add3A_31, %mul3A_32 : i32
      %add3A_34 = arith.addi %mul3A_27, %mul3A_33 : i32
      %dma_start3A = arith.constant 0 : i32
      %dma_start3A_35 = tpu.memref_slice %arg2[%add3A_25, %dma_start3A] : memref<163840x128xf32, #tpu.memory_space<hbm>> -> memref<128x128xf32, #tpu.memory_space<hbm>>
      %dma_start3A_36 = arith.constant 0 : i32
      %dma_start3A_37 = tpu.memref_slice %arg2[%add3A_25, %dma_start3A_36] : memref<163840x128xf32, #tpu.memory_space<hbm>> -> memref<128x128xf32, #tpu.memory_space<hbm>>
      tpu.enqueue_dma source(%dma_start3A_37 : memref<128x128xf32, #tpu.memory_space<hbm>>) target(%arg6 : memref<128x128xf32, #tpu.memory_space<vmem>>) target_semaphore(%arg11 : memref<!tpu.dma_semaphore, #tpu.memory_space<semaphore_mem>>)
      %dma_start3A_38 = tpu.memref_slice %arg3[%add3A_25] : memref<163840xi32, #tpu.memory_space<hbm>> -> memref<128xi32, #tpu.memory_space<hbm>>
      %dma_start3A_39 = tpu.memref_slice %arg3[%add3A_25] : memref<163840xi32, #tpu.memory_space<hbm>> -> memref<128xi32, #tpu.memory_space<hbm>>
      tpu.enqueue_dma source(%dma_start3A_39 : memref<128xi32, #tpu.memory_space<hbm>>) target(%arg8 : memref<128xi32, #tpu.memory_space<vmem>>) target_semaphore(%arg13 : memref<!tpu.dma_semaphore, #tpu.memory_space<semaphore_mem>>)
      %dma_start3A_40 = arith.constant 0 : i32
      %dma_start3A_41 = tpu.memref_slice %arg2[%add3A_34, %dma_start3A_40] : memref<163840x128xf32, #tpu.memory_space<hbm>> -> memref<128x128xf32, #tpu.memory_space<hbm>>
      %dma_start3A_42 = arith.constant 0 : i32
      %dma_start3A_43 = tpu.memref_slice %arg2[%add3A_34, %dma_start3A_42] : memref<163840x128xf32, #tpu.memory_space<hbm>> -> memref<128x128xf32, #tpu.memory_space<hbm>>
      tpu.enqueue_dma source(%dma_start3A_43 : memref<128x128xf32, #tpu.memory_space<hbm>>) target(%arg7 : memref<128x128xf32, #tpu.memory_space<vmem>>) target_semaphore(%arg12 : memref<!tpu.dma_semaphore, #tpu.memory_space<semaphore_mem>>)
      %dma_start3A_44 = tpu.memref_slice %arg3[%add3A_34] : memref<163840xi32, #tpu.memory_space<hbm>> -> memref<128xi32, #tpu.memory_space<hbm>>
      %dma_start3A_45 = tpu.memref_slice %arg3[%add3A_34] : memref<163840xi32, #tpu.memory_space<hbm>> -> memref<128xi32, #tpu.memory_space<hbm>>
      tpu.enqueue_dma source(%dma_start3A_45 : memref<128xi32, #tpu.memory_space<hbm>>) target(%arg9 : memref<128xi32, #tpu.memory_space<vmem>>) target_semaphore(%arg14 : memref<!tpu.dma_semaphore, #tpu.memory_space<semaphore_mem>>)
      %dma_wait3A = arith.constant 0 : i32
      %dma_wait3A_46 = tpu.memref_slice %arg2[%add3A_25, %dma_wait3A] : memref<163840x128xf32, #tpu.memory_space<hbm>> -> memref<128x128xf32, #tpu.memory_space<hbm>>
      %dma_wait3A_47 = arith.constant 0 : i32
      %dma_wait3A_48 = tpu.memref_slice %arg2[%add3A_25, %dma_wait3A_47] : memref<163840x128xf32, #tpu.memory_space<hbm>> -> memref<128x128xf32, #tpu.memory_space<hbm>>
      tpu.wait_dma2 semaphore(%arg11 : memref<!tpu.dma_semaphore, #tpu.memory_space<semaphore_mem>>) src(%dma_wait3A_48 : memref<128x128xf32, #tpu.memory_space<hbm>>) dst(%arg6 : memref<128x128xf32, #tpu.memory_space<vmem>>)
      %dma_wait3A_49 = tpu.memref_slice %arg3[%add3A_25] : memref<163840xi32, #tpu.memory_space<hbm>> -> memref<128xi32, #tpu.memory_space<hbm>>
      %dma_wait3A_50 = tpu.memref_slice %arg3[%add3A_25] : memref<163840xi32, #tpu.memory_space<hbm>> -> memref<128xi32, #tpu.memory_space<hbm>>
      tpu.wait_dma2 semaphore(%arg13 : memref<!tpu.dma_semaphore, #tpu.memory_space<semaphore_mem>>) src(%dma_wait3A_50 : memref<128xi32, #tpu.memory_space<hbm>>) dst(%arg8 : memref<128xi32, #tpu.memory_space<vmem>>)
      %dma_start3A_51 = arith.constant 0 : i32
      %dma_start3A_52 = arith.constant 0 : i32
      %dma_start3A_53 = tpu.memref_slice %arg10[%dma_start3A_51, %dma_start3A_52] : memref<10240x128xf32, #tpu.memory_space<vmem_shared>> -> memref<10240x128xf32, #tpu.memory_space<vmem_shared>>
      tpu.enqueue_indirect_dma source(%arg6 : memref<128x128xf32, #tpu.memory_space<vmem>>) target(%dma_start3A_53 : memref<10240x128xf32, #tpu.memory_space<vmem_shared>>) offsets(%arg8 : memref<128xi32, #tpu.memory_space<vmem>>) semaphore(%arg15 : memref<!tpu.dma_semaphore, #tpu.memory_space<semaphore_mem>>) {add = true}
      %dma_wait3A_54 = arith.constant 0 : i32
      %dma_wait3A_55 = tpu.memref_slice %arg2[%add3A_34, %dma_wait3A_54] : memref<163840x128xf32, #tpu.memory_space<hbm>> -> memref<128x128xf32, #tpu.memory_space<hbm>>
      %dma_wait3A_56 = arith.constant 0 : i32
      %dma_wait3A_57 = tpu.memref_slice %arg2[%add3A_34, %dma_wait3A_56] : memref<163840x128xf32, #tpu.memory_space<hbm>> -> memref<128x128xf32, #tpu.memory_space<hbm>>
      tpu.wait_dma2 semaphore(%arg12 : memref<!tpu.dma_semaphore, #tpu.memory_space<semaphore_mem>>) src(%dma_wait3A_57 : memref<128x128xf32, #tpu.memory_space<hbm>>) dst(%arg7 : memref<128x128xf32, #tpu.memory_space<vmem>>)
      %dma_wait3A_58 = tpu.memref_slice %arg3[%add3A_34] : memref<163840xi32, #tpu.memory_space<hbm>> -> memref<128xi32, #tpu.memory_space<hbm>>
      %dma_wait3A_59 = tpu.memref_slice %arg3[%add3A_34] : memref<163840xi32, #tpu.memory_space<hbm>> -> memref<128xi32, #tpu.memory_space<hbm>>
      tpu.wait_dma2 semaphore(%arg14 : memref<!tpu.dma_semaphore, #tpu.memory_space<semaphore_mem>>) src(%dma_wait3A_59 : memref<128xi32, #tpu.memory_space<hbm>>) dst(%arg9 : memref<128xi32, #tpu.memory_space<vmem>>)
      %dma_start3A_60 = arith.constant 0 : i32
      %dma_start3A_61 = arith.constant 0 : i32
      %dma_start3A_62 = tpu.memref_slice %arg10[%dma_start3A_60, %dma_start3A_61] : memref<10240x128xf32, #tpu.memory_space<vmem_shared>> -> memref<10240x128xf32, #tpu.memory_space<vmem_shared>>
      tpu.enqueue_indirect_dma source(%arg7 : memref<128x128xf32, #tpu.memory_space<vmem>>) target(%dma_start3A_62 : memref<10240x128xf32, #tpu.memory_space<vmem_shared>>) offsets(%arg9 : memref<128xi32, #tpu.memory_space<vmem>>) semaphore(%arg16 : memref<!tpu.dma_semaphore, #tpu.memory_space<semaphore_mem>>) {add = true}
      %dma_wait3A_63 = arith.constant 0 : i32
      %dma_wait3A_64 = arith.constant 0 : i32
      %dma_wait3A_65 = tpu.memref_slice %arg10[%dma_wait3A_63, %dma_wait3A_64] : memref<10240x128xf32, #tpu.memory_space<vmem_shared>> -> memref<10240x128xf32, #tpu.memory_space<vmem_shared>>
      tpu.wait_indirect_dma semaphore(%arg15 : memref<!tpu.dma_semaphore, #tpu.memory_space<semaphore_mem>>) src(%arg6 : memref<128x128xf32, #tpu.memory_space<vmem>>) dst(%dma_wait3A_65 : memref<10240x128xf32, #tpu.memory_space<vmem_shared>>)
      %dma_wait3A_66 = arith.constant 0 : i32
      %dma_wait3A_67 = arith.constant 0 : i32
      %dma_wait3A_68 = tpu.memref_slice %arg10[%dma_wait3A_66, %dma_wait3A_67] : memref<10240x128xf32, #tpu.memory_space<vmem_shared>> -> memref<10240x128xf32, #tpu.memory_space<vmem_shared>>
      tpu.wait_indirect_dma semaphore(%arg16 : memref<!tpu.dma_semaphore, #tpu.memory_space<semaphore_mem>>) src(%arg7 : memref<128x128xf32, #tpu.memory_space<vmem>>) dst(%dma_wait3A_68 : memref<10240x128xf32, #tpu.memory_space<vmem_shared>>)
    }
    %scan3A_9 = arith.constant 20 : i32
    %barrier3A_10 = arith.constant 0 : index
    tpu.barrier barrier_id(%barrier3A_10)
    %mul3A_11 = arith.constant 640 : i32
    %mul3A_12 = arith.muli %arg1, %mul3A_11 : i32
    %mul3A_13 = arith.constant 10240 : i32
    %mul3A_14 = arith.muli %arg0, %mul3A_13 : i32
    %mul3A_15 = arith.constant 640 : i32
    %mul3A_16 = arith.muli %arg1, %mul3A_15 : i32
    %add3A_17 = arith.addi %mul3A_14, %mul3A_16 : i32
    "tpu.region"() ({
      %run_scoped3A = tpu.sem_alloc : memref<!tpu.dma_semaphore, #tpu.memory_space<semaphore_mem>>
      %dma_start3A = arith.constant 0 : i32
      %dma_start3A_18 = tpu.memref_slice %arg5[%add3A_17, %dma_start3A] : memref<20480x128xf32, #tpu.memory_space<hbm>> -> memref<640x128xf32, #tpu.memory_space<hbm>>
      %dma_start3A_19 = arith.constant 0 : i32
      %dma_start3A_20 = tpu.memref_slice %arg10[%mul3A_12, %dma_start3A_19] : memref<10240x128xf32, #tpu.memory_space<vmem_shared>> -> memref<640x128xf32, #tpu.memory_space<vmem_shared>>
      tpu.enqueue_dma source(%dma_start3A_20 : memref<640x128xf32, #tpu.memory_space<vmem_shared>>) target(%dma_start3A_18 : memref<640x128xf32, #tpu.memory_space<hbm>>) target_semaphore(%run_scoped3A : memref<!tpu.dma_semaphore, #tpu.memory_space<semaphore_mem>>)
      %dma_wait3A = arith.constant 0 : i32
      %dma_wait3A_21 = tpu.memref_slice %arg5[%add3A_17, %dma_wait3A] : memref<20480x128xf32, #tpu.memory_space<hbm>> -> memref<640x128xf32, #tpu.memory_space<hbm>>
      %dma_wait3A_22 = arith.constant 0 : i32
      %dma_wait3A_23 = tpu.memref_slice %arg10[%mul3A_12, %dma_wait3A_22] : memref<10240x128xf32, #tpu.memory_space<vmem_shared>> -> memref<640x128xf32, #tpu.memory_space<vmem_shared>>
      tpu.wait_dma2 semaphore(%run_scoped3A : memref<!tpu.dma_semaphore, #tpu.memory_space<semaphore_mem>>) src(%dma_wait3A_23 : memref<640x128xf32, #tpu.memory_space<vmem_shared>>) dst(%dma_wait3A_21 : memref<640x128xf32, #tpu.memory_space<hbm>>)
      tpu.yield
    }) : () -> ()
    return
  }
}

#map = affine_map<(d0, d1) -> (0, 0)>
#map1 = affine_map<(d0, d1) -> (0)>
module attributes {stable_mosaic.version = 14 : i64} {
  func.func @gk(%arg0: i32, %arg1: i32, %arg2: memref<10240x128xf32, #tpu.memory_space<hbm>>, %arg3: memref<163840xi32, #tpu.memory_space<hbm>>, %arg4: memref<163840x128xf32, #tpu.memory_space<hbm>>, %arg5: memref<128xi32, #tpu.memory_space<vmem>>, %arg6: memref<128xi32, #tpu.memory_space<vmem>>, %arg7: memref<128x128xf32, #tpu.memory_space<vmem>>, %arg8: memref<128x128xf32, #tpu.memory_space<vmem>>, %arg9: memref<!tpu.dma_semaphore, #tpu.memory_space<semaphore_mem>>, %arg10: memref<!tpu.dma_semaphore, #tpu.memory_space<semaphore_mem>>, %arg11: memref<!tpu.dma_semaphore, #tpu.memory_space<semaphore_mem>>, %arg12: memref<!tpu.dma_semaphore, #tpu.memory_space<semaphore_mem>>, %arg13: memref<!tpu.dma_semaphore, #tpu.memory_space<semaphore_mem>>, %arg14: memref<!tpu.dma_semaphore, #tpu.memory_space<semaphore_mem>>) attributes {dimension_semantics = [#tpu.dimension_semantics<core_parallel>, #tpu.dimension_semantics<subcore_parallel>], iteration_bounds = array<i64: 2, 16>, scalar_prefetch = 0 : i64, scratch_operands = 10 : i64, tpu.core_type = #tpu.core_type<sc_vector_subcore>, window_params = [{transform_indices = #map}, {transform_indices = #map1}, {transform_indices = #map}]} {
    %mul3A = arith.constant 2 : i32
    %mul3A_0 = arith.muli %arg1, %mul3A : i32
    %add3A = arith.addi %mul3A_0, %arg0 : i32
    %mul3A_1 = arith.constant 5120 : i32
    %mul3A_2 = arith.muli %add3A, %mul3A_1 : i32
    %scan3A = arith.constant 0 : i32
    %scan3A_3 = arith.constant 0 : i32
    %scan3A_4 = arith.constant 20 : i32
    %scan3A_5 = arith.addi %scan3A_3, %scan3A_4 : i32
    %scan3A_6 = arith.constant 1 : i32
    scf.for %scan3A_8 = %scan3A_3 to %scan3A_5 step %scan3A_6  : i32 {
      %mul3A_9 = arith.constant 2 : i32
      %mul3A_10 = arith.muli %mul3A_9, %scan3A_8 : i32
      %mul3A_11 = arith.constant 128 : i32
      %mul3A_12 = arith.muli %mul3A_10, %mul3A_11 : i32
      %add3A_13 = arith.addi %mul3A_2, %mul3A_12 : i32
      %mul3A_14 = arith.constant 2 : i32
      %mul3A_15 = arith.muli %mul3A_14, %scan3A_8 : i32
      %add3A_16 = arith.constant 1 : i32
      %add3A_17 = arith.addi %mul3A_15, %add3A_16 : i32
      %mul3A_18 = arith.constant 128 : i32
      %mul3A_19 = arith.muli %add3A_17, %mul3A_18 : i32
      %add3A_20 = arith.addi %mul3A_2, %mul3A_19 : i32
      %dma_start3A = tpu.memref_slice %arg3[%add3A_13] : memref<163840xi32, #tpu.memory_space<hbm>> -> memref<128xi32, #tpu.memory_space<hbm>>
      %dma_start3A_21 = tpu.memref_slice %arg3[%add3A_13] : memref<163840xi32, #tpu.memory_space<hbm>> -> memref<128xi32, #tpu.memory_space<hbm>>
      tpu.enqueue_dma source(%dma_start3A_21 : memref<128xi32, #tpu.memory_space<hbm>>) target(%arg5 : memref<128xi32, #tpu.memory_space<vmem>>) target_semaphore(%arg9 : memref<!tpu.dma_semaphore, #tpu.memory_space<semaphore_mem>>)
      %dma_start3A_22 = tpu.memref_slice %arg3[%add3A_20] : memref<163840xi32, #tpu.memory_space<hbm>> -> memref<128xi32, #tpu.memory_space<hbm>>
      %dma_start3A_23 = tpu.memref_slice %arg3[%add3A_20] : memref<163840xi32, #tpu.memory_space<hbm>> -> memref<128xi32, #tpu.memory_space<hbm>>
      tpu.enqueue_dma source(%dma_start3A_23 : memref<128xi32, #tpu.memory_space<hbm>>) target(%arg6 : memref<128xi32, #tpu.memory_space<vmem>>) target_semaphore(%arg10 : memref<!tpu.dma_semaphore, #tpu.memory_space<semaphore_mem>>)
      %dma_wait3A = tpu.memref_slice %arg3[%add3A_13] : memref<163840xi32, #tpu.memory_space<hbm>> -> memref<128xi32, #tpu.memory_space<hbm>>
      %dma_wait3A_24 = tpu.memref_slice %arg3[%add3A_13] : memref<163840xi32, #tpu.memory_space<hbm>> -> memref<128xi32, #tpu.memory_space<hbm>>
      tpu.wait_dma2 semaphore(%arg9 : memref<!tpu.dma_semaphore, #tpu.memory_space<semaphore_mem>>) src(%dma_wait3A_24 : memref<128xi32, #tpu.memory_space<hbm>>) dst(%arg5 : memref<128xi32, #tpu.memory_space<vmem>>)
      %dma_start3A_25 = arith.constant 0 : i32
      %dma_start3A_26 = arith.constant 0 : i32
      %dma_start3A_27 = tpu.memref_slice %arg2[%dma_start3A_25, %dma_start3A_26] : memref<10240x128xf32, #tpu.memory_space<hbm>> -> memref<10240x128xf32, #tpu.memory_space<hbm>>
      tpu.enqueue_indirect_dma source(%dma_start3A_27 : memref<10240x128xf32, #tpu.memory_space<hbm>>) target(%arg7 : memref<128x128xf32, #tpu.memory_space<vmem>>) offsets(%arg5 : memref<128xi32, #tpu.memory_space<vmem>>) semaphore(%arg11 : memref<!tpu.dma_semaphore, #tpu.memory_space<semaphore_mem>>)
      %dma_wait3A_28 = tpu.memref_slice %arg3[%add3A_20] : memref<163840xi32, #tpu.memory_space<hbm>> -> memref<128xi32, #tpu.memory_space<hbm>>
      %dma_wait3A_29 = tpu.memref_slice %arg3[%add3A_20] : memref<163840xi32, #tpu.memory_space<hbm>> -> memref<128xi32, #tpu.memory_space<hbm>>
      tpu.wait_dma2 semaphore(%arg10 : memref<!tpu.dma_semaphore, #tpu.memory_space<semaphore_mem>>) src(%dma_wait3A_29 : memref<128xi32, #tpu.memory_space<hbm>>) dst(%arg6 : memref<128xi32, #tpu.memory_space<vmem>>)
      %dma_start3A_30 = arith.constant 0 : i32
      %dma_start3A_31 = arith.constant 0 : i32
      %dma_start3A_32 = tpu.memref_slice %arg2[%dma_start3A_30, %dma_start3A_31] : memref<10240x128xf32, #tpu.memory_space<hbm>> -> memref<10240x128xf32, #tpu.memory_space<hbm>>
      tpu.enqueue_indirect_dma source(%dma_start3A_32 : memref<10240x128xf32, #tpu.memory_space<hbm>>) target(%arg8 : memref<128x128xf32, #tpu.memory_space<vmem>>) offsets(%arg6 : memref<128xi32, #tpu.memory_space<vmem>>) semaphore(%arg12 : memref<!tpu.dma_semaphore, #tpu.memory_space<semaphore_mem>>)
      %dma_wait3A_33 = arith.constant 0 : i32
      %dma_wait3A_34 = arith.constant 0 : i32
      %dma_wait3A_35 = tpu.memref_slice %arg2[%dma_wait3A_33, %dma_wait3A_34] : memref<10240x128xf32, #tpu.memory_space<hbm>> -> memref<10240x128xf32, #tpu.memory_space<hbm>>
      tpu.wait_indirect_dma semaphore(%arg11 : memref<!tpu.dma_semaphore, #tpu.memory_space<semaphore_mem>>) src(%dma_wait3A_35 : memref<10240x128xf32, #tpu.memory_space<hbm>>) dst(%arg7 : memref<128x128xf32, #tpu.memory_space<vmem>>)
      %dma_start3A_36 = arith.constant 0 : i32
      %dma_start3A_37 = tpu.memref_slice %arg4[%add3A_13, %dma_start3A_36] : memref<163840x128xf32, #tpu.memory_space<hbm>> -> memref<128x128xf32, #tpu.memory_space<hbm>>
      %dma_start3A_38 = arith.constant 0 : i32
      %dma_start3A_39 = tpu.memref_slice %arg4[%add3A_13, %dma_start3A_38] : memref<163840x128xf32, #tpu.memory_space<hbm>> -> memref<128x128xf32, #tpu.memory_space<hbm>>
      tpu.enqueue_dma source(%arg7 : memref<128x128xf32, #tpu.memory_space<vmem>>) target(%dma_start3A_39 : memref<128x128xf32, #tpu.memory_space<hbm>>) target_semaphore(%arg13 : memref<!tpu.dma_semaphore, #tpu.memory_space<semaphore_mem>>)
      %dma_wait3A_40 = arith.constant 0 : i32
      %dma_wait3A_41 = arith.constant 0 : i32
      %dma_wait3A_42 = tpu.memref_slice %arg2[%dma_wait3A_40, %dma_wait3A_41] : memref<10240x128xf32, #tpu.memory_space<hbm>> -> memref<10240x128xf32, #tpu.memory_space<hbm>>
      tpu.wait_indirect_dma semaphore(%arg12 : memref<!tpu.dma_semaphore, #tpu.memory_space<semaphore_mem>>) src(%dma_wait3A_42 : memref<10240x128xf32, #tpu.memory_space<hbm>>) dst(%arg8 : memref<128x128xf32, #tpu.memory_space<vmem>>)
      %dma_start3A_43 = arith.constant 0 : i32
      %dma_start3A_44 = tpu.memref_slice %arg4[%add3A_20, %dma_start3A_43] : memref<163840x128xf32, #tpu.memory_space<hbm>> -> memref<128x128xf32, #tpu.memory_space<hbm>>
      %dma_start3A_45 = arith.constant 0 : i32
      %dma_start3A_46 = tpu.memref_slice %arg4[%add3A_20, %dma_start3A_45] : memref<163840x128xf32, #tpu.memory_space<hbm>> -> memref<128x128xf32, #tpu.memory_space<hbm>>
      tpu.enqueue_dma source(%arg8 : memref<128x128xf32, #tpu.memory_space<vmem>>) target(%dma_start3A_46 : memref<128x128xf32, #tpu.memory_space<hbm>>) target_semaphore(%arg14 : memref<!tpu.dma_semaphore, #tpu.memory_space<semaphore_mem>>)
      %dma_wait3A_47 = arith.constant 0 : i32
      %dma_wait3A_48 = tpu.memref_slice %arg4[%add3A_13, %dma_wait3A_47] : memref<163840x128xf32, #tpu.memory_space<hbm>> -> memref<128x128xf32, #tpu.memory_space<hbm>>
      %dma_wait3A_49 = arith.constant 0 : i32
      %dma_wait3A_50 = tpu.memref_slice %arg4[%add3A_13, %dma_wait3A_49] : memref<163840x128xf32, #tpu.memory_space<hbm>> -> memref<128x128xf32, #tpu.memory_space<hbm>>
      tpu.wait_dma2 semaphore(%arg13 : memref<!tpu.dma_semaphore, #tpu.memory_space<semaphore_mem>>) src(%arg7 : memref<128x128xf32, #tpu.memory_space<vmem>>) dst(%dma_wait3A_50 : memref<128x128xf32, #tpu.memory_space<hbm>>)
      %dma_wait3A_51 = arith.constant 0 : i32
      %dma_wait3A_52 = tpu.memref_slice %arg4[%add3A_20, %dma_wait3A_51] : memref<163840x128xf32, #tpu.memory_space<hbm>> -> memref<128x128xf32, #tpu.memory_space<hbm>>
      %dma_wait3A_53 = arith.constant 0 : i32
      %dma_wait3A_54 = tpu.memref_slice %arg4[%add3A_20, %dma_wait3A_53] : memref<163840x128xf32, #tpu.memory_space<hbm>> -> memref<128x128xf32, #tpu.memory_space<hbm>>
      tpu.wait_dma2 semaphore(%arg14 : memref<!tpu.dma_semaphore, #tpu.memory_space<semaphore_mem>>) src(%arg8 : memref<128x128xf32, #tpu.memory_space<vmem>>) dst(%dma_wait3A_54 : memref<128x128xf32, #tpu.memory_space<hbm>>)
    }
    %scan3A_7 = arith.constant 20 : i32
    return
  }
}

#map = affine_map<(d0, d1) -> (0, 0)>
#map1 = affine_map<(d0, d1) -> (0)>
module attributes {stable_mosaic.version = 14 : i64} {
  func.func @sk(%arg0: i32, %arg1: i32, %arg2: memref<163840x128xf32, #tpu.memory_space<hbm>>, %arg3: memref<163840xi32, #tpu.memory_space<hbm>>, %arg4: memref<10240x128xf32, #tpu.memory_space<hbm>>, %arg5: memref<20480x128xf32, #tpu.memory_space<hbm>>, %arg6: memref<128x128xf32, #tpu.memory_space<vmem>>, %arg7: memref<128x128xf32, #tpu.memory_space<vmem>>, %arg8: memref<128xi32, #tpu.memory_space<vmem>>, %arg9: memref<128xi32, #tpu.memory_space<vmem>>, %arg10: memref<10240x128xf32, #tpu.memory_space<vmem_shared>>, %arg11: memref<!tpu.dma_semaphore, #tpu.memory_space<semaphore_mem>>, %arg12: memref<!tpu.dma_semaphore, #tpu.memory_space<semaphore_mem>>, %arg13: memref<!tpu.dma_semaphore, #tpu.memory_space<semaphore_mem>>, %arg14: memref<!tpu.dma_semaphore, #tpu.memory_space<semaphore_mem>>, %arg15: memref<!tpu.dma_semaphore, #tpu.memory_space<semaphore_mem>>, %arg16: memref<!tpu.dma_semaphore, #tpu.memory_space<semaphore_mem>>) attributes {dimension_semantics = [#tpu.dimension_semantics<core_parallel>, #tpu.dimension_semantics<subcore_parallel>], iteration_bounds = array<i64: 2, 16>, scalar_prefetch = 0 : i64, scratch_operands = 11 : i64, tpu.core_type = #tpu.core_type<sc_vector_subcore>, window_params = [{transform_indices = #map}, {transform_indices = #map1}, {transform_indices = #map}, {transform_indices = #map}]} {
    %mul3A = arith.constant 2 : i32
    %mul3A_0 = arith.muli %arg1, %mul3A : i32
    %add3A = arith.addi %mul3A_0, %arg0 : i32
    %mul3A_1 = arith.constant 640 : i32
    %mul3A_2 = arith.muli %arg1, %mul3A_1 : i32
    %mul3A_3 = arith.constant 640 : i32
    %mul3A_4 = arith.muli %arg1, %mul3A_3 : i32
    "tpu.region"() ({
      %run_scoped3A = tpu.sem_alloc : memref<!tpu.dma_semaphore, #tpu.memory_space<semaphore_mem>>
      %dma_start3A = arith.constant 0 : i32
      %dma_start3A_18 = tpu.memref_slice %arg10[%mul3A_4, %dma_start3A] : memref<10240x128xf32, #tpu.memory_space<vmem_shared>> -> memref<640x128xf32, #tpu.memory_space<vmem_shared>>
      %dma_start3A_19 = arith.constant 0 : i32
      %dma_start3A_20 = tpu.memref_slice %arg4[%mul3A_2, %dma_start3A_19] : memref<10240x128xf32, #tpu.memory_space<hbm>> -> memref<640x128xf32, #tpu.memory_space<hbm>>
      tpu.enqueue_dma source(%dma_start3A_20 : memref<640x128xf32, #tpu.memory_space<hbm>>) target(%dma_start3A_18 : memref<640x128xf32, #tpu.memory_space<vmem_shared>>) target_semaphore(%run_scoped3A : memref<!tpu.dma_semaphore, #tpu.memory_space<semaphore_mem>>)
      %dma_wait3A = arith.constant 0 : i32
      %dma_wait3A_21 = tpu.memref_slice %arg10[%mul3A_4, %dma_wait3A] : memref<10240x128xf32, #tpu.memory_space<vmem_shared>> -> memref<640x128xf32, #tpu.memory_space<vmem_shared>>
      %dma_wait3A_22 = arith.constant 0 : i32
      %dma_wait3A_23 = tpu.memref_slice %arg4[%mul3A_2, %dma_wait3A_22] : memref<10240x128xf32, #tpu.memory_space<hbm>> -> memref<640x128xf32, #tpu.memory_space<hbm>>
      tpu.wait_dma2 semaphore(%run_scoped3A : memref<!tpu.dma_semaphore, #tpu.memory_space<semaphore_mem>>) src(%dma_wait3A_23 : memref<640x128xf32, #tpu.memory_space<hbm>>) dst(%dma_wait3A_21 : memref<640x128xf32, #tpu.memory_space<vmem_shared>>)
      tpu.yield
    }) : () -> ()
    %barrier3A = arith.constant 0 : index
    tpu.barrier barrier_id(%barrier3A)
    %scan3A = arith.constant 0 : i32
    %scan3A_5 = arith.constant 0 : i32
    %scan3A_6 = arith.constant 20 : i32
    %scan3A_7 = arith.addi %scan3A_5, %scan3A_6 : i32
    %scan3A_8 = arith.constant 1 : i32
    scf.for %scan3A_18 = %scan3A_5 to %scan3A_7 step %scan3A_8  : i32 {
      %mul3A_19 = arith.constant 5120 : i32
      %mul3A_20 = arith.muli %add3A, %mul3A_19 : i32
      %mul3A_21 = arith.constant 2 : i32
      %mul3A_22 = arith.muli %mul3A_21, %scan3A_18 : i32
      %mul3A_23 = arith.constant 128 : i32
      %mul3A_24 = arith.muli %mul3A_22, %mul3A_23 : i32
      %add3A_25 = arith.addi %mul3A_20, %mul3A_24 : i32
      %mul3A_26 = arith.constant 5120 : i32
      %mul3A_27 = arith.muli %add3A, %mul3A_26 : i32
      %mul3A_28 = arith.constant 2 : i32
      %mul3A_29 = arith.muli %mul3A_28, %scan3A_18 : i32
      %add3A_30 = arith.constant 1 : i32
      %add3A_31 = arith.addi %mul3A_29, %add3A_30 : i32
      %mul3A_32 = arith.constant 128 : i32
      %mul3A_33 = arith.muli %add3A_31, %mul3A_32 : i32
      %add3A_34 = arith.addi %mul3A_27, %mul3A_33 : i32
      %dma_start3A = arith.constant 0 : i32
      %dma_start3A_35 = tpu.memref_slice %arg2[%add3A_25, %dma_start3A] : memref<163840x128xf32, #tpu.memory_space<hbm>> -> memref<128x128xf32, #tpu.memory_space<hbm>>
      %dma_start3A_36 = arith.constant 0 : i32
      %dma_start3A_37 = tpu.memref_slice %arg2[%add3A_25, %dma_start3A_36] : memref<163840x128xf32, #tpu.memory_space<hbm>> -> memref<128x128xf32, #tpu.memory_space<hbm>>
      tpu.enqueue_dma source(%dma_start3A_37 : memref<128x128xf32, #tpu.memory_space<hbm>>) target(%arg6 : memref<128x128xf32, #tpu.memory_space<vmem>>) target_semaphore(%arg11 : memref<!tpu.dma_semaphore, #tpu.memory_space<semaphore_mem>>)
      %dma_start3A_38 = tpu.memref_slice %arg3[%add3A_25] : memref<163840xi32, #tpu.memory_space<hbm>> -> memref<128xi32, #tpu.memory_space<hbm>>
      %dma_start3A_39 = tpu.memref_slice %arg3[%add3A_25] : memref<163840xi32, #tpu.memory_space<hbm>> -> memref<128xi32, #tpu.memory_space<hbm>>
      tpu.enqueue_dma source(%dma_start3A_39 : memref<128xi32, #tpu.memory_space<hbm>>) target(%arg8 : memref<128xi32, #tpu.memory_space<vmem>>) target_semaphore(%arg13 : memref<!tpu.dma_semaphore, #tpu.memory_space<semaphore_mem>>)
      %dma_start3A_40 = arith.constant 0 : i32
      %dma_start3A_41 = tpu.memref_slice %arg2[%add3A_34, %dma_start3A_40] : memref<163840x128xf32, #tpu.memory_space<hbm>> -> memref<128x128xf32, #tpu.memory_space<hbm>>
      %dma_start3A_42 = arith.constant 0 : i32
      %dma_start3A_43 = tpu.memref_slice %arg2[%add3A_34, %dma_start3A_42] : memref<163840x128xf32, #tpu.memory_space<hbm>> -> memref<128x128xf32, #tpu.memory_space<hbm>>
      tpu.enqueue_dma source(%dma_start3A_43 : memref<128x128xf32, #tpu.memory_space<hbm>>) target(%arg7 : memref<128x128xf32, #tpu.memory_space<vmem>>) target_semaphore(%arg12 : memref<!tpu.dma_semaphore, #tpu.memory_space<semaphore_mem>>)
      %dma_start3A_44 = tpu.memref_slice %arg3[%add3A_34] : memref<163840xi32, #tpu.memory_space<hbm>> -> memref<128xi32, #tpu.memory_space<hbm>>
      %dma_start3A_45 = tpu.memref_slice %arg3[%add3A_34] : memref<163840xi32, #tpu.memory_space<hbm>> -> memref<128xi32, #tpu.memory_space<hbm>>
      tpu.enqueue_dma source(%dma_start3A_45 : memref<128xi32, #tpu.memory_space<hbm>>) target(%arg9 : memref<128xi32, #tpu.memory_space<vmem>>) target_semaphore(%arg14 : memref<!tpu.dma_semaphore, #tpu.memory_space<semaphore_mem>>)
      %dma_wait3A = arith.constant 0 : i32
      %dma_wait3A_46 = tpu.memref_slice %arg2[%add3A_25, %dma_wait3A] : memref<163840x128xf32, #tpu.memory_space<hbm>> -> memref<128x128xf32, #tpu.memory_space<hbm>>
      %dma_wait3A_47 = arith.constant 0 : i32
      %dma_wait3A_48 = tpu.memref_slice %arg2[%add3A_25, %dma_wait3A_47] : memref<163840x128xf32, #tpu.memory_space<hbm>> -> memref<128x128xf32, #tpu.memory_space<hbm>>
      tpu.wait_dma2 semaphore(%arg11 : memref<!tpu.dma_semaphore, #tpu.memory_space<semaphore_mem>>) src(%dma_wait3A_48 : memref<128x128xf32, #tpu.memory_space<hbm>>) dst(%arg6 : memref<128x128xf32, #tpu.memory_space<vmem>>)
      %dma_wait3A_49 = tpu.memref_slice %arg3[%add3A_25] : memref<163840xi32, #tpu.memory_space<hbm>> -> memref<128xi32, #tpu.memory_space<hbm>>
      %dma_wait3A_50 = tpu.memref_slice %arg3[%add3A_25] : memref<163840xi32, #tpu.memory_space<hbm>> -> memref<128xi32, #tpu.memory_space<hbm>>
      tpu.wait_dma2 semaphore(%arg13 : memref<!tpu.dma_semaphore, #tpu.memory_space<semaphore_mem>>) src(%dma_wait3A_50 : memref<128xi32, #tpu.memory_space<hbm>>) dst(%arg8 : memref<128xi32, #tpu.memory_space<vmem>>)
      %dma_start3A_51 = arith.constant 0 : i32
      %dma_start3A_52 = arith.constant 0 : i32
      %dma_start3A_53 = tpu.memref_slice %arg10[%dma_start3A_51, %dma_start3A_52] : memref<10240x128xf32, #tpu.memory_space<vmem_shared>> -> memref<10240x128xf32, #tpu.memory_space<vmem_shared>>
      tpu.enqueue_indirect_dma source(%arg6 : memref<128x128xf32, #tpu.memory_space<vmem>>) target(%dma_start3A_53 : memref<10240x128xf32, #tpu.memory_space<vmem_shared>>) offsets(%arg8 : memref<128xi32, #tpu.memory_space<vmem>>) semaphore(%arg15 : memref<!tpu.dma_semaphore, #tpu.memory_space<semaphore_mem>>) {add = true}
      %dma_wait3A_54 = arith.constant 0 : i32
      %dma_wait3A_55 = tpu.memref_slice %arg2[%add3A_34, %dma_wait3A_54] : memref<163840x128xf32, #tpu.memory_space<hbm>> -> memref<128x128xf32, #tpu.memory_space<hbm>>
      %dma_wait3A_56 = arith.constant 0 : i32
      %dma_wait3A_57 = tpu.memref_slice %arg2[%add3A_34, %dma_wait3A_56] : memref<163840x128xf32, #tpu.memory_space<hbm>> -> memref<128x128xf32, #tpu.memory_space<hbm>>
      tpu.wait_dma2 semaphore(%arg12 : memref<!tpu.dma_semaphore, #tpu.memory_space<semaphore_mem>>) src(%dma_wait3A_57 : memref<128x128xf32, #tpu.memory_space<hbm>>) dst(%arg7 : memref<128x128xf32, #tpu.memory_space<vmem>>)
      %dma_wait3A_58 = tpu.memref_slice %arg3[%add3A_34] : memref<163840xi32, #tpu.memory_space<hbm>> -> memref<128xi32, #tpu.memory_space<hbm>>
      %dma_wait3A_59 = tpu.memref_slice %arg3[%add3A_34] : memref<163840xi32, #tpu.memory_space<hbm>> -> memref<128xi32, #tpu.memory_space<hbm>>
      tpu.wait_dma2 semaphore(%arg14 : memref<!tpu.dma_semaphore, #tpu.memory_space<semaphore_mem>>) src(%dma_wait3A_59 : memref<128xi32, #tpu.memory_space<hbm>>) dst(%arg9 : memref<128xi32, #tpu.memory_space<vmem>>)
      %dma_start3A_60 = arith.constant 0 : i32
      %dma_start3A_61 = arith.constant 0 : i32
      %dma_start3A_62 = tpu.memref_slice %arg10[%dma_start3A_60, %dma_start3A_61] : memref<10240x128xf32, #tpu.memory_space<vmem_shared>> -> memref<10240x128xf32, #tpu.memory_space<vmem_shared>>
      tpu.enqueue_indirect_dma source(%arg7 : memref<128x128xf32, #tpu.memory_space<vmem>>) target(%dma_start3A_62 : memref<10240x128xf32, #tpu.memory_space<vmem_shared>>) offsets(%arg9 : memref<128xi32, #tpu.memory_space<vmem>>) semaphore(%arg16 : memref<!tpu.dma_semaphore, #tpu.memory_space<semaphore_mem>>) {add = true}
      %dma_wait3A_63 = arith.constant 0 : i32
      %dma_wait3A_64 = arith.constant 0 : i32
      %dma_wait3A_65 = tpu.memref_slice %arg10[%dma_wait3A_63, %dma_wait3A_64] : memref<10240x128xf32, #tpu.memory_space<vmem_shared>> -> memref<10240x128xf32, #tpu.memory_space<vmem_shared>>
      tpu.wait_indirect_dma semaphore(%arg15 : memref<!tpu.dma_semaphore, #tpu.memory_space<semaphore_mem>>) src(%arg6 : memref<128x128xf32, #tpu.memory_space<vmem>>) dst(%dma_wait3A_65 : memref<10240x128xf32, #tpu.memory_space<vmem_shared>>)
      %dma_wait3A_66 = arith.constant 0 : i32
      %dma_wait3A_67 = arith.constant 0 : i32
      %dma_wait3A_68 = tpu.memref_slice %arg10[%dma_wait3A_66, %dma_wait3A_67] : memref<10240x128xf32, #tpu.memory_space<vmem_shared>> -> memref<10240x128xf32, #tpu.memory_space<vmem_shared>>
      tpu.wait_indirect_dma semaphore(%arg16 : memref<!tpu.dma_semaphore, #tpu.memory_space<semaphore_mem>>) src(%arg7 : memref<128x128xf32, #tpu.memory_space<vmem>>) dst(%dma_wait3A_68 : memref<10240x128xf32, #tpu.memory_space<vmem_shared>>)
    }
    %scan3A_9 = arith.constant 20 : i32
    %barrier3A_10 = arith.constant 0 : index
    tpu.barrier barrier_id(%barrier3A_10)
    %mul3A_11 = arith.constant 640 : i32
    %mul3A_12 = arith.muli %arg1, %mul3A_11 : i32
    %mul3A_13 = arith.constant 10240 : i32
    %mul3A_14 = arith.muli %arg0, %mul3A_13 : i32
    %mul3A_15 = arith.constant 640 : i32
    %mul3A_16 = arith.muli %arg1, %mul3A_15 : i32
    %add3A_17 = arith.addi %mul3A_14, %mul3A_16 : i32
    "tpu.region"() ({
      %run_scoped3A = tpu.sem_alloc : memref<!tpu.dma_semaphore, #tpu.memory_space<semaphore_mem>>
      %dma_start3A = arith.constant 0 : i32
      %dma_start3A_18 = tpu.memref_slice %arg5[%add3A_17, %dma_start3A] : memref<20480x128xf32, #tpu.memory_space<hbm>> -> memref<640x128xf32, #tpu.memory_space<hbm>>
      %dma_start3A_19 = arith.constant 0 : i32
      %dma_start3A_20 = tpu.memref_slice %arg10[%mul3A_12, %dma_start3A_19] : memref<10240x128xf32, #tpu.memory_space<vmem_shared>> -> memref<640x128xf32, #tpu.memory_space<vmem_shared>>
      tpu.enqueue_dma source(%dma_start3A_20 : memref<640x128xf32, #tpu.memory_space<vmem_shared>>) target(%dma_start3A_18 : memref<640x128xf32, #tpu.memory_space<hbm>>) target_semaphore(%run_scoped3A : memref<!tpu.dma_semaphore, #tpu.memory_space<semaphore_mem>>)
      %dma_wait3A = arith.constant 0 : i32
      %dma_wait3A_21 = tpu.memref_slice %arg5[%add3A_17, %dma_wait3A] : memref<20480x128xf32, #tpu.memory_space<hbm>> -> memref<640x128xf32, #tpu.memory_space<hbm>>
      %dma_wait3A_22 = arith.constant 0 : i32
      %dma_wait3A_23 = tpu.memref_slice %arg10[%mul3A_12, %dma_wait3A_22] : memref<10240x128xf32, #tpu.memory_space<vmem_shared>> -> memref<640x128xf32, #tpu.memory_space<vmem_shared>>
      tpu.wait_dma2 semaphore(%run_scoped3A : memref<!tpu.dma_semaphore, #tpu.memory_space<semaphore_mem>>) src(%dma_wait3A_23 : memref<640x128xf32, #tpu.memory_space<vmem_shared>>) dst(%dma_wait3A_21 : memref<640x128xf32, #tpu.memory_space<hbm>>)
      tpu.yield
    }) : () -> ()
    return
  }
}

module attributes {stable_mosaic.version = 14 : i64} {
  func.func @_node_prep_body(%arg0: i32, %arg1: memref<2048x3xf32, #tpu.memory_space<vmem>>, %arg2: memref<3x64xf32, #tpu.memory_space<vmem>>, %arg3: memref<1x64xf32, #tpu.memory_space<vmem>>, %arg4: memref<2048x128xf32, #tpu.memory_space<vmem>>) attributes {dimension_semantics = [#tpu.dimension_semantics<arbitrary>], iteration_bounds = array<i64: 5>, scalar_prefetch = 0 : i64, scratch_operands = 0 : i64, tpu.core_type = #tpu.core_type<tc>, window_params = [{transform_indices = @transform_0, window_bounds = array<i64: 2048, 3>}, {pipeline_mode = #tpu.pipeline_mode<synchronous>, transform_indices = @transform_1, window_bounds = array<i64: 3, 64>}, {pipeline_mode = #tpu.pipeline_mode<synchronous>, transform_indices = @transform_2, window_bounds = array<i64: 1, 64>}, {transform_indices = @transform_3, window_bounds = array<i64: 2048, 128>}]} {
    %get3A = arith.constant 0 : index
    %get3A_0 = arith.constant 0 : index
    %get3A_1 = vector.load %arg1[%get3A, %get3A_0] : memref<2048x3xf32, #tpu.memory_space<vmem>>, vector<2048x3xf32>
    %get3A_2 = arith.constant 0 : index
    %get3A_3 = arith.constant 0 : index
    %get3A_4 = vector.load %arg2[%get3A_2, %get3A_3] : memref<3x64xf32, #tpu.memory_space<vmem>>, vector<3x64xf32>
    %dot_general3A = arith.constant dense<0.000000e+00> : vector<2048x64xf32>
    %dot_general3A_5 = tpu.matmul %get3A_1, %get3A_4, %dot_general3A {dimension_numbers = #tpu.dot_dimension_numbers<[1], [0], [0], [1], [0, 0, 1, 1], [], []>, transpose_lhs_hint = false} : vector<2048x3xf32>, vector<3x64xf32>, vector<2048x64xf32> -> vector<2048x64xf32>
    %get3A_6 = arith.constant 0 : index
    %get3A_7 = arith.constant 0 : index
    %get3A_8 = vector.load %arg3[%get3A_6, %get3A_7] : memref<1x64xf32, #tpu.memory_space<vmem>>, vector<1x64xf32>
    %add3A = vector.broadcast %get3A_8 : vector<1x64xf32> to vector<2048x64xf32>
    %add3A_9 = arith.addf %dot_general3A_5, %add3A : vector<2048x64xf32>
    %broadcast_in_dim3A = arith.constant 0.000000e+00 : f32
    %broadcast_in_dim3A_10 = vector.broadcast %broadcast_in_dim3A : f32 to vector<2048x64xf32>
    %concatenate3A = tpu.concatenate %add3A_9, %broadcast_in_dim3A_10 in 1 : vector<2048x64xf32>, vector<2048x64xf32> -> vector<2048x128xf32>
    %swap3A = arith.constant 0 : index
    %swap3A_11 = arith.constant 0 : index
    %swap3A_12 = vector.load %arg4[%swap3A, %swap3A_11] : memref<2048x128xf32, #tpu.memory_space<vmem>>, vector<2048x128xf32>
    tpu.vector_store %arg4[%swap3A, %swap3A_11], %concatenate3A {strides = array<i32>} : memref<2048x128xf32, #tpu.memory_space<vmem>>, vector<2048x128xf32>,
    return
  }
  func.func @transform_0(%arg0: i32) -> (i32, i32) {
    %c0_i32 = arith.constant 0 : i32
    %c0_i32_0 = arith.constant 0 : i32
    return %arg0, %c0_i32 : i32, i32
  }
  func.func @transform_1(%arg0: i32) -> (i32, i32) {
    %c0_i32 = arith.constant 0 : i32
    %c0_i32_0 = arith.constant 0 : i32
    %c0_i32_1 = arith.constant 0 : i32
    return %c0_i32, %c0_i32_0 : i32, i32
  }
  func.func @transform_2(%arg0: i32) -> (i32, i32) {
    %c0_i32 = arith.constant 0 : i32
    %c0_i32_0 = arith.constant 0 : i32
    %c0_i32_1 = arith.constant 0 : i32
    return %c0_i32, %c0_i32_0 : i32, i32
  }
  func.func @transform_3(%arg0: i32) -> (i32, i32) {
    %c0_i32 = arith.constant 0 : i32
    %c0_i32_0 = arith.constant 0 : i32
    return %arg0, %c0_i32 : i32, i32
  }
}

module attributes {stable_mosaic.version = 14 : i64} {
  func.func @_edge_prep_body(%arg0: i32, %arg1: memref<1024x3xf32, #tpu.memory_space<vmem>>, %arg2: memref<3x64xf32, #tpu.memory_space<vmem>>, %arg3: memref<1x64xf32, #tpu.memory_space<vmem>>, %arg4: memref<64x1024xf32, #tpu.memory_space<vmem>>) attributes {dimension_semantics = [#tpu.dimension_semantics<arbitrary>], iteration_bounds = array<i64: 160>, scalar_prefetch = 0 : i64, scratch_operands = 0 : i64, tpu.core_type = #tpu.core_type<tc>, window_params = [{transform_indices = @transform_0, window_bounds = array<i64: 1024, 3>}, {pipeline_mode = #tpu.pipeline_mode<synchronous>, transform_indices = @transform_1, window_bounds = array<i64: 3, 64>}, {pipeline_mode = #tpu.pipeline_mode<synchronous>, transform_indices = @transform_2, window_bounds = array<i64: 1, 64>}, {transform_indices = @transform_3, window_bounds = array<i64: 64, 1024>}]} {
    %get3A = arith.constant 0 : index
    %get3A_0 = arith.constant 0 : index
    %get3A_1 = vector.load %arg1[%get3A, %get3A_0] : memref<1024x3xf32, #tpu.memory_space<vmem>>, vector<1024x3xf32>
    %get3A_2 = arith.constant 0 : index
    %get3A_3 = arith.constant 0 : index
    %get3A_4 = vector.load %arg2[%get3A_2, %get3A_3] : memref<3x64xf32, #tpu.memory_space<vmem>>, vector<3x64xf32>
    %dot_general3A = arith.constant dense<0.000000e+00> : vector<1024x64xf32>
    %dot_general3A_5 = tpu.matmul %get3A_1, %get3A_4, %dot_general3A {dimension_numbers = #tpu.dot_dimension_numbers<[1], [0], [0], [1], [0, 0, 1, 1], [], []>, transpose_lhs_hint = false} : vector<1024x3xf32>, vector<3x64xf32>, vector<1024x64xf32> -> vector<1024x64xf32>
    %get3A_6 = arith.constant 0 : index
    %get3A_7 = arith.constant 0 : index
    %get3A_8 = vector.load %arg3[%get3A_6, %get3A_7] : memref<1x64xf32, #tpu.memory_space<vmem>>, vector<1x64xf32>
    %add3A = vector.broadcast %get3A_8 : vector<1x64xf32> to vector<1024x64xf32>
    %add3A_9 = arith.addf %dot_general3A_5, %add3A : vector<1024x64xf32>
    %max3A = arith.constant 0.000000e+00 : f32
    %max3A_10 = vector.broadcast %max3A : f32 to vector<1024x64xf32>
    %max3A_11 = arith.maximumf %add3A_9, %max3A_10 : vector<1024x64xf32>
    %transpose3A = tpu.transpose %max3A_11, [1, 0] : vector<1024x64xf32> -> vector<64x1024xf32>
    %swap3A = arith.constant 0 : index
    %swap3A_12 = arith.constant 0 : index
    %swap3A_13 = vector.load %arg4[%swap3A, %swap3A_12] : memref<64x1024xf32, #tpu.memory_space<vmem>>, vector<64x1024xf32>
    tpu.vector_store %arg4[%swap3A, %swap3A_12], %transpose3A {strides = array<i32>} : memref<64x1024xf32, #tpu.memory_space<vmem>>, vector<64x1024xf32>,
    return
  }
  func.func @transform_0(%arg0: i32) -> (i32, i32) {
    %c0_i32 = arith.constant 0 : i32
    %c0_i32_0 = arith.constant 0 : i32
    return %arg0, %c0_i32 : i32, i32
  }
  func.func @transform_1(%arg0: i32) -> (i32, i32) {
    %c0_i32 = arith.constant 0 : i32
    %c0_i32_0 = arith.constant 0 : i32
    %c0_i32_1 = arith.constant 0 : i32
    return %c0_i32, %c0_i32_0 : i32, i32
  }
  func.func @transform_2(%arg0: i32) -> (i32, i32) {
    %c0_i32 = arith.constant 0 : i32
    %c0_i32_0 = arith.constant 0 : i32
    %c0_i32_1 = arith.constant 0 : i32
    return %c0_i32, %c0_i32_0 : i32, i32
  }
  func.func @transform_3(%arg0: i32) -> (i32, i32) {
    %c0_i32 = arith.constant 0 : i32
    %c0_i32_0 = arith.constant 0 : i32
    return %c0_i32, %arg0 : i32, i32
  }
}

module attributes {stable_mosaic.version = 14 : i64} {
  func.func @_wgen_body(%arg0: i32, %arg1: memref<64x1024xf32, #tpu.memory_space<vmem>>, %arg2: memref<4096x64xbf16, #tpu.memory_space<vmem>>, %arg3: memref<4096x1024xbf16, #tpu.memory_space<vmem>>) attributes {dimension_semantics = [#tpu.dimension_semantics<arbitrary>], iteration_bounds = array<i64: 160>, scalar_prefetch = 0 : i64, scratch_operands = 0 : i64, tpu.core_type = #tpu.core_type<tc>, window_params = [{transform_indices = @transform_0, window_bounds = array<i64: 64, 1024>}, {pipeline_mode = #tpu.pipeline_mode<synchronous>, transform_indices = @transform_1, window_bounds = array<i64: 4096, 64>}, {transform_indices = @transform_2, window_bounds = array<i64: 4096, 1024>}]} {
    %get3A = arith.constant 0 : index
    %get3A_0 = arith.constant 0 : index
    %get3A_1 = vector.load %arg1[%get3A, %get3A_0] : memref<64x1024xf32, #tpu.memory_space<vmem>>, vector<64x1024xf32>
    %convert_element_type3A = arith.truncf %get3A_1 : vector<64x1024xf32> to vector<64x1024xbf16>
    %get3A_2 = arith.constant 0 : index
    %get3A_3 = arith.constant 0 : index
    %get3A_4 = vector.load %arg2[%get3A_2, %get3A_3] : memref<4096x64xbf16, #tpu.memory_space<vmem>>, vector<4096x64xbf16>
    %dot_general3A = arith.constant dense<0.000000e+00> : vector<4096x1024xf32>
    %dot_general3A_5 = tpu.matmul %get3A_4, %convert_element_type3A, %dot_general3A {dimension_numbers = #tpu.dot_dimension_numbers<[1], [0], [0], [1], [0, 0, 1, 1], [], []>, transpose_lhs_hint = false} : vector<4096x64xbf16>, vector<64x1024xbf16>, vector<4096x1024xf32> -> vector<4096x1024xf32>
    %convert_element_type3A_6 = arith.truncf %dot_general3A_5 : vector<4096x1024xf32> to vector<4096x1024xbf16>
    %swap3A = arith.constant 0 : index
    %swap3A_7 = arith.constant 0 : index
    %swap3A_8 = vector.load %arg3[%swap3A, %swap3A_7] : memref<4096x1024xbf16, #tpu.memory_space<vmem>>, vector<4096x1024xbf16>
    tpu.vector_store %arg3[%swap3A, %swap3A_7], %convert_element_type3A_6 {strides = array<i32>} : memref<4096x1024xbf16, #tpu.memory_space<vmem>>, vector<4096x1024xbf16>,
    return
  }
  func.func @transform_0(%arg0: i32) -> (i32, i32) {
    %c0_i32 = arith.constant 0 : i32
    %c0_i32_0 = arith.constant 0 : i32
    return %c0_i32, %arg0 : i32, i32
  }
  func.func @transform_1(%arg0: i32) -> (i32, i32) {
    %c0_i32 = arith.constant 0 : i32
    %c0_i32_0 = arith.constant 0 : i32
    %c0_i32_1 = arith.constant 0 : i32
    return %c0_i32, %c0_i32_0 : i32, i32
  }
  func.func @transform_2(%arg0: i32) -> (i32, i32) {
    %c0_i32 = arith.constant 0 : i32
    %c0_i32_0 = arith.constant 0 : i32
    return %c0_i32, %arg0 : i32, i32
  }
}

module attributes {stable_mosaic.version = 14 : i64} {
  func.func @_msg_body(%arg0: i32, %arg1: memref<1024x128xf32, #tpu.memory_space<vmem>>, %arg2: memref<4096x1024xbf16, #tpu.memory_space<vmem>>, %arg3: memref<64x64xf32, #tpu.memory_space<vmem>>, %arg4: memref<64x128xf32, #tpu.memory_space<vmem>>, %arg5: memref<64x64xf32, #tpu.memory_space<vmem>>, %arg6: memref<1x64xf32, #tpu.memory_space<vmem>>, %arg7: memref<1024x128xf32, #tpu.memory_space<vmem>>, %arg8: memref<64x64xf32, #tpu.memory_space<vmem>>) attributes {dimension_semantics = [#tpu.dimension_semantics<arbitrary>], iteration_bounds = array<i64: 160>, scalar_prefetch = 0 : i64, scratch_operands = 0 : i64, tpu.core_type = #tpu.core_type<tc>, window_params = [{transform_indices = @transform_0, window_bounds = array<i64: 1024, 128>}, {transform_indices = @transform_1, window_bounds = array<i64: 4096, 1024>}, {pipeline_mode = #tpu.pipeline_mode<synchronous>, transform_indices = @transform_2, window_bounds = array<i64: 64, 64>}, {transform_indices = @transform_3, window_bounds = array<i64: 64, 128>}, {pipeline_mode = #tpu.pipeline_mode<synchronous>, transform_indices = @transform_4, window_bounds = array<i64: 64, 64>}, {pipeline_mode = #tpu.pipeline_mode<synchronous>, transform_indices = @transform_5, window_bounds = array<i64: 1, 64>}, {transform_indices = @transform_6, window_bounds = array<i64: 1024, 128>}, {transform_indices = @transform_7, window_bounds = array<i64: 64, 64>}]} {
    %get3A = arith.constant 0 : index
    %get3A_0 = arith.constant 0 : index
    %get3A_1 = vector.load %arg1[%get3A, %get3A_0] : memref<1024x128xf32, #tpu.memory_space<vmem>>, vector<1024x64xf32>
    %transpose3A = tpu.transpose %get3A_1, [1, 0] : vector<1024x64xf32> -> vector<64x1024xf32>
    %broadcast_in_dim3A = arith.constant 0.000000e+00 : f32
    %broadcast_in_dim3A_2 = vector.broadcast %broadcast_in_dim3A : f32 to vector<64x1024xf32>
    %get3A_3 = arith.constant 0 : index
    %get3A_4 = arith.constant 0 : index
    %get3A_5 = vector.load %arg2[%get3A_3, %get3A_4] : memref<4096x1024xbf16, #tpu.memory_space<vmem>>, vector<64x1024xbf16>
    %convert_element_type3A = arith.extf %get3A_5 : vector<64x1024xbf16> to vector<64x1024xf32>
    %slice3A = vector.extract_strided_slice %transpose3A {offsets = [0, 0], sizes = [1, 1024], strides = [1, 1]} : vector<64x1024xf32> to vector<1x1024xf32>
    %mul3A = vector.broadcast %slice3A : vector<1x1024xf32> to vector<64x1024xf32>
    %mul3A_6 = arith.mulf %convert_element_type3A, %mul3A : vector<64x1024xf32>
    %add3A = arith.addf %broadcast_in_dim3A_2, %mul3A_6 : vector<64x1024xf32>
    %get3A_7 = arith.constant 64 : index
    %get3A_8 = arith.constant 0 : index
    %get3A_9 = vector.load %arg2[%get3A_7, %get3A_8] : memref<4096x1024xbf16, #tpu.memory_space<vmem>>, vector<64x1024xbf16>
    %convert_element_type3A_10 = arith.extf %get3A_9 : vector<64x1024xbf16> to vector<64x1024xf32>
    %slice3A_11 = vector.extract_strided_slice %transpose3A {offsets = [1, 0], sizes = [1, 1024], strides = [1, 1]} : vector<64x1024xf32> to vector<1x1024xf32>
    %mul3A_12 = vector.broadcast %slice3A_11 : vector<1x1024xf32> to vector<64x1024xf32>
    %mul3A_13 = arith.mulf %convert_element_type3A_10, %mul3A_12 : vector<64x1024xf32>
    %add3A_14 = arith.addf %add3A, %mul3A_13 : vector<64x1024xf32>
    %get3A_15 = arith.constant 128 : index
    %get3A_16 = arith.constant 0 : index
    %get3A_17 = vector.load %arg2[%get3A_15, %get3A_16] : memref<4096x1024xbf16, #tpu.memory_space<vmem>>, vector<64x1024xbf16>
    %convert_element_type3A_18 = arith.extf %get3A_17 : vector<64x1024xbf16> to vector<64x1024xf32>
    %slice3A_19 = vector.extract_strided_slice %transpose3A {offsets = [2, 0], sizes = [1, 1024], strides = [1, 1]} : vector<64x1024xf32> to vector<1x1024xf32>
    %mul3A_20 = vector.broadcast %slice3A_19 : vector<1x1024xf32> to vector<64x1024xf32>
    %mul3A_21 = arith.mulf %convert_element_type3A_18, %mul3A_20 : vector<64x1024xf32>
    %add3A_22 = arith.addf %add3A_14, %mul3A_21 : vector<64x1024xf32>
    %get3A_23 = arith.constant 192 : index
    %get3A_24 = arith.constant 0 : index
    %get3A_25 = vector.load %arg2[%get3A_23, %get3A_24] : memref<4096x1024xbf16, #tpu.memory_space<vmem>>, vector<64x1024xbf16>
    %convert_element_type3A_26 = arith.extf %get3A_25 : vector<64x1024xbf16> to vector<64x1024xf32>
    %slice3A_27 = vector.extract_strided_slice %transpose3A {offsets = [3, 0], sizes = [1, 1024], strides = [1, 1]} : vector<64x1024xf32> to vector<1x1024xf32>
    %mul3A_28 = vector.broadcast %slice3A_27 : vector<1x1024xf32> to vector<64x1024xf32>
    %mul3A_29 = arith.mulf %convert_element_type3A_26, %mul3A_28 : vector<64x1024xf32>
    %add3A_30 = arith.addf %add3A_22, %mul3A_29 : vector<64x1024xf32>
    %get3A_31 = arith.constant 256 : index
    %get3A_32 = arith.constant 0 : index
    %get3A_33 = vector.load %arg2[%get3A_31, %get3A_32] : memref<4096x1024xbf16, #tpu.memory_space<vmem>>, vector<64x1024xbf16>
    %convert_element_type3A_34 = arith.extf %get3A_33 : vector<64x1024xbf16> to vector<64x1024xf32>
    %slice3A_35 = vector.extract_strided_slice %transpose3A {offsets = [4, 0], sizes = [1, 1024], strides = [1, 1]} : vector<64x1024xf32> to vector<1x1024xf32>
    %mul3A_36 = vector.broadcast %slice3A_35 : vector<1x1024xf32> to vector<64x1024xf32>
    %mul3A_37 = arith.mulf %convert_element_type3A_34, %mul3A_36 : vector<64x1024xf32>
    %add3A_38 = arith.addf %add3A_30, %mul3A_37 : vector<64x1024xf32>
    %get3A_39 = arith.constant 320 : index
    %get3A_40 = arith.constant 0 : index
    %get3A_41 = vector.load %arg2[%get3A_39, %get3A_40] : memref<4096x1024xbf16, #tpu.memory_space<vmem>>, vector<64x1024xbf16>
    %convert_element_type3A_42 = arith.extf %get3A_41 : vector<64x1024xbf16> to vector<64x1024xf32>
    %slice3A_43 = vector.extract_strided_slice %transpose3A {offsets = [5, 0], sizes = [1, 1024], strides = [1, 1]} : vector<64x1024xf32> to vector<1x1024xf32>
    %mul3A_44 = vector.broadcast %slice3A_43 : vector<1x1024xf32> to vector<64x1024xf32>
    %mul3A_45 = arith.mulf %convert_element_type3A_42, %mul3A_44 : vector<64x1024xf32>
    %add3A_46 = arith.addf %add3A_38, %mul3A_45 : vector<64x1024xf32>
    %get3A_47 = arith.constant 384 : index
    %get3A_48 = arith.constant 0 : index
    %get3A_49 = vector.load %arg2[%get3A_47, %get3A_48] : memref<4096x1024xbf16, #tpu.memory_space<vmem>>, vector<64x1024xbf16>
    %convert_element_type3A_50 = arith.extf %get3A_49 : vector<64x1024xbf16> to vector<64x1024xf32>
    %slice3A_51 = vector.extract_strided_slice %transpose3A {offsets = [6, 0], sizes = [1, 1024], strides = [1, 1]} : vector<64x1024xf32> to vector<1x1024xf32>
    %mul3A_52 = vector.broadcast %slice3A_51 : vector<1x1024xf32> to vector<64x1024xf32>
    %mul3A_53 = arith.mulf %convert_element_type3A_50, %mul3A_52 : vector<64x1024xf32>
    %add3A_54 = arith.addf %add3A_46, %mul3A_53 : vector<64x1024xf32>
    %get3A_55 = arith.constant 448 : index
    %get3A_56 = arith.constant 0 : index
    %get3A_57 = vector.load %arg2[%get3A_55, %get3A_56] : memref<4096x1024xbf16, #tpu.memory_space<vmem>>, vector<64x1024xbf16>
    %convert_element_type3A_58 = arith.extf %get3A_57 : vector<64x1024xbf16> to vector<64x1024xf32>
    %slice3A_59 = vector.extract_strided_slice %transpose3A {offsets = [7, 0], sizes = [1, 1024], strides = [1, 1]} : vector<64x1024xf32> to vector<1x1024xf32>
    %mul3A_60 = vector.broadcast %slice3A_59 : vector<1x1024xf32> to vector<64x1024xf32>
    %mul3A_61 = arith.mulf %convert_element_type3A_58, %mul3A_60 : vector<64x1024xf32>
    %add3A_62 = arith.addf %add3A_54, %mul3A_61 : vector<64x1024xf32>
    %get3A_63 = arith.constant 512 : index
    %get3A_64 = arith.constant 0 : index
    %get3A_65 = vector.load %arg2[%get3A_63, %get3A_64] : memref<4096x1024xbf16, #tpu.memory_space<vmem>>, vector<64x1024xbf16>
    %convert_element_type3A_66 = arith.extf %get3A_65 : vector<64x1024xbf16> to vector<64x1024xf32>
    %slice3A_67 = vector.extract_strided_slice %transpose3A {offsets = [8, 0], sizes = [1, 1024], strides = [1, 1]} : vector<64x1024xf32> to vector<1x1024xf32>
    %mul3A_68 = vector.broadcast %slice3A_67 : vector<1x1024xf32> to vector<64x1024xf32>
    %mul3A_69 = arith.mulf %convert_element_type3A_66, %mul3A_68 : vector<64x1024xf32>
    %add3A_70 = arith.addf %add3A_62, %mul3A_69 : vector<64x1024xf32>
    %get3A_71 = arith.constant 576 : index
    %get3A_72 = arith.constant 0 : index
    %get3A_73 = vector.load %arg2[%get3A_71, %get3A_72] : memref<4096x1024xbf16, #tpu.memory_space<vmem>>, vector<64x1024xbf16>
    %convert_element_type3A_74 = arith.extf %get3A_73 : vector<64x1024xbf16> to vector<64x1024xf32>
    %slice3A_75 = vector.extract_strided_slice %transpose3A {offsets = [9, 0], sizes = [1, 1024], strides = [1, 1]} : vector<64x1024xf32> to vector<1x1024xf32>
    %mul3A_76 = vector.broadcast %slice3A_75 : vector<1x1024xf32> to vector<64x1024xf32>
    %mul3A_77 = arith.mulf %convert_element_type3A_74, %mul3A_76 : vector<64x1024xf32>
    %add3A_78 = arith.addf %add3A_70, %mul3A_77 : vector<64x1024xf32>
    %get3A_79 = arith.constant 640 : index
    %get3A_80 = arith.constant 0 : index
    %get3A_81 = vector.load %arg2[%get3A_79, %get3A_80] : memref<4096x1024xbf16, #tpu.memory_space<vmem>>, vector<64x1024xbf16>
    %convert_element_type3A_82 = arith.extf %get3A_81 : vector<64x1024xbf16> to vector<64x1024xf32>
    %slice3A_83 = vector.extract_strided_slice %transpose3A {offsets = [10, 0], sizes = [1, 1024], strides = [1, 1]} : vector<64x1024xf32> to vector<1x1024xf32>
    %mul3A_84 = vector.broadcast %slice3A_83 : vector<1x1024xf32> to vector<64x1024xf32>
    %mul3A_85 = arith.mulf %convert_element_type3A_82, %mul3A_84 : vector<64x1024xf32>
    %add3A_86 = arith.addf %add3A_78, %mul3A_85 : vector<64x1024xf32>
    %get3A_87 = arith.constant 704 : index
    %get3A_88 = arith.constant 0 : index
    %get3A_89 = vector.load %arg2[%get3A_87, %get3A_88] : memref<4096x1024xbf16, #tpu.memory_space<vmem>>, vector<64x1024xbf16>
    %convert_element_type3A_90 = arith.extf %get3A_89 : vector<64x1024xbf16> to vector<64x1024xf32>
    %slice3A_91 = vector.extract_strided_slice %transpose3A {offsets = [11, 0], sizes = [1, 1024], strides = [1, 1]} : vector<64x1024xf32> to vector<1x1024xf32>
    %mul3A_92 = vector.broadcast %slice3A_91 : vector<1x1024xf32> to vector<64x1024xf32>
    %mul3A_93 = arith.mulf %convert_element_type3A_90, %mul3A_92 : vector<64x1024xf32>
    %add3A_94 = arith.addf %add3A_86, %mul3A_93 : vector<64x1024xf32>
    %get3A_95 = arith.constant 768 : index
    %get3A_96 = arith.constant 0 : index
    %get3A_97 = vector.load %arg2[%get3A_95, %get3A_96] : memref<4096x1024xbf16, #tpu.memory_space<vmem>>, vector<64x1024xbf16>
    %convert_element_type3A_98 = arith.extf %get3A_97 : vector<64x1024xbf16> to vector<64x1024xf32>
    %slice3A_99 = vector.extract_strided_slice %transpose3A {offsets = [12, 0], sizes = [1, 1024], strides = [1, 1]} : vector<64x1024xf32> to vector<1x1024xf32>
    %mul3A_100 = vector.broadcast %slice3A_99 : vector<1x1024xf32> to vector<64x1024xf32>
    %mul3A_101 = arith.mulf %convert_element_type3A_98, %mul3A_100 : vector<64x1024xf32>
    %add3A_102 = arith.addf %add3A_94, %mul3A_101 : vector<64x1024xf32>
    %get3A_103 = arith.constant 832 : index
    %get3A_104 = arith.constant 0 : index
    %get3A_105 = vector.load %arg2[%get3A_103, %get3A_104] : memref<4096x1024xbf16, #tpu.memory_space<vmem>>, vector<64x1024xbf16>
    %convert_element_type3A_106 = arith.extf %get3A_105 : vector<64x1024xbf16> to vector<64x1024xf32>
    %slice3A_107 = vector.extract_strided_slice %transpose3A {offsets = [13, 0], sizes = [1, 1024], strides = [1, 1]} : vector<64x1024xf32> to vector<1x1024xf32>
    %mul3A_108 = vector.broadcast %slice3A_107 : vector<1x1024xf32> to vector<64x1024xf32>
    %mul3A_109 = arith.mulf %convert_element_type3A_106, %mul3A_108 : vector<64x1024xf32>
    %add3A_110 = arith.addf %add3A_102, %mul3A_109 : vector<64x1024xf32>
    %get3A_111 = arith.constant 896 : index
    %get3A_112 = arith.constant 0 : index
    %get3A_113 = vector.load %arg2[%get3A_111, %get3A_112] : memref<4096x1024xbf16, #tpu.memory_space<vmem>>, vector<64x1024xbf16>
    %convert_element_type3A_114 = arith.extf %get3A_113 : vector<64x1024xbf16> to vector<64x1024xf32>
    %slice3A_115 = vector.extract_strided_slice %transpose3A {offsets = [14, 0], sizes = [1, 1024], strides = [1, 1]} : vector<64x1024xf32> to vector<1x1024xf32>
    %mul3A_116 = vector.broadcast %slice3A_115 : vector<1x1024xf32> to vector<64x1024xf32>
    %mul3A_117 = arith.mulf %convert_element_type3A_114, %mul3A_116 : vector<64x1024xf32>
    %add3A_118 = arith.addf %add3A_110, %mul3A_117 : vector<64x1024xf32>
    %get3A_119 = arith.constant 960 : index
    %get3A_120 = arith.constant 0 : index
    %get3A_121 = vector.load %arg2[%get3A_119, %get3A_120] : memref<4096x1024xbf16, #tpu.memory_space<vmem>>, vector<64x1024xbf16>
    %convert_element_type3A_122 = arith.extf %get3A_121 : vector<64x1024xbf16> to vector<64x1024xf32>
    %slice3A_123 = vector.extract_strided_slice %transpose3A {offsets = [15, 0], sizes = [1, 1024], strides = [1, 1]} : vector<64x1024xf32> to vector<1x1024xf32>
    %mul3A_124 = vector.broadcast %slice3A_123 : vector<1x1024xf32> to vector<64x1024xf32>
    %mul3A_125 = arith.mulf %convert_element_type3A_122, %mul3A_124 : vector<64x1024xf32>
    %add3A_126 = arith.addf %add3A_118, %mul3A_125 : vector<64x1024xf32>
    %get3A_127 = arith.constant 1024 : index
    %get3A_128 = arith.constant 0 : index
    %get3A_129 = vector.load %arg2[%get3A_127, %get3A_128] : memref<4096x1024xbf16, #tpu.memory_space<vmem>>, vector<64x1024xbf16>
    %convert_element_type3A_130 = arith.extf %get3A_129 : vector<64x1024xbf16> to vector<64x1024xf32>
    %slice3A_131 = vector.extract_strided_slice %transpose3A {offsets = [16, 0], sizes = [1, 1024], strides = [1, 1]} : vector<64x1024xf32> to vector<1x1024xf32>
    %mul3A_132 = vector.broadcast %slice3A_131 : vector<1x1024xf32> to vector<64x1024xf32>
    %mul3A_133 = arith.mulf %convert_element_type3A_130, %mul3A_132 : vector<64x1024xf32>
    %add3A_134 = arith.addf %add3A_126, %mul3A_133 : vector<64x1024xf32>
    %get3A_135 = arith.constant 1088 : index
    %get3A_136 = arith.constant 0 : index
    %get3A_137 = vector.load %arg2[%get3A_135, %get3A_136] : memref<4096x1024xbf16, #tpu.memory_space<vmem>>, vector<64x1024xbf16>
    %convert_element_type3A_138 = arith.extf %get3A_137 : vector<64x1024xbf16> to vector<64x1024xf32>
    %slice3A_139 = vector.extract_strided_slice %transpose3A {offsets = [17, 0], sizes = [1, 1024], strides = [1, 1]} : vector<64x1024xf32> to vector<1x1024xf32>
    %mul3A_140 = vector.broadcast %slice3A_139 : vector<1x1024xf32> to vector<64x1024xf32>
    %mul3A_141 = arith.mulf %convert_element_type3A_138, %mul3A_140 : vector<64x1024xf32>
    %add3A_142 = arith.addf %add3A_134, %mul3A_141 : vector<64x1024xf32>
    %get3A_143 = arith.constant 1152 : index
    %get3A_144 = arith.constant 0 : index
    %get3A_145 = vector.load %arg2[%get3A_143, %get3A_144] : memref<4096x1024xbf16, #tpu.memory_space<vmem>>, vector<64x1024xbf16>
    %convert_element_type3A_146 = arith.extf %get3A_145 : vector<64x1024xbf16> to vector<64x1024xf32>
    %slice3A_147 = vector.extract_strided_slice %transpose3A {offsets = [18, 0], sizes = [1, 1024], strides = [1, 1]} : vector<64x1024xf32> to vector<1x1024xf32>
    %mul3A_148 = vector.broadcast %slice3A_147 : vector<1x1024xf32> to vector<64x1024xf32>
    %mul3A_149 = arith.mulf %convert_element_type3A_146, %mul3A_148 : vector<64x1024xf32>
    %add3A_150 = arith.addf %add3A_142, %mul3A_149 : vector<64x1024xf32>
    %get3A_151 = arith.constant 1216 : index
    %get3A_152 = arith.constant 0 : index
    %get3A_153 = vector.load %arg2[%get3A_151, %get3A_152] : memref<4096x1024xbf16, #tpu.memory_space<vmem>>, vector<64x1024xbf16>
    %convert_element_type3A_154 = arith.extf %get3A_153 : vector<64x1024xbf16> to vector<64x1024xf32>
    %slice3A_155 = vector.extract_strided_slice %transpose3A {offsets = [19, 0], sizes = [1, 1024], strides = [1, 1]} : vector<64x1024xf32> to vector<1x1024xf32>
    %mul3A_156 = vector.broadcast %slice3A_155 : vector<1x1024xf32> to vector<64x1024xf32>
    %mul3A_157 = arith.mulf %convert_element_type3A_154, %mul3A_156 : vector<64x1024xf32>
    %add3A_158 = arith.addf %add3A_150, %mul3A_157 : vector<64x1024xf32>
    %get3A_159 = arith.constant 1280 : index
    %get3A_160 = arith.constant 0 : index
    %get3A_161 = vector.load %arg2[%get3A_159, %get3A_160] : memref<4096x1024xbf16, #tpu.memory_space<vmem>>, vector<64x1024xbf16>
    %convert_element_type3A_162 = arith.extf %get3A_161 : vector<64x1024xbf16> to vector<64x1024xf32>
    %slice3A_163 = vector.extract_strided_slice %transpose3A {offsets = [20, 0], sizes = [1, 1024], strides = [1, 1]} : vector<64x1024xf32> to vector<1x1024xf32>
    %mul3A_164 = vector.broadcast %slice3A_163 : vector<1x1024xf32> to vector<64x1024xf32>
    %mul3A_165 = arith.mulf %convert_element_type3A_162, %mul3A_164 : vector<64x1024xf32>
    %add3A_166 = arith.addf %add3A_158, %mul3A_165 : vector<64x1024xf32>
    %get3A_167 = arith.constant 1344 : index
    %get3A_168 = arith.constant 0 : index
    %get3A_169 = vector.load %arg2[%get3A_167, %get3A_168] : memref<4096x1024xbf16, #tpu.memory_space<vmem>>, vector<64x1024xbf16>
    %convert_element_type3A_170 = arith.extf %get3A_169 : vector<64x1024xbf16> to vector<64x1024xf32>
    %slice3A_171 = vector.extract_strided_slice %transpose3A {offsets = [21, 0], sizes = [1, 1024], strides = [1, 1]} : vector<64x1024xf32> to vector<1x1024xf32>
    %mul3A_172 = vector.broadcast %slice3A_171 : vector<1x1024xf32> to vector<64x1024xf32>
    %mul3A_173 = arith.mulf %convert_element_type3A_170, %mul3A_172 : vector<64x1024xf32>
    %add3A_174 = arith.addf %add3A_166, %mul3A_173 : vector<64x1024xf32>
    %get3A_175 = arith.constant 1408 : index
    %get3A_176 = arith.constant 0 : index
    %get3A_177 = vector.load %arg2[%get3A_175, %get3A_176] : memref<4096x1024xbf16, #tpu.memory_space<vmem>>, vector<64x1024xbf16>
    %convert_element_type3A_178 = arith.extf %get3A_177 : vector<64x1024xbf16> to vector<64x1024xf32>
    %slice3A_179 = vector.extract_strided_slice %transpose3A {offsets = [22, 0], sizes = [1, 1024], strides = [1, 1]} : vector<64x1024xf32> to vector<1x1024xf32>
    %mul3A_180 = vector.broadcast %slice3A_179 : vector<1x1024xf32> to vector<64x1024xf32>
    %mul3A_181 = arith.mulf %convert_element_type3A_178, %mul3A_180 : vector<64x1024xf32>
    %add3A_182 = arith.addf %add3A_174, %mul3A_181 : vector<64x1024xf32>
    %get3A_183 = arith.constant 1472 : index
    %get3A_184 = arith.constant 0 : index
    %get3A_185 = vector.load %arg2[%get3A_183, %get3A_184] : memref<4096x1024xbf16, #tpu.memory_space<vmem>>, vector<64x1024xbf16>
    %convert_element_type3A_186 = arith.extf %get3A_185 : vector<64x1024xbf16> to vector<64x1024xf32>
    %slice3A_187 = vector.extract_strided_slice %transpose3A {offsets = [23, 0], sizes = [1, 1024], strides = [1, 1]} : vector<64x1024xf32> to vector<1x1024xf32>
    %mul3A_188 = vector.broadcast %slice3A_187 : vector<1x1024xf32> to vector<64x1024xf32>
    %mul3A_189 = arith.mulf %convert_element_type3A_186, %mul3A_188 : vector<64x1024xf32>
    %add3A_190 = arith.addf %add3A_182, %mul3A_189 : vector<64x1024xf32>
    %get3A_191 = arith.constant 1536 : index
    %get3A_192 = arith.constant 0 : index
    %get3A_193 = vector.load %arg2[%get3A_191, %get3A_192] : memref<4096x1024xbf16, #tpu.memory_space<vmem>>, vector<64x1024xbf16>
    %convert_element_type3A_194 = arith.extf %get3A_193 : vector<64x1024xbf16> to vector<64x1024xf32>
    %slice3A_195 = vector.extract_strided_slice %transpose3A {offsets = [24, 0], sizes = [1, 1024], strides = [1, 1]} : vector<64x1024xf32> to vector<1x1024xf32>
    %mul3A_196 = vector.broadcast %slice3A_195 : vector<1x1024xf32> to vector<64x1024xf32>
    %mul3A_197 = arith.mulf %convert_element_type3A_194, %mul3A_196 : vector<64x1024xf32>
    %add3A_198 = arith.addf %add3A_190, %mul3A_197 : vector<64x1024xf32>
    %get3A_199 = arith.constant 1600 : index
    %get3A_200 = arith.constant 0 : index
    %get3A_201 = vector.load %arg2[%get3A_199, %get3A_200] : memref<4096x1024xbf16, #tpu.memory_space<vmem>>, vector<64x1024xbf16>
    %convert_element_type3A_202 = arith.extf %get3A_201 : vector<64x1024xbf16> to vector<64x1024xf32>
    %slice3A_203 = vector.extract_strided_slice %transpose3A {offsets = [25, 0], sizes = [1, 1024], strides = [1, 1]} : vector<64x1024xf32> to vector<1x1024xf32>
    %mul3A_204 = vector.broadcast %slice3A_203 : vector<1x1024xf32> to vector<64x1024xf32>
    %mul3A_205 = arith.mulf %convert_element_type3A_202, %mul3A_204 : vector<64x1024xf32>
    %add3A_206 = arith.addf %add3A_198, %mul3A_205 : vector<64x1024xf32>
    %get3A_207 = arith.constant 1664 : index
    %get3A_208 = arith.constant 0 : index
    %get3A_209 = vector.load %arg2[%get3A_207, %get3A_208] : memref<4096x1024xbf16, #tpu.memory_space<vmem>>, vector<64x1024xbf16>
    %convert_element_type3A_210 = arith.extf %get3A_209 : vector<64x1024xbf16> to vector<64x1024xf32>
    %slice3A_211 = vector.extract_strided_slice %transpose3A {offsets = [26, 0], sizes = [1, 1024], strides = [1, 1]} : vector<64x1024xf32> to vector<1x1024xf32>
    %mul3A_212 = vector.broadcast %slice3A_211 : vector<1x1024xf32> to vector<64x1024xf32>
    %mul3A_213 = arith.mulf %convert_element_type3A_210, %mul3A_212 : vector<64x1024xf32>
    %add3A_214 = arith.addf %add3A_206, %mul3A_213 : vector<64x1024xf32>
    %get3A_215 = arith.constant 1728 : index
    %get3A_216 = arith.constant 0 : index
    %get3A_217 = vector.load %arg2[%get3A_215, %get3A_216] : memref<4096x1024xbf16, #tpu.memory_space<vmem>>, vector<64x1024xbf16>
    %convert_element_type3A_218 = arith.extf %get3A_217 : vector<64x1024xbf16> to vector<64x1024xf32>
    %slice3A_219 = vector.extract_strided_slice %transpose3A {offsets = [27, 0], sizes = [1, 1024], strides = [1, 1]} : vector<64x1024xf32> to vector<1x1024xf32>
    %mul3A_220 = vector.broadcast %slice3A_219 : vector<1x1024xf32> to vector<64x1024xf32>
    %mul3A_221 = arith.mulf %convert_element_type3A_218, %mul3A_220 : vector<64x1024xf32>
    %add3A_222 = arith.addf %add3A_214, %mul3A_221 : vector<64x1024xf32>
    %get3A_223 = arith.constant 1792 : index
    %get3A_224 = arith.constant 0 : index
    %get3A_225 = vector.load %arg2[%get3A_223, %get3A_224] : memref<4096x1024xbf16, #tpu.memory_space<vmem>>, vector<64x1024xbf16>
    %convert_element_type3A_226 = arith.extf %get3A_225 : vector<64x1024xbf16> to vector<64x1024xf32>
    %slice3A_227 = vector.extract_strided_slice %transpose3A {offsets = [28, 0], sizes = [1, 1024], strides = [1, 1]} : vector<64x1024xf32> to vector<1x1024xf32>
    %mul3A_228 = vector.broadcast %slice3A_227 : vector<1x1024xf32> to vector<64x1024xf32>
    %mul3A_229 = arith.mulf %convert_element_type3A_226, %mul3A_228 : vector<64x1024xf32>
    %add3A_230 = arith.addf %add3A_222, %mul3A_229 : vector<64x1024xf32>
    %get3A_231 = arith.constant 1856 : index
    %get3A_232 = arith.constant 0 : index
    %get3A_233 = vector.load %arg2[%get3A_231, %get3A_232] : memref<4096x1024xbf16, #tpu.memory_space<vmem>>, vector<64x1024xbf16>
    %convert_element_type3A_234 = arith.extf %get3A_233 : vector<64x1024xbf16> to vector<64x1024xf32>
    %slice3A_235 = vector.extract_strided_slice %transpose3A {offsets = [29, 0], sizes = [1, 1024], strides = [1, 1]} : vector<64x1024xf32> to vector<1x1024xf32>
    %mul3A_236 = vector.broadcast %slice3A_235 : vector<1x1024xf32> to vector<64x1024xf32>
    %mul3A_237 = arith.mulf %convert_element_type3A_234, %mul3A_236 : vector<64x1024xf32>
    %add3A_238 = arith.addf %add3A_230, %mul3A_237 : vector<64x1024xf32>
    %get3A_239 = arith.constant 1920 : index
    %get3A_240 = arith.constant 0 : index
    %get3A_241 = vector.load %arg2[%get3A_239, %get3A_240] : memref<4096x1024xbf16, #tpu.memory_space<vmem>>, vector<64x1024xbf16>
    %convert_element_type3A_242 = arith.extf %get3A_241 : vector<64x1024xbf16> to vector<64x1024xf32>
    %slice3A_243 = vector.extract_strided_slice %transpose3A {offsets = [30, 0], sizes = [1, 1024], strides = [1, 1]} : vector<64x1024xf32> to vector<1x1024xf32>
    %mul3A_244 = vector.broadcast %slice3A_243 : vector<1x1024xf32> to vector<64x1024xf32>
    %mul3A_245 = arith.mulf %convert_element_type3A_242, %mul3A_244 : vector<64x1024xf32>
    %add3A_246 = arith.addf %add3A_238, %mul3A_245 : vector<64x1024xf32>
    %get3A_247 = arith.constant 1984 : index
    %get3A_248 = arith.constant 0 : index
    %get3A_249 = vector.load %arg2[%get3A_247, %get3A_248] : memref<4096x1024xbf16, #tpu.memory_space<vmem>>, vector<64x1024xbf16>
    %convert_element_type3A_250 = arith.extf %get3A_249 : vector<64x1024xbf16> to vector<64x1024xf32>
    %slice3A_251 = vector.extract_strided_slice %transpose3A {offsets = [31, 0], sizes = [1, 1024], strides = [1, 1]} : vector<64x1024xf32> to vector<1x1024xf32>
    %mul3A_252 = vector.broadcast %slice3A_251 : vector<1x1024xf32> to vector<64x1024xf32>
    %mul3A_253 = arith.mulf %convert_element_type3A_250, %mul3A_252 : vector<64x1024xf32>
    %add3A_254 = arith.addf %add3A_246, %mul3A_253 : vector<64x1024xf32>
    %get3A_255 = arith.constant 2048 : index
    %get3A_256 = arith.constant 0 : index
    %get3A_257 = vector.load %arg2[%get3A_255, %get3A_256] : memref<4096x1024xbf16, #tpu.memory_space<vmem>>, vector<64x1024xbf16>
    %convert_element_type3A_258 = arith.extf %get3A_257 : vector<64x1024xbf16> to vector<64x1024xf32>
    %slice3A_259 = vector.extract_strided_slice %transpose3A {offsets = [32, 0], sizes = [1, 1024], strides = [1, 1]} : vector<64x1024xf32> to vector<1x1024xf32>
    %mul3A_260 = vector.broadcast %slice3A_259 : vector<1x1024xf32> to vector<64x1024xf32>
    %mul3A_261 = arith.mulf %convert_element_type3A_258, %mul3A_260 : vector<64x1024xf32>
    %add3A_262 = arith.addf %add3A_254, %mul3A_261 : vector<64x1024xf32>
    %get3A_263 = arith.constant 2112 : index
    %get3A_264 = arith.constant 0 : index
    %get3A_265 = vector.load %arg2[%get3A_263, %get3A_264] : memref<4096x1024xbf16, #tpu.memory_space<vmem>>, vector<64x1024xbf16>
    %convert_element_type3A_266 = arith.extf %get3A_265 : vector<64x1024xbf16> to vector<64x1024xf32>
    %slice3A_267 = vector.extract_strided_slice %transpose3A {offsets = [33, 0], sizes = [1, 1024], strides = [1, 1]} : vector<64x1024xf32> to vector<1x1024xf32>
    %mul3A_268 = vector.broadcast %slice3A_267 : vector<1x1024xf32> to vector<64x1024xf32>
    %mul3A_269 = arith.mulf %convert_element_type3A_266, %mul3A_268 : vector<64x1024xf32>
    %add3A_270 = arith.addf %add3A_262, %mul3A_269 : vector<64x1024xf32>
    %get3A_271 = arith.constant 2176 : index
    %get3A_272 = arith.constant 0 : index
    %get3A_273 = vector.load %arg2[%get3A_271, %get3A_272] : memref<4096x1024xbf16, #tpu.memory_space<vmem>>, vector<64x1024xbf16>
    %convert_element_type3A_274 = arith.extf %get3A_273 : vector<64x1024xbf16> to vector<64x1024xf32>
    %slice3A_275 = vector.extract_strided_slice %transpose3A {offsets = [34, 0], sizes = [1, 1024], strides = [1, 1]} : vector<64x1024xf32> to vector<1x1024xf32>
    %mul3A_276 = vector.broadcast %slice3A_275 : vector<1x1024xf32> to vector<64x1024xf32>
    %mul3A_277 = arith.mulf %convert_element_type3A_274, %mul3A_276 : vector<64x1024xf32>
    %add3A_278 = arith.addf %add3A_270, %mul3A_277 : vector<64x1024xf32>
    %get3A_279 = arith.constant 2240 : index
    %get3A_280 = arith.constant 0 : index
    %get3A_281 = vector.load %arg2[%get3A_279, %get3A_280] : memref<4096x1024xbf16, #tpu.memory_space<vmem>>, vector<64x1024xbf16>
    %convert_element_type3A_282 = arith.extf %get3A_281 : vector<64x1024xbf16> to vector<64x1024xf32>
    %slice3A_283 = vector.extract_strided_slice %transpose3A {offsets = [35, 0], sizes = [1, 1024], strides = [1, 1]} : vector<64x1024xf32> to vector<1x1024xf32>
    %mul3A_284 = vector.broadcast %slice3A_283 : vector<1x1024xf32> to vector<64x1024xf32>
    %mul3A_285 = arith.mulf %convert_element_type3A_282, %mul3A_284 : vector<64x1024xf32>
    %add3A_286 = arith.addf %add3A_278, %mul3A_285 : vector<64x1024xf32>
    %get3A_287 = arith.constant 2304 : index
    %get3A_288 = arith.constant 0 : index
    %get3A_289 = vector.load %arg2[%get3A_287, %get3A_288] : memref<4096x1024xbf16, #tpu.memory_space<vmem>>, vector<64x1024xbf16>
    %convert_element_type3A_290 = arith.extf %get3A_289 : vector<64x1024xbf16> to vector<64x1024xf32>
    %slice3A_291 = vector.extract_strided_slice %transpose3A {offsets = [36, 0], sizes = [1, 1024], strides = [1, 1]} : vector<64x1024xf32> to vector<1x1024xf32>
    %mul3A_292 = vector.broadcast %slice3A_291 : vector<1x1024xf32> to vector<64x1024xf32>
    %mul3A_293 = arith.mulf %convert_element_type3A_290, %mul3A_292 : vector<64x1024xf32>
    %add3A_294 = arith.addf %add3A_286, %mul3A_293 : vector<64x1024xf32>
    %get3A_295 = arith.constant 2368 : index
    %get3A_296 = arith.constant 0 : index
    %get3A_297 = vector.load %arg2[%get3A_295, %get3A_296] : memref<4096x1024xbf16, #tpu.memory_space<vmem>>, vector<64x1024xbf16>
    %convert_element_type3A_298 = arith.extf %get3A_297 : vector<64x1024xbf16> to vector<64x1024xf32>
    %slice3A_299 = vector.extract_strided_slice %transpose3A {offsets = [37, 0], sizes = [1, 1024], strides = [1, 1]} : vector<64x1024xf32> to vector<1x1024xf32>
    %mul3A_300 = vector.broadcast %slice3A_299 : vector<1x1024xf32> to vector<64x1024xf32>
    %mul3A_301 = arith.mulf %convert_element_type3A_298, %mul3A_300 : vector<64x1024xf32>
    %add3A_302 = arith.addf %add3A_294, %mul3A_301 : vector<64x1024xf32>
    %get3A_303 = arith.constant 2432 : index
    %get3A_304 = arith.constant 0 : index
    %get3A_305 = vector.load %arg2[%get3A_303, %get3A_304] : memref<4096x1024xbf16, #tpu.memory_space<vmem>>, vector<64x1024xbf16>
    %convert_element_type3A_306 = arith.extf %get3A_305 : vector<64x1024xbf16> to vector<64x1024xf32>
    %slice3A_307 = vector.extract_strided_slice %transpose3A {offsets = [38, 0], sizes = [1, 1024], strides = [1, 1]} : vector<64x1024xf32> to vector<1x1024xf32>
    %mul3A_308 = vector.broadcast %slice3A_307 : vector<1x1024xf32> to vector<64x1024xf32>
    %mul3A_309 = arith.mulf %convert_element_type3A_306, %mul3A_308 : vector<64x1024xf32>
    %add3A_310 = arith.addf %add3A_302, %mul3A_309 : vector<64x1024xf32>
    %get3A_311 = arith.constant 2496 : index
    %get3A_312 = arith.constant 0 : index
    %get3A_313 = vector.load %arg2[%get3A_311, %get3A_312] : memref<4096x1024xbf16, #tpu.memory_space<vmem>>, vector<64x1024xbf16>
    %convert_element_type3A_314 = arith.extf %get3A_313 : vector<64x1024xbf16> to vector<64x1024xf32>
    %slice3A_315 = vector.extract_strided_slice %transpose3A {offsets = [39, 0], sizes = [1, 1024], strides = [1, 1]} : vector<64x1024xf32> to vector<1x1024xf32>
    %mul3A_316 = vector.broadcast %slice3A_315 : vector<1x1024xf32> to vector<64x1024xf32>
    %mul3A_317 = arith.mulf %convert_element_type3A_314, %mul3A_316 : vector<64x1024xf32>
    %add3A_318 = arith.addf %add3A_310, %mul3A_317 : vector<64x1024xf32>
    %get3A_319 = arith.constant 2560 : index
    %get3A_320 = arith.constant 0 : index
    %get3A_321 = vector.load %arg2[%get3A_319, %get3A_320] : memref<4096x1024xbf16, #tpu.memory_space<vmem>>, vector<64x1024xbf16>
    %convert_element_type3A_322 = arith.extf %get3A_321 : vector<64x1024xbf16> to vector<64x1024xf32>
    %slice3A_323 = vector.extract_strided_slice %transpose3A {offsets = [40, 0], sizes = [1, 1024], strides = [1, 1]} : vector<64x1024xf32> to vector<1x1024xf32>
    %mul3A_324 = vector.broadcast %slice3A_323 : vector<1x1024xf32> to vector<64x1024xf32>
    %mul3A_325 = arith.mulf %convert_element_type3A_322, %mul3A_324 : vector<64x1024xf32>
    %add3A_326 = arith.addf %add3A_318, %mul3A_325 : vector<64x1024xf32>
    %get3A_327 = arith.constant 2624 : index
    %get3A_328 = arith.constant 0 : index
    %get3A_329 = vector.load %arg2[%get3A_327, %get3A_328] : memref<4096x1024xbf16, #tpu.memory_space<vmem>>, vector<64x1024xbf16>
    %convert_element_type3A_330 = arith.extf %get3A_329 : vector<64x1024xbf16> to vector<64x1024xf32>
    %slice3A_331 = vector.extract_strided_slice %transpose3A {offsets = [41, 0], sizes = [1, 1024], strides = [1, 1]} : vector<64x1024xf32> to vector<1x1024xf32>
    %mul3A_332 = vector.broadcast %slice3A_331 : vector<1x1024xf32> to vector<64x1024xf32>
    %mul3A_333 = arith.mulf %convert_element_type3A_330, %mul3A_332 : vector<64x1024xf32>
    %add3A_334 = arith.addf %add3A_326, %mul3A_333 : vector<64x1024xf32>
    %get3A_335 = arith.constant 2688 : index
    %get3A_336 = arith.constant 0 : index
    %get3A_337 = vector.load %arg2[%get3A_335, %get3A_336] : memref<4096x1024xbf16, #tpu.memory_space<vmem>>, vector<64x1024xbf16>
    %convert_element_type3A_338 = arith.extf %get3A_337 : vector<64x1024xbf16> to vector<64x1024xf32>
    %slice3A_339 = vector.extract_strided_slice %transpose3A {offsets = [42, 0], sizes = [1, 1024], strides = [1, 1]} : vector<64x1024xf32> to vector<1x1024xf32>
    %mul3A_340 = vector.broadcast %slice3A_339 : vector<1x1024xf32> to vector<64x1024xf32>
    %mul3A_341 = arith.mulf %convert_element_type3A_338, %mul3A_340 : vector<64x1024xf32>
    %add3A_342 = arith.addf %add3A_334, %mul3A_341 : vector<64x1024xf32>
    %get3A_343 = arith.constant 2752 : index
    %get3A_344 = arith.constant 0 : index
    %get3A_345 = vector.load %arg2[%get3A_343, %get3A_344] : memref<4096x1024xbf16, #tpu.memory_space<vmem>>, vector<64x1024xbf16>
    %convert_element_type3A_346 = arith.extf %get3A_345 : vector<64x1024xbf16> to vector<64x1024xf32>
    %slice3A_347 = vector.extract_strided_slice %transpose3A {offsets = [43, 0], sizes = [1, 1024], strides = [1, 1]} : vector<64x1024xf32> to vector<1x1024xf32>
    %mul3A_348 = vector.broadcast %slice3A_347 : vector<1x1024xf32> to vector<64x1024xf32>
    %mul3A_349 = arith.mulf %convert_element_type3A_346, %mul3A_348 : vector<64x1024xf32>
    %add3A_350 = arith.addf %add3A_342, %mul3A_349 : vector<64x1024xf32>
    %get3A_351 = arith.constant 2816 : index
    %get3A_352 = arith.constant 0 : index
    %get3A_353 = vector.load %arg2[%get3A_351, %get3A_352] : memref<4096x1024xbf16, #tpu.memory_space<vmem>>, vector<64x1024xbf16>
    %convert_element_type3A_354 = arith.extf %get3A_353 : vector<64x1024xbf16> to vector<64x1024xf32>
    %slice3A_355 = vector.extract_strided_slice %transpose3A {offsets = [44, 0], sizes = [1, 1024], strides = [1, 1]} : vector<64x1024xf32> to vector<1x1024xf32>
    %mul3A_356 = vector.broadcast %slice3A_355 : vector<1x1024xf32> to vector<64x1024xf32>
    %mul3A_357 = arith.mulf %convert_element_type3A_354, %mul3A_356 : vector<64x1024xf32>
    %add3A_358 = arith.addf %add3A_350, %mul3A_357 : vector<64x1024xf32>
    %get3A_359 = arith.constant 2880 : index
    %get3A_360 = arith.constant 0 : index
    %get3A_361 = vector.load %arg2[%get3A_359, %get3A_360] : memref<4096x1024xbf16, #tpu.memory_space<vmem>>, vector<64x1024xbf16>
    %convert_element_type3A_362 = arith.extf %get3A_361 : vector<64x1024xbf16> to vector<64x1024xf32>
    %slice3A_363 = vector.extract_strided_slice %transpose3A {offsets = [45, 0], sizes = [1, 1024], strides = [1, 1]} : vector<64x1024xf32> to vector<1x1024xf32>
    %mul3A_364 = vector.broadcast %slice3A_363 : vector<1x1024xf32> to vector<64x1024xf32>
    %mul3A_365 = arith.mulf %convert_element_type3A_362, %mul3A_364 : vector<64x1024xf32>
    %add3A_366 = arith.addf %add3A_358, %mul3A_365 : vector<64x1024xf32>
    %get3A_367 = arith.constant 2944 : index
    %get3A_368 = arith.constant 0 : index
    %get3A_369 = vector.load %arg2[%get3A_367, %get3A_368] : memref<4096x1024xbf16, #tpu.memory_space<vmem>>, vector<64x1024xbf16>
    %convert_element_type3A_370 = arith.extf %get3A_369 : vector<64x1024xbf16> to vector<64x1024xf32>
    %slice3A_371 = vector.extract_strided_slice %transpose3A {offsets = [46, 0], sizes = [1, 1024], strides = [1, 1]} : vector<64x1024xf32> to vector<1x1024xf32>
    %mul3A_372 = vector.broadcast %slice3A_371 : vector<1x1024xf32> to vector<64x1024xf32>
    %mul3A_373 = arith.mulf %convert_element_type3A_370, %mul3A_372 : vector<64x1024xf32>
    %add3A_374 = arith.addf %add3A_366, %mul3A_373 : vector<64x1024xf32>
    %get3A_375 = arith.constant 3008 : index
    %get3A_376 = arith.constant 0 : index
    %get3A_377 = vector.load %arg2[%get3A_375, %get3A_376] : memref<4096x1024xbf16, #tpu.memory_space<vmem>>, vector<64x1024xbf16>
    %convert_element_type3A_378 = arith.extf %get3A_377 : vector<64x1024xbf16> to vector<64x1024xf32>
    %slice3A_379 = vector.extract_strided_slice %transpose3A {offsets = [47, 0], sizes = [1, 1024], strides = [1, 1]} : vector<64x1024xf32> to vector<1x1024xf32>
    %mul3A_380 = vector.broadcast %slice3A_379 : vector<1x1024xf32> to vector<64x1024xf32>
    %mul3A_381 = arith.mulf %convert_element_type3A_378, %mul3A_380 : vector<64x1024xf32>
    %add3A_382 = arith.addf %add3A_374, %mul3A_381 : vector<64x1024xf32>
    %get3A_383 = arith.constant 3072 : index
    %get3A_384 = arith.constant 0 : index
    %get3A_385 = vector.load %arg2[%get3A_383, %get3A_384] : memref<4096x1024xbf16, #tpu.memory_space<vmem>>, vector<64x1024xbf16>
    %convert_element_type3A_386 = arith.extf %get3A_385 : vector<64x1024xbf16> to vector<64x1024xf32>
    %slice3A_387 = vector.extract_strided_slice %transpose3A {offsets = [48, 0], sizes = [1, 1024], strides = [1, 1]} : vector<64x1024xf32> to vector<1x1024xf32>
    %mul3A_388 = vector.broadcast %slice3A_387 : vector<1x1024xf32> to vector<64x1024xf32>
    %mul3A_389 = arith.mulf %convert_element_type3A_386, %mul3A_388 : vector<64x1024xf32>
    %add3A_390 = arith.addf %add3A_382, %mul3A_389 : vector<64x1024xf32>
    %get3A_391 = arith.constant 3136 : index
    %get3A_392 = arith.constant 0 : index
    %get3A_393 = vector.load %arg2[%get3A_391, %get3A_392] : memref<4096x1024xbf16, #tpu.memory_space<vmem>>, vector<64x1024xbf16>
    %convert_element_type3A_394 = arith.extf %get3A_393 : vector<64x1024xbf16> to vector<64x1024xf32>
    %slice3A_395 = vector.extract_strided_slice %transpose3A {offsets = [49, 0], sizes = [1, 1024], strides = [1, 1]} : vector<64x1024xf32> to vector<1x1024xf32>
    %mul3A_396 = vector.broadcast %slice3A_395 : vector<1x1024xf32> to vector<64x1024xf32>
    %mul3A_397 = arith.mulf %convert_element_type3A_394, %mul3A_396 : vector<64x1024xf32>
    %add3A_398 = arith.addf %add3A_390, %mul3A_397 : vector<64x1024xf32>
    %get3A_399 = arith.constant 3200 : index
    %get3A_400 = arith.constant 0 : index
    %get3A_401 = vector.load %arg2[%get3A_399, %get3A_400] : memref<4096x1024xbf16, #tpu.memory_space<vmem>>, vector<64x1024xbf16>
    %convert_element_type3A_402 = arith.extf %get3A_401 : vector<64x1024xbf16> to vector<64x1024xf32>
    %slice3A_403 = vector.extract_strided_slice %transpose3A {offsets = [50, 0], sizes = [1, 1024], strides = [1, 1]} : vector<64x1024xf32> to vector<1x1024xf32>
    %mul3A_404 = vector.broadcast %slice3A_403 : vector<1x1024xf32> to vector<64x1024xf32>
    %mul3A_405 = arith.mulf %convert_element_type3A_402, %mul3A_404 : vector<64x1024xf32>
    %add3A_406 = arith.addf %add3A_398, %mul3A_405 : vector<64x1024xf32>
    %get3A_407 = arith.constant 3264 : index
    %get3A_408 = arith.constant 0 : index
    %get3A_409 = vector.load %arg2[%get3A_407, %get3A_408] : memref<4096x1024xbf16, #tpu.memory_space<vmem>>, vector<64x1024xbf16>
    %convert_element_type3A_410 = arith.extf %get3A_409 : vector<64x1024xbf16> to vector<64x1024xf32>
    %slice3A_411 = vector.extract_strided_slice %transpose3A {offsets = [51, 0], sizes = [1, 1024], strides = [1, 1]} : vector<64x1024xf32> to vector<1x1024xf32>
    %mul3A_412 = vector.broadcast %slice3A_411 : vector<1x1024xf32> to vector<64x1024xf32>
    %mul3A_413 = arith.mulf %convert_element_type3A_410, %mul3A_412 : vector<64x1024xf32>
    %add3A_414 = arith.addf %add3A_406, %mul3A_413 : vector<64x1024xf32>
    %get3A_415 = arith.constant 3328 : index
    %get3A_416 = arith.constant 0 : index
    %get3A_417 = vector.load %arg2[%get3A_415, %get3A_416] : memref<4096x1024xbf16, #tpu.memory_space<vmem>>, vector<64x1024xbf16>
    %convert_element_type3A_418 = arith.extf %get3A_417 : vector<64x1024xbf16> to vector<64x1024xf32>
    %slice3A_419 = vector.extract_strided_slice %transpose3A {offsets = [52, 0], sizes = [1, 1024], strides = [1, 1]} : vector<64x1024xf32> to vector<1x1024xf32>
    %mul3A_420 = vector.broadcast %slice3A_419 : vector<1x1024xf32> to vector<64x1024xf32>
    %mul3A_421 = arith.mulf %convert_element_type3A_418, %mul3A_420 : vector<64x1024xf32>
    %add3A_422 = arith.addf %add3A_414, %mul3A_421 : vector<64x1024xf32>
    %get3A_423 = arith.constant 3392 : index
    %get3A_424 = arith.constant 0 : index
    %get3A_425 = vector.load %arg2[%get3A_423, %get3A_424] : memref<4096x1024xbf16, #tpu.memory_space<vmem>>, vector<64x1024xbf16>
    %convert_element_type3A_426 = arith.extf %get3A_425 : vector<64x1024xbf16> to vector<64x1024xf32>
    %slice3A_427 = vector.extract_strided_slice %transpose3A {offsets = [53, 0], sizes = [1, 1024], strides = [1, 1]} : vector<64x1024xf32> to vector<1x1024xf32>
    %mul3A_428 = vector.broadcast %slice3A_427 : vector<1x1024xf32> to vector<64x1024xf32>
    %mul3A_429 = arith.mulf %convert_element_type3A_426, %mul3A_428 : vector<64x1024xf32>
    %add3A_430 = arith.addf %add3A_422, %mul3A_429 : vector<64x1024xf32>
    %get3A_431 = arith.constant 3456 : index
    %get3A_432 = arith.constant 0 : index
    %get3A_433 = vector.load %arg2[%get3A_431, %get3A_432] : memref<4096x1024xbf16, #tpu.memory_space<vmem>>, vector<64x1024xbf16>
    %convert_element_type3A_434 = arith.extf %get3A_433 : vector<64x1024xbf16> to vector<64x1024xf32>
    %slice3A_435 = vector.extract_strided_slice %transpose3A {offsets = [54, 0], sizes = [1, 1024], strides = [1, 1]} : vector<64x1024xf32> to vector<1x1024xf32>
    %mul3A_436 = vector.broadcast %slice3A_435 : vector<1x1024xf32> to vector<64x1024xf32>
    %mul3A_437 = arith.mulf %convert_element_type3A_434, %mul3A_436 : vector<64x1024xf32>
    %add3A_438 = arith.addf %add3A_430, %mul3A_437 : vector<64x1024xf32>
    %get3A_439 = arith.constant 3520 : index
    %get3A_440 = arith.constant 0 : index
    %get3A_441 = vector.load %arg2[%get3A_439, %get3A_440] : memref<4096x1024xbf16, #tpu.memory_space<vmem>>, vector<64x1024xbf16>
    %convert_element_type3A_442 = arith.extf %get3A_441 : vector<64x1024xbf16> to vector<64x1024xf32>
    %slice3A_443 = vector.extract_strided_slice %transpose3A {offsets = [55, 0], sizes = [1, 1024], strides = [1, 1]} : vector<64x1024xf32> to vector<1x1024xf32>
    %mul3A_444 = vector.broadcast %slice3A_443 : vector<1x1024xf32> to vector<64x1024xf32>
    %mul3A_445 = arith.mulf %convert_element_type3A_442, %mul3A_444 : vector<64x1024xf32>
    %add3A_446 = arith.addf %add3A_438, %mul3A_445 : vector<64x1024xf32>
    %get3A_447 = arith.constant 3584 : index
    %get3A_448 = arith.constant 0 : index
    %get3A_449 = vector.load %arg2[%get3A_447, %get3A_448] : memref<4096x1024xbf16, #tpu.memory_space<vmem>>, vector<64x1024xbf16>
    %convert_element_type3A_450 = arith.extf %get3A_449 : vector<64x1024xbf16> to vector<64x1024xf32>
    %slice3A_451 = vector.extract_strided_slice %transpose3A {offsets = [56, 0], sizes = [1, 1024], strides = [1, 1]} : vector<64x1024xf32> to vector<1x1024xf32>
    %mul3A_452 = vector.broadcast %slice3A_451 : vector<1x1024xf32> to vector<64x1024xf32>
    %mul3A_453 = arith.mulf %convert_element_type3A_450, %mul3A_452 : vector<64x1024xf32>
    %add3A_454 = arith.addf %add3A_446, %mul3A_453 : vector<64x1024xf32>
    %get3A_455 = arith.constant 3648 : index
    %get3A_456 = arith.constant 0 : index
    %get3A_457 = vector.load %arg2[%get3A_455, %get3A_456] : memref<4096x1024xbf16, #tpu.memory_space<vmem>>, vector<64x1024xbf16>
    %convert_element_type3A_458 = arith.extf %get3A_457 : vector<64x1024xbf16> to vector<64x1024xf32>
    %slice3A_459 = vector.extract_strided_slice %transpose3A {offsets = [57, 0], sizes = [1, 1024], strides = [1, 1]} : vector<64x1024xf32> to vector<1x1024xf32>
    %mul3A_460 = vector.broadcast %slice3A_459 : vector<1x1024xf32> to vector<64x1024xf32>
    %mul3A_461 = arith.mulf %convert_element_type3A_458, %mul3A_460 : vector<64x1024xf32>
    %add3A_462 = arith.addf %add3A_454, %mul3A_461 : vector<64x1024xf32>
    %get3A_463 = arith.constant 3712 : index
    %get3A_464 = arith.constant 0 : index
    %get3A_465 = vector.load %arg2[%get3A_463, %get3A_464] : memref<4096x1024xbf16, #tpu.memory_space<vmem>>, vector<64x1024xbf16>
    %convert_element_type3A_466 = arith.extf %get3A_465 : vector<64x1024xbf16> to vector<64x1024xf32>
    %slice3A_467 = vector.extract_strided_slice %transpose3A {offsets = [58, 0], sizes = [1, 1024], strides = [1, 1]} : vector<64x1024xf32> to vector<1x1024xf32>
    %mul3A_468 = vector.broadcast %slice3A_467 : vector<1x1024xf32> to vector<64x1024xf32>
    %mul3A_469 = arith.mulf %convert_element_type3A_466, %mul3A_468 : vector<64x1024xf32>
    %add3A_470 = arith.addf %add3A_462, %mul3A_469 : vector<64x1024xf32>
    %get3A_471 = arith.constant 3776 : index
    %get3A_472 = arith.constant 0 : index
    %get3A_473 = vector.load %arg2[%get3A_471, %get3A_472] : memref<4096x1024xbf16, #tpu.memory_space<vmem>>, vector<64x1024xbf16>
    %convert_element_type3A_474 = arith.extf %get3A_473 : vector<64x1024xbf16> to vector<64x1024xf32>
    %slice3A_475 = vector.extract_strided_slice %transpose3A {offsets = [59, 0], sizes = [1, 1024], strides = [1, 1]} : vector<64x1024xf32> to vector<1x1024xf32>
    %mul3A_476 = vector.broadcast %slice3A_475 : vector<1x1024xf32> to vector<64x1024xf32>
    %mul3A_477 = arith.mulf %convert_element_type3A_474, %mul3A_476 : vector<64x1024xf32>
    %add3A_478 = arith.addf %add3A_470, %mul3A_477 : vector<64x1024xf32>
    %get3A_479 = arith.constant 3840 : index
    %get3A_480 = arith.constant 0 : index
    %get3A_481 = vector.load %arg2[%get3A_479, %get3A_480] : memref<4096x1024xbf16, #tpu.memory_space<vmem>>, vector<64x1024xbf16>
    %convert_element_type3A_482 = arith.extf %get3A_481 : vector<64x1024xbf16> to vector<64x1024xf32>
    %slice3A_483 = vector.extract_strided_slice %transpose3A {offsets = [60, 0], sizes = [1, 1024], strides = [1, 1]} : vector<64x1024xf32> to vector<1x1024xf32>
    %mul3A_484 = vector.broadcast %slice3A_483 : vector<1x1024xf32> to vector<64x1024xf32>
    %mul3A_485 = arith.mulf %convert_element_type3A_482, %mul3A_484 : vector<64x1024xf32>
    %add3A_486 = arith.addf %add3A_478, %mul3A_485 : vector<64x1024xf32>
    %get3A_487 = arith.constant 3904 : index
    %get3A_488 = arith.constant 0 : index
    %get3A_489 = vector.load %arg2[%get3A_487, %get3A_488] : memref<4096x1024xbf16, #tpu.memory_space<vmem>>, vector<64x1024xbf16>
    %convert_element_type3A_490 = arith.extf %get3A_489 : vector<64x1024xbf16> to vector<64x1024xf32>
    %slice3A_491 = vector.extract_strided_slice %transpose3A {offsets = [61, 0], sizes = [1, 1024], strides = [1, 1]} : vector<64x1024xf32> to vector<1x1024xf32>
    %mul3A_492 = vector.broadcast %slice3A_491 : vector<1x1024xf32> to vector<64x1024xf32>
    %mul3A_493 = arith.mulf %convert_element_type3A_490, %mul3A_492 : vector<64x1024xf32>
    %add3A_494 = arith.addf %add3A_486, %mul3A_493 : vector<64x1024xf32>
    %get3A_495 = arith.constant 3968 : index
    %get3A_496 = arith.constant 0 : index
    %get3A_497 = vector.load %arg2[%get3A_495, %get3A_496] : memref<4096x1024xbf16, #tpu.memory_space<vmem>>, vector<64x1024xbf16>
    %convert_element_type3A_498 = arith.extf %get3A_497 : vector<64x1024xbf16> to vector<64x1024xf32>
    %slice3A_499 = vector.extract_strided_slice %transpose3A {offsets = [62, 0], sizes = [1, 1024], strides = [1, 1]} : vector<64x1024xf32> to vector<1x1024xf32>
    %mul3A_500 = vector.broadcast %slice3A_499 : vector<1x1024xf32> to vector<64x1024xf32>
    %mul3A_501 = arith.mulf %convert_element_type3A_498, %mul3A_500 : vector<64x1024xf32>
    %add3A_502 = arith.addf %add3A_494, %mul3A_501 : vector<64x1024xf32>
    %get3A_503 = arith.constant 4032 : index
    %get3A_504 = arith.constant 0 : index
    %get3A_505 = vector.load %arg2[%get3A_503, %get3A_504] : memref<4096x1024xbf16, #tpu.memory_space<vmem>>, vector<64x1024xbf16>
    %convert_element_type3A_506 = arith.extf %get3A_505 : vector<64x1024xbf16> to vector<64x1024xf32>
    %slice3A_507 = vector.extract_strided_slice %transpose3A {offsets = [63, 0], sizes = [1, 1024], strides = [1, 1]} : vector<64x1024xf32> to vector<1x1024xf32>
    %mul3A_508 = vector.broadcast %slice3A_507 : vector<1x1024xf32> to vector<64x1024xf32>
    %mul3A_509 = arith.mulf %convert_element_type3A_506, %mul3A_508 : vector<64x1024xf32>
    %add3A_510 = arith.addf %add3A_502, %mul3A_509 : vector<64x1024xf32>
    %transpose3A_511 = tpu.transpose %add3A_510, [1, 0] : vector<64x1024xf32> -> vector<1024x64xf32>
    %get3A_512 = arith.constant 0 : index
    %get3A_513 = arith.constant 0 : index
    %get3A_514 = vector.load %arg3[%get3A_512, %get3A_513] : memref<64x64xf32, #tpu.memory_space<vmem>>, vector<64x64xf32>
    %dot_general3A = arith.constant dense<0.000000e+00> : vector<1024x64xf32>
    %dot_general3A_515 = tpu.matmul %get3A_1, %get3A_514, %dot_general3A {dimension_numbers = #tpu.dot_dimension_numbers<[1], [0], [0], [1], [0, 0, 1, 1], [], []>, transpose_lhs_hint = false} : vector<1024x64xf32>, vector<64x64xf32>, vector<1024x64xf32> -> vector<1024x64xf32>
    %add3A_516 = arith.addf %transpose3A_511, %dot_general3A_515 : vector<1024x64xf32>
    %iota3A = tpu.iota {dimensions = array<i32: 1>} : vector<1024x64xi32>
    %eq3A = arith.constant 0 : i32
    %eq3A_517 = vector.broadcast %eq3A : i32 to vector<1024x64xi32>
    %eq3A_518 = arith.cmpi eq, %iota3A, %eq3A_517 : vector<1024x64xi32>
    %jit3A = arith.constant 1.000000e+00 : f32
    %jit3A_519 = arith.constant 0.000000e+00 : f32
    %broadcast_in_dim3A_520 = vector.broadcast %jit3A : f32 to vector<1024x64xf32>
    %broadcast_in_dim3A_521 = vector.broadcast %jit3A_519 : f32 to vector<1024x64xf32>
    %select_n3A = arith.select %eq3A_518, %broadcast_in_dim3A_520, %broadcast_in_dim3A_521 : vector<1024x64xi1>, vector<1024x64xf32>
    %concatenate3A = tpu.concatenate %add3A_516, %select_n3A in 1 : vector<1024x64xf32>, vector<1024x64xf32> -> vector<1024x128xf32>
    %swap3A = arith.constant 0 : index
    %swap3A_522 = arith.constant 0 : index
    %swap3A_523 = vector.load %arg7[%swap3A, %swap3A_522] : memref<1024x128xf32, #tpu.memory_space<vmem>>, vector<1024x128xf32>
    tpu.vector_store %arg7[%swap3A, %swap3A_522], %concatenate3A {strides = array<i32>} : memref<1024x128xf32, #tpu.memory_space<vmem>>, vector<1024x128xf32>,
    %get3A_524 = arith.constant 0 : index
    %get3A_525 = arith.constant 0 : index
    %get3A_526 = vector.load %arg4[%get3A_524, %get3A_525] : memref<64x128xf32, #tpu.memory_space<vmem>>, vector<64x64xf32>
    %get3A_527 = arith.constant 0 : index
    %get3A_528 = arith.constant 0 : index
    %get3A_529 = vector.load %arg5[%get3A_527, %get3A_528] : memref<64x64xf32, #tpu.memory_space<vmem>>, vector<64x64xf32>
    %dot_general3A_530 = arith.constant dense<0.000000e+00> : vector<64x64xf32>
    %dot_general3A_531 = tpu.matmul %get3A_526, %get3A_529, %dot_general3A_530 {dimension_numbers = #tpu.dot_dimension_numbers<[1], [0], [0], [1], [0, 0, 1, 1], [], []>, transpose_lhs_hint = false} : vector<64x64xf32>, vector<64x64xf32>, vector<64x64xf32> -> vector<64x64xf32>
    %get3A_532 = arith.constant 0 : index
    %get3A_533 = arith.constant 0 : index
    %get3A_534 = vector.load %arg6[%get3A_532, %get3A_533] : memref<1x64xf32, #tpu.memory_space<vmem>>, vector<1x64xf32>
    %add3A_535 = vector.broadcast %get3A_534 : vector<1x64xf32> to vector<64x64xf32>
    %add3A_536 = arith.addf %dot_general3A_531, %add3A_535 : vector<64x64xf32>
    %swap3A_537 = arith.constant 0 : index
    %swap3A_538 = arith.constant 0 : index
    %swap3A_539 = vector.load %arg8[%swap3A_537, %swap3A_538] : memref<64x64xf32, #tpu.memory_space<vmem>>, vector<64x64xf32>
    tpu.vector_store %arg8[%swap3A_537, %swap3A_538], %add3A_536 {strides = array<i32>} : memref<64x64xf32, #tpu.memory_space<vmem>>, vector<64x64xf32>,
    return
  }
  func.func @transform_0(%arg0: i32) -> (i32, i32) {
    %c0_i32 = arith.constant 0 : i32
    %c0_i32_0 = arith.constant 0 : i32
    return %arg0, %c0_i32 : i32, i32
  }
  func.func @transform_1(%arg0: i32) -> (i32, i32) {
    %c0_i32 = arith.constant 0 : i32
    %c0_i32_0 = arith.constant 0 : i32
    return %c0_i32, %arg0 : i32, i32
  }
  func.func @transform_2(%arg0: i32) -> (i32, i32) {
    %c0_i32 = arith.constant 0 : i32
    %c0_i32_0 = arith.constant 0 : i32
    %c0_i32_1 = arith.constant 0 : i32
    return %c0_i32, %c0_i32_0 : i32, i32
  }
  func.func @transform_3(%arg0: i32) -> (i32, i32) {
    %c0_i32 = arith.constant 0 : i32
    %c0_i32_0 = arith.constant 0 : i32
    return %arg0, %c0_i32 : i32, i32
  }
  func.func @transform_4(%arg0: i32) -> (i32, i32) {
    %c0_i32 = arith.constant 0 : i32
    %c0_i32_0 = arith.constant 0 : i32
    %c0_i32_1 = arith.constant 0 : i32
    return %c0_i32, %c0_i32_0 : i32, i32
  }
  func.func @transform_5(%arg0: i32) -> (i32, i32) {
    %c0_i32 = arith.constant 0 : i32
    %c0_i32_0 = arith.constant 0 : i32
    %c0_i32_1 = arith.constant 0 : i32
    return %c0_i32, %c0_i32_0 : i32, i32
  }
  func.func @transform_6(%arg0: i32) -> (i32, i32) {
    %c0_i32 = arith.constant 0 : i32
    %c0_i32_0 = arith.constant 0 : i32
    return %arg0, %c0_i32 : i32, i32
  }
  func.func @transform_7(%arg0: i32) -> (i32, i32) {
    %c0_i32 = arith.constant 0 : i32
    %c0_i32_0 = arith.constant 0 : i32
    return %arg0, %c0_i32 : i32, i32
  }
}

module attributes {stable_mosaic.version = 14 : i64} {
  func.func @_update1_body(%arg0: i32, %arg1: memref<2048x128xf32, #tpu.memory_space<vmem>>, %arg2: memref<2048x128xf32, #tpu.memory_space<vmem>>, %arg3: memref<2048x64xf32, #tpu.memory_space<vmem>>, %arg4: memref<2048x128xf32, #tpu.memory_space<vmem>>, %arg5: memref<2048x1xf32, #tpu.memory_space<vmem>>) attributes {dimension_semantics = [#tpu.dimension_semantics<arbitrary>], iteration_bounds = array<i64: 5>, scalar_prefetch = 0 : i64, scratch_operands = 0 : i64, tpu.core_type = #tpu.core_type<tc>, window_params = [{transform_indices = @transform_0, window_bounds = array<i64: 2048, 128>}, {transform_indices = @transform_1, window_bounds = array<i64: 2048, 128>}, {transform_indices = @transform_2, window_bounds = array<i64: 2048, 64>}, {transform_indices = @transform_3, window_bounds = array<i64: 2048, 128>}, {transform_indices = @transform_4, window_bounds = array<i64: 2048, 1>}]} {
    %get3A = arith.constant 0 : index
    %get3A_0 = arith.constant 64 : index
    %get3A_1 = vector.load %arg1[%get3A, %get3A_0] : memref<2048x128xf32, #tpu.memory_space<vmem>>, vector<2048x1xf32>
    %get3A_2 = arith.constant 0 : index
    %get3A_3 = arith.constant 64 : index
    %get3A_4 = vector.load %arg2[%get3A_2, %get3A_3] : memref<2048x128xf32, #tpu.memory_space<vmem>>, vector<2048x1xf32>
    %add3A = arith.addf %get3A_1, %get3A_4 : vector<2048x1xf32>
    %max3A = arith.constant 1.000000e+00 : f32
    %max3A_5 = vector.broadcast %max3A : f32 to vector<2048x1xf32>
    %max3A_6 = arith.maximumf %add3A, %max3A_5 : vector<2048x1xf32>
    %div3A = arith.constant 1.000000e+00 : f32
    %div3A_7 = vector.broadcast %div3A : f32 to vector<2048x1xf32>
    %div3A_8 = arith.divf %div3A_7, %max3A_6 : vector<2048x1xf32>
    %get3A_9 = arith.constant 0 : index
    %get3A_10 = arith.constant 0 : index
    %get3A_11 = vector.load %arg1[%get3A_9, %get3A_10] : memref<2048x128xf32, #tpu.memory_space<vmem>>, vector<2048x64xf32>
    %get3A_12 = arith.constant 0 : index
    %get3A_13 = arith.constant 0 : index
    %get3A_14 = vector.load %arg2[%get3A_12, %get3A_13] : memref<2048x128xf32, #tpu.memory_space<vmem>>, vector<2048x64xf32>
    %add3A_15 = arith.addf %get3A_11, %get3A_14 : vector<2048x64xf32>
    %mul3A = vector.broadcast %div3A_8 : vector<2048x1xf32> to vector<2048x64xf32>
    %mul3A_16 = arith.mulf %add3A_15, %mul3A : vector<2048x64xf32>
    %get3A_17 = arith.constant 0 : index
    %get3A_18 = arith.constant 0 : index
    %get3A_19 = vector.load %arg3[%get3A_17, %get3A_18] : memref<2048x64xf32, #tpu.memory_space<vmem>>, vector<2048x64xf32>
    %add3A_20 = arith.addf %mul3A_16, %get3A_19 : vector<2048x64xf32>
    %max3A_21 = arith.constant 0.000000e+00 : f32
    %max3A_22 = vector.broadcast %max3A_21 : f32 to vector<2048x64xf32>
    %max3A_23 = arith.maximumf %add3A_20, %max3A_22 : vector<2048x64xf32>
    %broadcast_in_dim3A = arith.constant 0.000000e+00 : f32
    %broadcast_in_dim3A_24 = vector.broadcast %broadcast_in_dim3A : f32 to vector<2048x64xf32>
    %concatenate3A = tpu.concatenate %max3A_23, %broadcast_in_dim3A_24 in 1 : vector<2048x64xf32>, vector<2048x64xf32> -> vector<2048x128xf32>
    %swap3A = arith.constant 0 : index
    %swap3A_25 = arith.constant 0 : index
    %swap3A_26 = vector.load %arg4[%swap3A, %swap3A_25] : memref<2048x128xf32, #tpu.memory_space<vmem>>, vector<2048x128xf32>
    tpu.vector_store %arg4[%swap3A, %swap3A_25], %concatenate3A {strides = array<i32>} : memref<2048x128xf32, #tpu.memory_space<vmem>>, vector<2048x128xf32>,
    %swap3A_27 = arith.constant 0 : index
    %swap3A_28 = arith.constant 0 : index
    %swap3A_29 = vector.load %arg5[%swap3A_27, %swap3A_28] : memref<2048x1xf32, #tpu.memory_space<vmem>>, vector<2048x1xf32>
    tpu.vector_store %arg5[%swap3A_27, %swap3A_28], %div3A_8 {strides = array<i32>} : memref<2048x1xf32, #tpu.memory_space<vmem>>, vector<2048x1xf32>,
    return
  }
  func.func @transform_0(%arg0: i32) -> (i32, i32) {
    %c0_i32 = arith.constant 0 : i32
    %c0_i32_0 = arith.constant 0 : i32
    return %arg0, %c0_i32 : i32, i32
  }
  func.func @transform_1(%arg0: i32) -> (i32, i32) {
    %add3A = arith.constant 5 : i32
    %add3A_0 = arith.addi %arg0, %add3A : i32
    %c0_i32 = arith.constant 0 : i32
    %c0_i32_1 = arith.constant 0 : i32
    return %add3A_0, %c0_i32 : i32, i32
  }
  func.func @transform_2(%arg0: i32) -> (i32, i32) {
    %c0_i32 = arith.constant 0 : i32
    %c0_i32_0 = arith.constant 0 : i32
    return %arg0, %c0_i32 : i32, i32
  }
  func.func @transform_3(%arg0: i32) -> (i32, i32) {
    %c0_i32 = arith.constant 0 : i32
    %c0_i32_0 = arith.constant 0 : i32
    return %arg0, %c0_i32 : i32, i32
  }
  func.func @transform_4(%arg0: i32) -> (i32, i32) {
    %c0_i32 = arith.constant 0 : i32
    %c0_i32_0 = arith.constant 0 : i32
    return %arg0, %c0_i32 : i32, i32
  }
}

module attributes {stable_mosaic.version = 14 : i64} {
  func.func @_update_body(%arg0: i32, %arg1: memref<2048x128xf32, #tpu.memory_space<vmem>>, %arg2: memref<2048x128xf32, #tpu.memory_space<vmem>>, %arg3: memref<2048x1xf32, #tpu.memory_space<vmem>>, %arg4: memref<2048x64xf32, #tpu.memory_space<vmem>>, %arg5: memref<2048x128xf32, #tpu.memory_space<vmem>>) attributes {dimension_semantics = [#tpu.dimension_semantics<arbitrary>], iteration_bounds = array<i64: 5>, scalar_prefetch = 0 : i64, scratch_operands = 0 : i64, tpu.core_type = #tpu.core_type<tc>, window_params = [{transform_indices = @transform_0, window_bounds = array<i64: 2048, 128>}, {transform_indices = @transform_1, window_bounds = array<i64: 2048, 128>}, {transform_indices = @transform_2, window_bounds = array<i64: 2048, 1>}, {transform_indices = @transform_3, window_bounds = array<i64: 2048, 64>}, {transform_indices = @transform_4, window_bounds = array<i64: 2048, 128>}]} {
    %get3A = arith.constant 0 : index
    %get3A_0 = arith.constant 0 : index
    %get3A_1 = vector.load %arg1[%get3A, %get3A_0] : memref<2048x128xf32, #tpu.memory_space<vmem>>, vector<2048x64xf32>
    %get3A_2 = arith.constant 0 : index
    %get3A_3 = arith.constant 0 : index
    %get3A_4 = vector.load %arg2[%get3A_2, %get3A_3] : memref<2048x128xf32, #tpu.memory_space<vmem>>, vector<2048x64xf32>
    %add3A = arith.addf %get3A_1, %get3A_4 : vector<2048x64xf32>
    %get3A_5 = arith.constant 0 : index
    %get3A_6 = arith.constant 0 : index
    %get3A_7 = vector.load %arg3[%get3A_5, %get3A_6] : memref<2048x1xf32, #tpu.memory_space<vmem>>, vector<2048x1xf32>
    %mul3A = vector.broadcast %get3A_7 : vector<2048x1xf32> to vector<2048x64xf32>
    %mul3A_8 = arith.mulf %add3A, %mul3A : vector<2048x64xf32>
    %get3A_9 = arith.constant 0 : index
    %get3A_10 = arith.constant 0 : index
    %get3A_11 = vector.load %arg4[%get3A_9, %get3A_10] : memref<2048x64xf32, #tpu.memory_space<vmem>>, vector<2048x64xf32>
    %add3A_12 = arith.addf %mul3A_8, %get3A_11 : vector<2048x64xf32>
    %max3A = arith.constant 0.000000e+00 : f32
    %max3A_13 = vector.broadcast %max3A : f32 to vector<2048x64xf32>
    %max3A_14 = arith.maximumf %add3A_12, %max3A_13 : vector<2048x64xf32>
    %broadcast_in_dim3A = arith.constant 0.000000e+00 : f32
    %broadcast_in_dim3A_15 = vector.broadcast %broadcast_in_dim3A : f32 to vector<2048x64xf32>
    %concatenate3A = tpu.concatenate %max3A_14, %broadcast_in_dim3A_15 in 1 : vector<2048x64xf32>, vector<2048x64xf32> -> vector<2048x128xf32>
    %swap3A = arith.constant 0 : index
    %swap3A_16 = arith.constant 0 : index
    %swap3A_17 = vector.load %arg5[%swap3A, %swap3A_16] : memref<2048x128xf32, #tpu.memory_space<vmem>>, vector<2048x128xf32>
    tpu.vector_store %arg5[%swap3A, %swap3A_16], %concatenate3A {strides = array<i32>} : memref<2048x128xf32, #tpu.memory_space<vmem>>, vector<2048x128xf32>,
    return
  }
  func.func @transform_0(%arg0: i32) -> (i32, i32) {
    %c0_i32 = arith.constant 0 : i32
    %c0_i32_0 = arith.constant 0 : i32
    return %arg0, %c0_i32 : i32, i32
  }
  func.func @transform_1(%arg0: i32) -> (i32, i32) {
    %add3A = arith.constant 5 : i32
    %add3A_0 = arith.addi %arg0, %add3A : i32
    %c0_i32 = arith.constant 0 : i32
    %c0_i32_1 = arith.constant 0 : i32
    return %add3A_0, %c0_i32 : i32, i32
  }
  func.func @transform_2(%arg0: i32) -> (i32, i32) {
    %c0_i32 = arith.constant 0 : i32
    %c0_i32_0 = arith.constant 0 : i32
    return %arg0, %c0_i32 : i32, i32
  }
  func.func @transform_3(%arg0: i32) -> (i32, i32) {
    %c0_i32 = arith.constant 0 : i32
    %c0_i32_0 = arith.constant 0 : i32
    return %arg0, %c0_i32 : i32, i32
  }
  func.func @transform_4(%arg0: i32) -> (i32, i32) {
    %c0_i32 = arith.constant 0 : i32
    %c0_i32_0 = arith.constant 0 : i32
    return %arg0, %c0_i32 : i32, i32
  }
}

module attributes {stable_mosaic.version = 14 : i64} {
  func.func @_final_body(%arg0: i32, %arg1: memref<2048x128xf32, #tpu.memory_space<vmem>>, %arg2: memref<2048x128xf32, #tpu.memory_space<vmem>>, %arg3: memref<2048x1xf32, #tpu.memory_space<vmem>>, %arg4: memref<2048x64xf32, #tpu.memory_space<vmem>>, %arg5: memref<1x64xf32, #tpu.memory_space<vmem>>, %arg6: memref<1x1xf32, #tpu.memory_space<vmem>>, %arg7: memref<2048x1xf32, #tpu.memory_space<vmem>>) attributes {dimension_semantics = [#tpu.dimension_semantics<arbitrary>], iteration_bounds = array<i64: 5>, scalar_prefetch = 0 : i64, scratch_operands = 0 : i64, tpu.core_type = #tpu.core_type<tc>, window_params = [{transform_indices = @transform_0, window_bounds = array<i64: 2048, 128>}, {transform_indices = @transform_1, window_bounds = array<i64: 2048, 128>}, {transform_indices = @transform_2, window_bounds = array<i64: 2048, 1>}, {transform_indices = @transform_3, window_bounds = array<i64: 2048, 64>}, {pipeline_mode = #tpu.pipeline_mode<synchronous>, transform_indices = @transform_4, window_bounds = array<i64: 1, 64>}, {pipeline_mode = #tpu.pipeline_mode<synchronous>, transform_indices = @transform_5, window_bounds = array<i64: 1, 1>}, {transform_indices = @transform_6, window_bounds = array<i64: 2048, 1>}]} {
    %get3A = arith.constant 0 : index
    %get3A_0 = arith.constant 0 : index
    %get3A_1 = vector.load %arg1[%get3A, %get3A_0] : memref<2048x128xf32, #tpu.memory_space<vmem>>, vector<2048x64xf32>
    %get3A_2 = arith.constant 0 : index
    %get3A_3 = arith.constant 0 : index
    %get3A_4 = vector.load %arg2[%get3A_2, %get3A_3] : memref<2048x128xf32, #tpu.memory_space<vmem>>, vector<2048x64xf32>
    %add3A = arith.addf %get3A_1, %get3A_4 : vector<2048x64xf32>
    %get3A_5 = arith.constant 0 : index
    %get3A_6 = arith.constant 0 : index
    %get3A_7 = vector.load %arg3[%get3A_5, %get3A_6] : memref<2048x1xf32, #tpu.memory_space<vmem>>, vector<2048x1xf32>
    %mul3A = vector.broadcast %get3A_7 : vector<2048x1xf32> to vector<2048x64xf32>
    %mul3A_8 = arith.mulf %add3A, %mul3A : vector<2048x64xf32>
    %get3A_9 = arith.constant 0 : index
    %get3A_10 = arith.constant 0 : index
    %get3A_11 = vector.load %arg4[%get3A_9, %get3A_10] : memref<2048x64xf32, #tpu.memory_space<vmem>>, vector<2048x64xf32>
    %add3A_12 = arith.addf %mul3A_8, %get3A_11 : vector<2048x64xf32>
    %max3A = arith.constant 0.000000e+00 : f32
    %max3A_13 = vector.broadcast %max3A : f32 to vector<2048x64xf32>
    %max3A_14 = arith.maximumf %add3A_12, %max3A_13 : vector<2048x64xf32>
    %get3A_15 = arith.constant 0 : index
    %get3A_16 = arith.constant 0 : index
    %get3A_17 = vector.load %arg5[%get3A_15, %get3A_16] : memref<1x64xf32, #tpu.memory_space<vmem>>, vector<1x64xf32>
    %mul3A_18 = vector.broadcast %get3A_17 : vector<1x64xf32> to vector<2048x64xf32>
    %mul3A_19 = arith.mulf %max3A_14, %mul3A_18 : vector<2048x64xf32>
    %reduce_sum3A = arith.constant dense<0.000000e+00> : vector<2048xf32>
    %reduce_sum3A_20 = vector.multi_reduction <add>, %mul3A_19, %reduce_sum3A [1] : vector<2048x64xf32> to vector<2048xf32>
    %broadcast_in_dim3A = vector.shape_cast %reduce_sum3A_20 : vector<2048xf32> to vector<2048x1xf32>
    %get3A_21 = arith.constant 0 : index
    %get3A_22 = arith.constant 0 : index
    %get3A_23 = vector.load %arg6[%get3A_21, %get3A_22] : memref<1x1xf32, #tpu.memory_space<vmem>>, vector<1x1xf32>
    %get3A_24 = vector.extract %get3A_23[0, 0] : f32 from vector<1x1xf32>
    %add3A_25 = vector.broadcast %get3A_24 : f32 to vector<2048x1xf32>
    %add3A_26 = arith.addf %broadcast_in_dim3A, %add3A_25 : vector<2048x1xf32>
    %swap3A = arith.constant 0 : index
    %swap3A_27 = arith.constant 0 : index
    %swap3A_28 = vector.load %arg7[%swap3A, %swap3A_27] : memref<2048x1xf32, #tpu.memory_space<vmem>>, vector<2048x1xf32>
    tpu.vector_store %arg7[%swap3A, %swap3A_27], %add3A_26 {strides = array<i32>} : memref<2048x1xf32, #tpu.memory_space<vmem>>, vector<2048x1xf32>,
    return
  }
  func.func @transform_0(%arg0: i32) -> (i32, i32) {
    %c0_i32 = arith.constant 0 : i32
    %c0_i32_0 = arith.constant 0 : i32
    return %arg0, %c0_i32 : i32, i32
  }
  func.func @transform_1(%arg0: i32) -> (i32, i32) {
    %add3A = arith.constant 5 : i32
    %add3A_0 = arith.addi %arg0, %add3A : i32
    %c0_i32 = arith.constant 0 : i32
    %c0_i32_1 = arith.constant 0 : i32
    return %add3A_0, %c0_i32 : i32, i32
  }
  func.func @transform_2(%arg0: i32) -> (i32, i32) {
    %c0_i32 = arith.constant 0 : i32
    %c0_i32_0 = arith.constant 0 : i32
    return %arg0, %c0_i32 : i32, i32
  }
  func.func @transform_3(%arg0: i32) -> (i32, i32) {
    %c0_i32 = arith.constant 0 : i32
    %c0_i32_0 = arith.constant 0 : i32
    return %arg0, %c0_i32 : i32, i32
  }
  func.func @transform_4(%arg0: i32) -> (i32, i32) {
    %c0_i32 = arith.constant 0 : i32
    %c0_i32_0 = arith.constant 0 : i32
    %c0_i32_1 = arith.constant 0 : i32
    return %c0_i32, %c0_i32_0 : i32, i32
  }
  func.func @transform_5(%arg0: i32) -> (i32, i32) {
    %c0_i32 = arith.constant 0 : i32
    %c0_i32_0 = arith.constant 0 : i32
    %c0_i32_1 = arith.constant 0 : i32
    return %c0_i32, %c0_i32_0 : i32, i32
  }
  func.func @transform_6(%arg0: i32) -> (i32, i32) {
    %c0_i32 = arith.constant 0 : i32
    %c0_i32_0 = arith.constant 0 : i32
    return %arg0, %c0_i32 : i32, i32
  }
}

</mosaic_0001>

<sc_bundles>
// kernel: kernel.21.cloned.1.call-start
scs
__scs_entry_jumppad:
0x0: {  	(pc) =	sbr.rel $0x88, $3  }
0x1: {  	(tag) =	ssettag $0x0;
	lr =	simm.s32 $0x1  }
0x2: {  	[smem:$0x3F94] =	sst lr;
	_ =	strace $0xD0000000  }
0x3: {  	_ = 	snop  }
0x4: {  	_ = 	snop  }
0x5: {  	_ = 	snop  }
0x6: {  	_ = 	snop  }
0x7: {  	_ = 	snop  }
__scs_overlays_trampoline_lowered:
0x8: {  	[smem:$0x3FA3] =	sst s0  }
0x9: {  	[smem:$0x3FA4] =	sst s1  }
0xa: {  	[smem:$0x3FA5] =	sst s2  }
0xb: {  	[smem:$0x3FA6] =	sst s3  }
0xc: {  	[smem:$0x3FA7] =	sst s4  }
0xd: {  	[smem:$0x3FA8] =	sst s5  }
0xe: {  	[smem:$0x3FA9] =	sst s6  }
0xf: {  	[smem:$0x3FAA] =	sst s7  }
0x10: {  	[smem:$0x3FAB] =	sst s8  }
0x11: {  	[smem:$0x3FAC] =	sst s9;
	s0 =	simm.s32 @!p0 $0x0  }
0x12: {  	s1 =	sld [smem:$0x3F92];
	s0 =	simm.s32 @p0 $0x1  }
0x13: {  	[smem:$0x3FAD] =	sst s0;
	s0 =	simm.s32 @!p1 $0x0  }
0x14: {  	s2 =	sld [smem:$0x3F91];
	s0 =	simm.s32 @p1 $0x1  }
0x15: {  	[smem:$0x3FAE] =	sst s0;
	s0 =	simm.s32 @!p2 $0x0  }
0x16: {  	s3 =	sld [smem:$0x3FDB];
	s0 =	simm.s32 @p2 $0x1  }
0x17: {  	s4 =	simm.s32 $0x1BF5;
	[smem:$0x3FB0] =	sst s0  }
0x18: {  	s0 =	sld [smem:$0x3F93];
	_ =	swait.ge [sflag:s4], $0x0  }
0x19: {  	s7 =	sld [smem:$0x3F94]  }
0x1a: {  	s8 =	sadd.s32 $0xFFFFE003, lr  }
0x1b: {  	s9 =	sadd.s32 $0xFFFFFEF7, lr;
	s5 =	simm.s32 $0xFFFFFFFF;
	p2 =	slt.u32 s8, $0xFFFFF086  }
0x1c: {  	p1 =	slt.u32 s9, $0xF7A;
	s5 =	simm.s32 @!p2 $0x0  }
0x1d: {  	s5 =	simm.s32 @p1 $0x1;
	p0 =	seq.s32 s7, s2  }
0x1e: {  	s7 =	smul.u32 @!p0 $0xF7A, s2;
	p2 =	seq.s32 @!p0 s5, $0x0  }
0x1f: {  	s9 =	smul.u32 $0xF7A, s1;
	s8 =	simm.s32 @!p0 $0x1BF5;
	p2 =	por !p2, p0  }
0x20: {  	[sflag:s8] =	ssyncset.s32 @!p0 $0xFFFFF086;
	s6 =	sadd.s32 @!p0 s3, s7;
	s7 =	simm.s32 @!p0 $0x108  }
0x21: {  	s3 =	sadd.s32 s3, s9;
	s6 =	sadd.s32 @!p0 $0x88, s6;
	s7 =	simm.s32 @p2 $0x1082  }
0x22: {  	[simem:s7], [sflag:s8] =	dma.local @!p0 [hbm:s6], $0xF7A  }
0x23: {  	s9 =	sor.u32 $0xD0000000, s2;
	s6 =	simm.s32 $0x108;
	_ =	swait.ge @!p0 [sflag:s8], $0x0  }
0x24: {  	s3 =	sadd.s32 $0x88, s3;
	s6 =	simm.s32 @!p1 $0x1082;
	[sflag:s4] =	ssyncset.s32 $0xFFFFF086  }
0x25: {  	[simem:s6], [sflag:s4] =	dma.local [hbm:s3], $0xF7A  }
0x26: {  	[smem:$0x3F94] =	sst s1;
	(tag) =	ssettag s2;
	_ =	strace s9  }
0x27: {  	s1 =	sld [smem:$0x3FA4]  }
0x28: {  	s2 =	sld [smem:$0x3FA5]  }
0x29: {  	s4 =	sld [smem:$0x3FA7]  }
0x2a: {  	p0 =	seq.s32 s5, $0x0;
	s5 =	sld [smem:$0x3FA8]  }
0x2b: {  	s6 =	sld [smem:$0x3FA9]  }
0x2c: {  	s7 =	sld [smem:$0x3FAA]  }
0x2d: {  	s3 =	simm.s32 $0x108;
	s8 =	sld [smem:$0x3FAB]  }
0x2e: {  	s3 =	simm.s32 @!p0 $0x1082;
	s9 =	sld [smem:$0x3FAC]  }
0x2f: {  	lr =	sadd.s32 s0, s3;
	s0 =	sld [smem:$0x3FA3]  }
0x30: {  	s3 =	sld [smem:$0x3FA6]  }
0x31: {  	[smem:$0x3FAF] =	sst s10  }
0x32: {  	s10 =	sld [smem:$0x3FAD];
	_ =	sdelay $0x3  }
0x33: {  	p0 =	seq.s32 s10, $0x1;
	s10 =	sld [smem:$0x3FAF];
	_ =	sdelay $0x3  }
0x34: {  	[smem:$0x3FAF] =	sst s10  }
0x35: {  	s10 =	sld [smem:$0x3FAE];
	_ =	sdelay $0x3  }
0x36: {  	p1 =	seq.s32 s10, $0x1;
	s10 =	sld [smem:$0x3FAF];
	_ =	sdelay $0x3  }
0x37: {  	[smem:$0x3FAF] =	sst s10  }
0x38: {  	s10 =	sld [smem:$0x3FB0]  }
0x39: {  	_ = 	snop;
	(pc) =	sbr.ind lr, $3  }
0x3a: {  	_ = 	snop  }
0x3b: {  	_ = 	snop  }
0x3c: {  	p2 =	seq.s32 s10, $0x1;
	s10 =	sld [smem:$0x3FAF]  }
0x3d: {  	_ =	shalt  }
0x3e: {  	_ =	shalt  }
0x3f: {  	_ =	shalt  }
0x40: {  	_ =	shalt  }
0x41: {  	_ =	shalt  }
0x42: {  	_ =	shalt  }
0x43: {  	_ =	shalt  }
0x44: {  	_ =	shalt  }
0x45: {  	_ =	shalt  }
0x46: {  	_ =	shalt  }
0x47: {  	_ =	shalt  }
0x48: {  	_ =	shalt  }
0x49: {  	_ =	shalt  }
0x4a: {  	_ =	shalt  }
0x4b: {  	_ =	shalt  }
0x4c: {  	_ =	shalt  }
0x4d: {  	_ =	shalt  }
0x4e: {  	_ =	shalt  }
0x4f: {  	_ =	shalt  }
0x50: {  	_ =	shalt  }
0x51: {  	_ =	shalt  }
0x52: {  	_ =	shalt  }
0x53: {  	_ =	shalt  }
0x54: {  	_ =	shalt  }
0x55: {  	_ =	shalt  }
0x56: {  	_ =	shalt  }
0x57: {  	_ =	shalt  }
0x58: {  	_ =	shalt  }
0x59: {  	_ =	shalt  }
0x5a: {  	_ =	shalt  }
0x5b: {  	_ =	shalt  }
0x5c: {  	_ =	shalt  }
0x5d: {  	_ =	shalt  }
0x5e: {  	_ =	shalt  }
0x5f: {  	_ =	shalt  }
0x60: {  	_ =	shalt  }
0x61: {  	_ =	shalt  }
0x62: {  	_ =	shalt  }
0x63: {  	_ =	shalt  }
0x64: {  	_ =	shalt  }
0x65: {  	_ =	shalt  }
0x66: {  	_ =	shalt  }
0x67: {  	_ =	shalt  }
0x68: {  	_ =	shalt  }
0x69: {  	_ =	shalt  }
0x6a: {  	_ =	shalt  }
0x6b: {  	_ =	shalt  }
0x6c: {  	_ =	shalt  }
0x6d: {  	_ =	shalt  }
0x6e: {  	_ =	shalt  }
0x6f: {  	_ =	shalt  }
0x70: {  	_ =	shalt  }
0x71: {  	_ =	shalt  }
0x72: {  	_ =	shalt  }
0x73: {  	_ =	shalt  }
0x74: {  	_ =	shalt  }
0x75: {  	_ =	shalt  }
0x76: {  	_ =	shalt  }
0x77: {  	_ =	shalt  }
0x78: {  	_ =	shalt  }
0x79: {  	_ =	shalt  }
0x7a: {  	_ =	shalt  }
0x7b: {  	_ =	shalt  }
0x7c: {  	_ =	shalt  }
0x7d: {  	_ =	shalt  }
0x7e: {  	_ =	shalt  }
0x7f: {  	_ =	shalt  }
0x80: {  	_ =	shalt  }
0x81: {  	_ =	shalt  }
0x82: {  	_ =	shalt  }
0x83: {  	_ =	shalt  }
0x84: {  	_ =	shalt  }
0x85: {  	_ =	shalt  }
0x86: {  	_ =	shalt  }
0x87: {  	_ =	shalt  }
.Lfunc_end0:
.L_simem_size_0:
called_computation_lowered:
.L_overlay_start_0:
0x88: {  	s2 =	sld [smem:$0x3FD9]  }
0x89: {  	s3 =	sld [smem:$0x3FFE];
	_ =	sdelay $0x1  }
0x8a: {  	s1 =	srdreg.scid  }
0x8b: {  	s0 =	sand.u32 $0x1, s1  }
0x8c: {  	s16 =	sshll.u32 s0, $0xA;
	s2 =	sadd.s32 s3, s2  }
0x8d: {  	s2 =	sadd.s32 s2, s16  }
0x8e: {  	[smem:$0x3FBB] =	sst s2  }
0x8f: {  	_ = 	snop  }
0x90: {  	(tm) =	ssettm $0x1  }
0x91: {  	s17 =	sld [smem:$0x3FFB];
	_ =	sdelay $0x3  }
0x92: {  	_ =	strace s17  }
0x93: {  	s2 =	sld [smem:$0x3FFC];
	_ =	sdelay $0x3  }
0x94: {  	_ =	strace s2  }
0x95: {  	s2 =	sld [smem:$0x3FFD];
	_ =	sdelay $0x3  }
0x96: {  	_ =	strace s2  }
0x97: {  	_ =	strace $0x8FFFFFFF  }
0x98: {  	s18 =	sld [smem:$0x3FDB];
	_ =	sdelay $0x1  }
0x99: {  	s19 =	simm.s32 $_scs_section_size  }
0x9a: {  	s4 =	simm.s32 $_size__tile_overlayer_lowered;
	s5 =	simm.s32 $_tile_overlayer_lowered  }
0x9b: {  	s22 =	simm.s32 $0x1BFF;
	s21 =	sshll.u32 s5, $0x1;
	s2 =	sadd.s32 s19, s18  }
0x9c: {  	s6 =	simm.s32 $0x0;
	s20 =	sshll.u32 s4, $0x1;
	s4 =	sadd.s32 s21, s2  }
0x9d: {  	[timem:s6], [sflag:s22] =	dma.local [hbm:s4], s20  }
0x9e: {  	_ =	swait.ge [sflag:s22], s20  }
0x9f: {  	s3 =	ssub.s32 $0x0, s20;
	[sflag:s22] =	ssyncset.done $0x0  }
0xa0: {  	[sflag:s22] =	ssyncadd.s32 s3;
	_ =	sdelay $0x1  }
0xa1: {  	s23 =	simm.s32 $0x1B8B  }
0xa2: {  	_ =	swait.ge [sflag:s23], $0x1  }
0xa3: {  	[sflag:s23] =	ssyncset.done $0x0  }
0xa4: {  	s25 =	simm.s32 $0x1B8E;
	s24 =	sld [smem:$0x3FFE];
	[sflag:s23] =	ssyncadd.s32 $0xFFFFFFFF  }
0xa5: {  	s26 =	simm.s32 $execute0_lowered;
	[smem:$0x3FD2] =	sst s25  }
0xa6: {  	s4 =	sshll.u32 s26, $0x1;
	_ =	strace $0x80000046;
	[dreg:$0x1] =	wrdreg $0xFFFFFFFF  }
0xa7: {  	s28 =	simm.s32 $_size_execute0_lowered;
	s2 =	sadd.s32 s2, s4;
	[dreg:$0x0] =	wrdreg $0x0  }
0xa8: {  	s4 =	sshll.u32 s28, $0x1;
	[dreg:$0x2] =	wrdreg s2  }
0xa9: {  	[dreg:$0x3] =	wrdreg s4  }
0xaa: {  	[dreg:$0x4] =	wrdreg $0xC0  }
0xab: {  	_ =	task [dreg:s6], $0x5FFFF  }
0xac: {  	[dreg:$0x1] =	wrdreg $0xFFFFFFFF  }
0xad: {  	[dreg:$0x0] =	wrdreg $0x60  }
0xae: {  	[dreg:$0x2] =	wrdreg s24  }
0xaf: {  	[dreg:$0x3] =	wrdreg $0x9  }
0xb0: {  	_ =	task.clear_ibuf [dreg:s6], $0x4FFFF;
	_ =	strace $0x90000046  }
0xb1: {  	s29 =	simm.s32 $0x9;
	_ =	strace $0x80000048  }
0xb2: {  	_ =	swait.ge [sflag:s29], $0x1  }
0xb3: {  	[sflag:s29] =	ssyncadd.s32 $0xFFFFFFFF  }
0xb4: {  	_ =	strace $0x90000048  }
0xb5: {  	_ =	sfence  }
0xb6: {  	s30 =	sld [smem:$0x0];
	_ =	sdelay $0x2  }
0xb7: {  	s31 =	sshll.u32 s1, $0xD;
	s1 =	sshrl.u32 s1, $0x2  }
0xb8: {  	s3 =	sand.u32 $0x4000, s31;
	s1 =	sadd.s32 s1, s30  }
0xb9: {  	s0 =	sor.u32 s3, s0;
	s1 =	sshll.u32 s1, $0x11  }
0xba: {  	s0 =	sor.u32 s1, s0  }
0xbb: {  	s0 =	sadd.s32 $0x8F2B, s0  }
0xbc: {  	[sflag:s0] =	ssyncadd.remote.s32 $0x1  }
0xbd: {  	_ =	sfence.sel $0xFFFF  }
0xbe: {  	[dreg:$0x0] =	wrdreg $0xFFFFFFFF;
	(pc) =	sbr.abs _section_cstart, $3  }
0xbf: {  	[dreg:$0x1] =	wrdreg $0xFFFFFFFF  }
0xc0: {  	_ =	task.clear_ibuf [dreg:s6], $0x2FFFF;
	_ =	strace $0x9FFFFFFF  }
0xc1: {  	(tm) =	ssettm $0x7FFFFFFF  }
tec
execute0_lowered:
.L_overlay_start_1:
0x0: {  	(tag) =	ssettag $0x1  }
0x1: {  	s4 =	rddreg [dreg:$0x0]  }
0x2: {  	s0 =	rddreg [dreg:$0x1];
	s2 =	simm.s32 $0x0;
	s1 =	stileid.u32  }
0x3: {  	s3 =	srdreg.scid;
	s12 =	simm.s32 $0x4100;
	s13 =	simm.s32 $0x3  }
0x4: {  	s14 =	simm.s32 $0x4;
	s15 =	simm.s32 $0x5;
	s16 =	simm.s32 $0x6  }
0x5: {  	s17 =	simm.s32 $0x0;
	[smem:$0x7FF] =	sst s2;
	s5 =	smul.u32 $0x28000, s1  }
0x6: {  	s6 =	sand.u32 $0x1, s3;
	s7 =	smul.u32 $0x2800, s1;
	s3 =	sadd.s32 $0x10400, s4  }
0x7: {  	s10 =	sadd.s32 $0xB400, s4;
	s8 =	ssub.s32 $0x2, s6;
	s9 =	smul.u32 $0x1400, s6  }
0x8: {  	_ =	strace $0x80000047;
	s6 =	smul.u32 $0x14000, s6;
	s11 =	sshrl.u32 s8, $0x1  }
0x9: {  	s5 =	sadd.s32 s5, s4;
	s30 =	ssub.s32 s8, s11;
	s7 =	sadd.s32 s9, s7  }
0xa: {  	s5 =	sadd.s32 s6, s5;
	s8 =	simm.s32 $0x80;
	s9 =	simm.s32 $0x1  }
0xb: {  	s11 =	simm.s32 $0x2;
	s4 =	smax.u32 s30, $0x1;
	s31 =	sor.u32 $0x80, s7  }
0xc: {  	s5 =	sadd.s32 $0x38C00, s5;
	s7 =	sshrl.u32 s7, $0x3;
	s6 =	sshrl.u32 s31, $0x3  }
0xd: {  	s7 =	sadd.s32 s7, s10;
	s6 =	sadd.s32 s6, s10;
	s10 =	simm.s32 $0x100  }
.LBB2_1:
0xe: {  	s18 =	sadd.s32 $0x0, s7  }
0xf: {  	[tilespmem:s2], [sflag:$0x1] =	stream.linear.gather [hbm4b:s18+s2], $0x80, $0x38;
	[tilespmem:$0x8100] =	vst v63  }
0x10: {  	s30 =	sadd.s32 $0x0, s6  }
0x11: {  	[tilespmem:s8], [sflag:$0x2] =	stream.linear.gather [hbm4b:s30+s2], $0x80, $0x38;
	[tilespmem:$0x8100] =	vst v63  }
0x12: {  	_ =	swait.ge [sflag:s9], $0x80  }
0x13: {  	[sflag:s9] =	ssyncset.done $0x0  }
0x14: {  	[sflag:s9] =	ssyncadd.s32 $0xFFFFFF80  }
0x15: {  	[tilespmem:s10], [sflag:$0x3] =	stream.indirect.gather [hbm4b:s3+s8], $0x80, s2, s8, $0xb8;
	[tilespmem:$0x8100] =	vst v63  }
0x16: {  	_ =	swait.ge [sflag:s11], $0x80  }
0x17: {  	[sflag:s11] =	ssyncset.done $0x0  }
0x18: {  	[sflag:s11] =	ssyncadd.s32 $0xFFFFFF80  }
0x19: {  	[tilespmem:s12], [sflag:$0x4] =	stream.indirect.gather [hbm4b:s3+s8], $0x80, s8, s8, $0xb8;
	[tilespmem:$0x8100] =	vst v63  }
0x1a: {  	_ =	swait.ge [sflag:s13], $0x4000  }
0x1b: {  	[sflag:s13] =	ssyncset.done $0x0  }
0x1c: {  	s31 =	sadd.s32 $0xFFFFF800, s5;
	[sflag:s13] =	ssyncadd.s32 $0xFFFFC000  }
0x1d: {  	[hbm4b:s31+s2] =	stream.linear.scatter [tilespmem:s10], [sflag:$0x5], $0x4000, $0x38;
	[tilespmem:$0x8100] =	vst v63  }
0x1e: {  	_ =	swait.ge [sflag:s14], $0x4000  }
0x1f: {  	[sflag:s14] =	ssyncset.done $0x0  }
0x20: {  	[sflag:s14] =	ssyncadd.s32 $0xFFFFC000  }
0x21: {  	[hbm4b:s5+s2] =	stream.linear.scatter [tilespmem:s12], [sflag:$0x6], $0x4000, $0x38;
	[tilespmem:$0x8100] =	vst v63  }
0x22: {  	_ =	swait.ge [sflag:s15], $0x4000  }
0x23: {  	[sflag:s15] =	ssyncset.done $0x0  }
0x24: {  	[sflag:s15] =	ssyncadd.s32 $0xFFFFC000  }
0x25: {  	s19 =	simm.s32 $0x20;
	_ =	swait.ge [sflag:s16], $0x4000  }
0x26: {  	s20 =	simm.s32 $0x40;
	s18 =	sadd.s32 $0x1000, s5;
	[sflag:s16] =	ssyncset.done $0x0  }
.LBB2_2:
0x27: {  	s21 =	sadd.s32 s19, s7  }
0x28: {  	[sflag:s16] =	ssyncadd.s32 $0xFFFFC000;
	s22 =	smov.u32 s20;
	s23 =	sadd.s32 $0x20, s20  }
0x29: {  	[tilespmem:s2], [sflag:$0x1] =	stream.linear.gather [hbm4b:s21+s2], $0x80, $0x38;
	[tilespmem:$0x8100] =	vst v63  }
0x2a: {  	p0 =	sne.s32 s20, $0x260;
	s20 =	sadd.s32 s19, s6;
	s19 =	smov.u32 s22  }
0x2b: {  	[tilespmem:s8], [sflag:$0x2] =	stream.linear.gather [hbm4b:s20+s2], $0x80, $0x38;
	[tilespmem:$0x8100] =	vst v63  }
0x2c: {  	_ =	swait.ge [sflag:s9], $0x80  }
0x2d: {  	[sflag:s9] =	ssyncset.done $0x0  }
0x2e: {  	[sflag:s9] =	ssyncadd.s32 $0xFFFFFF80  }
0x2f: {  	[tilespmem:s10], [sflag:$0x3] =	stream.indirect.gather [hbm4b:s3+s8], $0x80, s2, s8, $0xb8;
	[tilespmem:$0x8100] =	vst v63  }
0x30: {  	_ =	swait.ge [sflag:s11], $0x80  }
0x31: {  	[sflag:s11] =	ssyncset.done $0x0  }
0x32: {  	[sflag:s11] =	ssyncadd.s32 $0xFFFFFF80  }
0x33: {  	[tilespmem:s12], [sflag:$0x4] =	stream.indirect.gather [hbm4b:s3+s8], $0x80, s8, s8, $0xb8;
	[tilespmem:$0x8100] =	vst v63  }
0x34: {  	_ =	swait.ge [sflag:s13], $0x4000  }
0x35: {  	[sflag:s13] =	ssyncset.done $0x0  }
0x36: {  	s20 =	sadd.s32 $0xFFFFF800, s18;
	[sflag:s13] =	ssyncadd.s32 $0xFFFFC000  }
0x37: {  	[hbm4b:s20+s2] =	stream.linear.scatter [tilespmem:s10], [sflag:$0x5], $0x4000, $0x38;
	[tilespmem:$0x8100] =	vst v63  }
0x38: {  	_ =	swait.ge [sflag:s14], $0x4000  }
0x39: {  	[sflag:s14] =	ssyncset.done $0x0  }
0x3a: {  	[sflag:s14] =	ssyncadd.s32 $0xFFFFC000  }
0x3b: {  	[hbm4b:s18+s2] =	stream.linear.scatter [tilespmem:s12], [sflag:$0x6], $0x4000, $0x38;
	[tilespmem:$0x8100] =	vst v63  }
.Ltmp0:
0x3c: {  	_ =	swait.ge [sflag:s15], $0x4000;
	(pc) =	sbr.rel @p0 .LBB2_2-.Ltmp0, $4  }
0x3d: {  	[sflag:s15] =	ssyncset.done $0x0  }
0x3e: {  	[sflag:s15] =	ssyncadd.s32 $0xFFFFC000  }
0x3f: {  	_ =	swait.ge [sflag:s16], $0x4000  }
0x40: {  	s20 =	smov.u32 s23;
	s18 =	sadd.s32 $0x1000, s18;
	[sflag:s16] =	ssyncset.done $0x0  }
0x41: {  	s20 =	sadd.s32 s19, s7;
	[sflag:s16] =	ssyncadd.s32 $0xFFFFC000  }
0x42: {  	[tilespmem:s2], [sflag:$0x1] =	stream.linear.gather [hbm4b:s20+s2], $0x80, $0x38;
	[tilespmem:$0x8100] =	vst v63  }
0x43: {  	s30 =	sadd.s32 s19, s6  }
0x44: {  	[tilespmem:s8], [sflag:$0x2] =	stream.linear.gather [hbm4b:s30+s2], $0x80, $0x38;
	[tilespmem:$0x8100] =	vst v63  }
0x45: {  	_ =	swait.ge [sflag:s9], $0x80  }
0x46: {  	[sflag:s9] =	ssyncset.done $0x0  }
0x47: {  	[sflag:s9] =	ssyncadd.s32 $0xFFFFFF80  }
0x48: {  	[tilespmem:s10], [sflag:$0x3] =	stream.indirect.gather [hbm4b:s3+s8], $0x80, s2, s8, $0xb8;
	[tilespmem:$0x8100] =	vst v63  }
0x49: {  	_ =	swait.ge [sflag:s11], $0x80  }
0x4a: {  	[sflag:s11] =	ssyncset.done $0x0  }
0x4b: {  	[sflag:s11] =	ssyncadd.s32 $0xFFFFFF80  }
0x4c: {  	[tilespmem:s12], [sflag:$0x4] =	stream.indirect.gather [hbm4b:s3+s8], $0x80, s8, s8, $0xb8;
	[tilespmem:$0x8100] =	vst v63  }
0x4d: {  	_ =	swait.ge [sflag:s13], $0x4000  }
0x4e: {  	[sflag:s13] =	ssyncset.done $0x0  }
0x4f: {  	s31 =	sadd.s32 $0xFFFFF800, s18;
	[sflag:s13] =	ssyncadd.s32 $0xFFFFC000  }
0x50: {  	[hbm4b:s31+s2] =	stream.linear.scatter [tilespmem:s10], [sflag:$0x5], $0x4000, $0x38;
	[tilespmem:$0x8100] =	vst v63  }
0x51: {  	_ =	swait.ge [sflag:s14], $0x4000  }
0x52: {  	[sflag:s14] =	ssyncset.done $0x0  }
0x53: {  	s17 =	sadd.s32 $0x1, s17;
	[sflag:s14] =	ssyncadd.s32 $0xFFFFC000  }
0x54: {  	[hbm4b:s18+s2] =	stream.linear.scatter [tilespmem:s12], [sflag:$0x6], $0x4000, $0x38;
	[tilespmem:$0x8100] =	vst v63  }
0x55: {  	p0 =	sne.s32 s17, s4;
	_ =	swait.ge [sflag:s15], $0x4000  }
.Ltmp1:
0x56: {  	[sflag:s15] =	ssyncset.done $0x0;
	(pc) =	sbr.rel @p0 .LBB2_1-.Ltmp1, $4  }
0x57: {  	[sflag:s15] =	ssyncadd.s32 $0xFFFFC000  }
0x58: {  	_ =	swait.ge [sflag:s16], $0x4000  }
0x59: {  	[sflag:s16] =	ssyncset.done $0x0  }
0x5a: {  	[sflag:s16] =	ssyncadd.s32 $0xFFFFC000  }
0x5b: {  	_ =	sfence.sel $0x180000  }
0x5c: {  	[bflag:$0x0] =	sbarrier.arrive $0xFFFF  }
0x5d: {  	p0 =	sne.s32 s1, $0x0;
	_ =	strace $0x90000047  }
0x5e: {  	s0 =	sadd.s32 @!p0 $0x100000, s0;
	[bflag:$0x2] =	sbarrier.arrive $0xFFFF  }
0x5f: {  	[sflag:s0] =	ssyncadd.tile.s32 @!p0 $0x1;
	_ =	shalt  }
.Lfunc_end2:
_tile_overlayer_lowered:
.L_overlay_start_2:
0x60: {  	(tag) =	ssettag $0x2  }
0x61: {  	s0 =	rddreg [dreg:$0x0];
	s2 =	stileid.u32  }
0x62: {  	s1 =	rddreg [dreg:$0x1];
	p0 =	sne.s32 s2, $0x0  }
0x63: {  	s3 =	rddreg [dreg:$0x2];
	[bflag:$0x3] =	sbarrier.arrive $0xFFFF;
	s2 =	simm.s32 @!p0 $0x1C07  }
0x64: {  	[timem:s3], [sflag:s2] =	dma.local @!p0 [hbm:s0], s1  }
0x65: {  	s0 =	simm.s32 @!p0 $0x7  }
0x66: {  	_ =	swait.ge @!p0 [sflag:s0], s1  }
0x67: {  	s1 =	ssub.s32 @!p0 $0x0, s1;
	[sflag:s0] =	ssyncset.done @!p0 $0x0  }
0x68: {  	[sflag:s0] =	ssyncadd.s32 @!p0 s1  }
0x69: {  	[bflag:$0x3] =	sbarrier.arrive $0xFFFF  }
0x6a: {  	_ =	shalt  }

// kernel: kernel.24.cloned.1.call-start
scs
__scs_entry_jumppad:
0x0: {  	(pc) =	sbr.rel $0x88, $3  }
0x1: {  	(tag) =	ssettag $0x0;
	lr =	simm.s32 $0x1  }
0x2: {  	[smem:$0x3F94] =	sst lr;
	_ =	strace $0xD0000000  }
0x3: {  	_ = 	snop  }
0x4: {  	_ = 	snop  }
0x5: {  	_ = 	snop  }
0x6: {  	_ = 	snop  }
0x7: {  	_ = 	snop  }
__scs_overlays_trampoline_lowered:
0x8: {  	[smem:$0x3FA3] =	sst s0  }
0x9: {  	[smem:$0x3FA4] =	sst s1  }
0xa: {  	[smem:$0x3FA5] =	sst s2  }
0xb: {  	[smem:$0x3FA6] =	sst s3  }
0xc: {  	[smem:$0x3FA7] =	sst s4  }
0xd: {  	[smem:$0x3FA8] =	sst s5  }
0xe: {  	[smem:$0x3FA9] =	sst s6  }
0xf: {  	[smem:$0x3FAA] =	sst s7  }
0x10: {  	[smem:$0x3FAB] =	sst s8  }
0x11: {  	[smem:$0x3FAC] =	sst s9;
	s0 =	simm.s32 @!p0 $0x0  }
0x12: {  	s1 =	sld [smem:$0x3F92];
	s0 =	simm.s32 @p0 $0x1  }
0x13: {  	[smem:$0x3FAD] =	sst s0;
	s0 =	simm.s32 @!p1 $0x0  }
0x14: {  	s2 =	sld [smem:$0x3F91];
	s0 =	simm.s32 @p1 $0x1  }
0x15: {  	[smem:$0x3FAE] =	sst s0;
	s0 =	simm.s32 @!p2 $0x0  }
0x16: {  	s3 =	sld [smem:$0x3FDB];
	s0 =	simm.s32 @p2 $0x1  }
0x17: {  	s4 =	simm.s32 $0x1BF5;
	[smem:$0x3FB0] =	sst s0  }
0x18: {  	s0 =	sld [smem:$0x3F93];
	_ =	swait.ge [sflag:s4], $0x0  }
0x19: {  	s7 =	sld [smem:$0x3F94]  }
0x1a: {  	s8 =	sadd.s32 $0xFFFFE003, lr  }
0x1b: {  	s9 =	sadd.s32 $0xFFFFFEF7, lr;
	s5 =	simm.s32 $0xFFFFFFFF;
	p2 =	slt.u32 s8, $0xFFFFF086  }
0x1c: {  	p1 =	slt.u32 s9, $0xF7A;
	s5 =	simm.s32 @!p2 $0x0  }
0x1d: {  	s5 =	simm.s32 @p1 $0x1;
	p0 =	seq.s32 s7, s2  }
0x1e: {  	s7 =	smul.u32 @!p0 $0xF7A, s2;
	p2 =	seq.s32 @!p0 s5, $0x0  }
0x1f: {  	s9 =	smul.u32 $0xF7A, s1;
	s8 =	simm.s32 @!p0 $0x1BF5;
	p2 =	por !p2, p0  }
0x20: {  	[sflag:s8] =	ssyncset.s32 @!p0 $0xFFFFF086;
	s6 =	sadd.s32 @!p0 s3, s7;
	s7 =	simm.s32 @!p0 $0x108  }
0x21: {  	s3 =	sadd.s32 s3, s9;
	s6 =	sadd.s32 @!p0 $0x88, s6;
	s7 =	simm.s32 @p2 $0x1082  }
0x22: {  	[simem:s7], [sflag:s8] =	dma.local @!p0 [hbm:s6], $0xF7A  }
0x23: {  	s9 =	sor.u32 $0xD0000000, s2;
	s6 =	simm.s32 $0x108;
	_ =	swait.ge @!p0 [sflag:s8], $0x0  }
0x24: {  	s3 =	sadd.s32 $0x88, s3;
	s6 =	simm.s32 @!p1 $0x1082;
	[sflag:s4] =	ssyncset.s32 $0xFFFFF086  }
0x25: {  	[simem:s6], [sflag:s4] =	dma.local [hbm:s3], $0xF7A  }
0x26: {  	[smem:$0x3F94] =	sst s1;
	(tag) =	ssettag s2;
	_ =	strace s9  }
0x27: {  	s1 =	sld [smem:$0x3FA4]  }
0x28: {  	s2 =	sld [smem:$0x3FA5]  }
0x29: {  	s4 =	sld [smem:$0x3FA7]  }
0x2a: {  	p0 =	seq.s32 s5, $0x0;
	s5 =	sld [smem:$0x3FA8]  }
0x2b: {  	s6 =	sld [smem:$0x3FA9]  }
0x2c: {  	s7 =	sld [smem:$0x3FAA]  }
0x2d: {  	s3 =	simm.s32 $0x108;
	s8 =	sld [smem:$0x3FAB]  }
0x2e: {  	s3 =	simm.s32 @!p0 $0x1082;
	s9 =	sld [smem:$0x3FAC]  }
0x2f: {  	lr =	sadd.s32 s0, s3;
	s0 =	sld [smem:$0x3FA3]  }
0x30: {  	s3 =	sld [smem:$0x3FA6]  }
0x31: {  	[smem:$0x3FAF] =	sst s10  }
0x32: {  	s10 =	sld [smem:$0x3FAD];
	_ =	sdelay $0x3  }
0x33: {  	p0 =	seq.s32 s10, $0x1;
	s10 =	sld [smem:$0x3FAF];
	_ =	sdelay $0x3  }
0x34: {  	[smem:$0x3FAF] =	sst s10  }
0x35: {  	s10 =	sld [smem:$0x3FAE];
	_ =	sdelay $0x3  }
0x36: {  	p1 =	seq.s32 s10, $0x1;
	s10 =	sld [smem:$0x3FAF];
	_ =	sdelay $0x3  }
0x37: {  	[smem:$0x3FAF] =	sst s10  }
0x38: {  	s10 =	sld [smem:$0x3FB0]  }
0x39: {  	_ = 	snop;
	(pc) =	sbr.ind lr, $3  }
0x3a: {  	_ = 	snop  }
0x3b: {  	_ = 	snop  }
0x3c: {  	p2 =	seq.s32 s10, $0x1;
	s10 =	sld [smem:$0x3FAF]  }
0x3d: {  	_ =	shalt  }
0x3e: {  	_ =	shalt  }
0x3f: {  	_ =	shalt  }
0x40: {  	_ =	shalt  }
0x41: {  	_ =	shalt  }
0x42: {  	_ =	shalt  }
0x43: {  	_ =	shalt  }
0x44: {  	_ =	shalt  }
0x45: {  	_ =	shalt  }
0x46: {  	_ =	shalt  }
0x47: {  	_ =	shalt  }
0x48: {  	_ =	shalt  }
0x49: {  	_ =	shalt  }
0x4a: {  	_ =	shalt  }
0x4b: {  	_ =	shalt  }
0x4c: {  	_ =	shalt  }
0x4d: {  	_ =	shalt  }
0x4e: {  	_ =	shalt  }
0x4f: {  	_ =	shalt  }
0x50: {  	_ =	shalt  }
0x51: {  	_ =	shalt  }
0x52: {  	_ =	shalt  }
0x53: {  	_ =	shalt  }
0x54: {  	_ =	shalt  }
0x55: {  	_ =	shalt  }
0x56: {  	_ =	shalt  }
0x57: {  	_ =	shalt  }
0x58: {  	_ =	shalt  }
0x59: {  	_ =	shalt  }
0x5a: {  	_ =	shalt  }
0x5b: {  	_ =	shalt  }
0x5c: {  	_ =	shalt  }
0x5d: {  	_ =	shalt  }
0x5e: {  	_ =	shalt  }
0x5f: {  	_ =	shalt  }
0x60: {  	_ =	shalt  }
0x61: {  	_ =	shalt  }
0x62: {  	_ =	shalt  }
0x63: {  	_ =	shalt  }
0x64: {  	_ =	shalt  }
0x65: {  	_ =	shalt  }
0x66: {  	_ =	shalt  }
0x67: {  	_ =	shalt  }
0x68: {  	_ =	shalt  }
0x69: {  	_ =	shalt  }
0x6a: {  	_ =	shalt  }
0x6b: {  	_ =	shalt  }
0x6c: {  	_ =	shalt  }
0x6d: {  	_ =	shalt  }
0x6e: {  	_ =	shalt  }
0x6f: {  	_ =	shalt  }
0x70: {  	_ =	shalt  }
0x71: {  	_ =	shalt  }
0x72: {  	_ =	shalt  }
0x73: {  	_ =	shalt  }
0x74: {  	_ =	shalt  }
0x75: {  	_ =	shalt  }
0x76: {  	_ =	shalt  }
0x77: {  	_ =	shalt  }
0x78: {  	_ =	shalt  }
0x79: {  	_ =	shalt  }
0x7a: {  	_ =	shalt  }
0x7b: {  	_ =	shalt  }
0x7c: {  	_ =	shalt  }
0x7d: {  	_ =	shalt  }
0x7e: {  	_ =	shalt  }
0x7f: {  	_ =	shalt  }
0x80: {  	_ =	shalt  }
0x81: {  	_ =	shalt  }
0x82: {  	_ =	shalt  }
0x83: {  	_ =	shalt  }
0x84: {  	_ =	shalt  }
0x85: {  	_ =	shalt  }
0x86: {  	_ =	shalt  }
0x87: {  	_ =	shalt  }
.Lfunc_end0:
.L_simem_size_0:
called_computation.1_lowered:
.L_overlay_start_0:
0x88: {  	s2 =	sld [smem:$0x3FD9]  }
0x89: {  	s3 =	sld [smem:$0x3FFE];
	_ =	sdelay $0x1  }
0x8a: {  	s1 =	srdreg.scid  }
0x8b: {  	s0 =	sand.u32 $0x1, s1  }
0x8c: {  	s16 =	sshll.u32 s0, $0xA;
	s2 =	sadd.s32 s3, s2  }
0x8d: {  	s2 =	sadd.s32 s2, s16  }
0x8e: {  	[smem:$0x3FBB] =	sst s2  }
0x8f: {  	_ = 	snop  }
0x90: {  	(tm) =	ssettm $0x1  }
0x91: {  	s17 =	sld [smem:$0x3FFB];
	_ =	sdelay $0x3  }
0x92: {  	_ =	strace s17  }
0x93: {  	s2 =	sld [smem:$0x3FFC];
	_ =	sdelay $0x3  }
0x94: {  	_ =	strace s2  }
0x95: {  	s2 =	sld [smem:$0x3FFD];
	_ =	sdelay $0x3  }
0x96: {  	_ =	strace s2  }
0x97: {  	_ =	strace $0x8FFFFFFF  }
0x98: {  	s18 =	sld [smem:$0x3FDB];
	_ =	sdelay $0x1  }
0x99: {  	s19 =	simm.s32 $_scs_section_size  }
0x9a: {  	s4 =	simm.s32 $_size__tile_overlayer_lowered;
	s5 =	simm.s32 $_tile_overlayer_lowered  }
0x9b: {  	s22 =	simm.s32 $0x1BFF;
	s21 =	sshll.u32 s5, $0x1;
	s2 =	sadd.s32 s19, s18  }
0x9c: {  	s6 =	simm.s32 $0x0;
	s20 =	sshll.u32 s4, $0x1;
	s4 =	sadd.s32 s21, s2  }
0x9d: {  	[timem:s6], [sflag:s22] =	dma.local [hbm:s4], s20  }
0x9e: {  	_ =	swait.ge [sflag:s22], s20  }
0x9f: {  	s3 =	ssub.s32 $0x0, s20;
	[sflag:s22] =	ssyncset.done $0x0  }
0xa0: {  	[sflag:s22] =	ssyncadd.s32 s3;
	_ =	sdelay $0x1  }
0xa1: {  	s23 =	simm.s32 $0x1B8B  }
0xa2: {  	_ =	swait.ge [sflag:s23], $0x1  }
0xa3: {  	[sflag:s23] =	ssyncset.done $0x0  }
0xa4: {  	s25 =	simm.s32 $0x1B8E;
	s24 =	sld [smem:$0x3FFE];
	[sflag:s23] =	ssyncadd.s32 $0xFFFFFFFF  }
0xa5: {  	s26 =	simm.s32 $execute0_lowered;
	[smem:$0x3FD2] =	sst s25  }
0xa6: {  	s4 =	sshll.u32 s26, $0x1;
	_ =	strace $0x80000049;
	[dreg:$0x1] =	wrdreg $0xFFFFFFFF  }
0xa7: {  	s28 =	simm.s32 $_size_execute0_lowered;
	s2 =	sadd.s32 s2, s4;
	[dreg:$0x0] =	wrdreg $0x0  }
0xa8: {  	s4 =	sshll.u32 s28, $0x1;
	[dreg:$0x2] =	wrdreg s2  }
0xa9: {  	[dreg:$0x3] =	wrdreg s4  }
0xaa: {  	[dreg:$0x4] =	wrdreg $0xC0  }
0xab: {  	_ =	task [dreg:s6], $0x5FFFF  }
0xac: {  	[dreg:$0x1] =	wrdreg $0xFFFFFFFF  }
0xad: {  	[dreg:$0x0] =	wrdreg $0x60  }
0xae: {  	[dreg:$0x2] =	wrdreg s24  }
0xaf: {  	[dreg:$0x3] =	wrdreg $0x81000  }
0xb0: {  	[dreg:$0x4] =	wrdreg $0x9  }
0xb1: {  	_ =	task.clear_ibuf [dreg:s6], $0x5FFFF;
	_ =	strace $0x90000049  }
0xb2: {  	s29 =	simm.s32 $0x9;
	_ =	strace $0x8000004B  }
0xb3: {  	_ =	swait.ge [sflag:s29], $0x1  }
0xb4: {  	[sflag:s29] =	ssyncadd.s32 $0xFFFFFFFF  }
0xb5: {  	_ =	strace $0x9000004B  }
0xb6: {  	_ =	sfence  }
0xb7: {  	s30 =	sld [smem:$0x0];
	_ =	sdelay $0x2  }
0xb8: {  	s31 =	sshll.u32 s1, $0xD;
	s1 =	sshrl.u32 s1, $0x2  }
0xb9: {  	s3 =	sand.u32 $0x4000, s31;
	s1 =	sadd.s32 s1, s30  }
0xba: {  	s0 =	sor.u32 s3, s0;
	s1 =	sshll.u32 s1, $0x11  }
0xbb: {  	s0 =	sor.u32 s1, s0  }
0xbc: {  	s0 =	sadd.s32 $0x8F2B, s0  }
0xbd: {  	[sflag:s0] =	ssyncadd.remote.s32 $0x1  }
0xbe: {  	_ =	sfence.sel $0xFFFF  }
0xbf: {  	[dreg:$0x0] =	wrdreg $0xFFFFFFFF;
	(pc) =	sbr.abs _section_cstart, $3  }
0xc0: {  	[dreg:$0x1] =	wrdreg $0xFFFFFFFF  }
0xc1: {  	_ =	task.clear_ibuf [dreg:s6], $0x2FFFF;
	_ =	strace $0x9FFFFFFF  }
0xc2: {  	(tm) =	ssettm $0x7FFFFFFF  }
0xc3: {  	_ =	shalt  }
tec
execute0_lowered:
.L_overlay_start_1:
0x0: {  	(tag) =	ssettag $0x1  }
0x1: {  	s4 =	rddreg [dreg:$0x0]  }
0x2: {  	s2 =	rddreg [dreg:$0x1]  }
0x3: {  	s0 =	rddreg [dreg:$0x2]  }
0x4: {  	s1 =	stileid.u32;
	s3 =	simm.s32 $0x0;
	s6 =	srdreg.scid  }
0x5: {  	s15 =	simm.s32 $0x8080;
	s16 =	simm.s32 $0x1;
	s17 =	simm.s32 $0x3  }
0x6: {  	s18 =	simm.s32 $0x80;
	s19 =	simm.s32 $0x2;
	s5 =	smul.u32 $0x28000, s1  }
0x7: {  	s20 =	simm.s32 $0x4;
	s21 =	simm.s32 $0x5;
	s7 =	smul.u32 $0x2800, s1  }
0x8: {  	s22 =	simm.s32 $0x6;
	s6 =	sand.u32 $0x1, s6;
	s24 =	smul.u32 $0x50000, s1  }
0x9: {  	s23 =	simm.s32 $0x0;
	[smem:$0x7FF] =	sst s3;
	s8 =	smul.u32 $0x28000, s6  }
0xa: {  	s10 =	sadd.s32 $0x2B8400, s4;
	s26 =	sshll.u32 s1, $0x6;
	s14 =	smul.u32 $0x1400, s6  }
0xb: {  	_ =	strace $0x8000004A;
	s12 =	ssub.s32 $0x2, s6;
	s28 =	smul.u32 $0x14000, s6  }
0xc: {  	s9 =	sadd.s32 s5, s4;
	s11 =	sadd.s32 s7, s4;
	s25 =	sshrl.u32 s12, $0x1  }
0xd: {  	s5 =	sshrl.u32 s24, $0x2;
	s8 =	sadd.s32 s7, s8;
	s12 =	ssub.s32 s12, s25  }
0xe: {  	s13 =	sadd.s32 s5, s2;
	s5 =	sor.u32 $0x1C07, s26;
	s14 =	sadd.s32 s14, s7  }
0xf: {  	s29 =	sadd.s32 s28, s9;
	s8 =	sadd.s32 s8, s4;
	s4 =	sadd.s32 $0x2BD400, s11  }
0x10: {  	s7 =	smax.u32 s12, $0x1;
	s30 =	sor.u32 $0x80, s14;
	s31 =	sshrl.u32 s14, $0x3  }
0x11: {  	s11 =	sshrl.u32 s13, $0x3;
	s12 =	simm.s32 $0x7;
	s13 =	simm.s32 $0x8000  }
0x12: {  	s14 =	simm.s32 $0x4000;
	s6 =	sadd.s32 $0x2E5400, s8;
	s9 =	sshrl.u32 s30, $0x3  }
0x13: {  	s8 =	sadd.s32 $0x2BF8C00, s29;
	s9 =	sadd.s32 s9, s10;
	s10 =	sadd.s32 s31, s10  }
.LBB2_1:
0x14: {  	[spmem:s11], [sflag:s5] =	dma.local [hbm:s4], $0x2800  }
0x15: {  	_ =	swait.ge [sflag:s12], $0x2800  }
0x16: {  	[sflag:s12] =	ssyncset.done $0x0  }
0x17: {  	[sflag:s12] =	ssyncadd.s32 $0xFFFFD800  }
0x18: {  	s24 =	sadd.s32 $0xFFFFF800, s8;
	[bflag:$0x0] =	sbarrier.arrive $0xFFFF  }
0x19: {  	[tilespmem:s3], [sflag:$0x1] =	stream.linear.gather [hbm4b:s24+s3], $0x4000, $0x38;
	[tilespmem:$0x1C100] =	vst v63  }
0x1a: {  	s30 =	sadd.s32 $0x0, s10  }
0x1b: {  	[tilespmem:s13], [sflag:$0x3] =	stream.linear.gather [hbm4b:s30+s3], $0x80, $0x38;
	[tilespmem:$0x1C100] =	vst v63  }
0x1c: {  	_ = 	snop  }
0x1d: {  	[tilespmem:s14], [sflag:$0x2] =	stream.linear.gather [hbm4b:s8+s3], $0x4000, $0x38;
	[tilespmem:$0x1C100] =	vst v63  }
0x1e: {  	s31 =	sadd.s32 $0x0, s9  }
0x1f: {  	[tilespmem:s15], [sflag:$0x4] =	stream.linear.gather [hbm4b:s31+s3], $0x80, $0x38;
	[tilespmem:$0x1C100] =	vst v63  }
0x20: {  	_ =	swait.ge [sflag:s16], $0x4000  }
0x21: {  	[sflag:s16] =	ssyncset.done $0x0  }
0x22: {  	[sflag:s16] =	ssyncadd.s32 $0xFFFFC000  }
0x23: {  	_ =	swait.ge [sflag:s17], $0x80  }
0x24: {  	[sflag:s17] =	ssyncset.done $0x0  }
0x25: {  	[sflag:s17] =	ssyncadd.s32 $0xFFFFFF80  }
0x26: {  	[spmem:s2] =	stream.indirect.scatter.add.f32 [tilespmem:s3], [sflag:$0x5], $0x80, s13, s18, $0xb8;
	[tilespmem:$0x1C100] =	vst v63  }
0x27: {  	_ =	swait.ge [sflag:s19], $0x4000  }
0x28: {  	[sflag:s19] =	ssyncset.done $0x0  }
0x29: {  	[sflag:s19] =	ssyncadd.s32 $0xFFFFC000  }
0x2a: {  	_ =	swait.ge [sflag:s20], $0x80  }
0x2b: {  	[sflag:s20] =	ssyncset.done $0x0  }
0x2c: {  	[sflag:s20] =	ssyncadd.s32 $0xFFFFFF80  }
0x2d: {  	[spmem:s2] =	stream.indirect.scatter.add.f32 [tilespmem:s14], [sflag:$0x6], $0x80, s15, s18, $0xb8;
	[tilespmem:$0x1C100] =	vst v63  }
0x2e: {  	_ =	swait.ge [sflag:s21], $0x4000  }
0x2f: {  	[sflag:s21] =	ssyncset.done $0x0  }
0x30: {  	[sflag:s21] =	ssyncadd.s32 $0xFFFFC000  }
0x31: {  	s26 =	simm.s32 $0x40;
	_ =	swait.ge [sflag:s22], $0x4000  }
0x32: {  	s25 =	sadd.s32 $0x1000, s8;
	s24 =	simm.s32 $0x20;
	[sflag:s22] =	ssyncset.done $0x0  }
.LBB2_2:
0x33: {  	p0 =	sne.s32 s26, $0x260;
	s28 =	sadd.s32 $0xFFFFF800, s25;
	[sflag:s22] =	ssyncadd.s32 $0xFFFFC000  }
0x34: {  	[tilespmem:s3], [sflag:$0x1] =	stream.linear.gather [hbm4b:s28+s3], $0x4000, $0x38;
	[tilespmem:$0x1C100] =	vst v63  }
0x35: {  	s29 =	smov.u32 s26;
	s26 =	sadd.s32 $0x20, s26;
	s28 =	sadd.s32 s24, s10  }
0x36: {  	[tilespmem:s13], [sflag:$0x3] =	stream.linear.gather [hbm4b:s28+s3], $0x80, $0x38;
	[tilespmem:$0x1C100] =	vst v63  }
0x37: {  	_ = 	snop  }
0x38: {  	[tilespmem:s14], [sflag:$0x2] =	stream.linear.gather [hbm4b:s25+s3], $0x4000, $0x38;
	[tilespmem:$0x1C100] =	vst v63  }
0x39: {  	s28 =	sadd.s32 s24, s9;
	s24 =	smov.u32 s29  }
0x3a: {  	[tilespmem:s15], [sflag:$0x4] =	stream.linear.gather [hbm4b:s28+s3], $0x80, $0x38;
	[tilespmem:$0x1C100] =	vst v63  }
0x3b: {  	_ =	swait.ge [sflag:s16], $0x4000  }
0x3c: {  	[sflag:s16] =	ssyncset.done $0x0  }
0x3d: {  	[sflag:s16] =	ssyncadd.s32 $0xFFFFC000  }
0x3e: {  	_ =	swait.ge [sflag:s17], $0x80  }
0x3f: {  	[sflag:s17] =	ssyncset.done $0x0  }
0x40: {  	[sflag:s17] =	ssyncadd.s32 $0xFFFFFF80  }
0x41: {  	[spmem:s2] =	stream.indirect.scatter.add.f32 [tilespmem:s3], [sflag:$0x5], $0x80, s13, s18, $0xb8;
	[tilespmem:$0x1C100] =	vst v63  }
0x42: {  	_ =	swait.ge [sflag:s19], $0x4000  }
0x43: {  	[sflag:s19] =	ssyncset.done $0x0  }
0x44: {  	[sflag:s19] =	ssyncadd.s32 $0xFFFFC000  }
0x45: {  	_ =	swait.ge [sflag:s20], $0x80  }
0x46: {  	[sflag:s20] =	ssyncset.done $0x0  }
0x47: {  	[sflag:s20] =	ssyncadd.s32 $0xFFFFFF80  }
0x48: {  	[spmem:s2] =	stream.indirect.scatter.add.f32 [tilespmem:s14], [sflag:$0x6], $0x80, s15, s18, $0xb8;
	[tilespmem:$0x1C100] =	vst v63  }
.Ltmp0:
0x49: {  	_ =	swait.ge [sflag:s21], $0x4000;
	(pc) =	sbr.rel @p0 .LBB2_2-.Ltmp0, $4  }
0x4a: {  	[sflag:s21] =	ssyncset.done $0x0  }
0x4b: {  	[sflag:s21] =	ssyncadd.s32 $0xFFFFC000  }
0x4c: {  	_ =	swait.ge [sflag:s22], $0x4000  }
0x4d: {  	s25 =	sadd.s32 $0x1000, s25;
	[sflag:s22] =	ssyncset.done $0x0  }
0x4e: {  	s26 =	sadd.s32 $0xFFFFF800, s25;
	[sflag:s22] =	ssyncadd.s32 $0xFFFFC000  }
0x4f: {  	[tilespmem:s3], [sflag:$0x1] =	stream.linear.gather [hbm4b:s26+s3], $0x4000, $0x38;
	[tilespmem:$0x1C100] =	vst v63  }
0x50: {  	s30 =	sadd.s32 s24, s10  }
0x51: {  	[tilespmem:s13], [sflag:$0x3] =	stream.linear.gather [hbm4b:s30+s3], $0x80, $0x38;
	[tilespmem:$0x1C100] =	vst v63  }
0x52: {  	_ = 	snop  }
0x53: {  	[tilespmem:s14], [sflag:$0x2] =	stream.linear.gather [hbm4b:s25+s3], $0x4000, $0x38;
	[tilespmem:$0x1C100] =	vst v63  }
0x54: {  	s31 =	sadd.s32 s24, s9  }
0x55: {  	[tilespmem:s15], [sflag:$0x4] =	stream.linear.gather [hbm4b:s31+s3], $0x80, $0x38;
	[tilespmem:$0x1C100] =	vst v63  }
0x56: {  	_ =	swait.ge [sflag:s16], $0x4000  }
0x57: {  	[sflag:s16] =	ssyncset.done $0x0  }
0x58: {  	[sflag:s16] =	ssyncadd.s32 $0xFFFFC000  }
0x59: {  	_ =	swait.ge [sflag:s17], $0x80  }
0x5a: {  	[sflag:s17] =	ssyncset.done $0x0  }
0x5b: {  	[sflag:s17] =	ssyncadd.s32 $0xFFFFFF80  }
0x5c: {  	[spmem:s2] =	stream.indirect.scatter.add.f32 [tilespmem:s3], [sflag:$0x5], $0x80, s13, s18, $0xb8;
	[tilespmem:$0x1C100] =	vst v63  }
0x5d: {  	_ =	swait.ge [sflag:s19], $0x4000  }
0x5e: {  	[sflag:s19] =	ssyncset.done $0x0  }
0x5f: {  	[sflag:s19] =	ssyncadd.s32 $0xFFFFC000  }
0x60: {  	_ =	swait.ge [sflag:s20], $0x80  }
0x61: {  	[sflag:s20] =	ssyncset.done $0x0  }
0x62: {  	[sflag:s20] =	ssyncadd.s32 $0xFFFFFF80  }
0x63: {  	[spmem:s2] =	stream.indirect.scatter.add.f32 [tilespmem:s14], [sflag:$0x6], $0x80, s15, s18, $0xb8;
	[tilespmem:$0x1C100] =	vst v63  }
0x64: {  	_ =	swait.ge [sflag:s21], $0x4000  }
0x65: {  	[sflag:s21] =	ssyncset.done $0x0  }
0x66: {  	[sflag:s21] =	ssyncadd.s32 $0xFFFFC000  }
0x67: {  	_ =	swait.ge [sflag:s22], $0x4000  }
0x68: {  	s23 =	sadd.s32 $0x1, s23;
	[sflag:s22] =	ssyncset.done $0x0  }
0x69: {  	p0 =	sne.s32 s23, s7;
	[sflag:s22] =	ssyncadd.s32 $0xFFFFC000  }
.Ltmp1:
0x6a: {  	[bflag:$0x0] =	sbarrier.arrive $0xFFFF;
	(pc) =	sbr.rel @p0 .LBB2_1-.Ltmp1, $4  }
0x6b: {  	[hbm:s6], [sflag:s5] =	dma.local [spmem:s11], $0x2800  }
0x6c: {  	_ =	swait.ge [sflag:s12], $0x2800  }
0x6d: {  	[sflag:s12] =	ssyncset.done $0x0  }
0x6e: {  	[sflag:s12] =	ssyncadd.s32 $0xFFFFD800  }
0x6f: {  	_ =	sfence.sel $0x180000  }
0x70: {  	[bflag:$0x0] =	sbarrier.arrive $0xFFFF  }
0x71: {  	p0 =	sne.s32 s1, $0x0;
	_ =	strace $0x9000004A  }
0x72: {  	s0 =	sadd.s32 @!p0 $0x100000, s0;
	[bflag:$0x2] =	sbarrier.arrive $0xFFFF  }
0x73: {  	[sflag:s0] =	ssyncadd.tile.s32 @!p0 $0x1;
	_ =	shalt  }
.Lfunc_end2:
_tile_overlayer_lowered:
.L_overlay_start_2:
0x74: {  	(tag) =	ssettag $0x2  }
0x75: {  	s0 =	rddreg [dreg:$0x0];
	s2 =	stileid.u32  }
0x76: {  	s1 =	rddreg [dreg:$0x1];
	p0 =	sne.s32 s2, $0x0  }
0x77: {  	s3 =	rddreg [dreg:$0x2];
	[bflag:$0x3] =	sbarrier.arrive $0xFFFF;
	s2 =	simm.s32 @!p0 $0x1C07  }
0x78: {  	[timem:s3], [sflag:s2] =	dma.local @!p0 [hbm:s0], s1  }
0x79: {  	s0 =	simm.s32 @!p0 $0x7  }
0x7a: {  	_ =	swait.ge @!p0 [sflag:s0], s1  }
0x7b: {  	s1 =	ssub.s32 @!p0 $0x0, s1;
	[sflag:s0] =	ssyncset.done @!p0 $0x0  }
0x7c: {  	[sflag:s0] =	ssyncadd.s32 @!p0 s1  }
0x7d: {  	[bflag:$0x3] =	sbarrier.arrive $0xFFFF  }
0x7e: {  	_ =	shalt  }

// kernel: kernel.27.cloned.1.call-start
scs
__scs_entry_jumppad:
0x0: {  	(pc) =	sbr.rel $0x88, $3  }
0x1: {  	(tag) =	ssettag $0x0;
	lr =	simm.s32 $0x1  }
0x2: {  	[smem:$0x3F94] =	sst lr;
	_ =	strace $0xD0000000  }
0x3: {  	_ = 	snop  }
0x4: {  	_ = 	snop  }
0x5: {  	_ = 	snop  }
0x6: {  	_ = 	snop  }
0x7: {  	_ = 	snop  }
__scs_overlays_trampoline_lowered:
0x8: {  	[smem:$0x3FA3] =	sst s0  }
0x9: {  	[smem:$0x3FA4] =	sst s1  }
0xa: {  	[smem:$0x3FA5] =	sst s2  }
0xb: {  	[smem:$0x3FA6] =	sst s3  }
0xc: {  	[smem:$0x3FA7] =	sst s4  }
0xd: {  	[smem:$0x3FA8] =	sst s5  }
0xe: {  	[smem:$0x3FA9] =	sst s6  }
0xf: {  	[smem:$0x3FAA] =	sst s7  }
0x10: {  	[smem:$0x3FAB] =	sst s8  }
0x11: {  	[smem:$0x3FAC] =	sst s9;
	s0 =	simm.s32 @!p0 $0x0  }
0x12: {  	s1 =	sld [smem:$0x3F92];
	s0 =	simm.s32 @p0 $0x1  }
0x13: {  	[smem:$0x3FAD] =	sst s0;
	s0 =	simm.s32 @!p1 $0x0  }
0x14: {  	s2 =	sld [smem:$0x3F91];
	s0 =	simm.s32 @p1 $0x1  }
0x15: {  	[smem:$0x3FAE] =	sst s0;
	s0 =	simm.s32 @!p2 $0x0  }
0x16: {  	s3 =	sld [smem:$0x3FDB];
	s0 =	simm.s32 @p2 $0x1  }
0x17: {  	s4 =	simm.s32 $0x1BF5;
	[smem:$0x3FB0] =	sst s0  }
0x18: {  	s0 =	sld [smem:$0x3F93];
	_ =	swait.ge [sflag:s4], $0x0  }
0x19: {  	s7 =	sld [smem:$0x3F94]  }
0x1a: {  	s8 =	sadd.s32 $0xFFFFE003, lr  }
0x1b: {  	s9 =	sadd.s32 $0xFFFFFEF7, lr;
	s5 =	simm.s32 $0xFFFFFFFF;
	p2 =	slt.u32 s8, $0xFFFFF086  }
0x1c: {  	p1 =	slt.u32 s9, $0xF7A;
	s5 =	simm.s32 @!p2 $0x0  }
0x1d: {  	s5 =	simm.s32 @p1 $0x1;
	p0 =	seq.s32 s7, s2  }
0x1e: {  	s7 =	smul.u32 @!p0 $0xF7A, s2;
	p2 =	seq.s32 @!p0 s5, $0x0  }
0x1f: {  	s9 =	smul.u32 $0xF7A, s1;
	s8 =	simm.s32 @!p0 $0x1BF5;
	p2 =	por !p2, p0  }
0x20: {  	[sflag:s8] =	ssyncset.s32 @!p0 $0xFFFFF086;
	s6 =	sadd.s32 @!p0 s3, s7;
	s7 =	simm.s32 @!p0 $0x108  }
0x21: {  	s3 =	sadd.s32 s3, s9;
	s6 =	sadd.s32 @!p0 $0x88, s6;
	s7 =	simm.s32 @p2 $0x1082  }
0x22: {  	[simem:s7], [sflag:s8] =	dma.local @!p0 [hbm:s6], $0xF7A  }
0x23: {  	s9 =	sor.u32 $0xD0000000, s2;
	s6 =	simm.s32 $0x108;
	_ =	swait.ge @!p0 [sflag:s8], $0x0  }
0x24: {  	s3 =	sadd.s32 $0x88, s3;
	s6 =	simm.s32 @!p1 $0x1082;
	[sflag:s4] =	ssyncset.s32 $0xFFFFF086  }
0x25: {  	[simem:s6], [sflag:s4] =	dma.local [hbm:s3], $0xF7A  }
0x26: {  	[smem:$0x3F94] =	sst s1;
	(tag) =	ssettag s2;
	_ =	strace s9  }
0x27: {  	s1 =	sld [smem:$0x3FA4]  }
0x28: {  	s2 =	sld [smem:$0x3FA5]  }
0x29: {  	s4 =	sld [smem:$0x3FA7]  }
0x2a: {  	p0 =	seq.s32 s5, $0x0;
	s5 =	sld [smem:$0x3FA8]  }
0x2b: {  	s6 =	sld [smem:$0x3FA9]  }
0x2c: {  	s7 =	sld [smem:$0x3FAA]  }
0x2d: {  	s3 =	simm.s32 $0x108;
	s8 =	sld [smem:$0x3FAB]  }
0x2e: {  	s3 =	simm.s32 @!p0 $0x1082;
	s9 =	sld [smem:$0x3FAC]  }
0x2f: {  	lr =	sadd.s32 s0, s3;
	s0 =	sld [smem:$0x3FA3]  }
0x30: {  	s3 =	sld [smem:$0x3FA6]  }
0x31: {  	[smem:$0x3FAF] =	sst s10  }
0x32: {  	s10 =	sld [smem:$0x3FAD];
	_ =	sdelay $0x3  }
0x33: {  	p0 =	seq.s32 s10, $0x1;
	s10 =	sld [smem:$0x3FAF];
	_ =	sdelay $0x3  }
0x34: {  	[smem:$0x3FAF] =	sst s10  }
0x35: {  	s10 =	sld [smem:$0x3FAE];
	_ =	sdelay $0x3  }
0x36: {  	p1 =	seq.s32 s10, $0x1;
	s10 =	sld [smem:$0x3FAF];
	_ =	sdelay $0x3  }
0x37: {  	[smem:$0x3FAF] =	sst s10  }
0x38: {  	s10 =	sld [smem:$0x3FB0]  }
0x39: {  	_ = 	snop;
	(pc) =	sbr.ind lr, $3  }
0x3a: {  	_ = 	snop  }
0x3b: {  	_ = 	snop  }
0x3c: {  	p2 =	seq.s32 s10, $0x1;
	s10 =	sld [smem:$0x3FAF]  }
0x3d: {  	_ =	shalt  }
0x3e: {  	_ =	shalt  }
0x3f: {  	_ =	shalt  }
0x40: {  	_ =	shalt  }
0x41: {  	_ =	shalt  }
0x42: {  	_ =	shalt  }
0x43: {  	_ =	shalt  }
0x44: {  	_ =	shalt  }
0x45: {  	_ =	shalt  }
0x46: {  	_ =	shalt  }
0x47: {  	_ =	shalt  }
0x48: {  	_ =	shalt  }
0x49: {  	_ =	shalt  }
0x4a: {  	_ =	shalt  }
0x4b: {  	_ =	shalt  }
0x4c: {  	_ =	shalt  }
0x4d: {  	_ =	shalt  }
0x4e: {  	_ =	shalt  }
0x4f: {  	_ =	shalt  }
0x50: {  	_ =	shalt  }
0x51: {  	_ =	shalt  }
0x52: {  	_ =	shalt  }
0x53: {  	_ =	shalt  }
0x54: {  	_ =	shalt  }
0x55: {  	_ =	shalt  }
0x56: {  	_ =	shalt  }
0x57: {  	_ =	shalt  }
0x58: {  	_ =	shalt  }
0x59: {  	_ =	shalt  }
0x5a: {  	_ =	shalt  }
0x5b: {  	_ =	shalt  }
0x5c: {  	_ =	shalt  }
0x5d: {  	_ =	shalt  }
0x5e: {  	_ =	shalt  }
0x5f: {  	_ =	shalt  }
0x60: {  	_ =	shalt  }
0x61: {  	_ =	shalt  }
0x62: {  	_ =	shalt  }
0x63: {  	_ =	shalt  }
0x64: {  	_ =	shalt  }
0x65: {  	_ =	shalt  }
0x66: {  	_ =	shalt  }
0x67: {  	_ =	shalt  }
0x68: {  	_ =	shalt  }
0x69: {  	_ =	shalt  }
0x6a: {  	_ =	shalt  }
0x6b: {  	_ =	shalt  }
0x6c: {  	_ =	shalt  }
0x6d: {  	_ =	shalt  }
0x6e: {  	_ =	shalt  }
0x6f: {  	_ =	shalt  }
0x70: {  	_ =	shalt  }
0x71: {  	_ =	shalt  }
0x72: {  	_ =	shalt  }
0x73: {  	_ =	shalt  }
0x74: {  	_ =	shalt  }
0x75: {  	_ =	shalt  }
0x76: {  	_ =	shalt  }
0x77: {  	_ =	shalt  }
0x78: {  	_ =	shalt  }
0x79: {  	_ =	shalt  }
0x7a: {  	_ =	shalt  }
0x7b: {  	_ =	shalt  }
0x7c: {  	_ =	shalt  }
0x7d: {  	_ =	shalt  }
0x7e: {  	_ =	shalt  }
0x7f: {  	_ =	shalt  }
0x80: {  	_ =	shalt  }
0x81: {  	_ =	shalt  }
0x82: {  	_ =	shalt  }
0x83: {  	_ =	shalt  }
0x84: {  	_ =	shalt  }
0x85: {  	_ =	shalt  }
0x86: {  	_ =	shalt  }
0x87: {  	_ =	shalt  }
.Lfunc_end0:
.L_simem_size_0:
called_computation.2_lowered:
.L_overlay_start_0:
0x88: {  	s2 =	sld [smem:$0x3FD9]  }
0x89: {  	s3 =	sld [smem:$0x3FFE];
	_ =	sdelay $0x1  }
0x8a: {  	s1 =	srdreg.scid  }
0x8b: {  	s0 =	sand.u32 $0x1, s1  }
0x8c: {  	s16 =	sshll.u32 s0, $0xA;
	s2 =	sadd.s32 s3, s2  }
0x8d: {  	s2 =	sadd.s32 s2, s16  }
0x8e: {  	[smem:$0x3FBB] =	sst s2  }
0x8f: {  	_ = 	snop  }
0x90: {  	(tm) =	ssettm $0x1  }
0x91: {  	s17 =	sld [smem:$0x3FFB];
	_ =	sdelay $0x3  }
0x92: {  	_ =	strace s17  }
0x93: {  	s2 =	sld [smem:$0x3FFC];
	_ =	sdelay $0x3  }
0x94: {  	_ =	strace s2  }
0x95: {  	s2 =	sld [smem:$0x3FFD];
	_ =	sdelay $0x3  }
0x96: {  	_ =	strace s2  }
0x97: {  	_ =	strace $0x8FFFFFFF  }
0x98: {  	s18 =	sld [smem:$0x3FDB];
	_ =	sdelay $0x1  }
0x99: {  	s19 =	simm.s32 $_scs_section_size  }
0x9a: {  	s4 =	simm.s32 $_size__tile_overlayer_lowered;
	s5 =	simm.s32 $_tile_overlayer_lowered  }
0x9b: {  	s22 =	simm.s32 $0x1BFF;
	s21 =	sshll.u32 s5, $0x1;
	s2 =	sadd.s32 s19, s18  }
0x9c: {  	s6 =	simm.s32 $0x0;
	s20 =	sshll.u32 s4, $0x1;
	s4 =	sadd.s32 s21, s2  }
0x9d: {  	[timem:s6], [sflag:s22] =	dma.local [hbm:s4], s20  }
0x9e: {  	_ =	swait.ge [sflag:s22], s20  }
0x9f: {  	s3 =	ssub.s32 $0x0, s20;
	[sflag:s22] =	ssyncset.done $0x0  }
0xa0: {  	[sflag:s22] =	ssyncadd.s32 s3;
	_ =	sdelay $0x1  }
0xa1: {  	s23 =	simm.s32 $0x1B8B  }
0xa2: {  	_ =	swait.ge [sflag:s23], $0x1  }
0xa3: {  	[sflag:s23] =	ssyncset.done $0x0  }
0xa4: {  	s25 =	simm.s32 $0x1B8E;
	s24 =	sld [smem:$0x3FFE];
	[sflag:s23] =	ssyncadd.s32 $0xFFFFFFFF  }
0xa5: {  	s26 =	simm.s32 $execute0_lowered;
	[smem:$0x3FD2] =	sst s25  }
0xa6: {  	s4 =	sshll.u32 s26, $0x1;
	_ =	strace $0x8000004C;
	[dreg:$0x1] =	wrdreg $0xFFFFFFFF  }
0xa7: {  	s28 =	simm.s32 $_size_execute0_lowered;
	s2 =	sadd.s32 s2, s4;
	[dreg:$0x0] =	wrdreg $0x0  }
0xa8: {  	s4 =	sshll.u32 s28, $0x1;
	[dreg:$0x2] =	wrdreg s2  }
0xa9: {  	[dreg:$0x3] =	wrdreg s4  }
0xaa: {  	[dreg:$0x4] =	wrdreg $0xC0  }
0xab: {  	_ =	task [dreg:s6], $0x5FFFF  }
0xac: {  	[dreg:$0x1] =	wrdreg $0xFFFFFFFF  }
0xad: {  	[dreg:$0x0] =	wrdreg $0x60  }
0xae: {  	[dreg:$0x2] =	wrdreg s24  }
0xaf: {  	[dreg:$0x3] =	wrdreg $0x9  }
0xb0: {  	_ =	task.clear_ibuf [dreg:s6], $0x4FFFF;
	_ =	strace $0x9000004C  }
0xb1: {  	s29 =	simm.s32 $0x9;
	_ =	strace $0x8000004E  }
0xb2: {  	_ =	swait.ge [sflag:s29], $0x1  }
0xb3: {  	[sflag:s29] =	ssyncadd.s32 $0xFFFFFFFF  }
0xb4: {  	_ =	strace $0x9000004E  }
0xb5: {  	_ =	sfence  }
0xb6: {  	s30 =	sld [smem:$0x0];
	_ =	sdelay $0x2  }
0xb7: {  	s31 =	sshll.u32 s1, $0xD;
	s1 =	sshrl.u32 s1, $0x2  }
0xb8: {  	s3 =	sand.u32 $0x4000, s31;
	s1 =	sadd.s32 s1, s30  }
0xb9: {  	s0 =	sor.u32 s3, s0;
	s1 =	sshll.u32 s1, $0x11  }
0xba: {  	s0 =	sor.u32 s1, s0  }
0xbb: {  	s0 =	sadd.s32 $0x8F2B, s0  }
0xbc: {  	[sflag:s0] =	ssyncadd.remote.s32 $0x1  }
0xbd: {  	_ =	sfence.sel $0xFFFF  }
0xbe: {  	[dreg:$0x0] =	wrdreg $0xFFFFFFFF;
	(pc) =	sbr.abs _section_cstart, $3  }
0xbf: {  	[dreg:$0x1] =	wrdreg $0xFFFFFFFF  }
0xc0: {  	_ =	task.clear_ibuf [dreg:s6], $0x2FFFF;
	_ =	strace $0x9FFFFFFF  }
0xc1: {  	(tm) =	ssettm $0x7FFFFFFF  }
tec
execute0_lowered:
.L_overlay_start_1:
0x0: {  	(tag) =	ssettag $0x1  }
0x1: {  	s4 =	rddreg [dreg:$0x0]  }
0x2: {  	s0 =	rddreg [dreg:$0x1];
	s2 =	simm.s32 $0x0;
	s1 =	stileid.u32  }
0x3: {  	s3 =	srdreg.scid;
	s12 =	simm.s32 $0x4100;
	s13 =	simm.s32 $0x3  }
0x4: {  	s14 =	simm.s32 $0x4;
	s15 =	simm.s32 $0x5;
	s16 =	simm.s32 $0x6  }
0x5: {  	s17 =	simm.s32 $0x0;
	[smem:$0x7FF] =	sst s2;
	s5 =	smul.u32 $0x28000, s1  }
0x6: {  	s6 =	sand.u32 $0x1, s3;
	s7 =	smul.u32 $0x2800, s1;
	s3 =	sadd.s32 $0x2E5400, s4  }
0x7: {  	s10 =	sadd.s32 $0xB400, s4;
	s8 =	ssub.s32 $0x2, s6;
	s9 =	smul.u32 $0x1400, s6  }
0x8: {  	_ =	strace $0x8000004D;
	s6 =	smul.u32 $0x14000, s6;
	s11 =	sshrl.u32 s8, $0x1  }
0x9: {  	s5 =	sadd.s32 s5, s4;
	s30 =	ssub.s32 s8, s11;
	s7 =	sadd.s32 s9, s7  }
0xa: {  	s5 =	sadd.s32 s6, s5;
	s8 =	simm.s32 $0x80;
	s9 =	simm.s32 $0x1  }
0xb: {  	s11 =	simm.s32 $0x2;
	s4 =	smax.u32 s30, $0x1;
	s31 =	sor.u32 $0x80, s7  }
0xc: {  	s5 =	sadd.s32 $0x10C00, s5;
	s7 =	sshrl.u32 s7, $0x3;
	s6 =	sshrl.u32 s31, $0x3  }
0xd: {  	s7 =	sadd.s32 s7, s10;
	s6 =	sadd.s32 s6, s10;
	s10 =	simm.s32 $0x100  }
.LBB2_1:
0xe: {  	s18 =	sadd.s32 $0x0, s7  }
0xf: {  	[tilespmem:s2], [sflag:$0x1] =	stream.linear.gather [hbm4b:s18+s2], $0x80, $0x38;
	[tilespmem:$0x8100] =	vst v63  }
0x10: {  	s30 =	sadd.s32 $0x0, s6  }
0x11: {  	[tilespmem:s8], [sflag:$0x2] =	stream.linear.gather [hbm4b:s30+s2], $0x80, $0x38;
	[tilespmem:$0x8100] =	vst v63  }
0x12: {  	_ =	swait.ge [sflag:s9], $0x80  }
0x13: {  	[sflag:s9] =	ssyncset.done $0x0  }
0x14: {  	[sflag:s9] =	ssyncadd.s32 $0xFFFFFF80  }
0x15: {  	[tilespmem:s10], [sflag:$0x3] =	stream.indirect.gather [hbm4b:s3+s8], $0x80, s2, s8, $0xb8;
	[tilespmem:$0x8100] =	vst v63  }
0x16: {  	_ =	swait.ge [sflag:s11], $0x80  }
0x17: {  	[sflag:s11] =	ssyncset.done $0x0  }
0x18: {  	[sflag:s11] =	ssyncadd.s32 $0xFFFFFF80  }
0x19: {  	[tilespmem:s12], [sflag:$0x4] =	stream.indirect.gather [hbm4b:s3+s8], $0x80, s8, s8, $0xb8;
	[tilespmem:$0x8100] =	vst v63  }
0x1a: {  	_ =	swait.ge [sflag:s13], $0x4000  }
0x1b: {  	[sflag:s13] =	ssyncset.done $0x0  }
0x1c: {  	s31 =	sadd.s32 $0xFFFFF800, s5;
	[sflag:s13] =	ssyncadd.s32 $0xFFFFC000  }
0x1d: {  	[hbm4b:s31+s2] =	stream.linear.scatter [tilespmem:s10], [sflag:$0x5], $0x4000, $0x38;
	[tilespmem:$0x8100] =	vst v63  }
0x1e: {  	_ =	swait.ge [sflag:s14], $0x4000  }
0x1f: {  	[sflag:s14] =	ssyncset.done $0x0  }
0x20: {  	[sflag:s14] =	ssyncadd.s32 $0xFFFFC000  }
0x21: {  	[hbm4b:s5+s2] =	stream.linear.scatter [tilespmem:s12], [sflag:$0x6], $0x4000, $0x38;
	[tilespmem:$0x8100] =	vst v63  }
0x22: {  	_ =	swait.ge [sflag:s15], $0x4000  }
0x23: {  	[sflag:s15] =	ssyncset.done $0x0  }
0x24: {  	[sflag:s15] =	ssyncadd.s32 $0xFFFFC000  }
0x25: {  	s19 =	simm.s32 $0x20;
	_ =	swait.ge [sflag:s16], $0x4000  }
0x26: {  	s20 =	simm.s32 $0x40;
	s18 =	sadd.s32 $0x1000, s5;
	[sflag:s16] =	ssyncset.done $0x0  }
.LBB2_2:
0x27: {  	s21 =	sadd.s32 s19, s7  }
0x28: {  	[sflag:s16] =	ssyncadd.s32 $0xFFFFC000;
	s22 =	smov.u32 s20;
	s23 =	sadd.s32 $0x20, s20  }
0x29: {  	[tilespmem:s2], [sflag:$0x1] =	stream.linear.gather [hbm4b:s21+s2], $0x80, $0x38;
	[tilespmem:$0x8100] =	vst v63  }
0x2a: {  	p0 =	sne.s32 s20, $0x260;
	s20 =	sadd.s32 s19, s6;
	s19 =	smov.u32 s22  }
0x2b: {  	[tilespmem:s8], [sflag:$0x2] =	stream.linear.gather [hbm4b:s20+s2], $0x80, $0x38;
	[tilespmem:$0x8100] =	vst v63  }
0x2c: {  	_ =	swait.ge [sflag:s9], $0x80  }
0x2d: {  	[sflag:s9] =	ssyncset.done $0x0  }
0x2e: {  	[sflag:s9] =	ssyncadd.s32 $0xFFFFFF80  }
0x2f: {  	[tilespmem:s10], [sflag:$0x3] =	stream.indirect.gather [hbm4b:s3+s8], $0x80, s2, s8, $0xb8;
	[tilespmem:$0x8100] =	vst v63  }
0x30: {  	_ =	swait.ge [sflag:s11], $0x80  }
0x31: {  	[sflag:s11] =	ssyncset.done $0x0  }
0x32: {  	[sflag:s11] =	ssyncadd.s32 $0xFFFFFF80  }
0x33: {  	[tilespmem:s12], [sflag:$0x4] =	stream.indirect.gather [hbm4b:s3+s8], $0x80, s8, s8, $0xb8;
	[tilespmem:$0x8100] =	vst v63  }
0x34: {  	_ =	swait.ge [sflag:s13], $0x4000  }
0x35: {  	[sflag:s13] =	ssyncset.done $0x0  }
0x36: {  	s20 =	sadd.s32 $0xFFFFF800, s18;
	[sflag:s13] =	ssyncadd.s32 $0xFFFFC000  }
0x37: {  	[hbm4b:s20+s2] =	stream.linear.scatter [tilespmem:s10], [sflag:$0x5], $0x4000, $0x38;
	[tilespmem:$0x8100] =	vst v63  }
0x38: {  	_ =	swait.ge [sflag:s14], $0x4000  }
0x39: {  	[sflag:s14] =	ssyncset.done $0x0  }
0x3a: {  	[sflag:s14] =	ssyncadd.s32 $0xFFFFC000  }
0x3b: {  	[hbm4b:s18+s2] =	stream.linear.scatter [tilespmem:s12], [sflag:$0x6], $0x4000, $0x38;
	[tilespmem:$0x8100] =	vst v63  }
.Ltmp0:
0x3c: {  	_ =	swait.ge [sflag:s15], $0x4000;
	(pc) =	sbr.rel @p0 .LBB2_2-.Ltmp0, $4  }
0x3d: {  	[sflag:s15] =	ssyncset.done $0x0  }
0x3e: {  	[sflag:s15] =	ssyncadd.s32 $0xFFFFC000  }
0x3f: {  	_ =	swait.ge [sflag:s16], $0x4000  }
0x40: {  	s20 =	smov.u32 s23;
	s18 =	sadd.s32 $0x1000, s18;
	[sflag:s16] =	ssyncset.done $0x0  }
0x41: {  	s20 =	sadd.s32 s19, s7;
	[sflag:s16] =	ssyncadd.s32 $0xFFFFC000  }
0x42: {  	[tilespmem:s2], [sflag:$0x1] =	stream.linear.gather [hbm4b:s20+s2], $0x80, $0x38;
	[tilespmem:$0x8100] =	vst v63  }
0x43: {  	s30 =	sadd.s32 s19, s6  }
0x44: {  	[tilespmem:s8], [sflag:$0x2] =	stream.linear.gather [hbm4b:s30+s2], $0x80, $0x38;
	[tilespmem:$0x8100] =	vst v63  }
0x45: {  	_ =	swait.ge [sflag:s9], $0x80  }
0x46: {  	[sflag:s9] =	ssyncset.done $0x0  }
0x47: {  	[sflag:s9] =	ssyncadd.s32 $0xFFFFFF80  }
0x48: {  	[tilespmem:s10], [sflag:$0x3] =	stream.indirect.gather [hbm4b:s3+s8], $0x80, s2, s8, $0xb8;
	[tilespmem:$0x8100] =	vst v63  }
0x49: {  	_ =	swait.ge [sflag:s11], $0x80  }
0x4a: {  	[sflag:s11] =	ssyncset.done $0x0  }
0x4b: {  	[sflag:s11] =	ssyncadd.s32 $0xFFFFFF80  }
0x4c: {  	[tilespmem:s12], [sflag:$0x4] =	stream.indirect.gather [hbm4b:s3+s8], $0x80, s8, s8, $0xb8;
	[tilespmem:$0x8100] =	vst v63  }
0x4d: {  	_ =	swait.ge [sflag:s13], $0x4000  }
0x4e: {  	[sflag:s13] =	ssyncset.done $0x0  }
0x4f: {  	s31 =	sadd.s32 $0xFFFFF800, s18;
	[sflag:s13] =	ssyncadd.s32 $0xFFFFC000  }
0x50: {  	[hbm4b:s31+s2] =	stream.linear.scatter [tilespmem:s10], [sflag:$0x5], $0x4000, $0x38;
	[tilespmem:$0x8100] =	vst v63  }
0x51: {  	_ =	swait.ge [sflag:s14], $0x4000  }
0x52: {  	[sflag:s14] =	ssyncset.done $0x0  }
0x53: {  	s17 =	sadd.s32 $0x1, s17;
	[sflag:s14] =	ssyncadd.s32 $0xFFFFC000  }
0x54: {  	[hbm4b:s18+s2] =	stream.linear.scatter [tilespmem:s12], [sflag:$0x6], $0x4000, $0x38;
	[tilespmem:$0x8100] =	vst v63  }
0x55: {  	p0 =	sne.s32 s17, s4;
	_ =	swait.ge [sflag:s15], $0x4000  }
.Ltmp1:
0x56: {  	[sflag:s15] =	ssyncset.done $0x0;
	(pc) =	sbr.rel @p0 .LBB2_1-.Ltmp1, $4  }
0x57: {  	[sflag:s15] =	ssyncadd.s32 $0xFFFFC000  }
0x58: {  	_ =	swait.ge [sflag:s16], $0x4000  }
0x59: {  	[sflag:s16] =	ssyncset.done $0x0  }
0x5a: {  	[sflag:s16] =	ssyncadd.s32 $0xFFFFC000  }
0x5b: {  	_ =	sfence.sel $0x180000  }
0x5c: {  	[bflag:$0x0] =	sbarrier.arrive $0xFFFF  }
0x5d: {  	p0 =	sne.s32 s1, $0x0;
	_ =	strace $0x9000004D  }
0x5e: {  	s0 =	sadd.s32 @!p0 $0x100000, s0;
	[bflag:$0x2] =	sbarrier.arrive $0xFFFF  }
0x5f: {  	[sflag:s0] =	ssyncadd.tile.s32 @!p0 $0x1;
	_ =	shalt  }
.Lfunc_end2:
_tile_overlayer_lowered:
.L_overlay_start_2:
0x60: {  	(tag) =	ssettag $0x2  }
0x61: {  	s0 =	rddreg [dreg:$0x0];
	s2 =	stileid.u32  }
0x62: {  	s1 =	rddreg [dreg:$0x1];
	p0 =	sne.s32 s2, $0x0  }
0x63: {  	s3 =	rddreg [dreg:$0x2];
	[bflag:$0x3] =	sbarrier.arrive $0xFFFF;
	s2 =	simm.s32 @!p0 $0x1C07  }
0x64: {  	[timem:s3], [sflag:s2] =	dma.local @!p0 [hbm:s0], s1  }
0x65: {  	s0 =	simm.s32 @!p0 $0x7  }
0x66: {  	_ =	swait.ge @!p0 [sflag:s0], s1  }
0x67: {  	s1 =	ssub.s32 @!p0 $0x0, s1;
	[sflag:s0] =	ssyncset.done @!p0 $0x0  }
0x68: {  	[sflag:s0] =	ssyncadd.s32 @!p0 s1  }
0x69: {  	[bflag:$0x3] =	sbarrier.arrive $0xFFFF  }
0x6a: {  	_ =	shalt  }

// kernel: kernel.30.cloned.1.call-start
scs
__scs_entry_jumppad:
0x0: {  	(pc) =	sbr.rel $0x88, $3  }
0x1: {  	(tag) =	ssettag $0x0;
	lr =	simm.s32 $0x1  }
0x2: {  	[smem:$0x3F94] =	sst lr;
	_ =	strace $0xD0000000  }
0x3: {  	_ = 	snop  }
0x4: {  	_ = 	snop  }
0x5: {  	_ = 	snop  }
0x6: {  	_ = 	snop  }
0x7: {  	_ = 	snop  }
__scs_overlays_trampoline_lowered:
0x8: {  	[smem:$0x3FA3] =	sst s0  }
0x9: {  	[smem:$0x3FA4] =	sst s1  }
0xa: {  	[smem:$0x3FA5] =	sst s2  }
0xb: {  	[smem:$0x3FA6] =	sst s3  }
0xc: {  	[smem:$0x3FA7] =	sst s4  }
0xd: {  	[smem:$0x3FA8] =	sst s5  }
0xe: {  	[smem:$0x3FA9] =	sst s6  }
0xf: {  	[smem:$0x3FAA] =	sst s7  }
0x10: {  	[smem:$0x3FAB] =	sst s8  }
0x11: {  	[smem:$0x3FAC] =	sst s9;
	s0 =	simm.s32 @!p0 $0x0  }
0x12: {  	s1 =	sld [smem:$0x3F92];
	s0 =	simm.s32 @p0 $0x1  }
0x13: {  	[smem:$0x3FAD] =	sst s0;
	s0 =	simm.s32 @!p1 $0x0  }
0x14: {  	s2 =	sld [smem:$0x3F91];
	s0 =	simm.s32 @p1 $0x1  }
0x15: {  	[smem:$0x3FAE] =	sst s0;
	s0 =	simm.s32 @!p2 $0x0  }
0x16: {  	s3 =	sld [smem:$0x3FDB];
	s0 =	simm.s32 @p2 $0x1  }
0x17: {  	s4 =	simm.s32 $0x1BF5;
	[smem:$0x3FB0] =	sst s0  }
0x18: {  	s0 =	sld [smem:$0x3F93];
	_ =	swait.ge [sflag:s4], $0x0  }
0x19: {  	s7 =	sld [smem:$0x3F94]  }
0x1a: {  	s8 =	sadd.s32 $0xFFFFE003, lr  }
0x1b: {  	s9 =	sadd.s32 $0xFFFFFEF7, lr;
	s5 =	simm.s32 $0xFFFFFFFF;
	p2 =	slt.u32 s8, $0xFFFFF086  }
0x1c: {  	p1 =	slt.u32 s9, $0xF7A;
	s5 =	simm.s32 @!p2 $0x0  }
0x1d: {  	s5 =	simm.s32 @p1 $0x1;
	p0 =	seq.s32 s7, s2  }
0x1e: {  	s7 =	smul.u32 @!p0 $0xF7A, s2;
	p2 =	seq.s32 @!p0 s5, $0x0  }
0x1f: {  	s9 =	smul.u32 $0xF7A, s1;
	s8 =	simm.s32 @!p0 $0x1BF5;
	p2 =	por !p2, p0  }
0x20: {  	[sflag:s8] =	ssyncset.s32 @!p0 $0xFFFFF086;
	s6 =	sadd.s32 @!p0 s3, s7;
	s7 =	simm.s32 @!p0 $0x108  }
0x21: {  	s3 =	sadd.s32 s3, s9;
	s6 =	sadd.s32 @!p0 $0x88, s6;
	s7 =	simm.s32 @p2 $0x1082  }
0x22: {  	[simem:s7], [sflag:s8] =	dma.local @!p0 [hbm:s6], $0xF7A  }
0x23: {  	s9 =	sor.u32 $0xD0000000, s2;
	s6 =	simm.s32 $0x108;
	_ =	swait.ge @!p0 [sflag:s8], $0x0  }
0x24: {  	s3 =	sadd.s32 $0x88, s3;
	s6 =	simm.s32 @!p1 $0x1082;
	[sflag:s4] =	ssyncset.s32 $0xFFFFF086  }
0x25: {  	[simem:s6], [sflag:s4] =	dma.local [hbm:s3], $0xF7A  }
0x26: {  	[smem:$0x3F94] =	sst s1;
	(tag) =	ssettag s2;
	_ =	strace s9  }
0x27: {  	s1 =	sld [smem:$0x3FA4]  }
0x28: {  	s2 =	sld [smem:$0x3FA5]  }
0x29: {  	s4 =	sld [smem:$0x3FA7]  }
0x2a: {  	p0 =	seq.s32 s5, $0x0;
	s5 =	sld [smem:$0x3FA8]  }
0x2b: {  	s6 =	sld [smem:$0x3FA9]  }
0x2c: {  	s7 =	sld [smem:$0x3FAA]  }
0x2d: {  	s3 =	simm.s32 $0x108;
	s8 =	sld [smem:$0x3FAB]  }
0x2e: {  	s3 =	simm.s32 @!p0 $0x1082;
	s9 =	sld [smem:$0x3FAC]  }
0x2f: {  	lr =	sadd.s32 s0, s3;
	s0 =	sld [smem:$0x3FA3]  }
0x30: {  	s3 =	sld [smem:$0x3FA6]  }
0x31: {  	[smem:$0x3FAF] =	sst s10  }
0x32: {  	s10 =	sld [smem:$0x3FAD];
	_ =	sdelay $0x3  }
0x33: {  	p0 =	seq.s32 s10, $0x1;
	s10 =	sld [smem:$0x3FAF];
	_ =	sdelay $0x3  }
0x34: {  	[smem:$0x3FAF] =	sst s10  }
0x35: {  	s10 =	sld [smem:$0x3FAE];
	_ =	sdelay $0x3  }
0x36: {  	p1 =	seq.s32 s10, $0x1;
	s10 =	sld [smem:$0x3FAF];
	_ =	sdelay $0x3  }
0x37: {  	[smem:$0x3FAF] =	sst s10  }
0x38: {  	s10 =	sld [smem:$0x3FB0]  }
0x39: {  	_ = 	snop;
	(pc) =	sbr.ind lr, $3  }
0x3a: {  	_ = 	snop  }
0x3b: {  	_ = 	snop  }
0x3c: {  	p2 =	seq.s32 s10, $0x1;
	s10 =	sld [smem:$0x3FAF]  }
0x3d: {  	_ =	shalt  }
0x3e: {  	_ =	shalt  }
0x3f: {  	_ =	shalt  }
0x40: {  	_ =	shalt  }
0x41: {  	_ =	shalt  }
0x42: {  	_ =	shalt  }
0x43: {  	_ =	shalt  }
0x44: {  	_ =	shalt  }
0x45: {  	_ =	shalt  }
0x46: {  	_ =	shalt  }
0x47: {  	_ =	shalt  }
0x48: {  	_ =	shalt  }
0x49: {  	_ =	shalt  }
0x4a: {  	_ =	shalt  }
0x4b: {  	_ =	shalt  }
0x4c: {  	_ =	shalt  }
0x4d: {  	_ =	shalt  }
0x4e: {  	_ =	shalt  }
0x4f: {  	_ =	shalt  }
0x50: {  	_ =	shalt  }
0x51: {  	_ =	shalt  }
0x52: {  	_ =	shalt  }
0x53: {  	_ =	shalt  }
0x54: {  	_ =	shalt  }
0x55: {  	_ =	shalt  }
0x56: {  	_ =	shalt  }
0x57: {  	_ =	shalt  }
0x58: {  	_ =	shalt  }
0x59: {  	_ =	shalt  }
0x5a: {  	_ =	shalt  }
0x5b: {  	_ =	shalt  }
0x5c: {  	_ =	shalt  }
0x5d: {  	_ =	shalt  }
0x5e: {  	_ =	shalt  }
0x5f: {  	_ =	shalt  }
0x60: {  	_ =	shalt  }
0x61: {  	_ =	shalt  }
0x62: {  	_ =	shalt  }
0x63: {  	_ =	shalt  }
0x64: {  	_ =	shalt  }
0x65: {  	_ =	shalt  }
0x66: {  	_ =	shalt  }
0x67: {  	_ =	shalt  }
0x68: {  	_ =	shalt  }
0x69: {  	_ =	shalt  }
0x6a: {  	_ =	shalt  }
0x6b: {  	_ =	shalt  }
0x6c: {  	_ =	shalt  }
0x6d: {  	_ =	shalt  }
0x6e: {  	_ =	shalt  }
0x6f: {  	_ =	shalt  }
0x70: {  	_ =	shalt  }
0x71: {  	_ =	shalt  }
0x72: {  	_ =	shalt  }
0x73: {  	_ =	shalt  }
0x74: {  	_ =	shalt  }
0x75: {  	_ =	shalt  }
0x76: {  	_ =	shalt  }
0x77: {  	_ =	shalt  }
0x78: {  	_ =	shalt  }
0x79: {  	_ =	shalt  }
0x7a: {  	_ =	shalt  }
0x7b: {  	_ =	shalt  }
0x7c: {  	_ =	shalt  }
0x7d: {  	_ =	shalt  }
0x7e: {  	_ =	shalt  }
0x7f: {  	_ =	shalt  }
0x80: {  	_ =	shalt  }
0x81: {  	_ =	shalt  }
0x82: {  	_ =	shalt  }
0x83: {  	_ =	shalt  }
0x84: {  	_ =	shalt  }
0x85: {  	_ =	shalt  }
0x86: {  	_ =	shalt  }
0x87: {  	_ =	shalt  }
.Lfunc_end0:
.L_simem_size_0:
called_computation.3_lowered:
.L_overlay_start_0:
0x88: {  	s2 =	sld [smem:$0x3FD9]  }
0x89: {  	s3 =	sld [smem:$0x3FFE];
	_ =	sdelay $0x1  }
0x8a: {  	s1 =	srdreg.scid  }
0x8b: {  	s0 =	sand.u32 $0x1, s1  }
0x8c: {  	s16 =	sshll.u32 s0, $0xA;
	s2 =	sadd.s32 s3, s2  }
0x8d: {  	s2 =	sadd.s32 s2, s16  }
0x8e: {  	[smem:$0x3FBB] =	sst s2  }
0x8f: {  	_ = 	snop  }
0x90: {  	(tm) =	ssettm $0x1  }
0x91: {  	s17 =	sld [smem:$0x3FFB];
	_ =	sdelay $0x3  }
0x92: {  	_ =	strace s17  }
0x93: {  	s2 =	sld [smem:$0x3FFC];
	_ =	sdelay $0x3  }
0x94: {  	_ =	strace s2  }
0x95: {  	s2 =	sld [smem:$0x3FFD];
	_ =	sdelay $0x3  }
0x96: {  	_ =	strace s2  }
0x97: {  	_ =	strace $0x8FFFFFFF  }
0x98: {  	s18 =	sld [smem:$0x3FDB];
	_ =	sdelay $0x1  }
0x99: {  	s19 =	simm.s32 $_scs_section_size  }
0x9a: {  	s4 =	simm.s32 $_size__tile_overlayer_lowered;
	s5 =	simm.s32 $_tile_overlayer_lowered  }
0x9b: {  	s22 =	simm.s32 $0x1BFF;
	s21 =	sshll.u32 s5, $0x1;
	s2 =	sadd.s32 s19, s18  }
0x9c: {  	s6 =	simm.s32 $0x0;
	s20 =	sshll.u32 s4, $0x1;
	s4 =	sadd.s32 s21, s2  }
0x9d: {  	[timem:s6], [sflag:s22] =	dma.local [hbm:s4], s20  }
0x9e: {  	_ =	swait.ge [sflag:s22], s20  }
0x9f: {  	s3 =	ssub.s32 $0x0, s20;
	[sflag:s22] =	ssyncset.done $0x0  }
0xa0: {  	[sflag:s22] =	ssyncadd.s32 s3;
	_ =	sdelay $0x1  }
0xa1: {  	s23 =	simm.s32 $0x1B8B  }
0xa2: {  	_ =	swait.ge [sflag:s23], $0x1  }
0xa3: {  	[sflag:s23] =	ssyncset.done $0x0  }
0xa4: {  	s25 =	simm.s32 $0x1B8E;
	s24 =	sld [smem:$0x3FFE];
	[sflag:s23] =	ssyncadd.s32 $0xFFFFFFFF  }
0xa5: {  	s26 =	simm.s32 $execute0_lowered;
	[smem:$0x3FD2] =	sst s25  }
0xa6: {  	s4 =	sshll.u32 s26, $0x1;
	_ =	strace $0x8000004F;
	[dreg:$0x1] =	wrdreg $0xFFFFFFFF  }
0xa7: {  	s28 =	simm.s32 $_size_execute0_lowered;
	s2 =	sadd.s32 s2, s4;
	[dreg:$0x0] =	wrdreg $0x0  }
0xa8: {  	s4 =	sshll.u32 s28, $0x1;
	[dreg:$0x2] =	wrdreg s2  }
0xa9: {  	[dreg:$0x3] =	wrdreg s4  }
0xaa: {  	[dreg:$0x4] =	wrdreg $0xC0  }
0xab: {  	_ =	task [dreg:s6], $0x5FFFF  }
0xac: {  	[dreg:$0x1] =	wrdreg $0xFFFFFFFF  }
0xad: {  	[dreg:$0x0] =	wrdreg $0x60  }
0xae: {  	[dreg:$0x2] =	wrdreg s24  }
0xaf: {  	[dreg:$0x3] =	wrdreg $0x81000  }
0xb0: {  	[dreg:$0x4] =	wrdreg $0x9  }
0xb1: {  	_ =	task.clear_ibuf [dreg:s6], $0x5FFFF;
	_ =	strace $0x9000004F  }
0xb2: {  	s29 =	simm.s32 $0x9;
	_ =	strace $0x80000051  }
0xb3: {  	_ =	swait.ge [sflag:s29], $0x1  }
0xb4: {  	[sflag:s29] =	ssyncadd.s32 $0xFFFFFFFF  }
0xb5: {  	_ =	strace $0x90000051  }
0xb6: {  	_ =	sfence  }
0xb7: {  	s30 =	sld [smem:$0x0];
	_ =	sdelay $0x2  }
0xb8: {  	s31 =	sshll.u32 s1, $0xD;
	s1 =	sshrl.u32 s1, $0x2  }
0xb9: {  	s3 =	sand.u32 $0x4000, s31;
	s1 =	sadd.s32 s1, s30  }
0xba: {  	s0 =	sor.u32 s3, s0;
	s1 =	sshll.u32 s1, $0x11  }
0xbb: {  	s0 =	sor.u32 s1, s0  }
0xbc: {  	s0 =	sadd.s32 $0x8F2B, s0  }
0xbd: {  	[sflag:s0] =	ssyncadd.remote.s32 $0x1  }
0xbe: {  	_ =	sfence.sel $0xFFFF  }
0xbf: {  	[dreg:$0x0] =	wrdreg $0xFFFFFFFF;
	(pc) =	sbr.abs _section_cstart, $3  }
0xc0: {  	[dreg:$0x1] =	wrdreg $0xFFFFFFFF  }
0xc1: {  	_ =	task.clear_ibuf [dreg:s6], $0x2FFFF;
	_ =	strace $0x9FFFFFFF  }
0xc2: {  	(tm) =	ssettm $0x7FFFFFFF  }
0xc3: {  	_ =	shalt  }
tec
execute0_lowered:
.L_overlay_start_1:
0x0: {  	(tag) =	ssettag $0x1  }
0x1: {  	s4 =	rddreg [dreg:$0x0]  }
0x2: {  	s2 =	rddreg [dreg:$0x1]  }
0x3: {  	s0 =	rddreg [dreg:$0x2]  }
0x4: {  	s1 =	stileid.u32;
	s3 =	simm.s32 $0x0;
	s6 =	srdreg.scid  }
0x5: {  	s15 =	simm.s32 $0x8080;
	s16 =	simm.s32 $0x1;
	s17 =	simm.s32 $0x3  }
0x6: {  	s18 =	simm.s32 $0x80;
	s19 =	simm.s32 $0x2;
	s5 =	smul.u32 $0x28000, s1  }
0x7: {  	s20 =	simm.s32 $0x4;
	s21 =	simm.s32 $0x5;
	s7 =	smul.u32 $0x2800, s1  }
0x8: {  	s22 =	simm.s32 $0x6;
	s6 =	sand.u32 $0x1, s6;
	s24 =	smul.u32 $0x50000, s1  }
0x9: {  	s23 =	simm.s32 $0x0;
	[smem:$0x7FF] =	sst s3;
	s8 =	smul.u32 $0x28000, s6  }
0xa: {  	s10 =	sadd.s32 $0x2B8400, s4;
	s26 =	sshll.u32 s1, $0x6;
	s14 =	smul.u32 $0x1400, s6  }
0xb: {  	_ =	strace $0x80000050;
	s12 =	ssub.s32 $0x2, s6;
	s28 =	smul.u32 $0x14000, s6  }
0xc: {  	s9 =	sadd.s32 s5, s4;
	s11 =	sadd.s32 s7, s4;
	s25 =	sshrl.u32 s12, $0x1  }
0xd: {  	s5 =	sshrl.u32 s24, $0x2;
	s8 =	sadd.s32 s7, s8;
	s12 =	ssub.s32 s12, s25  }
0xe: {  	s13 =	sadd.s32 s5, s2;
	s5 =	sor.u32 $0x1C07, s26;
	s14 =	sadd.s32 s14, s7  }
0xf: {  	s29 =	sadd.s32 s28, s9;
	s8 =	sadd.s32 s8, s4;
	s4 =	sadd.s32 $0x2BD400, s11  }
0x10: {  	s7 =	smax.u32 s12, $0x1;
	s30 =	sor.u32 $0x80, s14;
	s31 =	sshrl.u32 s14, $0x3  }
0x11: {  	s11 =	sshrl.u32 s13, $0x3;
	s12 =	simm.s32 $0x7;
	s13 =	simm.s32 $0x8000  }
0x12: {  	s14 =	simm.s32 $0x4000;
	s6 =	sadd.s32 $0x335400, s8;
	s9 =	sshrl.u32 s30, $0x3  }
0x13: {  	s8 =	sadd.s32 $0x2BF8C00, s29;
	s9 =	sadd.s32 s9, s10;
	s10 =	sadd.s32 s31, s10  }
.LBB2_1:
0x14: {  	[spmem:s11], [sflag:s5] =	dma.local [hbm:s4], $0x2800  }
0x15: {  	_ =	swait.ge [sflag:s12], $0x2800  }
0x16: {  	[sflag:s12] =	ssyncset.done $0x0  }
0x17: {  	[sflag:s12] =	ssyncadd.s32 $0xFFFFD800  }
0x18: {  	s24 =	sadd.s32 $0xFFFFF800, s8;
	[bflag:$0x0] =	sbarrier.arrive $0xFFFF  }
0x19: {  	[tilespmem:s3], [sflag:$0x1] =	stream.linear.gather [hbm4b:s24+s3], $0x4000, $0x38;
	[tilespmem:$0x1C100] =	vst v63  }
0x1a: {  	s30 =	sadd.s32 $0x0, s10  }
0x1b: {  	[tilespmem:s13], [sflag:$0x3] =	stream.linear.gather [hbm4b:s30+s3], $0x80, $0x38;
	[tilespmem:$0x1C100] =	vst v63  }
0x1c: {  	_ = 	snop  }
0x1d: {  	[tilespmem:s14], [sflag:$0x2] =	stream.linear.gather [hbm4b:s8+s3], $0x4000, $0x38;
	[tilespmem:$0x1C100] =	vst v63  }
0x1e: {  	s31 =	sadd.s32 $0x0, s9  }
0x1f: {  	[tilespmem:s15], [sflag:$0x4] =	stream.linear.gather [hbm4b:s31+s3], $0x80, $0x38;
	[tilespmem:$0x1C100] =	vst v63  }
0x20: {  	_ =	swait.ge [sflag:s16], $0x4000  }
0x21: {  	[sflag:s16] =	ssyncset.done $0x0  }
0x22: {  	[sflag:s16] =	ssyncadd.s32 $0xFFFFC000  }
0x23: {  	_ =	swait.ge [sflag:s17], $0x80  }
0x24: {  	[sflag:s17] =	ssyncset.done $0x0  }
0x25: {  	[sflag:s17] =	ssyncadd.s32 $0xFFFFFF80  }
0x26: {  	[spmem:s2] =	stream.indirect.scatter.add.f32 [tilespmem:s3], [sflag:$0x5], $0x80, s13, s18, $0xb8;
	[tilespmem:$0x1C100] =	vst v63  }
0x27: {  	_ =	swait.ge [sflag:s19], $0x4000  }
0x28: {  	[sflag:s19] =	ssyncset.done $0x0  }
0x29: {  	[sflag:s19] =	ssyncadd.s32 $0xFFFFC000  }
0x2a: {  	_ =	swait.ge [sflag:s20], $0x80  }
0x2b: {  	[sflag:s20] =	ssyncset.done $0x0  }
0x2c: {  	[sflag:s20] =	ssyncadd.s32 $0xFFFFFF80  }
0x2d: {  	[spmem:s2] =	stream.indirect.scatter.add.f32 [tilespmem:s14], [sflag:$0x6], $0x80, s15, s18, $0xb8;
	[tilespmem:$0x1C100] =	vst v63  }
0x2e: {  	_ =	swait.ge [sflag:s21], $0x4000  }
0x2f: {  	[sflag:s21] =	ssyncset.done $0x0  }
0x30: {  	[sflag:s21] =	ssyncadd.s32 $0xFFFFC000  }
0x31: {  	s26 =	simm.s32 $0x40;
	_ =	swait.ge [sflag:s22], $0x4000  }
0x32: {  	s25 =	sadd.s32 $0x1000, s8;
	s24 =	simm.s32 $0x20;
	[sflag:s22] =	ssyncset.done $0x0  }
.LBB2_2:
0x33: {  	p0 =	sne.s32 s26, $0x260;
	s28 =	sadd.s32 $0xFFFFF800, s25;
	[sflag:s22] =	ssyncadd.s32 $0xFFFFC000  }
0x34: {  	[tilespmem:s3], [sflag:$0x1] =	stream.linear.gather [hbm4b:s28+s3], $0x4000, $0x38;
	[tilespmem:$0x1C100] =	vst v63  }
0x35: {  	s29 =	smov.u32 s26;
	s26 =	sadd.s32 $0x20, s26;
	s28 =	sadd.s32 s24, s10  }
0x36: {  	[tilespmem:s13], [sflag:$0x3] =	stream.linear.gather [hbm4b:s28+s3], $0x80, $0x38;
	[tilespmem:$0x1C100] =	vst v63  }
0x37: {  	_ = 	snop  }
0x38: {  	[tilespmem:s14], [sflag:$0x2] =	stream.linear.gather [hbm4b:s25+s3], $0x4000, $0x38;
	[tilespmem:$0x1C100] =	vst v63  }
0x39: {  	s28 =	sadd.s32 s24, s9;
	s24 =	smov.u32 s29  }
0x3a: {  	[tilespmem:s15], [sflag:$0x4] =	stream.linear.gather [hbm4b:s28+s3], $0x80, $0x38;
	[tilespmem:$0x1C100] =	vst v63  }
0x3b: {  	_ =	swait.ge [sflag:s16], $0x4000  }
0x3c: {  	[sflag:s16] =	ssyncset.done $0x0  }
0x3d: {  	[sflag:s16] =	ssyncadd.s32 $0xFFFFC000  }
0x3e: {  	_ =	swait.ge [sflag:s17], $0x80  }
0x3f: {  	[sflag:s17] =	ssyncset.done $0x0  }
0x40: {  	[sflag:s17] =	ssyncadd.s32 $0xFFFFFF80  }
0x41: {  	[spmem:s2] =	stream.indirect.scatter.add.f32 [tilespmem:s3], [sflag:$0x5], $0x80, s13, s18, $0xb8;
	[tilespmem:$0x1C100] =	vst v63  }
0x42: {  	_ =	swait.ge [sflag:s19], $0x4000  }
0x43: {  	[sflag:s19] =	ssyncset.done $0x0  }
0x44: {  	[sflag:s19] =	ssyncadd.s32 $0xFFFFC000  }
0x45: {  	_ =	swait.ge [sflag:s20], $0x80  }
0x46: {  	[sflag:s20] =	ssyncset.done $0x0  }
0x47: {  	[sflag:s20] =	ssyncadd.s32 $0xFFFFFF80  }
0x48: {  	[spmem:s2] =	stream.indirect.scatter.add.f32 [tilespmem:s14], [sflag:$0x6], $0x80, s15, s18, $0xb8;
	[tilespmem:$0x1C100] =	vst v63  }
.Ltmp0:
0x49: {  	_ =	swait.ge [sflag:s21], $0x4000;
	(pc) =	sbr.rel @p0 .LBB2_2-.Ltmp0, $4  }
0x4a: {  	[sflag:s21] =	ssyncset.done $0x0  }
0x4b: {  	[sflag:s21] =	ssyncadd.s32 $0xFFFFC000  }
0x4c: {  	_ =	swait.ge [sflag:s22], $0x4000  }
0x4d: {  	s25 =	sadd.s32 $0x1000, s25;
	[sflag:s22] =	ssyncset.done $0x0  }
0x4e: {  	s26 =	sadd.s32 $0xFFFFF800, s25;
	[sflag:s22] =	ssyncadd.s32 $0xFFFFC000  }
0x4f: {  	[tilespmem:s3], [sflag:$0x1] =	stream.linear.gather [hbm4b:s26+s3], $0x4000, $0x38;
	[tilespmem:$0x1C100] =	vst v63  }
0x50: {  	s30 =	sadd.s32 s24, s10  }
0x51: {  	[tilespmem:s13], [sflag:$0x3] =	stream.linear.gather [hbm4b:s30+s3], $0x80, $0x38;
	[tilespmem:$0x1C100] =	vst v63  }
0x52: {  	_ = 	snop  }
0x53: {  	[tilespmem:s14], [sflag:$0x2] =	stream.linear.gather [hbm4b:s25+s3], $0x4000, $0x38;
	[tilespmem:$0x1C100] =	vst v63  }
0x54: {  	s31 =	sadd.s32 s24, s9  }
0x55: {  	[tilespmem:s15], [sflag:$0x4] =	stream.linear.gather [hbm4b:s31+s3], $0x80, $0x38;
	[tilespmem:$0x1C100] =	vst v63  }
0x56: {  	_ =	swait.ge [sflag:s16], $0x4000  }
0x57: {  	[sflag:s16] =	ssyncset.done $0x0  }
0x58: {  	[sflag:s16] =	ssyncadd.s32 $0xFFFFC000  }
0x59: {  	_ =	swait.ge [sflag:s17], $0x80  }
0x5a: {  	[sflag:s17] =	ssyncset.done $0x0  }
0x5b: {  	[sflag:s17] =	ssyncadd.s32 $0xFFFFFF80  }
0x5c: {  	[spmem:s2] =	stream.indirect.scatter.add.f32 [tilespmem:s3], [sflag:$0x5], $0x80, s13, s18, $0xb8;
	[tilespmem:$0x1C100] =	vst v63  }
0x5d: {  	_ =	swait.ge [sflag:s19], $0x4000  }
0x5e: {  	[sflag:s19] =	ssyncset.done $0x0  }
0x5f: {  	[sflag:s19] =	ssyncadd.s32 $0xFFFFC000  }
0x60: {  	_ =	swait.ge [sflag:s20], $0x80  }
0x61: {  	[sflag:s20] =	ssyncset.done $0x0  }
0x62: {  	[sflag:s20] =	ssyncadd.s32 $0xFFFFFF80  }
0x63: {  	[spmem:s2] =	stream.indirect.scatter.add.f32 [tilespmem:s14], [sflag:$0x6], $0x80, s15, s18, $0xb8;
	[tilespmem:$0x1C100] =	vst v63  }
0x64: {  	_ =	swait.ge [sflag:s21], $0x4000  }
0x65: {  	[sflag:s21] =	ssyncset.done $0x0  }
0x66: {  	[sflag:s21] =	ssyncadd.s32 $0xFFFFC000  }
0x67: {  	_ =	swait.ge [sflag:s22], $0x4000  }
0x68: {  	s23 =	sadd.s32 $0x1, s23;
	[sflag:s22] =	ssyncset.done $0x0  }
0x69: {  	p0 =	sne.s32 s23, s7;
	[sflag:s22] =	ssyncadd.s32 $0xFFFFC000  }
.Ltmp1:
0x6a: {  	[bflag:$0x0] =	sbarrier.arrive $0xFFFF;
	(pc) =	sbr.rel @p0 .LBB2_1-.Ltmp1, $4  }
0x6b: {  	[hbm:s6], [sflag:s5] =	dma.local [spmem:s11], $0x2800  }
0x6c: {  	_ =	swait.ge [sflag:s12], $0x2800  }
0x6d: {  	[sflag:s12] =	ssyncset.done $0x0  }
0x6e: {  	[sflag:s12] =	ssyncadd.s32 $0xFFFFD800  }
0x6f: {  	_ =	sfence.sel $0x180000  }
0x70: {  	[bflag:$0x0] =	sbarrier.arrive $0xFFFF  }
0x71: {  	p0 =	sne.s32 s1, $0x0;
	_ =	strace $0x90000050  }
0x72: {  	s0 =	sadd.s32 @!p0 $0x100000, s0;
	[bflag:$0x2] =	sbarrier.arrive $0xFFFF  }
0x73: {  	[sflag:s0] =	ssyncadd.tile.s32 @!p0 $0x1;
	_ =	shalt  }
.Lfunc_end2:
_tile_overlayer_lowered:
.L_overlay_start_2:
0x74: {  	(tag) =	ssettag $0x2  }
0x75: {  	s0 =	rddreg [dreg:$0x0];
	s2 =	stileid.u32  }
0x76: {  	s1 =	rddreg [dreg:$0x1];
	p0 =	sne.s32 s2, $0x0  }
0x77: {  	s3 =	rddreg [dreg:$0x2];
	[bflag:$0x3] =	sbarrier.arrive $0xFFFF;
	s2 =	simm.s32 @!p0 $0x1C07  }
0x78: {  	[timem:s3], [sflag:s2] =	dma.local @!p0 [hbm:s0], s1  }
0x79: {  	s0 =	simm.s32 @!p0 $0x7  }
0x7a: {  	_ =	swait.ge @!p0 [sflag:s0], s1  }
0x7b: {  	s1 =	ssub.s32 @!p0 $0x0, s1;
	[sflag:s0] =	ssyncset.done @!p0 $0x0  }
0x7c: {  	[sflag:s0] =	ssyncadd.s32 @!p0 s1  }
0x7d: {  	[bflag:$0x3] =	sbarrier.arrive $0xFFFF  }
0x7e: {  	_ =	shalt  }

// kernel: kernel.33.cloned.1.call-start
scs
__scs_entry_jumppad:
0x0: {  	(pc) =	sbr.rel $0x88, $3  }
0x1: {  	(tag) =	ssettag $0x0;
	lr =	simm.s32 $0x1  }
0x2: {  	[smem:$0x3F94] =	sst lr;
	_ =	strace $0xD0000000  }
0x3: {  	_ = 	snop  }
0x4: {  	_ = 	snop  }
0x5: {  	_ = 	snop  }
0x6: {  	_ = 	snop  }
0x7: {  	_ = 	snop  }
__scs_overlays_trampoline_lowered:
0x8: {  	[smem:$0x3FA3] =	sst s0  }
0x9: {  	[smem:$0x3FA4] =	sst s1  }
0xa: {  	[smem:$0x3FA5] =	sst s2  }
0xb: {  	[smem:$0x3FA6] =	sst s3  }
0xc: {  	[smem:$0x3FA7] =	sst s4  }
0xd: {  	[smem:$0x3FA8] =	sst s5  }
0xe: {  	[smem:$0x3FA9] =	sst s6  }
0xf: {  	[smem:$0x3FAA] =	sst s7  }
0x10: {  	[smem:$0x3FAB] =	sst s8  }
0x11: {  	[smem:$0x3FAC] =	sst s9;
	s0 =	simm.s32 @!p0 $0x0  }
0x12: {  	s1 =	sld [smem:$0x3F92];
	s0 =	simm.s32 @p0 $0x1  }
0x13: {  	[smem:$0x3FAD] =	sst s0;
	s0 =	simm.s32 @!p1 $0x0  }
0x14: {  	s2 =	sld [smem:$0x3F91];
	s0 =	simm.s32 @p1 $0x1  }
0x15: {  	[smem:$0x3FAE] =	sst s0;
	s0 =	simm.s32 @!p2 $0x0  }
0x16: {  	s3 =	sld [smem:$0x3FDB];
	s0 =	simm.s32 @p2 $0x1  }
0x17: {  	s4 =	simm.s32 $0x1BF5;
	[smem:$0x3FB0] =	sst s0  }
0x18: {  	s0 =	sld [smem:$0x3F93];
	_ =	swait.ge [sflag:s4], $0x0  }
0x19: {  	s7 =	sld [smem:$0x3F94]  }
0x1a: {  	s8 =	sadd.s32 $0xFFFFE003, lr  }
0x1b: {  	s9 =	sadd.s32 $0xFFFFFEF7, lr;
	s5 =	simm.s32 $0xFFFFFFFF;
	p2 =	slt.u32 s8, $0xFFFFF086  }
0x1c: {  	p1 =	slt.u32 s9, $0xF7A;
	s5 =	simm.s32 @!p2 $0x0  }
0x1d: {  	s5 =	simm.s32 @p1 $0x1;
	p0 =	seq.s32 s7, s2  }
0x1e: {  	s7 =	smul.u32 @!p0 $0xF7A, s2;
	p2 =	seq.s32 @!p0 s5, $0x0  }
0x1f: {  	s9 =	smul.u32 $0xF7A, s1;
	s8 =	simm.s32 @!p0 $0x1BF5;
	p2 =	por !p2, p0  }
0x20: {  	[sflag:s8] =	ssyncset.s32 @!p0 $0xFFFFF086;
	s6 =	sadd.s32 @!p0 s3, s7;
	s7 =	simm.s32 @!p0 $0x108  }
0x21: {  	s3 =	sadd.s32 s3, s9;
	s6 =	sadd.s32 @!p0 $0x88, s6;
	s7 =	simm.s32 @p2 $0x1082  }
0x22: {  	[simem:s7], [sflag:s8] =	dma.local @!p0 [hbm:s6], $0xF7A  }
0x23: {  	s9 =	sor.u32 $0xD0000000, s2;
	s6 =	simm.s32 $0x108;
	_ =	swait.ge @!p0 [sflag:s8], $0x0  }
0x24: {  	s3 =	sadd.s32 $0x88, s3;
	s6 =	simm.s32 @!p1 $0x1082;
	[sflag:s4] =	ssyncset.s32 $0xFFFFF086  }
0x25: {  	[simem:s6], [sflag:s4] =	dma.local [hbm:s3], $0xF7A  }
0x26: {  	[smem:$0x3F94] =	sst s1;
	(tag) =	ssettag s2;
	_ =	strace s9  }
0x27: {  	s1 =	sld [smem:$0x3FA4]  }
0x28: {  	s2 =	sld [smem:$0x3FA5]  }
0x29: {  	s4 =	sld [smem:$0x3FA7]  }
0x2a: {  	p0 =	seq.s32 s5, $0x0;
	s5 =	sld [smem:$0x3FA8]  }
0x2b: {  	s6 =	sld [smem:$0x3FA9]  }
0x2c: {  	s7 =	sld [smem:$0x3FAA]  }
0x2d: {  	s3 =	simm.s32 $0x108;
	s8 =	sld [smem:$0x3FAB]  }
0x2e: {  	s3 =	simm.s32 @!p0 $0x1082;
	s9 =	sld [smem:$0x3FAC]  }
0x2f: {  	lr =	sadd.s32 s0, s3;
	s0 =	sld [smem:$0x3FA3]  }
0x30: {  	s3 =	sld [smem:$0x3FA6]  }
0x31: {  	[smem:$0x3FAF] =	sst s10  }
0x32: {  	s10 =	sld [smem:$0x3FAD];
	_ =	sdelay $0x3  }
0x33: {  	p0 =	seq.s32 s10, $0x1;
	s10 =	sld [smem:$0x3FAF];
	_ =	sdelay $0x3  }
0x34: {  	[smem:$0x3FAF] =	sst s10  }
0x35: {  	s10 =	sld [smem:$0x3FAE];
	_ =	sdelay $0x3  }
0x36: {  	p1 =	seq.s32 s10, $0x1;
	s10 =	sld [smem:$0x3FAF];
	_ =	sdelay $0x3  }
0x37: {  	[smem:$0x3FAF] =	sst s10  }
0x38: {  	s10 =	sld [smem:$0x3FB0]  }
0x39: {  	_ = 	snop;
	(pc) =	sbr.ind lr, $3  }
0x3a: {  	_ = 	snop  }
0x3b: {  	_ = 	snop  }
0x3c: {  	p2 =	seq.s32 s10, $0x1;
	s10 =	sld [smem:$0x3FAF]  }
0x3d: {  	_ =	shalt  }
0x3e: {  	_ =	shalt  }
0x3f: {  	_ =	shalt  }
0x40: {  	_ =	shalt  }
0x41: {  	_ =	shalt  }
0x42: {  	_ =	shalt  }
0x43: {  	_ =	shalt  }
0x44: {  	_ =	shalt  }
0x45: {  	_ =	shalt  }
0x46: {  	_ =	shalt  }
0x47: {  	_ =	shalt  }
0x48: {  	_ =	shalt  }
0x49: {  	_ =	shalt  }
0x4a: {  	_ =	shalt  }
0x4b: {  	_ =	shalt  }
0x4c: {  	_ =	shalt  }
0x4d: {  	_ =	shalt  }
0x4e: {  	_ =	shalt  }
0x4f: {  	_ =	shalt  }
0x50: {  	_ =	shalt  }
0x51: {  	_ =	shalt  }
0x52: {  	_ =	shalt  }
0x53: {  	_ =	shalt  }
0x54: {  	_ =	shalt  }
0x55: {  	_ =	shalt  }
0x56: {  	_ =	shalt  }
0x57: {  	_ =	shalt  }
0x58: {  	_ =	shalt  }
0x59: {  	_ =	shalt  }
0x5a: {  	_ =	shalt  }
0x5b: {  	_ =	shalt  }
0x5c: {  	_ =	shalt  }
0x5d: {  	_ =	shalt  }
0x5e: {  	_ =	shalt  }
0x5f: {  	_ =	shalt  }
0x60: {  	_ =	shalt  }
0x61: {  	_ =	shalt  }
0x62: {  	_ =	shalt  }
0x63: {  	_ =	shalt  }
0x64: {  	_ =	shalt  }
0x65: {  	_ =	shalt  }
0x66: {  	_ =	shalt  }
0x67: {  	_ =	shalt  }
0x68: {  	_ =	shalt  }
0x69: {  	_ =	shalt  }
0x6a: {  	_ =	shalt  }
0x6b: {  	_ =	shalt  }
0x6c: {  	_ =	shalt  }
0x6d: {  	_ =	shalt  }
0x6e: {  	_ =	shalt  }
0x6f: {  	_ =	shalt  }
0x70: {  	_ =	shalt  }
0x71: {  	_ =	shalt  }
0x72: {  	_ =	shalt  }
0x73: {  	_ =	shalt  }
0x74: {  	_ =	shalt  }
0x75: {  	_ =	shalt  }
0x76: {  	_ =	shalt  }
0x77: {  	_ =	shalt  }
0x78: {  	_ =	shalt  }
0x79: {  	_ =	shalt  }
0x7a: {  	_ =	shalt  }
0x7b: {  	_ =	shalt  }
0x7c: {  	_ =	shalt  }
0x7d: {  	_ =	shalt  }
0x7e: {  	_ =	shalt  }
0x7f: {  	_ =	shalt  }
0x80: {  	_ =	shalt  }
0x81: {  	_ =	shalt  }
0x82: {  	_ =	shalt  }
0x83: {  	_ =	shalt  }
0x84: {  	_ =	shalt  }
0x85: {  	_ =	shalt  }
0x86: {  	_ =	shalt  }
0x87: {  	_ =	shalt  }
.Lfunc_end0:
.L_simem_size_0:
called_computation.4_lowered:
.L_overlay_start_0:
0x88: {  	s2 =	sld [smem:$0x3FD9]  }
0x89: {  	s3 =	sld [smem:$0x3FFE];
	_ =	sdelay $0x1  }
0x8a: {  	s1 =	srdreg.scid  }
0x8b: {  	s0 =	sand.u32 $0x1, s1  }
0x8c: {  	s16 =	sshll.u32 s0, $0xA;
	s2 =	sadd.s32 s3, s2  }
0x8d: {  	s2 =	sadd.s32 s2, s16  }
0x8e: {  	[smem:$0x3FBB] =	sst s2  }
0x8f: {  	_ = 	snop  }
0x90: {  	(tm) =	ssettm $0x1  }
0x91: {  	s17 =	sld [smem:$0x3FFB];
	_ =	sdelay $0x3  }
0x92: {  	_ =	strace s17  }
0x93: {  	s2 =	sld [smem:$0x3FFC];
	_ =	sdelay $0x3  }
0x94: {  	_ =	strace s2  }
0x95: {  	s2 =	sld [smem:$0x3FFD];
	_ =	sdelay $0x3  }
0x96: {  	_ =	strace s2  }
0x97: {  	_ =	strace $0x8FFFFFFF  }
0x98: {  	s18 =	sld [smem:$0x3FDB];
	_ =	sdelay $0x1  }
0x99: {  	s19 =	simm.s32 $_scs_section_size  }
0x9a: {  	s4 =	simm.s32 $_size__tile_overlayer_lowered;
	s5 =	simm.s32 $_tile_overlayer_lowered  }
0x9b: {  	s22 =	simm.s32 $0x1BFF;
	s21 =	sshll.u32 s5, $0x1;
	s2 =	sadd.s32 s19, s18  }
0x9c: {  	s6 =	simm.s32 $0x0;
	s20 =	sshll.u32 s4, $0x1;
	s4 =	sadd.s32 s21, s2  }
0x9d: {  	[timem:s6], [sflag:s22] =	dma.local [hbm:s4], s20  }
0x9e: {  	_ =	swait.ge [sflag:s22], s20  }
0x9f: {  	s3 =	ssub.s32 $0x0, s20;
	[sflag:s22] =	ssyncset.done $0x0  }
0xa0: {  	[sflag:s22] =	ssyncadd.s32 s3;
	_ =	sdelay $0x1  }
0xa1: {  	s23 =	simm.s32 $0x1B8B  }
0xa2: {  	_ =	swait.ge [sflag:s23], $0x1  }
0xa3: {  	[sflag:s23] =	ssyncset.done $0x0  }
0xa4: {  	s25 =	simm.s32 $0x1B8E;
	s24 =	sld [smem:$0x3FFE];
	[sflag:s23] =	ssyncadd.s32 $0xFFFFFFFF  }
0xa5: {  	s26 =	simm.s32 $execute0_lowered;
	[smem:$0x3FD2] =	sst s25  }
0xa6: {  	s4 =	sshll.u32 s26, $0x1;
	_ =	strace $0x80000052;
	[dreg:$0x1] =	wrdreg $0xFFFFFFFF  }
0xa7: {  	s28 =	simm.s32 $_size_execute0_lowered;
	s2 =	sadd.s32 s2, s4;
	[dreg:$0x0] =	wrdreg $0x0  }
0xa8: {  	s4 =	sshll.u32 s28, $0x1;
	[dreg:$0x2] =	wrdreg s2  }
0xa9: {  	[dreg:$0x3] =	wrdreg s4  }
0xaa: {  	[dreg:$0x4] =	wrdreg $0xC0  }
0xab: {  	_ =	task [dreg:s6], $0x5FFFF  }
0xac: {  	[dreg:$0x1] =	wrdreg $0xFFFFFFFF  }
0xad: {  	[dreg:$0x0] =	wrdreg $0x60  }
0xae: {  	[dreg:$0x2] =	wrdreg s24  }
0xaf: {  	[dreg:$0x3] =	wrdreg $0x9  }
0xb0: {  	_ =	task.clear_ibuf [dreg:s6], $0x4FFFF;
	_ =	strace $0x90000052  }
0xb1: {  	s29 =	simm.s32 $0x9;
	_ =	strace $0x80000054  }
0xb2: {  	_ =	swait.ge [sflag:s29], $0x1  }
0xb3: {  	[sflag:s29] =	ssyncadd.s32 $0xFFFFFFFF  }
0xb4: {  	_ =	strace $0x90000054  }
0xb5: {  	_ =	sfence  }
0xb6: {  	s30 =	sld [smem:$0x0];
	_ =	sdelay $0x2  }
0xb7: {  	s31 =	sshll.u32 s1, $0xD;
	s1 =	sshrl.u32 s1, $0x2  }
0xb8: {  	s3 =	sand.u32 $0x4000, s31;
	s1 =	sadd.s32 s1, s30  }
0xb9: {  	s0 =	sor.u32 s3, s0;
	s1 =	sshll.u32 s1, $0x11  }
0xba: {  	s0 =	sor.u32 s1, s0  }
0xbb: {  	s0 =	sadd.s32 $0x8F2B, s0  }
0xbc: {  	[sflag:s0] =	ssyncadd.remote.s32 $0x1  }
0xbd: {  	_ =	sfence.sel $0xFFFF  }
0xbe: {  	[dreg:$0x0] =	wrdreg $0xFFFFFFFF;
	(pc) =	sbr.abs _section_cstart, $3  }
0xbf: {  	[dreg:$0x1] =	wrdreg $0xFFFFFFFF  }
0xc0: {  	_ =	task.clear_ibuf [dreg:s6], $0x2FFFF;
	_ =	strace $0x9FFFFFFF  }
0xc1: {  	(tm) =	ssettm $0x7FFFFFFF  }
tec
execute0_lowered:
.L_overlay_start_1:
0x0: {  	(tag) =	ssettag $0x1  }
0x1: {  	s4 =	rddreg [dreg:$0x0]  }
0x2: {  	s0 =	rddreg [dreg:$0x1];
	s2 =	simm.s32 $0x0;
	s1 =	stileid.u32  }
0x3: {  	s3 =	srdreg.scid;
	s12 =	simm.s32 $0x4100;
	s13 =	simm.s32 $0x3  }
0x4: {  	s14 =	simm.s32 $0x4;
	s15 =	simm.s32 $0x5;
	s16 =	simm.s32 $0x6  }
0x5: {  	s17 =	simm.s32 $0x0;
	[smem:$0x7FF] =	sst s2;
	s5 =	smul.u32 $0x28000, s1  }
0x6: {  	s6 =	sand.u32 $0x1, s3;
	s7 =	smul.u32 $0x2800, s1;
	s3 =	sadd.s32 $0x2E5400, s4  }
0x7: {  	s10 =	sadd.s32 $0xB400, s4;
	s8 =	ssub.s32 $0x2, s6;
	s9 =	smul.u32 $0x1400, s6  }
0x8: {  	_ =	strace $0x80000053;
	s6 =	smul.u32 $0x14000, s6;
	s11 =	sshrl.u32 s8, $0x1  }
0x9: {  	s5 =	sadd.s32 s5, s4;
	s30 =	ssub.s32 s8, s11;
	s7 =	sadd.s32 s9, s7  }
0xa: {  	s5 =	sadd.s32 s6, s5;
	s8 =	simm.s32 $0x80;
	s9 =	simm.s32 $0x1  }
0xb: {  	s11 =	simm.s32 $0x2;
	s4 =	smax.u32 s30, $0x1;
	s31 =	sor.u32 $0x80, s7  }
0xc: {  	s5 =	sadd.s32 $0x10C00, s5;
	s7 =	sshrl.u32 s7, $0x3;
	s6 =	sshrl.u32 s31, $0x3  }
0xd: {  	s7 =	sadd.s32 s7, s10;
	s6 =	sadd.s32 s6, s10;
	s10 =	simm.s32 $0x100  }
.LBB2_1:
0xe: {  	s18 =	sadd.s32 $0x0, s7  }
0xf: {  	[tilespmem:s2], [sflag:$0x1] =	stream.linear.gather [hbm4b:s18+s2], $0x80, $0x38;
	[tilespmem:$0x8100] =	vst v63  }
0x10: {  	s30 =	sadd.s32 $0x0, s6  }
0x11: {  	[tilespmem:s8], [sflag:$0x2] =	stream.linear.gather [hbm4b:s30+s2], $0x80, $0x38;
	[tilespmem:$0x8100] =	vst v63  }
0x12: {  	_ =	swait.ge [sflag:s9], $0x80  }
0x13: {  	[sflag:s9] =	ssyncset.done $0x0  }
0x14: {  	[sflag:s9] =	ssyncadd.s32 $0xFFFFFF80  }
0x15: {  	[tilespmem:s10], [sflag:$0x3] =	stream.indirect.gather [hbm4b:s3+s8], $0x80, s2, s8, $0xb8;
	[tilespmem:$0x8100] =	vst v63  }
0x16: {  	_ =	swait.ge [sflag:s11], $0x80  }
0x17: {  	[sflag:s11] =	ssyncset.done $0x0  }
0x18: {  	[sflag:s11] =	ssyncadd.s32 $0xFFFFFF80  }
0x19: {  	[tilespmem:s12], [sflag:$0x4] =	stream.indirect.gather [hbm4b:s3+s8], $0x80, s8, s8, $0xb8;
	[tilespmem:$0x8100] =	vst v63  }
0x1a: {  	_ =	swait.ge [sflag:s13], $0x4000  }
0x1b: {  	[sflag:s13] =	ssyncset.done $0x0  }
0x1c: {  	s31 =	sadd.s32 $0xFFFFF800, s5;
	[sflag:s13] =	ssyncadd.s32 $0xFFFFC000  }
0x1d: {  	[hbm4b:s31+s2] =	stream.linear.scatter [tilespmem:s10], [sflag:$0x5], $0x4000, $0x38;
	[tilespmem:$0x8100] =	vst v63  }
0x1e: {  	_ =	swait.ge [sflag:s14], $0x4000  }
0x1f: {  	[sflag:s14] =	ssyncset.done $0x0  }
0x20: {  	[sflag:s14] =	ssyncadd.s32 $0xFFFFC000  }
0x21: {  	[hbm4b:s5+s2] =	stream.linear.scatter [tilespmem:s12], [sflag:$0x6], $0x4000, $0x38;
	[tilespmem:$0x8100] =	vst v63  }
0x22: {  	_ =	swait.ge [sflag:s15], $0x4000  }
0x23: {  	[sflag:s15] =	ssyncset.done $0x0  }
0x24: {  	[sflag:s15] =	ssyncadd.s32 $0xFFFFC000  }
0x25: {  	s19 =	simm.s32 $0x20;
	_ =	swait.ge [sflag:s16], $0x4000  }
0x26: {  	s20 =	simm.s32 $0x40;
	s18 =	sadd.s32 $0x1000, s5;
	[sflag:s16] =	ssyncset.done $0x0  }
.LBB2_2:
0x27: {  	s21 =	sadd.s32 s19, s7  }
0x28: {  	[sflag:s16] =	ssyncadd.s32 $0xFFFFC000;
	s22 =	smov.u32 s20;
	s23 =	sadd.s32 $0x20, s20  }
0x29: {  	[tilespmem:s2], [sflag:$0x1] =	stream.linear.gather [hbm4b:s21+s2], $0x80, $0x38;
	[tilespmem:$0x8100] =	vst v63  }
0x2a: {  	p0 =	sne.s32 s20, $0x260;
	s20 =	sadd.s32 s19, s6;
	s19 =	smov.u32 s22  }
0x2b: {  	[tilespmem:s8], [sflag:$0x2] =	stream.linear.gather [hbm4b:s20+s2], $0x80, $0x38;
	[tilespmem:$0x8100] =	vst v63  }
0x2c: {  	_ =	swait.ge [sflag:s9], $0x80  }
0x2d: {  	[sflag:s9] =	ssyncset.done $0x0  }
0x2e: {  	[sflag:s9] =	ssyncadd.s32 $0xFFFFFF80  }
0x2f: {  	[tilespmem:s10], [sflag:$0x3] =	stream.indirect.gather [hbm4b:s3+s8], $0x80, s2, s8, $0xb8;
	[tilespmem:$0x8100] =	vst v63  }
0x30: {  	_ =	swait.ge [sflag:s11], $0x80  }
0x31: {  	[sflag:s11] =	ssyncset.done $0x0  }
0x32: {  	[sflag:s11] =	ssyncadd.s32 $0xFFFFFF80  }
0x33: {  	[tilespmem:s12], [sflag:$0x4] =	stream.indirect.gather [hbm4b:s3+s8], $0x80, s8, s8, $0xb8;
	[tilespmem:$0x8100] =	vst v63  }
0x34: {  	_ =	swait.ge [sflag:s13], $0x4000  }
0x35: {  	[sflag:s13] =	ssyncset.done $0x0  }
0x36: {  	s20 =	sadd.s32 $0xFFFFF800, s18;
	[sflag:s13] =	ssyncadd.s32 $0xFFFFC000  }
0x37: {  	[hbm4b:s20+s2] =	stream.linear.scatter [tilespmem:s10], [sflag:$0x5], $0x4000, $0x38;
	[tilespmem:$0x8100] =	vst v63  }
0x38: {  	_ =	swait.ge [sflag:s14], $0x4000  }
0x39: {  	[sflag:s14] =	ssyncset.done $0x0  }
0x3a: {  	[sflag:s14] =	ssyncadd.s32 $0xFFFFC000  }
0x3b: {  	[hbm4b:s18+s2] =	stream.linear.scatter [tilespmem:s12], [sflag:$0x6], $0x4000, $0x38;
	[tilespmem:$0x8100] =	vst v63  }
.Ltmp0:
0x3c: {  	_ =	swait.ge [sflag:s15], $0x4000;
	(pc) =	sbr.rel @p0 .LBB2_2-.Ltmp0, $4  }
0x3d: {  	[sflag:s15] =	ssyncset.done $0x0  }
0x3e: {  	[sflag:s15] =	ssyncadd.s32 $0xFFFFC000  }
0x3f: {  	_ =	swait.ge [sflag:s16], $0x4000  }
0x40: {  	s20 =	smov.u32 s23;
	s18 =	sadd.s32 $0x1000, s18;
	[sflag:s16] =	ssyncset.done $0x0  }
0x41: {  	s20 =	sadd.s32 s19, s7;
	[sflag:s16] =	ssyncadd.s32 $0xFFFFC000  }
0x42: {  	[tilespmem:s2], [sflag:$0x1] =	stream.linear.gather [hbm4b:s20+s2], $0x80, $0x38;
	[tilespmem:$0x8100] =	vst v63  }
0x43: {  	s30 =	sadd.s32 s19, s6  }
0x44: {  	[tilespmem:s8], [sflag:$0x2] =	stream.linear.gather [hbm4b:s30+s2], $0x80, $0x38;
	[tilespmem:$0x8100] =	vst v63  }
0x45: {  	_ =	swait.ge [sflag:s9], $0x80  }
0x46: {  	[sflag:s9] =	ssyncset.done $0x0  }
0x47: {  	[sflag:s9] =	ssyncadd.s32 $0xFFFFFF80  }
0x48: {  	[tilespmem:s10], [sflag:$0x3] =	stream.indirect.gather [hbm4b:s3+s8], $0x80, s2, s8, $0xb8;
	[tilespmem:$0x8100] =	vst v63  }
0x49: {  	_ =	swait.ge [sflag:s11], $0x80  }
0x4a: {  	[sflag:s11] =	ssyncset.done $0x0  }
0x4b: {  	[sflag:s11] =	ssyncadd.s32 $0xFFFFFF80  }
0x4c: {  	[tilespmem:s12], [sflag:$0x4] =	stream.indirect.gather [hbm4b:s3+s8], $0x80, s8, s8, $0xb8;
	[tilespmem:$0x8100] =	vst v63  }
0x4d: {  	_ =	swait.ge [sflag:s13], $0x4000  }
0x4e: {  	[sflag:s13] =	ssyncset.done $0x0  }
0x4f: {  	s31 =	sadd.s32 $0xFFFFF800, s18;
	[sflag:s13] =	ssyncadd.s32 $0xFFFFC000  }
0x50: {  	[hbm4b:s31+s2] =	stream.linear.scatter [tilespmem:s10], [sflag:$0x5], $0x4000, $0x38;
	[tilespmem:$0x8100] =	vst v63  }
0x51: {  	_ =	swait.ge [sflag:s14], $0x4000  }
0x52: {  	[sflag:s14] =	ssyncset.done $0x0  }
0x53: {  	s17 =	sadd.s32 $0x1, s17;
	[sflag:s14] =	ssyncadd.s32 $0xFFFFC000  }
0x54: {  	[hbm4b:s18+s2] =	stream.linear.scatter [tilespmem:s12], [sflag:$0x6], $0x4000, $0x38;
	[tilespmem:$0x8100] =	vst v63  }
0x55: {  	p0 =	sne.s32 s17, s4;
	_ =	swait.ge [sflag:s15], $0x4000  }
.Ltmp1:
0x56: {  	[sflag:s15] =	ssyncset.done $0x0;
	(pc) =	sbr.rel @p0 .LBB2_1-.Ltmp1, $4  }
0x57: {  	[sflag:s15] =	ssyncadd.s32 $0xFFFFC000  }
0x58: {  	_ =	swait.ge [sflag:s16], $0x4000  }
0x59: {  	[sflag:s16] =	ssyncset.done $0x0  }
0x5a: {  	[sflag:s16] =	ssyncadd.s32 $0xFFFFC000  }
0x5b: {  	_ =	sfence.sel $0x180000  }
0x5c: {  	[bflag:$0x0] =	sbarrier.arrive $0xFFFF  }
0x5d: {  	p0 =	sne.s32 s1, $0x0;
	_ =	strace $0x90000053  }
0x5e: {  	s0 =	sadd.s32 @!p0 $0x100000, s0;
	[bflag:$0x2] =	sbarrier.arrive $0xFFFF  }
0x5f: {  	[sflag:s0] =	ssyncadd.tile.s32 @!p0 $0x1;
	_ =	shalt  }
.Lfunc_end2:
_tile_overlayer_lowered:
.L_overlay_start_2:
0x60: {  	(tag) =	ssettag $0x2  }
0x61: {  	s0 =	rddreg [dreg:$0x0];
	s2 =	stileid.u32  }
0x62: {  	s1 =	rddreg [dreg:$0x1];
	p0 =	sne.s32 s2, $0x0  }
0x63: {  	s3 =	rddreg [dreg:$0x2];
	[bflag:$0x3] =	sbarrier.arrive $0xFFFF;
	s2 =	simm.s32 @!p0 $0x1C07  }
0x64: {  	[timem:s3], [sflag:s2] =	dma.local @!p0 [hbm:s0], s1  }
0x65: {  	s0 =	simm.s32 @!p0 $0x7  }
0x66: {  	_ =	swait.ge @!p0 [sflag:s0], s1  }
0x67: {  	s1 =	ssub.s32 @!p0 $0x0, s1;
	[sflag:s0] =	ssyncset.done @!p0 $0x0  }
0x68: {  	[sflag:s0] =	ssyncadd.s32 @!p0 s1  }
0x69: {  	[bflag:$0x3] =	sbarrier.arrive $0xFFFF  }
0x6a: {  	_ =	shalt  }

// kernel: kernel.36.cloned.1.call-start
scs
__scs_entry_jumppad:
0x0: {  	(pc) =	sbr.rel $0x88, $3  }
0x1: {  	(tag) =	ssettag $0x0;
	lr =	simm.s32 $0x1  }
0x2: {  	[smem:$0x3F94] =	sst lr;
	_ =	strace $0xD0000000  }
0x3: {  	_ = 	snop  }
0x4: {  	_ = 	snop  }
0x5: {  	_ = 	snop  }
0x6: {  	_ = 	snop  }
0x7: {  	_ = 	snop  }
__scs_overlays_trampoline_lowered:
0x8: {  	[smem:$0x3FA3] =	sst s0  }
0x9: {  	[smem:$0x3FA4] =	sst s1  }
0xa: {  	[smem:$0x3FA5] =	sst s2  }
0xb: {  	[smem:$0x3FA6] =	sst s3  }
0xc: {  	[smem:$0x3FA7] =	sst s4  }
0xd: {  	[smem:$0x3FA8] =	sst s5  }
0xe: {  	[smem:$0x3FA9] =	sst s6  }
0xf: {  	[smem:$0x3FAA] =	sst s7  }
0x10: {  	[smem:$0x3FAB] =	sst s8  }
0x11: {  	[smem:$0x3FAC] =	sst s9;
	s0 =	simm.s32 @!p0 $0x0  }
0x12: {  	s1 =	sld [smem:$0x3F92];
	s0 =	simm.s32 @p0 $0x1  }
0x13: {  	[smem:$0x3FAD] =	sst s0;
	s0 =	simm.s32 @!p1 $0x0  }
0x14: {  	s2 =	sld [smem:$0x3F91];
	s0 =	simm.s32 @p1 $0x1  }
0x15: {  	[smem:$0x3FAE] =	sst s0;
	s0 =	simm.s32 @!p2 $0x0  }
0x16: {  	s3 =	sld [smem:$0x3FDB];
	s0 =	simm.s32 @p2 $0x1  }
0x17: {  	s4 =	simm.s32 $0x1BF5;
	[smem:$0x3FB0] =	sst s0  }
0x18: {  	s0 =	sld [smem:$0x3F93];
	_ =	swait.ge [sflag:s4], $0x0  }
0x19: {  	s7 =	sld [smem:$0x3F94]  }
0x1a: {  	s8 =	sadd.s32 $0xFFFFE003, lr  }
0x1b: {  	s9 =	sadd.s32 $0xFFFFFEF7, lr;
	s5 =	simm.s32 $0xFFFFFFFF;
	p2 =	slt.u32 s8, $0xFFFFF086  }
0x1c: {  	p1 =	slt.u32 s9, $0xF7A;
	s5 =	simm.s32 @!p2 $0x0  }
0x1d: {  	s5 =	simm.s32 @p1 $0x1;
	p0 =	seq.s32 s7, s2  }
0x1e: {  	s7 =	smul.u32 @!p0 $0xF7A, s2;
	p2 =	seq.s32 @!p0 s5, $0x0  }
0x1f: {  	s9 =	smul.u32 $0xF7A, s1;
	s8 =	simm.s32 @!p0 $0x1BF5;
	p2 =	por !p2, p0  }
0x20: {  	[sflag:s8] =	ssyncset.s32 @!p0 $0xFFFFF086;
	s6 =	sadd.s32 @!p0 s3, s7;
	s7 =	simm.s32 @!p0 $0x108  }
0x21: {  	s3 =	sadd.s32 s3, s9;
	s6 =	sadd.s32 @!p0 $0x88, s6;
	s7 =	simm.s32 @p2 $0x1082  }
0x22: {  	[simem:s7], [sflag:s8] =	dma.local @!p0 [hbm:s6], $0xF7A  }
0x23: {  	s9 =	sor.u32 $0xD0000000, s2;
	s6 =	simm.s32 $0x108;
	_ =	swait.ge @!p0 [sflag:s8], $0x0  }
0x24: {  	s3 =	sadd.s32 $0x88, s3;
	s6 =	simm.s32 @!p1 $0x1082;
	[sflag:s4] =	ssyncset.s32 $0xFFFFF086  }
0x25: {  	[simem:s6], [sflag:s4] =	dma.local [hbm:s3], $0xF7A  }
0x26: {  	[smem:$0x3F94] =	sst s1;
	(tag) =	ssettag s2;
	_ =	strace s9  }
0x27: {  	s1 =	sld [smem:$0x3FA4]  }
0x28: {  	s2 =	sld [smem:$0x3FA5]  }
0x29: {  	s4 =	sld [smem:$0x3FA7]  }
0x2a: {  	p0 =	seq.s32 s5, $0x0;
	s5 =	sld [smem:$0x3FA8]  }
0x2b: {  	s6 =	sld [smem:$0x3FA9]  }
0x2c: {  	s7 =	sld [smem:$0x3FAA]  }
0x2d: {  	s3 =	simm.s32 $0x108;
	s8 =	sld [smem:$0x3FAB]  }
0x2e: {  	s3 =	simm.s32 @!p0 $0x1082;
	s9 =	sld [smem:$0x3FAC]  }
0x2f: {  	lr =	sadd.s32 s0, s3;
	s0 =	sld [smem:$0x3FA3]  }
0x30: {  	s3 =	sld [smem:$0x3FA6]  }
0x31: {  	[smem:$0x3FAF] =	sst s10  }
0x32: {  	s10 =	sld [smem:$0x3FAD];
	_ =	sdelay $0x3  }
0x33: {  	p0 =	seq.s32 s10, $0x1;
	s10 =	sld [smem:$0x3FAF];
	_ =	sdelay $0x3  }
0x34: {  	[smem:$0x3FAF] =	sst s10  }
0x35: {  	s10 =	sld [smem:$0x3FAE];
	_ =	sdelay $0x3  }
0x36: {  	p1 =	seq.s32 s10, $0x1;
	s10 =	sld [smem:$0x3FAF];
	_ =	sdelay $0x3  }
0x37: {  	[smem:$0x3FAF] =	sst s10  }
0x38: {  	s10 =	sld [smem:$0x3FB0]  }
0x39: {  	_ = 	snop;
	(pc) =	sbr.ind lr, $3  }
0x3a: {  	_ = 	snop  }
0x3b: {  	_ = 	snop  }
0x3c: {  	p2 =	seq.s32 s10, $0x1;
	s10 =	sld [smem:$0x3FAF]  }
0x3d: {  	_ =	shalt  }
0x3e: {  	_ =	shalt  }
0x3f: {  	_ =	shalt  }
0x40: {  	_ =	shalt  }
0x41: {  	_ =	shalt  }
0x42: {  	_ =	shalt  }
0x43: {  	_ =	shalt  }
0x44: {  	_ =	shalt  }
0x45: {  	_ =	shalt  }
0x46: {  	_ =	shalt  }
0x47: {  	_ =	shalt  }
0x48: {  	_ =	shalt  }
0x49: {  	_ =	shalt  }
0x4a: {  	_ =	shalt  }
0x4b: {  	_ =	shalt  }
0x4c: {  	_ =	shalt  }
0x4d: {  	_ =	shalt  }
0x4e: {  	_ =	shalt  }
0x4f: {  	_ =	shalt  }
0x50: {  	_ =	shalt  }
0x51: {  	_ =	shalt  }
0x52: {  	_ =	shalt  }
0x53: {  	_ =	shalt  }
0x54: {  	_ =	shalt  }
0x55: {  	_ =	shalt  }
0x56: {  	_ =	shalt  }
0x57: {  	_ =	shalt  }
0x58: {  	_ =	shalt  }
0x59: {  	_ =	shalt  }
0x5a: {  	_ =	shalt  }
0x5b: {  	_ =	shalt  }
0x5c: {  	_ =	shalt  }
0x5d: {  	_ =	shalt  }
0x5e: {  	_ =	shalt  }
0x5f: {  	_ =	shalt  }
0x60: {  	_ =	shalt  }
0x61: {  	_ =	shalt  }
0x62: {  	_ =	shalt  }
0x63: {  	_ =	shalt  }
0x64: {  	_ =	shalt  }
0x65: {  	_ =	shalt  }
0x66: {  	_ =	shalt  }
0x67: {  	_ =	shalt  }
0x68: {  	_ =	shalt  }
0x69: {  	_ =	shalt  }
0x6a: {  	_ =	shalt  }
0x6b: {  	_ =	shalt  }
0x6c: {  	_ =	shalt  }
0x6d: {  	_ =	shalt  }
0x6e: {  	_ =	shalt  }
0x6f: {  	_ =	shalt  }
0x70: {  	_ =	shalt  }
0x71: {  	_ =	shalt  }
0x72: {  	_ =	shalt  }
0x73: {  	_ =	shalt  }
0x74: {  	_ =	shalt  }
0x75: {  	_ =	shalt  }
0x76: {  	_ =	shalt  }
0x77: {  	_ =	shalt  }
0x78: {  	_ =	shalt  }
0x79: {  	_ =	shalt  }
0x7a: {  	_ =	shalt  }
0x7b: {  	_ =	shalt  }
0x7c: {  	_ =	shalt  }
0x7d: {  	_ =	shalt  }
0x7e: {  	_ =	shalt  }
0x7f: {  	_ =	shalt  }
0x80: {  	_ =	shalt  }
0x81: {  	_ =	shalt  }
0x82: {  	_ =	shalt  }
0x83: {  	_ =	shalt  }
0x84: {  	_ =	shalt  }
0x85: {  	_ =	shalt  }
0x86: {  	_ =	shalt  }
0x87: {  	_ =	shalt  }
.Lfunc_end0:
.L_simem_size_0:
called_computation.5_lowered:
.L_overlay_start_0:
0x88: {  	s2 =	sld [smem:$0x3FD9]  }
0x89: {  	s3 =	sld [smem:$0x3FFE];
	_ =	sdelay $0x1  }
0x8a: {  	s1 =	srdreg.scid  }
0x8b: {  	s0 =	sand.u32 $0x1, s1  }
0x8c: {  	s16 =	sshll.u32 s0, $0xA;
	s2 =	sadd.s32 s3, s2  }
0x8d: {  	s2 =	sadd.s32 s2, s16  }
0x8e: {  	[smem:$0x3FBB] =	sst s2  }
0x8f: {  	_ = 	snop  }
0x90: {  	(tm) =	ssettm $0x1  }
0x91: {  	s17 =	sld [smem:$0x3FFB];
	_ =	sdelay $0x3  }
0x92: {  	_ =	strace s17  }
0x93: {  	s2 =	sld [smem:$0x3FFC];
	_ =	sdelay $0x3  }
0x94: {  	_ =	strace s2  }
0x95: {  	s2 =	sld [smem:$0x3FFD];
	_ =	sdelay $0x3  }
0x96: {  	_ =	strace s2  }
0x97: {  	_ =	strace $0x8FFFFFFF  }
0x98: {  	s18 =	sld [smem:$0x3FDB];
	_ =	sdelay $0x1  }
0x99: {  	s19 =	simm.s32 $_scs_section_size  }
0x9a: {  	s4 =	simm.s32 $_size__tile_overlayer_lowered;
	s5 =	simm.s32 $_tile_overlayer_lowered  }
0x9b: {  	s22 =	simm.s32 $0x1BFF;
	s21 =	sshll.u32 s5, $0x1;
	s2 =	sadd.s32 s19, s18  }
0x9c: {  	s6 =	simm.s32 $0x0;
	s20 =	sshll.u32 s4, $0x1;
	s4 =	sadd.s32 s21, s2  }
0x9d: {  	[timem:s6], [sflag:s22] =	dma.local [hbm:s4], s20  }
0x9e: {  	_ =	swait.ge [sflag:s22], s20  }
0x9f: {  	s3 =	ssub.s32 $0x0, s20;
	[sflag:s22] =	ssyncset.done $0x0  }
0xa0: {  	[sflag:s22] =	ssyncadd.s32 s3;
	_ =	sdelay $0x1  }
0xa1: {  	s23 =	simm.s32 $0x1B8B  }
0xa2: {  	_ =	swait.ge [sflag:s23], $0x1  }
0xa3: {  	[sflag:s23] =	ssyncset.done $0x0  }
0xa4: {  	s25 =	simm.s32 $0x1B8E;
	s24 =	sld [smem:$0x3FFE];
	[sflag:s23] =	ssyncadd.s32 $0xFFFFFFFF  }
0xa5: {  	s26 =	simm.s32 $execute0_lowered;
	[smem:$0x3FD2] =	sst s25  }
0xa6: {  	s4 =	sshll.u32 s26, $0x1;
	_ =	strace $0x80000055;
	[dreg:$0x1] =	wrdreg $0xFFFFFFFF  }
0xa7: {  	s28 =	simm.s32 $_size_execute0_lowered;
	s2 =	sadd.s32 s2, s4;
	[dreg:$0x0] =	wrdreg $0x0  }
0xa8: {  	s4 =	sshll.u32 s28, $0x1;
	[dreg:$0x2] =	wrdreg s2  }
0xa9: {  	[dreg:$0x3] =	wrdreg s4  }
0xaa: {  	[dreg:$0x4] =	wrdreg $0xC0  }
0xab: {  	_ =	task [dreg:s6], $0x5FFFF  }
0xac: {  	[dreg:$0x1] =	wrdreg $0xFFFFFFFF  }
0xad: {  	[dreg:$0x0] =	wrdreg $0x60  }
0xae: {  	[dreg:$0x2] =	wrdreg s24  }
0xaf: {  	[dreg:$0x3] =	wrdreg $0x81000  }
0xb0: {  	[dreg:$0x4] =	wrdreg $0x9  }
0xb1: {  	_ =	task.clear_ibuf [dreg:s6], $0x5FFFF;
	_ =	strace $0x90000055  }
0xb2: {  	s29 =	simm.s32 $0x9;
	_ =	strace $0x80000057  }
0xb3: {  	_ =	swait.ge [sflag:s29], $0x1  }
0xb4: {  	[sflag:s29] =	ssyncadd.s32 $0xFFFFFFFF  }
0xb5: {  	_ =	strace $0x90000057  }
0xb6: {  	_ =	sfence  }
0xb7: {  	s30 =	sld [smem:$0x0];
	_ =	sdelay $0x2  }
0xb8: {  	s31 =	sshll.u32 s1, $0xD;
	s1 =	sshrl.u32 s1, $0x2  }
0xb9: {  	s3 =	sand.u32 $0x4000, s31;
	s1 =	sadd.s32 s1, s30  }
0xba: {  	s0 =	sor.u32 s3, s0;
	s1 =	sshll.u32 s1, $0x11  }
0xbb: {  	s0 =	sor.u32 s1, s0  }
0xbc: {  	s0 =	sadd.s32 $0x8F2B, s0  }
0xbd: {  	[sflag:s0] =	ssyncadd.remote.s32 $0x1  }
0xbe: {  	_ =	sfence.sel $0xFFFF  }
0xbf: {  	[dreg:$0x0] =	wrdreg $0xFFFFFFFF;
	(pc) =	sbr.abs _section_cstart, $3  }
0xc0: {  	[dreg:$0x1] =	wrdreg $0xFFFFFFFF  }
0xc1: {  	_ =	task.clear_ibuf [dreg:s6], $0x2FFFF;
	_ =	strace $0x9FFFFFFF  }
0xc2: {  	(tm) =	ssettm $0x7FFFFFFF  }
0xc3: {  	_ =	shalt  }
tec
execute0_lowered:
.L_overlay_start_1:
0x0: {  	(tag) =	ssettag $0x1  }
0x1: {  	s4 =	rddreg [dreg:$0x0]  }
0x2: {  	s2 =	rddreg [dreg:$0x1]  }
0x3: {  	s0 =	rddreg [dreg:$0x2]  }
0x4: {  	s1 =	stileid.u32;
	s3 =	simm.s32 $0x0;
	s6 =	srdreg.scid  }
0x5: {  	s15 =	simm.s32 $0x8080;
	s16 =	simm.s32 $0x1;
	s17 =	simm.s32 $0x3  }
0x6: {  	s18 =	simm.s32 $0x80;
	s19 =	simm.s32 $0x2;
	s5 =	smul.u32 $0x28000, s1  }
0x7: {  	s20 =	simm.s32 $0x4;
	s21 =	simm.s32 $0x5;
	s7 =	smul.u32 $0x2800, s1  }
0x8: {  	s22 =	simm.s32 $0x6;
	s6 =	sand.u32 $0x1, s6;
	s24 =	smul.u32 $0x50000, s1  }
0x9: {  	s23 =	simm.s32 $0x0;
	[smem:$0x7FF] =	sst s3;
	s8 =	smul.u32 $0x28000, s6  }
0xa: {  	s10 =	sadd.s32 $0x2B8400, s4;
	s26 =	sshll.u32 s1, $0x6;
	s14 =	smul.u32 $0x1400, s6  }
0xb: {  	_ =	strace $0x80000056;
	s12 =	ssub.s32 $0x2, s6;
	s28 =	smul.u32 $0x14000, s6  }
0xc: {  	s9 =	sadd.s32 s5, s4;
	s11 =	sadd.s32 s7, s4;
	s25 =	sshrl.u32 s12, $0x1  }
0xd: {  	s5 =	sshrl.u32 s24, $0x2;
	s8 =	sadd.s32 s7, s8;
	s12 =	ssub.s32 s12, s25  }
0xe: {  	s13 =	sadd.s32 s5, s2;
	s5 =	sor.u32 $0x1C07, s26;
	s14 =	sadd.s32 s14, s7  }
0xf: {  	s29 =	sadd.s32 s28, s9;
	s8 =	sadd.s32 s8, s4;
	s4 =	sadd.s32 $0x2BD400, s11  }
0x10: {  	s7 =	smax.u32 s12, $0x1;
	s30 =	sor.u32 $0x80, s14;
	s31 =	sshrl.u32 s14, $0x3  }
0x11: {  	s11 =	sshrl.u32 s13, $0x3;
	s12 =	simm.s32 $0x7;
	s13 =	simm.s32 $0x8000  }
0x12: {  	s14 =	simm.s32 $0x4000;
	s6 =	sadd.s32 $0x335400, s8;
	s9 =	sshrl.u32 s30, $0x3  }
0x13: {  	s8 =	sadd.s32 $0x2BF8C00, s29;
	s9 =	sadd.s32 s9, s10;
	s10 =	sadd.s32 s31, s10  }
.LBB2_1:
0x14: {  	[spmem:s11], [sflag:s5] =	dma.local [hbm:s4], $0x2800  }
0x15: {  	_ =	swait.ge [sflag:s12], $0x2800  }
0x16: {  	[sflag:s12] =	ssyncset.done $0x0  }
0x17: {  	[sflag:s12] =	ssyncadd.s32 $0xFFFFD800  }
0x18: {  	s24 =	sadd.s32 $0xFFFFF800, s8;
	[bflag:$0x0] =	sbarrier.arrive $0xFFFF  }
0x19: {  	[tilespmem:s3], [sflag:$0x1] =	stream.linear.gather [hbm4b:s24+s3], $0x4000, $0x38;
	[tilespmem:$0x1C100] =	vst v63  }
0x1a: {  	s30 =	sadd.s32 $0x0, s10  }
0x1b: {  	[tilespmem:s13], [sflag:$0x3] =	stream.linear.gather [hbm4b:s30+s3], $0x80, $0x38;
	[tilespmem:$0x1C100] =	vst v63  }
0x1c: {  	_ = 	snop  }
0x1d: {  	[tilespmem:s14], [sflag:$0x2] =	stream.linear.gather [hbm4b:s8+s3], $0x4000, $0x38;
	[tilespmem:$0x1C100] =	vst v63  }
0x1e: {  	s31 =	sadd.s32 $0x0, s9  }
0x1f: {  	[tilespmem:s15], [sflag:$0x4] =	stream.linear.gather [hbm4b:s31+s3], $0x80, $0x38;
	[tilespmem:$0x1C100] =	vst v63  }
0x20: {  	_ =	swait.ge [sflag:s16], $0x4000  }
0x21: {  	[sflag:s16] =	ssyncset.done $0x0  }
0x22: {  	[sflag:s16] =	ssyncadd.s32 $0xFFFFC000  }
0x23: {  	_ =	swait.ge [sflag:s17], $0x80  }
0x24: {  	[sflag:s17] =	ssyncset.done $0x0  }
0x25: {  	[sflag:s17] =	ssyncadd.s32 $0xFFFFFF80  }
0x26: {  	[spmem:s2] =	stream.indirect.scatter.add.f32 [tilespmem:s3], [sflag:$0x5], $0x80, s13, s18, $0xb8;
	[tilespmem:$0x1C100] =	vst v63  }
0x27: {  	_ =	swait.ge [sflag:s19], $0x4000  }
0x28: {  	[sflag:s19] =	ssyncset.done $0x0  }
0x29: {  	[sflag:s19] =	ssyncadd.s32 $0xFFFFC000  }
0x2a: {  	_ =	swait.ge [sflag:s20], $0x80  }
0x2b: {  	[sflag:s20] =	ssyncset.done $0x0  }
0x2c: {  	[sflag:s20] =	ssyncadd.s32 $0xFFFFFF80  }
0x2d: {  	[spmem:s2] =	stream.indirect.scatter.add.f32 [tilespmem:s14], [sflag:$0x6], $0x80, s15, s18, $0xb8;
	[tilespmem:$0x1C100] =	vst v63  }
0x2e: {  	_ =	swait.ge [sflag:s21], $0x4000  }
0x2f: {  	[sflag:s21] =	ssyncset.done $0x0  }
0x30: {  	[sflag:s21] =	ssyncadd.s32 $0xFFFFC000  }
0x31: {  	s26 =	simm.s32 $0x40;
	_ =	swait.ge [sflag:s22], $0x4000  }
0x32: {  	s25 =	sadd.s32 $0x1000, s8;
	s24 =	simm.s32 $0x20;
	[sflag:s22] =	ssyncset.done $0x0  }
.LBB2_2:
0x33: {  	p0 =	sne.s32 s26, $0x260;
	s28 =	sadd.s32 $0xFFFFF800, s25;
	[sflag:s22] =	ssyncadd.s32 $0xFFFFC000  }
0x34: {  	[tilespmem:s3], [sflag:$0x1] =	stream.linear.gather [hbm4b:s28+s3], $0x4000, $0x38;
	[tilespmem:$0x1C100] =	vst v63  }
0x35: {  	s29 =	smov.u32 s26;
	s26 =	sadd.s32 $0x20, s26;
	s28 =	sadd.s32 s24, s10  }
0x36: {  	[tilespmem:s13], [sflag:$0x3] =	stream.linear.gather [hbm4b:s28+s3], $0x80, $0x38;
	[tilespmem:$0x1C100] =	vst v63  }
0x37: {  	_ = 	snop  }
0x38: {  	[tilespmem:s14], [sflag:$0x2] =	stream.linear.gather [hbm4b:s25+s3], $0x4000, $0x38;
	[tilespmem:$0x1C100] =	vst v63  }
0x39: {  	s28 =	sadd.s32 s24, s9;
	s24 =	smov.u32 s29  }
0x3a: {  	[tilespmem:s15], [sflag:$0x4] =	stream.linear.gather [hbm4b:s28+s3], $0x80, $0x38;
	[tilespmem:$0x1C100] =	vst v63  }
0x3b: {  	_ =	swait.ge [sflag:s16], $0x4000  }
0x3c: {  	[sflag:s16] =	ssyncset.done $0x0  }
0x3d: {  	[sflag:s16] =	ssyncadd.s32 $0xFFFFC000  }
0x3e: {  	_ =	swait.ge [sflag:s17], $0x80  }
0x3f: {  	[sflag:s17] =	ssyncset.done $0x0  }
0x40: {  	[sflag:s17] =	ssyncadd.s32 $0xFFFFFF80  }
0x41: {  	[spmem:s2] =	stream.indirect.scatter.add.f32 [tilespmem:s3], [sflag:$0x5], $0x80, s13, s18, $0xb8;
	[tilespmem:$0x1C100] =	vst v63  }
0x42: {  	_ =	swait.ge [sflag:s19], $0x4000  }
0x43: {  	[sflag:s19] =	ssyncset.done $0x0  }
0x44: {  	[sflag:s19] =	ssyncadd.s32 $0xFFFFC000  }
0x45: {  	_ =	swait.ge [sflag:s20], $0x80  }
0x46: {  	[sflag:s20] =	ssyncset.done $0x0  }
0x47: {  	[sflag:s20] =	ssyncadd.s32 $0xFFFFFF80  }
0x48: {  	[spmem:s2] =	stream.indirect.scatter.add.f32 [tilespmem:s14], [sflag:$0x6], $0x80, s15, s18, $0xb8;
	[tilespmem:$0x1C100] =	vst v63  }
.Ltmp0:
0x49: {  	_ =	swait.ge [sflag:s21], $0x4000;
	(pc) =	sbr.rel @p0 .LBB2_2-.Ltmp0, $4  }
0x4a: {  	[sflag:s21] =	ssyncset.done $0x0  }
0x4b: {  	[sflag:s21] =	ssyncadd.s32 $0xFFFFC000  }
0x4c: {  	_ =	swait.ge [sflag:s22], $0x4000  }
0x4d: {  	s25 =	sadd.s32 $0x1000, s25;
	[sflag:s22] =	ssyncset.done $0x0  }
0x4e: {  	s26 =	sadd.s32 $0xFFFFF800, s25;
	[sflag:s22] =	ssyncadd.s32 $0xFFFFC000  }
0x4f: {  	[tilespmem:s3], [sflag:$0x1] =	stream.linear.gather [hbm4b:s26+s3], $0x4000, $0x38;
	[tilespmem:$0x1C100] =	vst v63  }
0x50: {  	s30 =	sadd.s32 s24, s10  }
0x51: {  	[tilespmem:s13], [sflag:$0x3] =	stream.linear.gather [hbm4b:s30+s3], $0x80, $0x38;
	[tilespmem:$0x1C100] =	vst v63  }
0x52: {  	_ = 	snop  }
0x53: {  	[tilespmem:s14], [sflag:$0x2] =	stream.linear.gather [hbm4b:s25+s3], $0x4000, $0x38;
	[tilespmem:$0x1C100] =	vst v63  }
0x54: {  	s31 =	sadd.s32 s24, s9  }
0x55: {  	[tilespmem:s15], [sflag:$0x4] =	stream.linear.gather [hbm4b:s31+s3], $0x80, $0x38;
	[tilespmem:$0x1C100] =	vst v63  }
0x56: {  	_ =	swait.ge [sflag:s16], $0x4000  }
0x57: {  	[sflag:s16] =	ssyncset.done $0x0  }
0x58: {  	[sflag:s16] =	ssyncadd.s32 $0xFFFFC000  }
0x59: {  	_ =	swait.ge [sflag:s17], $0x80  }
0x5a: {  	[sflag:s17] =	ssyncset.done $0x0  }
0x5b: {  	[sflag:s17] =	ssyncadd.s32 $0xFFFFFF80  }
0x5c: {  	[spmem:s2] =	stream.indirect.scatter.add.f32 [tilespmem:s3], [sflag:$0x5], $0x80, s13, s18, $0xb8;
	[tilespmem:$0x1C100] =	vst v63  }
0x5d: {  	_ =	swait.ge [sflag:s19], $0x4000  }
0x5e: {  	[sflag:s19] =	ssyncset.done $0x0  }
0x5f: {  	[sflag:s19] =	ssyncadd.s32 $0xFFFFC000  }
0x60: {  	_ =	swait.ge [sflag:s20], $0x80  }
0x61: {  	[sflag:s20] =	ssyncset.done $0x0  }
0x62: {  	[sflag:s20] =	ssyncadd.s32 $0xFFFFFF80  }
0x63: {  	[spmem:s2] =	stream.indirect.scatter.add.f32 [tilespmem:s14], [sflag:$0x6], $0x80, s15, s18, $0xb8;
	[tilespmem:$0x1C100] =	vst v63  }
0x64: {  	_ =	swait.ge [sflag:s21], $0x4000  }
0x65: {  	[sflag:s21] =	ssyncset.done $0x0  }
0x66: {  	[sflag:s21] =	ssyncadd.s32 $0xFFFFC000  }
0x67: {  	_ =	swait.ge [sflag:s22], $0x4000  }
0x68: {  	s23 =	sadd.s32 $0x1, s23;
	[sflag:s22] =	ssyncset.done $0x0  }
0x69: {  	p0 =	sne.s32 s23, s7;
	[sflag:s22] =	ssyncadd.s32 $0xFFFFC000  }
.Ltmp1:
0x6a: {  	[bflag:$0x0] =	sbarrier.arrive $0xFFFF;
	(pc) =	sbr.rel @p0 .LBB2_1-.Ltmp1, $4  }
0x6b: {  	[hbm:s6], [sflag:s5] =	dma.local [spmem:s11], $0x2800  }
0x6c: {  	_ =	swait.ge [sflag:s12], $0x2800  }
0x6d: {  	[sflag:s12] =	ssyncset.done $0x0  }
0x6e: {  	[sflag:s12] =	ssyncadd.s32 $0xFFFFD800  }
0x6f: {  	_ =	sfence.sel $0x180000  }
0x70: {  	[bflag:$0x0] =	sbarrier.arrive $0xFFFF  }
0x71: {  	p0 =	sne.s32 s1, $0x0;
	_ =	strace $0x90000056  }
0x72: {  	s0 =	sadd.s32 @!p0 $0x100000, s0;
	[bflag:$0x2] =	sbarrier.arrive $0xFFFF  }
0x73: {  	[sflag:s0] =	ssyncadd.tile.s32 @!p0 $0x1;
	_ =	shalt  }
.Lfunc_end2:
_tile_overlayer_lowered:
.L_overlay_start_2:
0x74: {  	(tag) =	ssettag $0x2  }
0x75: {  	s0 =	rddreg [dreg:$0x0];
	s2 =	stileid.u32  }
0x76: {  	s1 =	rddreg [dreg:$0x1];
	p0 =	sne.s32 s2, $0x0  }
0x77: {  	s3 =	rddreg [dreg:$0x2];
	[bflag:$0x3] =	sbarrier.arrive $0xFFFF;
	s2 =	simm.s32 @!p0 $0x1C07  }
0x78: {  	[timem:s3], [sflag:s2] =	dma.local @!p0 [hbm:s0], s1  }
0x79: {  	s0 =	simm.s32 @!p0 $0x7  }
0x7a: {  	_ =	swait.ge @!p0 [sflag:s0], s1  }
0x7b: {  	s1 =	ssub.s32 @!p0 $0x0, s1;
	[sflag:s0] =	ssyncset.done @!p0 $0x0  }
0x7c: {  	[sflag:s0] =	ssyncadd.s32 @!p0 s1  }
0x7d: {  	[bflag:$0x3] =	sbarrier.arrive $0xFFFF  }
0x7e: {  	_ =	shalt  }

// kernel: kernel.39.cloned.1.call-start
scs
__scs_entry_jumppad:
0x0: {  	(pc) =	sbr.rel $0x88, $3  }
0x1: {  	(tag) =	ssettag $0x0;
	lr =	simm.s32 $0x1  }
0x2: {  	[smem:$0x3F94] =	sst lr;
	_ =	strace $0xD0000000  }
0x3: {  	_ = 	snop  }
0x4: {  	_ = 	snop  }
0x5: {  	_ = 	snop  }
0x6: {  	_ = 	snop  }
0x7: {  	_ = 	snop  }
__scs_overlays_trampoline_lowered:
0x8: {  	[smem:$0x3FA3] =	sst s0  }
0x9: {  	[smem:$0x3FA4] =	sst s1  }
0xa: {  	[smem:$0x3FA5] =	sst s2  }
0xb: {  	[smem:$0x3FA6] =	sst s3  }
0xc: {  	[smem:$0x3FA7] =	sst s4  }
0xd: {  	[smem:$0x3FA8] =	sst s5  }
0xe: {  	[smem:$0x3FA9] =	sst s6  }
0xf: {  	[smem:$0x3FAA] =	sst s7  }
0x10: {  	[smem:$0x3FAB] =	sst s8  }
0x11: {  	[smem:$0x3FAC] =	sst s9;
	s0 =	simm.s32 @!p0 $0x0  }
0x12: {  	s1 =	sld [smem:$0x3F92];
	s0 =	simm.s32 @p0 $0x1  }
0x13: {  	[smem:$0x3FAD] =	sst s0;
	s0 =	simm.s32 @!p1 $0x0  }
0x14: {  	s2 =	sld [smem:$0x3F91];
	s0 =	simm.s32 @p1 $0x1  }
0x15: {  	[smem:$0x3FAE] =	sst s0;
	s0 =	simm.s32 @!p2 $0x0  }
0x16: {  	s3 =	sld [smem:$0x3FDB];
	s0 =	simm.s32 @p2 $0x1  }
0x17: {  	s4 =	simm.s32 $0x1BF5;
	[smem:$0x3FB0] =	sst s0  }
0x18: {  	s0 =	sld [smem:$0x3F93];
	_ =	swait.ge [sflag:s4], $0x0  }
0x19: {  	s7 =	sld [smem:$0x3F94]  }
0x1a: {  	s8 =	sadd.s32 $0xFFFFE003, lr  }
0x1b: {  	s9 =	sadd.s32 $0xFFFFFEF7, lr;
	s5 =	simm.s32 $0xFFFFFFFF;
	p2 =	slt.u32 s8, $0xFFFFF086  }
0x1c: {  	p1 =	slt.u32 s9, $0xF7A;
	s5 =	simm.s32 @!p2 $0x0  }
0x1d: {  	s5 =	simm.s32 @p1 $0x1;
	p0 =	seq.s32 s7, s2  }
0x1e: {  	s7 =	smul.u32 @!p0 $0xF7A, s2;
	p2 =	seq.s32 @!p0 s5, $0x0  }
0x1f: {  	s9 =	smul.u32 $0xF7A, s1;
	s8 =	simm.s32 @!p0 $0x1BF5;
	p2 =	por !p2, p0  }
0x20: {  	[sflag:s8] =	ssyncset.s32 @!p0 $0xFFFFF086;
	s6 =	sadd.s32 @!p0 s3, s7;
	s7 =	simm.s32 @!p0 $0x108  }
0x21: {  	s3 =	sadd.s32 s3, s9;
	s6 =	sadd.s32 @!p0 $0x88, s6;
	s7 =	simm.s32 @p2 $0x1082  }
0x22: {  	[simem:s7], [sflag:s8] =	dma.local @!p0 [hbm:s6], $0xF7A  }
0x23: {  	s9 =	sor.u32 $0xD0000000, s2;
	s6 =	simm.s32 $0x108;
	_ =	swait.ge @!p0 [sflag:s8], $0x0  }
0x24: {  	s3 =	sadd.s32 $0x88, s3;
	s6 =	simm.s32 @!p1 $0x1082;
	[sflag:s4] =	ssyncset.s32 $0xFFFFF086  }
0x25: {  	[simem:s6], [sflag:s4] =	dma.local [hbm:s3], $0xF7A  }
0x26: {  	[smem:$0x3F94] =	sst s1;
	(tag) =	ssettag s2;
	_ =	strace s9  }
0x27: {  	s1 =	sld [smem:$0x3FA4]  }
0x28: {  	s2 =	sld [smem:$0x3FA5]  }
0x29: {  	s4 =	sld [smem:$0x3FA7]  }
0x2a: {  	p0 =	seq.s32 s5, $0x0;
	s5 =	sld [smem:$0x3FA8]  }
0x2b: {  	s6 =	sld [smem:$0x3FA9]  }
0x2c: {  	s7 =	sld [smem:$0x3FAA]  }
0x2d: {  	s3 =	simm.s32 $0x108;
	s8 =	sld [smem:$0x3FAB]  }
0x2e: {  	s3 =	simm.s32 @!p0 $0x1082;
	s9 =	sld [smem:$0x3FAC]  }
0x2f: {  	lr =	sadd.s32 s0, s3;
	s0 =	sld [smem:$0x3FA3]  }
0x30: {  	s3 =	sld [smem:$0x3FA6]  }
0x31: {  	[smem:$0x3FAF] =	sst s10  }
0x32: {  	s10 =	sld [smem:$0x3FAD];
	_ =	sdelay $0x3  }
0x33: {  	p0 =	seq.s32 s10, $0x1;
	s10 =	sld [smem:$0x3FAF];
	_ =	sdelay $0x3  }
0x34: {  	[smem:$0x3FAF] =	sst s10  }
0x35: {  	s10 =	sld [smem:$0x3FAE];
	_ =	sdelay $0x3  }
0x36: {  	p1 =	seq.s32 s10, $0x1;
	s10 =	sld [smem:$0x3FAF];
	_ =	sdelay $0x3  }
0x37: {  	[smem:$0x3FAF] =	sst s10  }
0x38: {  	s10 =	sld [smem:$0x3FB0]  }
0x39: {  	_ = 	snop;
	(pc) =	sbr.ind lr, $3  }
0x3a: {  	_ = 	snop  }
0x3b: {  	_ = 	snop  }
0x3c: {  	p2 =	seq.s32 s10, $0x1;
	s10 =	sld [smem:$0x3FAF]  }
0x3d: {  	_ =	shalt  }
0x3e: {  	_ =	shalt  }
0x3f: {  	_ =	shalt  }
0x40: {  	_ =	shalt  }
0x41: {  	_ =	shalt  }
0x42: {  	_ =	shalt  }
0x43: {  	_ =	shalt  }
0x44: {  	_ =	shalt  }
0x45: {  	_ =	shalt  }
0x46: {  	_ =	shalt  }
0x47: {  	_ =	shalt  }
0x48: {  	_ =	shalt  }
0x49: {  	_ =	shalt  }
0x4a: {  	_ =	shalt  }
0x4b: {  	_ =	shalt  }
0x4c: {  	_ =	shalt  }
0x4d: {  	_ =	shalt  }
0x4e: {  	_ =	shalt  }
0x4f: {  	_ =	shalt  }
0x50: {  	_ =	shalt  }
0x51: {  	_ =	shalt  }
0x52: {  	_ =	shalt  }
0x53: {  	_ =	shalt  }
0x54: {  	_ =	shalt  }
0x55: {  	_ =	shalt  }
0x56: {  	_ =	shalt  }
0x57: {  	_ =	shalt  }
0x58: {  	_ =	shalt  }
0x59: {  	_ =	shalt  }
0x5a: {  	_ =	shalt  }
0x5b: {  	_ =	shalt  }
0x5c: {  	_ =	shalt  }
0x5d: {  	_ =	shalt  }
0x5e: {  	_ =	shalt  }
0x5f: {  	_ =	shalt  }
0x60: {  	_ =	shalt  }
0x61: {  	_ =	shalt  }
0x62: {  	_ =	shalt  }
0x63: {  	_ =	shalt  }
0x64: {  	_ =	shalt  }
0x65: {  	_ =	shalt  }
0x66: {  	_ =	shalt  }
0x67: {  	_ =	shalt  }
0x68: {  	_ =	shalt  }
0x69: {  	_ =	shalt  }
0x6a: {  	_ =	shalt  }
0x6b: {  	_ =	shalt  }
0x6c: {  	_ =	shalt  }
0x6d: {  	_ =	shalt  }
0x6e: {  	_ =	shalt  }
0x6f: {  	_ =	shalt  }
0x70: {  	_ =	shalt  }
0x71: {  	_ =	shalt  }
0x72: {  	_ =	shalt  }
0x73: {  	_ =	shalt  }
0x74: {  	_ =	shalt  }
0x75: {  	_ =	shalt  }
0x76: {  	_ =	shalt  }
0x77: {  	_ =	shalt  }
0x78: {  	_ =	shalt  }
0x79: {  	_ =	shalt  }
0x7a: {  	_ =	shalt  }
0x7b: {  	_ =	shalt  }
0x7c: {  	_ =	shalt  }
0x7d: {  	_ =	shalt  }
0x7e: {  	_ =	shalt  }
0x7f: {  	_ =	shalt  }
0x80: {  	_ =	shalt  }
0x81: {  	_ =	shalt  }
0x82: {  	_ =	shalt  }
0x83: {  	_ =	shalt  }
0x84: {  	_ =	shalt  }
0x85: {  	_ =	shalt  }
0x86: {  	_ =	shalt  }
0x87: {  	_ =	shalt  }
.Lfunc_end0:
.L_simem_size_0:
called_computation.6_lowered:
.L_overlay_start_0:
0x88: {  	s2 =	sld [smem:$0x3FD9]  }
0x89: {  	s3 =	sld [smem:$0x3FFE];
	_ =	sdelay $0x1  }
0x8a: {  	s1 =	srdreg.scid  }
0x8b: {  	s0 =	sand.u32 $0x1, s1  }
0x8c: {  	s16 =	sshll.u32 s0, $0xA;
	s2 =	sadd.s32 s3, s2  }
0x8d: {  	s2 =	sadd.s32 s2, s16  }
0x8e: {  	[smem:$0x3FBB] =	sst s2  }
0x8f: {  	_ = 	snop  }
0x90: {  	(tm) =	ssettm $0x1  }
0x91: {  	s17 =	sld [smem:$0x3FFB];
	_ =	sdelay $0x3  }
0x92: {  	_ =	strace s17  }
0x93: {  	s2 =	sld [smem:$0x3FFC];
	_ =	sdelay $0x3  }
0x94: {  	_ =	strace s2  }
0x95: {  	s2 =	sld [smem:$0x3FFD];
	_ =	sdelay $0x3  }
0x96: {  	_ =	strace s2  }
0x97: {  	_ =	strace $0x8FFFFFFF  }
0x98: {  	s18 =	sld [smem:$0x3FDB];
	_ =	sdelay $0x1  }
0x99: {  	s19 =	simm.s32 $_scs_section_size  }
0x9a: {  	s4 =	simm.s32 $_size__tile_overlayer_lowered;
	s5 =	simm.s32 $_tile_overlayer_lowered  }
0x9b: {  	s22 =	simm.s32 $0x1BFF;
	s21 =	sshll.u32 s5, $0x1;
	s2 =	sadd.s32 s19, s18  }
0x9c: {  	s6 =	simm.s32 $0x0;
	s20 =	sshll.u32 s4, $0x1;
	s4 =	sadd.s32 s21, s2  }
0x9d: {  	[timem:s6], [sflag:s22] =	dma.local [hbm:s4], s20  }
0x9e: {  	_ =	swait.ge [sflag:s22], s20  }
0x9f: {  	s3 =	ssub.s32 $0x0, s20;
	[sflag:s22] =	ssyncset.done $0x0  }
0xa0: {  	[sflag:s22] =	ssyncadd.s32 s3;
	_ =	sdelay $0x1  }
0xa1: {  	s23 =	simm.s32 $0x1B8B  }
0xa2: {  	_ =	swait.ge [sflag:s23], $0x1  }
0xa3: {  	[sflag:s23] =	ssyncset.done $0x0  }
0xa4: {  	s25 =	simm.s32 $0x1B8E;
	s24 =	sld [smem:$0x3FFE];
	[sflag:s23] =	ssyncadd.s32 $0xFFFFFFFF  }
0xa5: {  	s26 =	simm.s32 $execute0_lowered;
	[smem:$0x3FD2] =	sst s25  }
0xa6: {  	s4 =	sshll.u32 s26, $0x1;
	_ =	strace $0x80000058;
	[dreg:$0x1] =	wrdreg $0xFFFFFFFF  }
0xa7: {  	s28 =	simm.s32 $_size_execute0_lowered;
	s2 =	sadd.s32 s2, s4;
	[dreg:$0x0] =	wrdreg $0x0  }
0xa8: {  	s4 =	sshll.u32 s28, $0x1;
	[dreg:$0x2] =	wrdreg s2  }
0xa9: {  	[dreg:$0x3] =	wrdreg s4  }
0xaa: {  	[dreg:$0x4] =	wrdreg $0xC0  }
0xab: {  	_ =	task [dreg:s6], $0x5FFFF  }
0xac: {  	[dreg:$0x1] =	wrdreg $0xFFFFFFFF  }
0xad: {  	[dreg:$0x0] =	wrdreg $0x60  }
0xae: {  	[dreg:$0x2] =	wrdreg s24  }
0xaf: {  	[dreg:$0x3] =	wrdreg $0x9  }
0xb0: {  	_ =	task.clear_ibuf [dreg:s6], $0x4FFFF;
	_ =	strace $0x90000058  }
0xb1: {  	s29 =	simm.s32 $0x9;
	_ =	strace $0x8000005A  }
0xb2: {  	_ =	swait.ge [sflag:s29], $0x1  }
0xb3: {  	[sflag:s29] =	ssyncadd.s32 $0xFFFFFFFF  }
0xb4: {  	_ =	strace $0x9000005A  }
0xb5: {  	_ =	sfence  }
0xb6: {  	s30 =	sld [smem:$0x0];
	_ =	sdelay $0x2  }
0xb7: {  	s31 =	sshll.u32 s1, $0xD;
	s1 =	sshrl.u32 s1, $0x2  }
0xb8: {  	s3 =	sand.u32 $0x4000, s31;
	s1 =	sadd.s32 s1, s30  }
0xb9: {  	s0 =	sor.u32 s3, s0;
	s1 =	sshll.u32 s1, $0x11  }
0xba: {  	s0 =	sor.u32 s1, s0  }
0xbb: {  	s0 =	sadd.s32 $0x8F2B, s0  }
0xbc: {  	[sflag:s0] =	ssyncadd.remote.s32 $0x1  }
0xbd: {  	_ =	sfence.sel $0xFFFF  }
0xbe: {  	[dreg:$0x0] =	wrdreg $0xFFFFFFFF;
	(pc) =	sbr.abs _section_cstart, $3  }
0xbf: {  	[dreg:$0x1] =	wrdreg $0xFFFFFFFF  }
0xc0: {  	_ =	task.clear_ibuf [dreg:s6], $0x2FFFF;
	_ =	strace $0x9FFFFFFF  }
0xc1: {  	(tm) =	ssettm $0x7FFFFFFF  }
tec
execute0_lowered:
.L_overlay_start_1:
0x0: {  	(tag) =	ssettag $0x1  }
0x1: {  	s4 =	rddreg [dreg:$0x0]  }
0x2: {  	s0 =	rddreg [dreg:$0x1];
	s2 =	simm.s32 $0x0;
	s1 =	stileid.u32  }
0x3: {  	s3 =	srdreg.scid;
	s12 =	simm.s32 $0x4100;
	s13 =	simm.s32 $0x3  }
0x4: {  	s14 =	simm.s32 $0x4;
	s15 =	simm.s32 $0x5;
	s16 =	simm.s32 $0x6  }
0x5: {  	s17 =	simm.s32 $0x0;
	[smem:$0x7FF] =	sst s2;
	s5 =	smul.u32 $0x28000, s1  }
0x6: {  	s6 =	sand.u32 $0x1, s3;
	s7 =	smul.u32 $0x2800, s1;
	s3 =	sadd.s32 $0x2E5400, s4  }
0x7: {  	s10 =	sadd.s32 $0xB400, s4;
	s8 =	ssub.s32 $0x2, s6;
	s9 =	smul.u32 $0x1400, s6  }
0x8: {  	_ =	strace $0x80000059;
	s6 =	smul.u32 $0x14000, s6;
	s11 =	sshrl.u32 s8, $0x1  }
0x9: {  	s5 =	sadd.s32 s5, s4;
	s30 =	ssub.s32 s8, s11;
	s7 =	sadd.s32 s9, s7  }
0xa: {  	s5 =	sadd.s32 s6, s5;
	s8 =	simm.s32 $0x80;
	s9 =	simm.s32 $0x1  }
0xb: {  	s11 =	simm.s32 $0x2;
	s4 =	smax.u32 s30, $0x1;
	s31 =	sor.u32 $0x80, s7  }
0xc: {  	s5 =	sadd.s32 $0x10C00, s5;
	s7 =	sshrl.u32 s7, $0x3;
	s6 =	sshrl.u32 s31, $0x3  }
0xd: {  	s7 =	sadd.s32 s7, s10;
	s6 =	sadd.s32 s6, s10;
	s10 =	simm.s32 $0x100  }
.LBB2_1:
0xe: {  	s18 =	sadd.s32 $0x0, s7  }
0xf: {  	[tilespmem:s2], [sflag:$0x1] =	stream.linear.gather [hbm4b:s18+s2], $0x80, $0x38;
	[tilespmem:$0x8100] =	vst v63  }
0x10: {  	s30 =	sadd.s32 $0x0, s6  }
0x11: {  	[tilespmem:s8], [sflag:$0x2] =	stream.linear.gather [hbm4b:s30+s2], $0x80, $0x38;
	[tilespmem:$0x8100] =	vst v63  }
0x12: {  	_ =	swait.ge [sflag:s9], $0x80  }
0x13: {  	[sflag:s9] =	ssyncset.done $0x0  }
0x14: {  	[sflag:s9] =	ssyncadd.s32 $0xFFFFFF80  }
0x15: {  	[tilespmem:s10], [sflag:$0x3] =	stream.indirect.gather [hbm4b:s3+s8], $0x80, s2, s8, $0xb8;
	[tilespmem:$0x8100] =	vst v63  }
0x16: {  	_ =	swait.ge [sflag:s11], $0x80  }
0x17: {  	[sflag:s11] =	ssyncset.done $0x0  }
0x18: {  	[sflag:s11] =	ssyncadd.s32 $0xFFFFFF80  }
0x19: {  	[tilespmem:s12], [sflag:$0x4] =	stream.indirect.gather [hbm4b:s3+s8], $0x80, s8, s8, $0xb8;
	[tilespmem:$0x8100] =	vst v63  }
0x1a: {  	_ =	swait.ge [sflag:s13], $0x4000  }
0x1b: {  	[sflag:s13] =	ssyncset.done $0x0  }
0x1c: {  	s31 =	sadd.s32 $0xFFFFF800, s5;
	[sflag:s13] =	ssyncadd.s32 $0xFFFFC000  }
0x1d: {  	[hbm4b:s31+s2] =	stream.linear.scatter [tilespmem:s10], [sflag:$0x5], $0x4000, $0x38;
	[tilespmem:$0x8100] =	vst v63  }
0x1e: {  	_ =	swait.ge [sflag:s14], $0x4000  }
0x1f: {  	[sflag:s14] =	ssyncset.done $0x0  }
0x20: {  	[sflag:s14] =	ssyncadd.s32 $0xFFFFC000  }
0x21: {  	[hbm4b:s5+s2] =	stream.linear.scatter [tilespmem:s12], [sflag:$0x6], $0x4000, $0x38;
	[tilespmem:$0x8100] =	vst v63  }
0x22: {  	_ =	swait.ge [sflag:s15], $0x4000  }
0x23: {  	[sflag:s15] =	ssyncset.done $0x0  }
0x24: {  	[sflag:s15] =	ssyncadd.s32 $0xFFFFC000  }
0x25: {  	s19 =	simm.s32 $0x20;
	_ =	swait.ge [sflag:s16], $0x4000  }
0x26: {  	s20 =	simm.s32 $0x40;
	s18 =	sadd.s32 $0x1000, s5;
	[sflag:s16] =	ssyncset.done $0x0  }
.LBB2_2:
0x27: {  	s21 =	sadd.s32 s19, s7  }
0x28: {  	[sflag:s16] =	ssyncadd.s32 $0xFFFFC000;
	s22 =	smov.u32 s20;
	s23 =	sadd.s32 $0x20, s20  }
0x29: {  	[tilespmem:s2], [sflag:$0x1] =	stream.linear.gather [hbm4b:s21+s2], $0x80, $0x38;
	[tilespmem:$0x8100] =	vst v63  }
0x2a: {  	p0 =	sne.s32 s20, $0x260;
	s20 =	sadd.s32 s19, s6;
	s19 =	smov.u32 s22  }
0x2b: {  	[tilespmem:s8], [sflag:$0x2] =	stream.linear.gather [hbm4b:s20+s2], $0x80, $0x38;
	[tilespmem:$0x8100] =	vst v63  }
0x2c: {  	_ =	swait.ge [sflag:s9], $0x80  }
0x2d: {  	[sflag:s9] =	ssyncset.done $0x0  }
0x2e: {  	[sflag:s9] =	ssyncadd.s32 $0xFFFFFF80  }
0x2f: {  	[tilespmem:s10], [sflag:$0x3] =	stream.indirect.gather [hbm4b:s3+s8], $0x80, s2, s8, $0xb8;
	[tilespmem:$0x8100] =	vst v63  }
0x30: {  	_ =	swait.ge [sflag:s11], $0x80  }
0x31: {  	[sflag:s11] =	ssyncset.done $0x0  }
0x32: {  	[sflag:s11] =	ssyncadd.s32 $0xFFFFFF80  }
0x33: {  	[tilespmem:s12], [sflag:$0x4] =	stream.indirect.gather [hbm4b:s3+s8], $0x80, s8, s8, $0xb8;
	[tilespmem:$0x8100] =	vst v63  }
0x34: {  	_ =	swait.ge [sflag:s13], $0x4000  }
0x35: {  	[sflag:s13] =	ssyncset.done $0x0  }
0x36: {  	s20 =	sadd.s32 $0xFFFFF800, s18;
	[sflag:s13] =	ssyncadd.s32 $0xFFFFC000  }
0x37: {  	[hbm4b:s20+s2] =	stream.linear.scatter [tilespmem:s10], [sflag:$0x5], $0x4000, $0x38;
	[tilespmem:$0x8100] =	vst v63  }
0x38: {  	_ =	swait.ge [sflag:s14], $0x4000  }
0x39: {  	[sflag:s14] =	ssyncset.done $0x0  }
0x3a: {  	[sflag:s14] =	ssyncadd.s32 $0xFFFFC000  }
0x3b: {  	[hbm4b:s18+s2] =	stream.linear.scatter [tilespmem:s12], [sflag:$0x6], $0x4000, $0x38;
	[tilespmem:$0x8100] =	vst v63  }
.Ltmp0:
0x3c: {  	_ =	swait.ge [sflag:s15], $0x4000;
	(pc) =	sbr.rel @p0 .LBB2_2-.Ltmp0, $4  }
0x3d: {  	[sflag:s15] =	ssyncset.done $0x0  }
0x3e: {  	[sflag:s15] =	ssyncadd.s32 $0xFFFFC000  }
0x3f: {  	_ =	swait.ge [sflag:s16], $0x4000  }
0x40: {  	s20 =	smov.u32 s23;
	s18 =	sadd.s32 $0x1000, s18;
	[sflag:s16] =	ssyncset.done $0x0  }
0x41: {  	s20 =	sadd.s32 s19, s7;
	[sflag:s16] =	ssyncadd.s32 $0xFFFFC000  }
0x42: {  	[tilespmem:s2], [sflag:$0x1] =	stream.linear.gather [hbm4b:s20+s2], $0x80, $0x38;
	[tilespmem:$0x8100] =	vst v63  }
0x43: {  	s30 =	sadd.s32 s19, s6  }
0x44: {  	[tilespmem:s8], [sflag:$0x2] =	stream.linear.gather [hbm4b:s30+s2], $0x80, $0x38;
	[tilespmem:$0x8100] =	vst v63  }
0x45: {  	_ =	swait.ge [sflag:s9], $0x80  }
0x46: {  	[sflag:s9] =	ssyncset.done $0x0  }
0x47: {  	[sflag:s9] =	ssyncadd.s32 $0xFFFFFF80  }
0x48: {  	[tilespmem:s10], [sflag:$0x3] =	stream.indirect.gather [hbm4b:s3+s8], $0x80, s2, s8, $0xb8;
	[tilespmem:$0x8100] =	vst v63  }
0x49: {  	_ =	swait.ge [sflag:s11], $0x80  }
0x4a: {  	[sflag:s11] =	ssyncset.done $0x0  }
0x4b: {  	[sflag:s11] =	ssyncadd.s32 $0xFFFFFF80  }
0x4c: {  	[tilespmem:s12], [sflag:$0x4] =	stream.indirect.gather [hbm4b:s3+s8], $0x80, s8, s8, $0xb8;
	[tilespmem:$0x8100] =	vst v63  }
0x4d: {  	_ =	swait.ge [sflag:s13], $0x4000  }
0x4e: {  	[sflag:s13] =	ssyncset.done $0x0  }
0x4f: {  	s31 =	sadd.s32 $0xFFFFF800, s18;
	[sflag:s13] =	ssyncadd.s32 $0xFFFFC000  }
0x50: {  	[hbm4b:s31+s2] =	stream.linear.scatter [tilespmem:s10], [sflag:$0x5], $0x4000, $0x38;
	[tilespmem:$0x8100] =	vst v63  }
0x51: {  	_ =	swait.ge [sflag:s14], $0x4000  }
0x52: {  	[sflag:s14] =	ssyncset.done $0x0  }
0x53: {  	s17 =	sadd.s32 $0x1, s17;
	[sflag:s14] =	ssyncadd.s32 $0xFFFFC000  }
0x54: {  	[hbm4b:s18+s2] =	stream.linear.scatter [tilespmem:s12], [sflag:$0x6], $0x4000, $0x38;
	[tilespmem:$0x8100] =	vst v63  }
0x55: {  	p0 =	sne.s32 s17, s4;
	_ =	swait.ge [sflag:s15], $0x4000  }
.Ltmp1:
0x56: {  	[sflag:s15] =	ssyncset.done $0x0;
	(pc) =	sbr.rel @p0 .LBB2_1-.Ltmp1, $4  }
0x57: {  	[sflag:s15] =	ssyncadd.s32 $0xFFFFC000  }
0x58: {  	_ =	swait.ge [sflag:s16], $0x4000  }
0x59: {  	[sflag:s16] =	ssyncset.done $0x0  }
0x5a: {  	[sflag:s16] =	ssyncadd.s32 $0xFFFFC000  }
0x5b: {  	_ =	sfence.sel $0x180000  }
0x5c: {  	[bflag:$0x0] =	sbarrier.arrive $0xFFFF  }
0x5d: {  	p0 =	sne.s32 s1, $0x0;
	_ =	strace $0x90000059  }
0x5e: {  	s0 =	sadd.s32 @!p0 $0x100000, s0;
	[bflag:$0x2] =	sbarrier.arrive $0xFFFF  }
0x5f: {  	[sflag:s0] =	ssyncadd.tile.s32 @!p0 $0x1;
	_ =	shalt  }
.Lfunc_end2:
_tile_overlayer_lowered:
.L_overlay_start_2:
0x60: {  	(tag) =	ssettag $0x2  }
0x61: {  	s0 =	rddreg [dreg:$0x0];
	s2 =	stileid.u32  }
0x62: {  	s1 =	rddreg [dreg:$0x1];
	p0 =	sne.s32 s2, $0x0  }
0x63: {  	s3 =	rddreg [dreg:$0x2];
	[bflag:$0x3] =	sbarrier.arrive $0xFFFF;
	s2 =	simm.s32 @!p0 $0x1C07  }
0x64: {  	[timem:s3], [sflag:s2] =	dma.local @!p0 [hbm:s0], s1  }
0x65: {  	s0 =	simm.s32 @!p0 $0x7  }
0x66: {  	_ =	swait.ge @!p0 [sflag:s0], s1  }
0x67: {  	s1 =	ssub.s32 @!p0 $0x0, s1;
	[sflag:s0] =	ssyncset.done @!p0 $0x0  }
0x68: {  	[sflag:s0] =	ssyncadd.s32 @!p0 s1  }
0x69: {  	[bflag:$0x3] =	sbarrier.arrive $0xFFFF  }
0x6a: {  	_ =	shalt  }

// kernel: kernel.42.cloned.1.call-start
scs
__scs_entry_jumppad:
0x0: {  	(pc) =	sbr.rel $0x88, $3  }
0x1: {  	(tag) =	ssettag $0x0;
	lr =	simm.s32 $0x1  }
0x2: {  	[smem:$0x3F94] =	sst lr;
	_ =	strace $0xD0000000  }
0x3: {  	_ = 	snop  }
0x4: {  	_ = 	snop  }
0x5: {  	_ = 	snop  }
0x6: {  	_ = 	snop  }
0x7: {  	_ = 	snop  }
__scs_overlays_trampoline_lowered:
0x8: {  	[smem:$0x3FA3] =	sst s0  }
0x9: {  	[smem:$0x3FA4] =	sst s1  }
0xa: {  	[smem:$0x3FA5] =	sst s2  }
0xb: {  	[smem:$0x3FA6] =	sst s3  }
0xc: {  	[smem:$0x3FA7] =	sst s4  }
0xd: {  	[smem:$0x3FA8] =	sst s5  }
0xe: {  	[smem:$0x3FA9] =	sst s6  }
0xf: {  	[smem:$0x3FAA] =	sst s7  }
0x10: {  	[smem:$0x3FAB] =	sst s8  }
0x11: {  	[smem:$0x3FAC] =	sst s9;
	s0 =	simm.s32 @!p0 $0x0  }
0x12: {  	s1 =	sld [smem:$0x3F92];
	s0 =	simm.s32 @p0 $0x1  }
0x13: {  	[smem:$0x3FAD] =	sst s0;
	s0 =	simm.s32 @!p1 $0x0  }
0x14: {  	s2 =	sld [smem:$0x3F91];
	s0 =	simm.s32 @p1 $0x1  }
0x15: {  	[smem:$0x3FAE] =	sst s0;
	s0 =	simm.s32 @!p2 $0x0  }
0x16: {  	s3 =	sld [smem:$0x3FDB];
	s0 =	simm.s32 @p2 $0x1  }
0x17: {  	s4 =	simm.s32 $0x1BF5;
	[smem:$0x3FB0] =	sst s0  }
0x18: {  	s0 =	sld [smem:$0x3F93];
	_ =	swait.ge [sflag:s4], $0x0  }
0x19: {  	s7 =	sld [smem:$0x3F94]  }
0x1a: {  	s8 =	sadd.s32 $0xFFFFE003, lr  }
0x1b: {  	s9 =	sadd.s32 $0xFFFFFEF7, lr;
	s5 =	simm.s32 $0xFFFFFFFF;
	p2 =	slt.u32 s8, $0xFFFFF086  }
0x1c: {  	p1 =	slt.u32 s9, $0xF7A;
	s5 =	simm.s32 @!p2 $0x0  }
0x1d: {  	s5 =	simm.s32 @p1 $0x1;
	p0 =	seq.s32 s7, s2  }
0x1e: {  	s7 =	smul.u32 @!p0 $0xF7A, s2;
	p2 =	seq.s32 @!p0 s5, $0x0  }
0x1f: {  	s9 =	smul.u32 $0xF7A, s1;
	s8 =	simm.s32 @!p0 $0x1BF5;
	p2 =	por !p2, p0  }
0x20: {  	[sflag:s8] =	ssyncset.s32 @!p0 $0xFFFFF086;
	s6 =	sadd.s32 @!p0 s3, s7;
	s7 =	simm.s32 @!p0 $0x108  }
0x21: {  	s3 =	sadd.s32 s3, s9;
	s6 =	sadd.s32 @!p0 $0x88, s6;
	s7 =	simm.s32 @p2 $0x1082  }
0x22: {  	[simem:s7], [sflag:s8] =	dma.local @!p0 [hbm:s6], $0xF7A  }
0x23: {  	s9 =	sor.u32 $0xD0000000, s2;
	s6 =	simm.s32 $0x108;
	_ =	swait.ge @!p0 [sflag:s8], $0x0  }
0x24: {  	s3 =	sadd.s32 $0x88, s3;
	s6 =	simm.s32 @!p1 $0x1082;
	[sflag:s4] =	ssyncset.s32 $0xFFFFF086  }
0x25: {  	[simem:s6], [sflag:s4] =	dma.local [hbm:s3], $0xF7A  }
0x26: {  	[smem:$0x3F94] =	sst s1;
	(tag) =	ssettag s2;
	_ =	strace s9  }
0x27: {  	s1 =	sld [smem:$0x3FA4]  }
0x28: {  	s2 =	sld [smem:$0x3FA5]  }
0x29: {  	s4 =	sld [smem:$0x3FA7]  }
0x2a: {  	p0 =	seq.s32 s5, $0x0;
	s5 =	sld [smem:$0x3FA8]  }
0x2b: {  	s6 =	sld [smem:$0x3FA9]  }
0x2c: {  	s7 =	sld [smem:$0x3FAA]  }
0x2d: {  	s3 =	simm.s32 $0x108;
	s8 =	sld [smem:$0x3FAB]  }
0x2e: {  	s3 =	simm.s32 @!p0 $0x1082;
	s9 =	sld [smem:$0x3FAC]  }
0x2f: {  	lr =	sadd.s32 s0, s3;
	s0 =	sld [smem:$0x3FA3]  }
0x30: {  	s3 =	sld [smem:$0x3FA6]  }
0x31: {  	[smem:$0x3FAF] =	sst s10  }
0x32: {  	s10 =	sld [smem:$0x3FAD];
	_ =	sdelay $0x3  }
0x33: {  	p0 =	seq.s32 s10, $0x1;
	s10 =	sld [smem:$0x3FAF];
	_ =	sdelay $0x3  }
0x34: {  	[smem:$0x3FAF] =	sst s10  }
0x35: {  	s10 =	sld [smem:$0x3FAE];
	_ =	sdelay $0x3  }
0x36: {  	p1 =	seq.s32 s10, $0x1;
	s10 =	sld [smem:$0x3FAF];
	_ =	sdelay $0x3  }
0x37: {  	[smem:$0x3FAF] =	sst s10  }
0x38: {  	s10 =	sld [smem:$0x3FB0]  }
0x39: {  	_ = 	snop;
	(pc) =	sbr.ind lr, $3  }
0x3a: {  	_ = 	snop  }
0x3b: {  	_ = 	snop  }
0x3c: {  	p2 =	seq.s32 s10, $0x1;
	s10 =	sld [smem:$0x3FAF]  }
0x3d: {  	_ =	shalt  }
0x3e: {  	_ =	shalt  }
0x3f: {  	_ =	shalt  }
0x40: {  	_ =	shalt  }
0x41: {  	_ =	shalt  }
0x42: {  	_ =	shalt  }
0x43: {  	_ =	shalt  }
0x44: {  	_ =	shalt  }
0x45: {  	_ =	shalt  }
0x46: {  	_ =	shalt  }
0x47: {  	_ =	shalt  }
0x48: {  	_ =	shalt  }
0x49: {  	_ =	shalt  }
0x4a: {  	_ =	shalt  }
0x4b: {  	_ =	shalt  }
0x4c: {  	_ =	shalt  }
0x4d: {  	_ =	shalt  }
0x4e: {  	_ =	shalt  }
0x4f: {  	_ =	shalt  }
0x50: {  	_ =	shalt  }
0x51: {  	_ =	shalt  }
0x52: {  	_ =	shalt  }
0x53: {  	_ =	shalt  }
0x54: {  	_ =	shalt  }
0x55: {  	_ =	shalt  }
0x56: {  	_ =	shalt  }
0x57: {  	_ =	shalt  }
0x58: {  	_ =	shalt  }
0x59: {  	_ =	shalt  }
0x5a: {  	_ =	shalt  }
0x5b: {  	_ =	shalt  }
0x5c: {  	_ =	shalt  }
0x5d: {  	_ =	shalt  }
0x5e: {  	_ =	shalt  }
0x5f: {  	_ =	shalt  }
0x60: {  	_ =	shalt  }
0x61: {  	_ =	shalt  }
0x62: {  	_ =	shalt  }
0x63: {  	_ =	shalt  }
0x64: {  	_ =	shalt  }
0x65: {  	_ =	shalt  }
0x66: {  	_ =	shalt  }
0x67: {  	_ =	shalt  }
0x68: {  	_ =	shalt  }
0x69: {  	_ =	shalt  }
0x6a: {  	_ =	shalt  }
0x6b: {  	_ =	shalt  }
0x6c: {  	_ =	shalt  }
0x6d: {  	_ =	shalt  }
0x6e: {  	_ =	shalt  }
0x6f: {  	_ =	shalt  }
0x70: {  	_ =	shalt  }
0x71: {  	_ =	shalt  }
0x72: {  	_ =	shalt  }
0x73: {  	_ =	shalt  }
0x74: {  	_ =	shalt  }
0x75: {  	_ =	shalt  }
0x76: {  	_ =	shalt  }
0x77: {  	_ =	shalt  }
0x78: {  	_ =	shalt  }
0x79: {  	_ =	shalt  }
0x7a: {  	_ =	shalt  }
0x7b: {  	_ =	shalt  }
0x7c: {  	_ =	shalt  }
0x7d: {  	_ =	shalt  }
0x7e: {  	_ =	shalt  }
0x7f: {  	_ =	shalt  }
0x80: {  	_ =	shalt  }
0x81: {  	_ =	shalt  }
0x82: {  	_ =	shalt  }
0x83: {  	_ =	shalt  }
0x84: {  	_ =	shalt  }
0x85: {  	_ =	shalt  }
0x86: {  	_ =	shalt  }
0x87: {  	_ =	shalt  }
.Lfunc_end0:
.L_simem_size_0:
called_computation.7_lowered:
.L_overlay_start_0:
0x88: {  	s2 =	sld [smem:$0x3FD9]  }
0x89: {  	s3 =	sld [smem:$0x3FFE];
	_ =	sdelay $0x1  }
0x8a: {  	s1 =	srdreg.scid  }
0x8b: {  	s0 =	sand.u32 $0x1, s1  }
0x8c: {  	s16 =	sshll.u32 s0, $0xA;
	s2 =	sadd.s32 s3, s2  }
0x8d: {  	s2 =	sadd.s32 s2, s16  }
0x8e: {  	[smem:$0x3FBB] =	sst s2  }
0x8f: {  	_ = 	snop  }
0x90: {  	(tm) =	ssettm $0x1  }
0x91: {  	s17 =	sld [smem:$0x3FFB];
	_ =	sdelay $0x3  }
0x92: {  	_ =	strace s17  }
0x93: {  	s2 =	sld [smem:$0x3FFC];
	_ =	sdelay $0x3  }
0x94: {  	_ =	strace s2  }
0x95: {  	s2 =	sld [smem:$0x3FFD];
	_ =	sdelay $0x3  }
0x96: {  	_ =	strace s2  }
0x97: {  	_ =	strace $0x8FFFFFFF  }
0x98: {  	s18 =	sld [smem:$0x3FDB];
	_ =	sdelay $0x1  }
0x99: {  	s19 =	simm.s32 $_scs_section_size  }
0x9a: {  	s4 =	simm.s32 $_size__tile_overlayer_lowered;
	s5 =	simm.s32 $_tile_overlayer_lowered  }
0x9b: {  	s22 =	simm.s32 $0x1BFF;
	s21 =	sshll.u32 s5, $0x1;
	s2 =	sadd.s32 s19, s18  }
0x9c: {  	s6 =	simm.s32 $0x0;
	s20 =	sshll.u32 s4, $0x1;
	s4 =	sadd.s32 s21, s2  }
0x9d: {  	[timem:s6], [sflag:s22] =	dma.local [hbm:s4], s20  }
0x9e: {  	_ =	swait.ge [sflag:s22], s20  }
0x9f: {  	s3 =	ssub.s32 $0x0, s20;
	[sflag:s22] =	ssyncset.done $0x0  }
0xa0: {  	[sflag:s22] =	ssyncadd.s32 s3;
	_ =	sdelay $0x1  }
0xa1: {  	s23 =	simm.s32 $0x1B8B  }
0xa2: {  	_ =	swait.ge [sflag:s23], $0x1  }
0xa3: {  	[sflag:s23] =	ssyncset.done $0x0  }
0xa4: {  	s25 =	simm.s32 $0x1B8E;
	s24 =	sld [smem:$0x3FFE];
	[sflag:s23] =	ssyncadd.s32 $0xFFFFFFFF  }
0xa5: {  	s26 =	simm.s32 $execute0_lowered;
	[smem:$0x3FD2] =	sst s25  }
0xa6: {  	s4 =	sshll.u32 s26, $0x1;
	_ =	strace $0x8000005B;
	[dreg:$0x1] =	wrdreg $0xFFFFFFFF  }
0xa7: {  	s28 =	simm.s32 $_size_execute0_lowered;
	s2 =	sadd.s32 s2, s4;
	[dreg:$0x0] =	wrdreg $0x0  }
0xa8: {  	s4 =	sshll.u32 s28, $0x1;
	[dreg:$0x2] =	wrdreg s2  }
0xa9: {  	[dreg:$0x3] =	wrdreg s4  }
0xaa: {  	[dreg:$0x4] =	wrdreg $0xC0  }
0xab: {  	_ =	task [dreg:s6], $0x5FFFF  }
0xac: {  	[dreg:$0x1] =	wrdreg $0xFFFFFFFF  }
0xad: {  	[dreg:$0x0] =	wrdreg $0x60  }
0xae: {  	[dreg:$0x2] =	wrdreg s24  }
0xaf: {  	[dreg:$0x3] =	wrdreg $0x81000  }
0xb0: {  	[dreg:$0x4] =	wrdreg $0x9  }
0xb1: {  	_ =	task.clear_ibuf [dreg:s6], $0x5FFFF;
	_ =	strace $0x9000005B  }
0xb2: {  	s29 =	simm.s32 $0x9;
	_ =	strace $0x8000005D  }
0xb3: {  	_ =	swait.ge [sflag:s29], $0x1  }
0xb4: {  	[sflag:s29] =	ssyncadd.s32 $0xFFFFFFFF  }
0xb5: {  	_ =	strace $0x9000005D  }
0xb6: {  	_ =	sfence  }
0xb7: {  	s30 =	sld [smem:$0x0];
	_ =	sdelay $0x2  }
0xb8: {  	s31 =	sshll.u32 s1, $0xD;
	s1 =	sshrl.u32 s1, $0x2  }
0xb9: {  	s3 =	sand.u32 $0x4000, s31;
	s1 =	sadd.s32 s1, s30  }
0xba: {  	s0 =	sor.u32 s3, s0;
	s1 =	sshll.u32 s1, $0x11  }
0xbb: {  	s0 =	sor.u32 s1, s0  }
0xbc: {  	s0 =	sadd.s32 $0x8F2B, s0  }
0xbd: {  	[sflag:s0] =	ssyncadd.remote.s32 $0x1  }
0xbe: {  	_ =	sfence.sel $0xFFFF  }
0xbf: {  	[dreg:$0x0] =	wrdreg $0xFFFFFFFF;
	(pc) =	sbr.abs _section_cstart, $3  }
0xc0: {  	[dreg:$0x1] =	wrdreg $0xFFFFFFFF  }
0xc1: {  	_ =	task.clear_ibuf [dreg:s6], $0x2FFFF;
	_ =	strace $0x9FFFFFFF  }
0xc2: {  	(tm) =	ssettm $0x7FFFFFFF  }
0xc3: {  	_ =	shalt  }
tec
execute0_lowered:
.L_overlay_start_1:
0x0: {  	(tag) =	ssettag $0x1  }
0x1: {  	s4 =	rddreg [dreg:$0x0]  }
0x2: {  	s2 =	rddreg [dreg:$0x1]  }
0x3: {  	s0 =	rddreg [dreg:$0x2]  }
0x4: {  	s1 =	stileid.u32;
	s3 =	simm.s32 $0x0;
	s6 =	srdreg.scid  }
0x5: {  	s15 =	simm.s32 $0x8080;
	s16 =	simm.s32 $0x1;
	s17 =	simm.s32 $0x3  }
0x6: {  	s18 =	simm.s32 $0x80;
	s19 =	simm.s32 $0x2;
	s5 =	smul.u32 $0x28000, s1  }
0x7: {  	s20 =	simm.s32 $0x4;
	s21 =	simm.s32 $0x5;
	s7 =	smul.u32 $0x2800, s1  }
0x8: {  	s22 =	simm.s32 $0x6;
	s6 =	sand.u32 $0x1, s6;
	s24 =	smul.u32 $0x50000, s1  }
0x9: {  	s23 =	simm.s32 $0x0;
	[smem:$0x7FF] =	sst s3;
	s8 =	smul.u32 $0x28000, s6  }
0xa: {  	s10 =	sadd.s32 $0x2B8400, s4;
	s26 =	sshll.u32 s1, $0x6;
	s14 =	smul.u32 $0x1400, s6  }
0xb: {  	_ =	strace $0x8000005C;
	s12 =	ssub.s32 $0x2, s6;
	s28 =	smul.u32 $0x14000, s6  }
0xc: {  	s9 =	sadd.s32 s5, s4;
	s11 =	sadd.s32 s7, s4;
	s25 =	sshrl.u32 s12, $0x1  }
0xd: {  	s5 =	sshrl.u32 s24, $0x2;
	s8 =	sadd.s32 s7, s8;
	s12 =	ssub.s32 s12, s25  }
0xe: {  	s13 =	sadd.s32 s5, s2;
	s5 =	sor.u32 $0x1C07, s26;
	s14 =	sadd.s32 s14, s7  }
0xf: {  	s29 =	sadd.s32 s28, s9;
	s8 =	sadd.s32 s8, s4;
	s4 =	sadd.s32 $0x2BD400, s11  }
0x10: {  	s7 =	smax.u32 s12, $0x1;
	s30 =	sor.u32 $0x80, s14;
	s31 =	sshrl.u32 s14, $0x3  }
0x11: {  	s11 =	sshrl.u32 s13, $0x3;
	s12 =	simm.s32 $0x7;
	s13 =	simm.s32 $0x8000  }
0x12: {  	s14 =	simm.s32 $0x4000;
	s6 =	sadd.s32 $0x6400, s8;
	s9 =	sshrl.u32 s30, $0x3  }
0x13: {  	s8 =	sadd.s32 $0x2BF8C00, s29;
	s9 =	sadd.s32 s9, s10;
	s10 =	sadd.s32 s31, s10  }
.LBB2_1:
0x14: {  	[spmem:s11], [sflag:s5] =	dma.local [hbm:s4], $0x2800  }
0x15: {  	_ =	swait.ge [sflag:s12], $0x2800  }
0x16: {  	[sflag:s12] =	ssyncset.done $0x0  }
0x17: {  	[sflag:s12] =	ssyncadd.s32 $0xFFFFD800  }
0x18: {  	s24 =	sadd.s32 $0xFFFFF800, s8;
	[bflag:$0x0] =	sbarrier.arrive $0xFFFF  }
0x19: {  	[tilespmem:s3], [sflag:$0x1] =	stream.linear.gather [hbm4b:s24+s3], $0x4000, $0x38;
	[tilespmem:$0x1C100] =	vst v63  }
0x1a: {  	s30 =	sadd.s32 $0x0, s10  }
0x1b: {  	[tilespmem:s13], [sflag:$0x3] =	stream.linear.gather [hbm4b:s30+s3], $0x80, $0x38;
	[tilespmem:$0x1C100] =	vst v63  }
0x1c: {  	_ = 	snop  }
0x1d: {  	[tilespmem:s14], [sflag:$0x2] =	stream.linear.gather [hbm4b:s8+s3], $0x4000, $0x38;
	[tilespmem:$0x1C100] =	vst v63  }
0x1e: {  	s31 =	sadd.s32 $0x0, s9  }
0x1f: {  	[tilespmem:s15], [sflag:$0x4] =	stream.linear.gather [hbm4b:s31+s3], $0x80, $0x38;
	[tilespmem:$0x1C100] =	vst v63  }
0x20: {  	_ =	swait.ge [sflag:s16], $0x4000  }
0x21: {  	[sflag:s16] =	ssyncset.done $0x0  }
0x22: {  	[sflag:s16] =	ssyncadd.s32 $0xFFFFC000  }
0x23: {  	_ =	swait.ge [sflag:s17], $0x80  }
0x24: {  	[sflag:s17] =	ssyncset.done $0x0  }
0x25: {  	[sflag:s17] =	ssyncadd.s32 $0xFFFFFF80  }
0x26: {  	[spmem:s2] =	stream.indirect.scatter.add.f32 [tilespmem:s3], [sflag:$0x5], $0x80, s13, s18, $0xb8;
	[tilespmem:$0x1C100] =	vst v63  }
0x27: {  	_ =	swait.ge [sflag:s19], $0x4000  }
0x28: {  	[sflag:s19] =	ssyncset.done $0x0  }
0x29: {  	[sflag:s19] =	ssyncadd.s32 $0xFFFFC000  }
0x2a: {  	_ =	swait.ge [sflag:s20], $0x80  }
0x2b: {  	[sflag:s20] =	ssyncset.done $0x0  }
0x2c: {  	[sflag:s20] =	ssyncadd.s32 $0xFFFFFF80  }
0x2d: {  	[spmem:s2] =	stream.indirect.scatter.add.f32 [tilespmem:s14], [sflag:$0x6], $0x80, s15, s18, $0xb8;
	[tilespmem:$0x1C100] =	vst v63  }
0x2e: {  	_ =	swait.ge [sflag:s21], $0x4000  }
0x2f: {  	[sflag:s21] =	ssyncset.done $0x0  }
0x30: {  	[sflag:s21] =	ssyncadd.s32 $0xFFFFC000  }
0x31: {  	s26 =	simm.s32 $0x40;
	_ =	swait.ge [sflag:s22], $0x4000  }
0x32: {  	s25 =	sadd.s32 $0x1000, s8;
	s24 =	simm.s32 $0x20;
	[sflag:s22] =	ssyncset.done $0x0  }
.LBB2_2:
0x33: {  	p0 =	sne.s32 s26, $0x260;
	s28 =	sadd.s32 $0xFFFFF800, s25;
	[sflag:s22] =	ssyncadd.s32 $0xFFFFC000  }
0x34: {  	[tilespmem:s3], [sflag:$0x1] =	stream.linear.gather [hbm4b:s28+s3], $0x4000, $0x38;
	[tilespmem:$0x1C100] =	vst v63  }
0x35: {  	s29 =	smov.u32 s26;
	s26 =	sadd.s32 $0x20, s26;
	s28 =	sadd.s32 s24, s10  }
0x36: {  	[tilespmem:s13], [sflag:$0x3] =	stream.linear.gather [hbm4b:s28+s3], $0x80, $0x38;
	[tilespmem:$0x1C100] =	vst v63  }
0x37: {  	_ = 	snop  }
0x38: {  	[tilespmem:s14], [sflag:$0x2] =	stream.linear.gather [hbm4b:s25+s3], $0x4000, $0x38;
	[tilespmem:$0x1C100] =	vst v63  }
0x39: {  	s28 =	sadd.s32 s24, s9;
	s24 =	smov.u32 s29  }
0x3a: {  	[tilespmem:s15], [sflag:$0x4] =	stream.linear.gather [hbm4b:s28+s3], $0x80, $0x38;
	[tilespmem:$0x1C100] =	vst v63  }
0x3b: {  	_ =	swait.ge [sflag:s16], $0x4000  }
0x3c: {  	[sflag:s16] =	ssyncset.done $0x0  }
0x3d: {  	[sflag:s16] =	ssyncadd.s32 $0xFFFFC000  }
0x3e: {  	_ =	swait.ge [sflag:s17], $0x80  }
0x3f: {  	[sflag:s17] =	ssyncset.done $0x0  }
0x40: {  	[sflag:s17] =	ssyncadd.s32 $0xFFFFFF80  }
0x41: {  	[spmem:s2] =	stream.indirect.scatter.add.f32 [tilespmem:s3], [sflag:$0x5], $0x80, s13, s18, $0xb8;
	[tilespmem:$0x1C100] =	vst v63  }
0x42: {  	_ =	swait.ge [sflag:s19], $0x4000  }
0x43: {  	[sflag:s19] =	ssyncset.done $0x0  }
0x44: {  	[sflag:s19] =	ssyncadd.s32 $0xFFFFC000  }
0x45: {  	_ =	swait.ge [sflag:s20], $0x80  }
0x46: {  	[sflag:s20] =	ssyncset.done $0x0  }
0x47: {  	[sflag:s20] =	ssyncadd.s32 $0xFFFFFF80  }
0x48: {  	[spmem:s2] =	stream.indirect.scatter.add.f32 [tilespmem:s14], [sflag:$0x6], $0x80, s15, s18, $0xb8;
	[tilespmem:$0x1C100] =	vst v63  }
.Ltmp0:
0x49: {  	_ =	swait.ge [sflag:s21], $0x4000;
	(pc) =	sbr.rel @p0 .LBB2_2-.Ltmp0, $4  }
0x4a: {  	[sflag:s21] =	ssyncset.done $0x0  }
0x4b: {  	[sflag:s21] =	ssyncadd.s32 $0xFFFFC000  }
0x4c: {  	_ =	swait.ge [sflag:s22], $0x4000  }
0x4d: {  	s25 =	sadd.s32 $0x1000, s25;
	[sflag:s22] =	ssyncset.done $0x0  }
0x4e: {  	s26 =	sadd.s32 $0xFFFFF800, s25;
	[sflag:s22] =	ssyncadd.s32 $0xFFFFC000  }
0x4f: {  	[tilespmem:s3], [sflag:$0x1] =	stream.linear.gather [hbm4b:s26+s3], $0x4000, $0x38;
	[tilespmem:$0x1C100] =	vst v63  }
0x50: {  	s30 =	sadd.s32 s24, s10  }
0x51: {  	[tilespmem:s13], [sflag:$0x3] =	stream.linear.gather [hbm4b:s30+s3], $0x80, $0x38;
	[tilespmem:$0x1C100] =	vst v63  }
0x52: {  	_ = 	snop  }
0x53: {  	[tilespmem:s14], [sflag:$0x2] =	stream.linear.gather [hbm4b:s25+s3], $0x4000, $0x38;
	[tilespmem:$0x1C100] =	vst v63  }
0x54: {  	s31 =	sadd.s32 s24, s9  }
0x55: {  	[tilespmem:s15], [sflag:$0x4] =	stream.linear.gather [hbm4b:s31+s3], $0x80, $0x38;
	[tilespmem:$0x1C100] =	vst v63  }
0x56: {  	_ =	swait.ge [sflag:s16], $0x4000  }
0x57: {  	[sflag:s16] =	ssyncset.done $0x0  }
0x58: {  	[sflag:s16] =	ssyncadd.s32 $0xFFFFC000  }
0x59: {  	_ =	swait.ge [sflag:s17], $0x80  }
0x5a: {  	[sflag:s17] =	ssyncset.done $0x0  }
0x5b: {  	[sflag:s17] =	ssyncadd.s32 $0xFFFFFF80  }
0x5c: {  	[spmem:s2] =	stream.indirect.scatter.add.f32 [tilespmem:s3], [sflag:$0x5], $0x80, s13, s18, $0xb8;
	[tilespmem:$0x1C100] =	vst v63  }
0x5d: {  	_ =	swait.ge [sflag:s19], $0x4000  }
0x5e: {  	[sflag:s19] =	ssyncset.done $0x0  }
0x5f: {  	[sflag:s19] =	ssyncadd.s32 $0xFFFFC000  }
0x60: {  	_ =	swait.ge [sflag:s20], $0x80  }
0x61: {  	[sflag:s20] =	ssyncset.done $0x0  }
0x62: {  	[sflag:s20] =	ssyncadd.s32 $0xFFFFFF80  }
0x63: {  	[spmem:s2] =	stream.indirect.scatter.add.f32 [tilespmem:s14], [sflag:$0x6], $0x80, s15, s18, $0xb8;
	[tilespmem:$0x1C100] =	vst v63  }
0x64: {  	_ =	swait.ge [sflag:s21], $0x4000  }
0x65: {  	[sflag:s21] =	ssyncset.done $0x0  }
0x66: {  	[sflag:s21] =	ssyncadd.s32 $0xFFFFC000  }
0x67: {  	_ =	swait.ge [sflag:s22], $0x4000  }
0x68: {  	s23 =	sadd.s32 $0x1, s23;
	[sflag:s22] =	ssyncset.done $0x0  }
0x69: {  	p0 =	sne.s32 s23, s7;
	[sflag:s22] =	ssyncadd.s32 $0xFFFFC000  }
.Ltmp1:
0x6a: {  	[bflag:$0x0] =	sbarrier.arrive $0xFFFF;
	(pc) =	sbr.rel @p0 .LBB2_1-.Ltmp1, $4  }
0x6b: {  	[hbm:s6], [sflag:s5] =	dma.local [spmem:s11], $0x2800  }
0x6c: {  	_ =	swait.ge [sflag:s12], $0x2800  }
0x6d: {  	[sflag:s12] =	ssyncset.done $0x0  }
0x6e: {  	[sflag:s12] =	ssyncadd.s32 $0xFFFFD800  }
0x6f: {  	_ =	sfence.sel $0x180000  }
0x70: {  	[bflag:$0x0] =	sbarrier.arrive $0xFFFF  }
0x71: {  	p0 =	sne.s32 s1, $0x0;
	_ =	strace $0x9000005C  }
0x72: {  	s0 =	sadd.s32 @!p0 $0x100000, s0;
	[bflag:$0x2] =	sbarrier.arrive $0xFFFF  }
0x73: {  	[sflag:s0] =	ssyncadd.tile.s32 @!p0 $0x1;
	_ =	shalt  }
.Lfunc_end2:
_tile_overlayer_lowered:
.L_overlay_start_2:
0x74: {  	(tag) =	ssettag $0x2  }
0x75: {  	s0 =	rddreg [dreg:$0x0];
	s2 =	stileid.u32  }
0x76: {  	s1 =	rddreg [dreg:$0x1];
	p0 =	sne.s32 s2, $0x0  }
0x77: {  	s3 =	rddreg [dreg:$0x2];
	[bflag:$0x3] =	sbarrier.arrive $0xFFFF;
	s2 =	simm.s32 @!p0 $0x1C07  }
0x78: {  	[timem:s3], [sflag:s2] =	dma.local @!p0 [hbm:s0], s1  }
0x79: {  	s0 =	simm.s32 @!p0 $0x7  }
0x7a: {  	_ =	swait.ge @!p0 [sflag:s0], s1  }
0x7b: {  	s1 =	ssub.s32 @!p0 $0x0, s1;
	[sflag:s0] =	ssyncset.done @!p0 $0x0  }
0x7c: {  	[sflag:s0] =	ssyncadd.s32 @!p0 s1  }
0x7d: {  	[bflag:$0x3] =	sbarrier.arrive $0xFFFF  }
0x7e: {  	_ =	shalt  }

</sc_bundles>
